<compile_context>
chip_gen: v7x
topology: tpu7x:2x2x1
jax: 0.10.2.dev20260603
libtpu: 0.0.44.dev20260713+nightly
codegen_flags: <defaults>
</compile_context>

<pallas_src>
import functools

import jax
import jax.numpy as jnp
from jax import lax
from jax.experimental import pallas as pl
from jax.experimental.pallas import tpu as pltpu
from jax.experimental.pallas import tpu_sc as plsc

B, H, W = 8, 512, 1024
HW = H * W
ROWS = 32

NC, NS = 2, 16
CH = 8192
N_CHUNK = HW // CH
RG = 8
RGN = HW // RG


def _transform_mats(predicted_quaternion, k_matrix, translation):
    q = predicted_quaternion / jnp.linalg.norm(predicted_quaternion, axis=1, keepdims=True)
    w, x, y, z = q[:, 0], q[:, 1], q[:, 2], q[:, 3]
    R = jnp.stack([
        jnp.stack([1 - 2 * (y * y + z * z), 2 * (x * y - w * z), 2 * (x * z + w * y)], axis=-1),
        jnp.stack([2 * (x * y + w * z), 1 - 2 * (x * x + z * z), 2 * (y * z - w * x)], axis=-1),
        jnp.stack([2 * (x * z - w * y), 2 * (y * z + w * x), 1 - 2 * (x * x + y * y)], axis=-1),
    ], axis=1)
    T = jnp.concatenate([R, translation[:, :, None]], axis=2)
    k_inv = jnp.linalg.inv(k_matrix)
    return T, k_inv


def _bf(v):
    u = jax.lax.bitcast_convert_type(v, jnp.uint32)
    r = (u + jnp.uint32(0x7FFF) + ((u >> 16) & jnp.uint32(1))) & jnp.uint32(0xFFFF0000)
    return jax.lax.bitcast_convert_type(r, jnp.float32)


def _two_sum(a, b):
    s = a + b
    ap = s - b
    bp = s - ap
    e = (a - ap) + (b - bp)
    return s, e


def _wide3(p0, p1, p2):
    s1, e1 = _two_sum(p0, p1)
    s2, e2 = _two_sum(s1, p2)
    return s2 + (e1 + e2)


def _wide4(p0, p1, p2, p3):
    s1, e1 = _two_sum(p0, p1)
    s2, e2 = _two_sum(s1, p2)
    s3, e3 = _two_sum(s2, p3)
    return s3 + ((e1 + e2) + e3)


def _point_kernel(coef_ref, depth_ref, gidx_ref, dval_ref, cloud_ref):
    b = pl.program_id(0)
    r = pl.program_id(1)
    d = depth_ref[0]
    xi = jax.lax.broadcasted_iota(jnp.int32, (ROWS, W), 1)
    yi = jax.lax.broadcasted_iota(jnp.int32, (ROWS, W), 0) + r * ROWS
    xb = _bf(xi.astype(jnp.float32))
    yb = _bf(yi.astype(jnp.float32))

    def c(i):
        return coef_ref[0, 0, i]

    cam0 = _wide3(c(0) * xb, c(1) * yb, jnp.full((ROWS, W), c(2)))
    cam1 = _wide3(c(3) * xb, c(4) * yb, jnp.full((ROWS, W), c(5)))
    cam2 = _wide3(c(6) * xb, c(7) * yb, jnp.full((ROWS, W), c(8)))
    mask = d > 0
    cb0 = _bf(cam0 * d)
    cb1 = _bf(cam1 * d)
    cb2 = _bf(cam2 * d)
    t0 = _wide4(c(9) * cb0, c(10) * cb1, c(11) * cb2, jnp.full((ROWS, W), c(12)))
    t1 = _wide4(c(13) * cb0, c(14) * cb1, c(15) * cb2, jnp.full((ROWS, W), c(16)))
    t2 = _wide4(c(17) * cb0, c(18) * cb1, c(19) * cb2, jnp.full((ROWS, W), c(20)))
    tb0 = _bf(t0)
    tb1 = _bf(t1)
    tb2 = _bf(t2)
    p0 = _wide3(c(21) * tb0, c(22) * tb1, c(23) * tb2)
    p1 = _wide3(c(24) * tb0, c(25) * tb1, c(26) * tb2)
    zp = _wide3(c(27) * tb0, c(28) * tb1, c(29) * tb2)
    denom = jnp.where(jnp.abs(zp) > 1e-6, zp, 1.0)
    px = jnp.round(p0 / denom).astype(jnp.int32)
    py = jnp.round(p1 / denom).astype(jnp.int32)
    valid = mask & (px >= 0) & (px < W) & (py >= 0) & (py < H)
    gidx_ref[0] = jnp.where(valid, b * HW + py * W + px, -1)
    dval_ref[0] = jnp.where(valid, zp, 0.0)
    cloud_ref[0, 0] = jnp.where(valid, t0, 0.0)
    cloud_ref[0, 1] = jnp.where(valid, t1, 0.0)
    cloud_ref[0, 2] = jnp.where(valid, t2, 0.0)


_sc_mesh = plsc.VectorSubcoreMesh(core_axis_name="c", subcore_axis_name="s")

SEG = HW // 4
N_IN = SEG // CH
FB = 2048
CBUF = 2 * FB


@functools.partial(
    pl.kernel,
    mesh=_sc_mesh,
    compiler_params=pltpu.CompilerParams(needs_layout_passes=False),
    out_type=[
        jax.ShapeDtypeStruct((B * HW,), jnp.int32),
        jax.ShapeDtypeStruct((B * HW,), jnp.float32),
        jax.ShapeDtypeStruct((NC * NS * 16,), jnp.int32),
    ],
    scratch_types=[
        pltpu.VMEM((CH,), jnp.int32),
        pltpu.VMEM((CH,), jnp.int32),
        pltpu.VMEM((CH,), jnp.float32),
        pltpu.VMEM((CH,), jnp.float32),
        pltpu.VMEM((CBUF + 16,), jnp.int32),
        pltpu.VMEM((CBUF + 16,), jnp.float32),
        pltpu.VMEM((16,), jnp.int32),
        pltpu.SemaphoreType.DMA,
        pltpu.SemaphoreType.DMA,
        pltpu.SemaphoreType.DMA,
        pltpu.SemaphoreType.DMA,
        pltpu.SemaphoreType.DMA,
        pltpu.SemaphoreType.DMA,
    ],
)
def _compact_kernel(gidx_hbm, dval_hbm, cidx_hbm, cval_hbm, cnts_hbm,
                    in_i0, in_i1, in_v0, in_v1, cb_i, cb_v, cntb,
                    si0, si1, sv0, sv1, fi, fv):
    cid = lax.axis_index("c")
    sid = lax.axis_index("s")
    wid = cid * NS + sid
    sbase = wid * SEG

    def flush(fblk):
        h = (fblk & 1) * FB
        pltpu.async_copy(cb_i.at[pl.ds(h, FB)],
                         cidx_hbm.at[pl.ds(sbase + fblk * FB, FB)], fi)
        pltpu.async_copy(cb_v.at[pl.ds(h, FB)],
                         cval_hbm.at[pl.ds(sbase + fblk * FB, FB)], fv)

    def wait_flush():
        pltpu.make_async_copy(cb_i.at[pl.ds(0, FB)],
                              cidx_hbm.at[pl.ds(0, FB)], fi).wait()
        pltpu.make_async_copy(cb_v.at[pl.ds(0, FB)],
                              cval_hbm.at[pl.ds(0, FB)], fv).wait()

    def compact_chunk(in_i, in_v, carry):
        def vbody(j, c):
            cnt, fblk = c
            iv = in_i[pl.ds(j * 16, 16)]
            xv = in_v[pl.ds(j * 16, 16)]
            m = iv >= 0
            k = jnp.sum(m.astype(jnp.int32))
            off = cnt & (CBUF - 1)
            plsc.store_compressed(cb_i.at[pl.ds(off, 16)], iv, mask=m)
            plsc.store_compressed(cb_v.at[pl.ds(off, 16)], xv, mask=m)

            @pl.when(off + k > CBUF)
            def _():
                cb_i[pl.ds(0, 16)] = cb_i[pl.ds(CBUF, 16)]
                cb_v[pl.ds(0, 16)] = cb_v[pl.ds(CBUF, 16)]

            cnt2 = cnt + k
            do_flush = cnt2 - fblk * FB >= FB

            @pl.when(do_flush)
            def _():
                @pl.when(fblk > 0)
                def _():
                    wait_flush()

                flush(fblk)

            return cnt2, jnp.where(do_flush, fblk + 1, fblk)

        return lax.fori_loop(0, CH // 16, vbody, carry)

    pltpu.async_copy(gidx_hbm.at[pl.ds(sbase, CH)], in_i0, si0)
    pltpu.async_copy(dval_hbm.at[pl.ds(sbase, CH)], in_v0, sv0)

    def cbody(i, carry):
        k0 = i * 2
        pltpu.make_async_copy(gidx_hbm.at[pl.ds(0, CH)], in_i0, si0).wait()
        pltpu.make_async_copy(dval_hbm.at[pl.ds(0, CH)], in_v0, sv0).wait()
        pltpu.async_copy(gidx_hbm.at[pl.ds(sbase + (k0 + 1) * CH, CH)], in_i1, si1)
        pltpu.async_copy(dval_hbm.at[pl.ds(sbase + (k0 + 1) * CH, CH)], in_v1, sv1)
        carry = compact_chunk(in_i0, in_v0, carry)

        @pl.when(i < N_IN // 2 - 1)
        def _():
            pltpu.async_copy(gidx_hbm.at[pl.ds(sbase + (k0 + 2) * CH, CH)], in_i0, si0)
            pltpu.async_copy(dval_hbm.at[pl.ds(sbase + (k0 + 2) * CH, CH)], in_v0, sv0)

        pltpu.make_async_copy(gidx_hbm.at[pl.ds(0, CH)], in_i1, si1).wait()
        pltpu.make_async_copy(dval_hbm.at[pl.ds(0, CH)], in_v1, sv1).wait()
        carry = compact_chunk(in_i1, in_v1, carry)
        return carry

    cnt, fblk = lax.fori_loop(0, N_IN // 2, cbody, (0, 0))

    @pl.when(fblk > 0)
    def _():
        wait_flush()

    @pl.when(cnt > fblk * FB)
    def _():
        base16 = cnt & ~15
        lane = lax.iota(jnp.int32, 16)
        plsc.store_scatter(cb_i, [(base16 & (CBUF - 1)) + lane],
                           jnp.full((16,), -1, jnp.int32),
                           mask=(base16 + lane) >= cnt)
        nfull = (fblk * FB + FB - base16 - 16) >> 4

        def sbody(j, _):
            cb_i[pl.ds((base16 + 16 + j * 16) & (CBUF - 1), 16)] = (
                jnp.full((16,), -1, jnp.int32))
            return _

        lax.fori_loop(0, nfull, sbody, 0)
        flush(fblk)
        wait_flush()

    cntb[pl.ds(0, 16)] = jnp.zeros((16,), jnp.int32) + cnt
    pltpu.sync_copy(cntb, cnts_hbm.at[pl.ds(wid * 16, 16)])


@functools.partial(
    pl.kernel,
    mesh=_sc_mesh,
    compiler_params=pltpu.CompilerParams(needs_layout_passes=False),
    out_type=jax.ShapeDtypeStruct((B * HW,), jnp.float32),
    scratch_types=[
        pltpu.VMEM((RGN,), jnp.float32),
        pltpu.VMEM((NC * NS * 16,), jnp.int32),
        pltpu.VMEM((FB,), jnp.int32),
        pltpu.VMEM((FB,), jnp.int32),
        pltpu.VMEM((FB,), jnp.float32),
        pltpu.VMEM((FB,), jnp.float32),
        pltpu.SemaphoreType.DMA,
        pltpu.SemaphoreType.DMA,
        pltpu.SemaphoreType.DMA,
        pltpu.SemaphoreType.DMA,
    ],
)
def _scatter_kernel(cidx_hbm, cval_hbm, cnts_hbm, out_hbm, map_v, cnts_v,
                    idx0, idx1, val0, val1, si0, si1, sv0, sv1):
    cid = lax.axis_index("c")
    sid = lax.axis_index("s")
    wid = cid * NS + sid
    pltpu.sync_copy(cnts_hbm, cnts_v)

    def scan_block(idx_v, val_v, tbase):
        def vbody(j, _):
            iv = idx_v[pl.ds(j * 16, 16)]
            lv = iv - tbase
            m = plsc.bitcast(lv, jnp.uint32) < jnp.uint32(RGN)
            lv2 = jnp.where(m, lv, 0)
            xv = val_v[pl.ds(j * 16, 16)]
            plsc.store_scatter(map_v, [lv2], xv, mask=m)
            return _

        lax.fori_loop(0, FB // 16, vbody, 0)

    for task in (wid, wid + 32):
        b = task // RG
        rg = task % RG
        tbase = b * HW + rg * RGN

        def zbody(i, _):
            map_v[pl.ds(i * 16, 16)] = jnp.zeros((16,), jnp.float32)
            return _

        lax.fori_loop(0, RGN // 16, zbody, 0)

        for seg in range(4):
            row = b * 4 + seg
            ci = jnp.max(cnts_v[pl.ds(row * 16, 16)])
            nblk = (ci + FB - 1) >> 11
            sbase = row * SEG

            @pl.when(nblk > 0)
            def _():
                pltpu.async_copy(cidx_hbm.at[pl.ds(sbase, FB)], idx0, si0)
                pltpu.async_copy(cval_hbm.at[pl.ds(sbase, FB)], val0, sv0)

            def pbody(i, c):
                k0 = i * 2
                pltpu.make_async_copy(cidx_hbm.at[pl.ds(0, FB)], idx0, si0).wait()
                pltpu.make_async_copy(cval_hbm.at[pl.ds(0, FB)], val0, sv0).wait()

                @pl.when(k0 + 1 < nblk)
                def _():
                    pltpu.async_copy(cidx_hbm.at[pl.ds(sbase + (k0 + 1) * FB, FB)], idx1, si1)
                    pltpu.async_copy(cval_hbm.at[pl.ds(sbase + (k0 + 1) * FB, FB)], val1, sv1)

                scan_block(idx0, val0, tbase)

                @pl.when(k0 + 1 < nblk)
                def _():
                    @pl.when(k0 + 2 < nblk)
                    def _():
                        pltpu.async_copy(cidx_hbm.at[pl.ds(sbase + (k0 + 2) * FB, FB)], idx0, si0)
                        pltpu.async_copy(cval_hbm.at[pl.ds(sbase + (k0 + 2) * FB, FB)], val0, sv0)

                    pltpu.make_async_copy(cidx_hbm.at[pl.ds(0, FB)], idx1, si1).wait()
                    pltpu.make_async_copy(cval_hbm.at[pl.ds(0, FB)], val1, sv1).wait()
                    scan_block(idx1, val1, tbase)

                return c

            lax.fori_loop(0, (nblk + 1) >> 1, pbody, 0)

        pltpu.sync_copy(map_v, out_hbm.at[pl.ds(tbase, RGN)])


def kernel(predicted_quaternion, radar_input, k_matrix, translation):
    T, k_inv = _transform_mats(predicted_quaternion, k_matrix, translation)

    def bfr(x):
        return jax.lax.optimization_barrier(x.astype(jnp.bfloat16)).astype(jnp.float32)

    coef = jnp.concatenate([
        bfr(k_inv).reshape(B, 9),
        bfr(T).reshape(B, 12),
        bfr(k_matrix).reshape(B, 9),
        jnp.zeros((B, 2), jnp.float32),
    ], axis=1).reshape(B, 1, 32)
    depth = radar_input.reshape(B, H, W)

    gidx, dval, cloud = pl.pallas_call(
        _point_kernel,
        grid=(B, H // ROWS),
        in_specs=[
            pl.BlockSpec((1, 1, 32), lambda b, r: (b, 0, 0), memory_space=pltpu.SMEM),
            pl.BlockSpec((1, ROWS, W), lambda b, r: (b, r, 0)),
        ],
        out_specs=[
            pl.BlockSpec((1, ROWS, W), lambda b, r: (b, r, 0)),
            pl.BlockSpec((1, ROWS, W), lambda b, r: (b, r, 0)),
            pl.BlockSpec((1, 3, ROWS, W), lambda b, r: (b, 0, r, 0)),
        ],
        out_shape=[
            jax.ShapeDtypeStruct((B, H, W), jnp.int32),
            jax.ShapeDtypeStruct((B, H, W), jnp.float32),
            jax.ShapeDtypeStruct((B, 3, H, W), jnp.float32),
        ],
    )(coef, depth)

    cidx, cval, cnts = _compact_kernel(gidx.reshape(B * HW), dval.reshape(B * HW))
    dm = _scatter_kernel(cidx, cval, cnts)
    depth_maps_predicted = dm.reshape(B, H, W)
    cloud_pred = cloud.reshape(B, 3, HW).transpose(0, 2, 1)
    return depth_maps_predicted, cloud_pred

# --- scband reference (transcript-rebuilt; emitter-appended) ---
"""Pipeline reference for scband-spatial-transformer-layer-49649821941825 (READ-ONLY COPY).

The authoritative reference and input builder live on the scoring server;
editing this copy changes nothing except your own understanding.
"""

import jax, jax.numpy as jnp
import numpy as np

B, H, W = 8, 512, 1024


def _transform_from_quaternion_and_translation(q, t):
    w, x, y, z = q[:, 0], q[:, 1], q[:, 2], q[:, 3]
    R = jnp.stack([
        jnp.stack([1 - 2 * (y * y + z * z), 2 * (x * y - w * z), 2 * (x * z + w * y)], axis=-1),
        jnp.stack([2 * (x * y + w * z), 1 - 2 * (x * x + z * z), 2 * (y * z - w * x)], axis=-1),
        jnp.stack([2 * (x * z - w * y), 2 * (y * z + w * x), 1 - 2 * (x * x + y * y)], axis=-1),
    ], axis=1)
    top = jnp.concatenate([R, t[:, :, None]], axis=2)
    bottom = jnp.broadcast_to(jnp.array([0.0, 0.0, 0.0, 1.0], dtype=q.dtype), (q.shape[0], 1, 4))
    return jnp.concatenate([top, bottom], axis=1)


def setup_inputs(seed: int = 0):
    key = jax.random.key(seed)
    k1, k2, k3, k4 = jax.random.split(key, 4)
    predicted_quaternion = jax.random.normal(k1, (B, 4), dtype=jnp.float32)
    radar_input = jax.random.normal(k2, (B, 1, H, W), dtype=jnp.float32)
    base_k = jnp.array([[721.5, 0.0, W / 2.0], [0.0, 721.5, H / 2.0], [0.0, 0.0, 1.0]], dtype=jnp.float32)
    k_matrix = base_k[None] + 0.01 * jax.random.normal(k3, (B, 3, 3), dtype=jnp.float32)
    translation = 0.1 * jax.random.normal(k4, (B, 3), dtype=jnp.float32)
    return {"predicted_quaternion": predicted_quaternion, "radar_input": radar_input, "k_matrix": k_matrix, "translation": translation}


def reference(predicted_quaternion, radar_input, k_matrix, translation):
    Bn, _, Hn, Wn = radar_input.shape
    HW = Hn * Wn
    q = predicted_quaternion / jnp.linalg.norm(predicted_quaternion, axis=1, keepdims=True)
    T = _transform_from_quaternion_and_translation(q, translation)
    depth = radar_input[:, 0].reshape(Bn, HW)
    ys, xs = jnp.meshgrid(jnp.arange(Hn, dtype=jnp.float32), jnp.arange(Wn, dtype=jnp.float32), indexing='ij')
    pixels = jnp.stack([xs.ravel(), ys.ravel(), jnp.ones(HW, dtype=jnp.float32)], axis=0)
    k_inv = jnp.linalg.inv(k_matrix)
    cam = jnp.einsum('bij,jn->bin', k_inv, pixels)
    mask = depth > 0
    cam = cam * depth[:, None, :]
    cam_h = jnp.concatenate([cam, jnp.ones((Bn, 1, HW), dtype=cam.dtype)], axis=1)
    tp = jnp.einsum('bij,bjn->bin', T, cam_h)[:, :3, :]
    proj = jnp.einsum('bij,bjn->bin', k_matrix, tp)
    zp = proj[:, 2, :]
    denom = jnp.where(jnp.abs(zp) > 1e-6, zp, 1.0)
    px = jnp.round(proj[:, 0, :] / denom).astype(jnp.int32)
    py = jnp.round(proj[:, 1, :] / denom).astype(jnp.int32)
    valid = mask & (px >= 0) & (px < Wn) & (py >= 0) & (py < Hn)
    flat_idx = jnp.where(valid, py * Wn + px, HW)
    depth_vals = jnp.where(valid, zp, 0.0)
    b_idx = jnp.arange(Bn)[:, None]
    dm = jnp.zeros((Bn, HW + 1), dtype=jnp.float32).at[b_idx, flat_idx].set(depth_vals)
    depth_maps_predicted = dm[:, :HW].reshape(Bn, Hn, Wn)
    cloud_pred = jnp.where(valid[:, None, :], tp, 0.0).transpose(0, 2, 1)
    return depth_maps_predicted, cloud_pred

if __name__ == "__main__":
    import jax
    _d = setup_inputs()
    print(jax.jit(kernel)(*tuple(_d.values())))

</pallas_src>

<mosaic_0001>
#map = affine_map<(d0, d1) -> (0)>
module attributes {stable_mosaic.version = 14 : i64} {
  func.func @_compact_kernel(%arg0: i32, %arg1: i32, %arg2: memref<4194304xi32, #tpu.memory_space<hbm>>, %arg3: memref<4194304xf32, #tpu.memory_space<hbm>>, %arg4: memref<4194304xi32, #tpu.memory_space<hbm>>, %arg5: memref<4194304xf32, #tpu.memory_space<hbm>>, %arg6: memref<512xi32, #tpu.memory_space<hbm>>, %arg7: memref<8192xi32, #tpu.memory_space<vmem>>, %arg8: memref<8192xi32, #tpu.memory_space<vmem>>, %arg9: memref<8192xf32, #tpu.memory_space<vmem>>, %arg10: memref<8192xf32, #tpu.memory_space<vmem>>, %arg11: memref<4112xi32, #tpu.memory_space<vmem>>, %arg12: memref<4112xf32, #tpu.memory_space<vmem>>, %arg13: memref<16xi32, #tpu.memory_space<vmem>>, %arg14: memref<!tpu.dma_semaphore, #tpu.memory_space<semaphore_mem>>, %arg15: memref<!tpu.dma_semaphore, #tpu.memory_space<semaphore_mem>>, %arg16: memref<!tpu.dma_semaphore, #tpu.memory_space<semaphore_mem>>, %arg17: memref<!tpu.dma_semaphore, #tpu.memory_space<semaphore_mem>>, %arg18: memref<!tpu.dma_semaphore, #tpu.memory_space<semaphore_mem>>, %arg19: memref<!tpu.dma_semaphore, #tpu.memory_space<semaphore_mem>>) attributes {dimension_semantics = [#tpu.dimension_semantics<core_parallel>, #tpu.dimension_semantics<subcore_parallel>], iteration_bounds = array<i64: 2, 16>, scalar_prefetch = 0 : i64, scratch_operands = 13 : i64, tpu.core_type = #tpu.core_type<sc_vector_subcore>, window_params = [{transform_indices = #map}, {transform_indices = #map}, {transform_indices = #map}, {transform_indices = #map}, {transform_indices = #map}]} {
    %mul3A = arith.constant 16 : i32
    %mul3A_0 = arith.muli %arg0, %mul3A : i32
    %add3A = arith.addi %mul3A_0, %arg1 : i32
    %mul3A_1 = arith.constant 131072 : i32
    %mul3A_2 = arith.muli %add3A, %mul3A_1 : i32
    %dma_start3A = tpu.memref_slice %arg2[%mul3A_2] : memref<4194304xi32, #tpu.memory_space<hbm>> -> memref<8192xi32, #tpu.memory_space<hbm>>
    %dma_start3A_3 = tpu.memref_slice %arg2[%mul3A_2] : memref<4194304xi32, #tpu.memory_space<hbm>> -> memref<8192xi32, #tpu.memory_space<hbm>>
    tpu.enqueue_dma source(%dma_start3A_3 : memref<8192xi32, #tpu.memory_space<hbm>>) target(%arg7 : memref<8192xi32, #tpu.memory_space<vmem>>) target_semaphore(%arg14 : memref<!tpu.dma_semaphore, #tpu.memory_space<semaphore_mem>>)
    %dma_start3A_4 = tpu.memref_slice %arg3[%mul3A_2] : memref<4194304xf32, #tpu.memory_space<hbm>> -> memref<8192xf32, #tpu.memory_space<hbm>>
    %dma_start3A_5 = tpu.memref_slice %arg3[%mul3A_2] : memref<4194304xf32, #tpu.memory_space<hbm>> -> memref<8192xf32, #tpu.memory_space<hbm>>
    tpu.enqueue_dma source(%dma_start3A_5 : memref<8192xf32, #tpu.memory_space<hbm>>) target(%arg9 : memref<8192xf32, #tpu.memory_space<vmem>>) target_semaphore(%arg16 : memref<!tpu.dma_semaphore, #tpu.memory_space<semaphore_mem>>)
    %scan3A = arith.constant 0 : i32
    %scan3A_6 = arith.constant 0 : i32
    %scan3A_7 = arith.constant 0 : i32
    %scan3A_8 = arith.constant 8 : i32
    %scan3A_9 = arith.addi %scan3A_7, %scan3A_8 : i32
    %scan3A_10 = arith.constant 1 : i32
    %scan3A_11:2 = scf.for %scan3A_27 = %scan3A_7 to %scan3A_9 step %scan3A_10 iter_args(%scan3A_28 = %scan3A, %scan3A_29 = %scan3A_6) -> (i32, i32)  : i32 {
      %mul3A_30 = arith.constant 2 : i32
      %mul3A_31 = arith.muli %scan3A_27, %mul3A_30 : i32
      %dma_wait3A = arith.constant 0 : i32
      %dma_wait3A_32 = tpu.memref_slice %arg2[%dma_wait3A] : memref<4194304xi32, #tpu.memory_space<hbm>> -> memref<8192xi32, #tpu.memory_space<hbm>>
      %dma_wait3A_33 = arith.constant 0 : i32
      %dma_wait3A_34 = tpu.memref_slice %arg2[%dma_wait3A_33] : memref<4194304xi32, #tpu.memory_space<hbm>> -> memref<8192xi32, #tpu.memory_space<hbm>>
      tpu.wait_dma2 semaphore(%arg14 : memref<!tpu.dma_semaphore, #tpu.memory_space<semaphore_mem>>) src(%dma_wait3A_34 : memref<8192xi32, #tpu.memory_space<hbm>>) dst(%arg7 : memref<8192xi32, #tpu.memory_space<vmem>>)
      %dma_wait3A_35 = arith.constant 0 : i32
      %dma_wait3A_36 = tpu.memref_slice %arg3[%dma_wait3A_35] : memref<4194304xf32, #tpu.memory_space<hbm>> -> memref<8192xf32, #tpu.memory_space<hbm>>
      %dma_wait3A_37 = arith.constant 0 : i32
      %dma_wait3A_38 = tpu.memref_slice %arg3[%dma_wait3A_37] : memref<4194304xf32, #tpu.memory_space<hbm>> -> memref<8192xf32, #tpu.memory_space<hbm>>
      tpu.wait_dma2 semaphore(%arg16 : memref<!tpu.dma_semaphore, #tpu.memory_space<semaphore_mem>>) src(%dma_wait3A_38 : memref<8192xf32, #tpu.memory_space<hbm>>) dst(%arg9 : memref<8192xf32, #tpu.memory_space<vmem>>)
      %add3A_39 = arith.constant 1 : i32
      %add3A_40 = arith.addi %mul3A_31, %add3A_39 : i32
      %mul3A_41 = arith.constant 8192 : i32
      %mul3A_42 = arith.muli %add3A_40, %mul3A_41 : i32
      %add3A_43 = arith.addi %mul3A_2, %mul3A_42 : i32
      %dma_start3A_44 = tpu.memref_slice %arg2[%add3A_43] : memref<4194304xi32, #tpu.memory_space<hbm>> -> memref<8192xi32, #tpu.memory_space<hbm>>
      %dma_start3A_45 = tpu.memref_slice %arg2[%add3A_43] : memref<4194304xi32, #tpu.memory_space<hbm>> -> memref<8192xi32, #tpu.memory_space<hbm>>
      tpu.enqueue_dma source(%dma_start3A_45 : memref<8192xi32, #tpu.memory_space<hbm>>) target(%arg8 : memref<8192xi32, #tpu.memory_space<vmem>>) target_semaphore(%arg15 : memref<!tpu.dma_semaphore, #tpu.memory_space<semaphore_mem>>)
      %add3A_46 = arith.constant 1 : i32
      %add3A_47 = arith.addi %mul3A_31, %add3A_46 : i32
      %mul3A_48 = arith.constant 8192 : i32
      %mul3A_49 = arith.muli %add3A_47, %mul3A_48 : i32
      %add3A_50 = arith.addi %mul3A_2, %mul3A_49 : i32
      %dma_start3A_51 = tpu.memref_slice %arg3[%add3A_50] : memref<4194304xf32, #tpu.memory_space<hbm>> -> memref<8192xf32, #tpu.memory_space<hbm>>
      %dma_start3A_52 = tpu.memref_slice %arg3[%add3A_50] : memref<4194304xf32, #tpu.memory_space<hbm>> -> memref<8192xf32, #tpu.memory_space<hbm>>
      tpu.enqueue_dma source(%dma_start3A_52 : memref<8192xf32, #tpu.memory_space<hbm>>) target(%arg10 : memref<8192xf32, #tpu.memory_space<vmem>>) target_semaphore(%arg17 : memref<!tpu.dma_semaphore, #tpu.memory_space<semaphore_mem>>)
      %scan3A_53 = arith.constant 0 : i32
      %scan3A_54 = arith.constant 512 : i32
      %scan3A_55 = arith.addi %scan3A_53, %scan3A_54 : i32
      %scan3A_56 = arith.constant 1 : i32
      %scan3A_57:2 = scf.for %scan3A_77 = %scan3A_53 to %scan3A_55 step %scan3A_56 iter_args(%scan3A_78 = %scan3A_28, %scan3A_79 = %scan3A_29) -> (i32, i32)  : i32 {
        %mul3A_80 = arith.constant 16 : i32
        %mul3A_81 = arith.muli %scan3A_77, %mul3A_80 : i32
        %get3A = arith.index_cast %mul3A_81 : i32 to index
        %get3A_82 = tpu.vector_load %arg7[%get3A] {strides = array<i32>} : memref<8192xi32, #tpu.memory_space<vmem>>, vector<16xi32>,
        %mul3A_83 = arith.constant 16 : i32
        %mul3A_84 = arith.muli %scan3A_77, %mul3A_83 : i32
        %get3A_85 = arith.index_cast %mul3A_84 : i32 to index
        %get3A_86 = tpu.vector_load %arg9[%get3A_85] {strides = array<i32>} : memref<8192xf32, #tpu.memory_space<vmem>>, vector<16xf32>,
        %ge3A = arith.constant 0 : i32
        %ge3A_87 = vector.broadcast %ge3A : i32 to vector<16xi32>
        %ge3A_88 = arith.cmpi sge, %get3A_82, %ge3A_87 : vector<16xi32>
        %convert_element_type3A_89 = arith.extui %ge3A_88 : vector<16xi1> to vector<16xi32>
        %reduce_sum3A = arith.constant true
        %reduce_sum3A_90 = vector.broadcast %reduce_sum3A : i1 to vector<16xi1>
        %reduce_sum3A_91 = tpu.scan <sum>, %convert_element_type3A_89 masked %reduce_sum3A_90 : vector<16xi32>, vector<16xi1> -> vector<16xi32>
        %reduce_sum3A_92 = vector.extract %reduce_sum3A_91[15] : i32 from vector<16xi32>
        %and3A = arith.constant 4095 : i32
        %and3A_93 = arith.andi %scan3A_78, %and3A : i32
        %swap3A_94 = arith.index_cast %and3A_93 : i32 to index
        %swap3A_95 = tpu.vector_load %arg11[%swap3A_94] masked %ge3A_88 {strides = array<i32>} : memref<4112xi32, #tpu.memory_space<vmem>>, vector<16xi32>, vector<16xi1>
        tpu.vector_store %arg11[%swap3A_94], %get3A_82 masked %ge3A_88 {strides = array<i32>} : memref<4112xi32, #tpu.memory_space<vmem>>, vector<16xi32>, vector<16xi1>
        %swap3A_96 = arith.index_cast %and3A_93 : i32 to index
        %swap3A_97 = tpu.vector_load %arg12[%swap3A_96] masked %ge3A_88 {strides = array<i32>} : memref<4112xf32, #tpu.memory_space<vmem>>, vector<16xf32>, vector<16xi1>
        tpu.vector_store %arg12[%swap3A_96], %get3A_86 masked %ge3A_88 {strides = array<i32>} : memref<4112xf32, #tpu.memory_space<vmem>>, vector<16xf32>, vector<16xi1>
        %add3A_98 = arith.addi %and3A_93, %reduce_sum3A_92 : i32
        %gt3A_99 = arith.constant 4096 : i32
        %gt3A_100 = arith.cmpi sgt, %add3A_98, %gt3A_99 : i32
        %convert_element_type3A_101 = arith.extui %gt3A_100 : i1 to i32
        %cond3A_102 = arith.constant 0 : i32
        %cond3A_103 = arith.cmpi ne, %convert_element_type3A_101, %cond3A_102 : i32
        scf.if %cond3A_103 {
          %get3A_114 = arith.constant 4096 : index
          %get3A_115 = tpu.vector_load %arg11[%get3A_114] {strides = array<i32>} : memref<4112xi32, #tpu.memory_space<vmem>>, vector<16xi32>,
          %swap3A_116 = arith.constant 0 : index
          %swap3A_117 = tpu.vector_load %arg11[%swap3A_116] {strides = array<i32>} : memref<4112xi32, #tpu.memory_space<vmem>>, vector<16xi32>,
          tpu.vector_store %arg11[%swap3A_116], %get3A_115 {strides = array<i32>} : memref<4112xi32, #tpu.memory_space<vmem>>, vector<16xi32>,
          %get3A_118 = arith.constant 4096 : index
          %get3A_119 = tpu.vector_load %arg12[%get3A_118] {strides = array<i32>} : memref<4112xf32, #tpu.memory_space<vmem>>, vector<16xf32>,
          %swap3A_120 = arith.constant 0 : index
          %swap3A_121 = tpu.vector_load %arg12[%swap3A_120] {strides = array<i32>} : memref<4112xf32, #tpu.memory_space<vmem>>, vector<16xf32>,
          tpu.vector_store %arg12[%swap3A_120], %get3A_119 {strides = array<i32>} : memref<4112xf32, #tpu.memory_space<vmem>>, vector<16xf32>,
        } else {
        }
        %add3A_104 = arith.addi %scan3A_78, %reduce_sum3A_92 : i32
        %mul3A_105 = arith.constant 2048 : i32
        %mul3A_106 = arith.muli %scan3A_79, %mul3A_105 : i32
        %sub3A = arith.subi %add3A_104, %mul3A_106 : i32
        %ge3A_107 = arith.constant 2048 : i32
        %ge3A_108 = arith.cmpi sge, %sub3A, %ge3A_107 : i32
        %convert_element_type3A_109 = arith.extui %ge3A_108 : i1 to i32
        %cond3A_110 = arith.constant 0 : i32
        %cond3A_111 = arith.cmpi ne, %convert_element_type3A_109, %cond3A_110 : i32
        scf.if %cond3A_111 {
          %gt3A_114 = arith.constant 0 : i32
          %gt3A_115 = arith.cmpi sgt, %scan3A_79, %gt3A_114 : i32
          %convert_element_type3A_116 = arith.extui %gt3A_115 : i1 to i32
          %cond3A_117 = arith.constant 0 : i32
          %cond3A_118 = arith.cmpi ne, %convert_element_type3A_116, %cond3A_117 : i32
          scf.if %cond3A_118 {
            %dma_wait3A_137 = arith.constant 0 : i32
            %dma_wait3A_138 = tpu.memref_slice %arg11[%dma_wait3A_137] : memref<4112xi32, #tpu.memory_space<vmem>> -> memref<2048xi32, #tpu.memory_space<vmem>>
            %dma_wait3A_139 = arith.constant 0 : i32
            %dma_wait3A_140 = tpu.memref_slice %arg4[%dma_wait3A_139] : memref<4194304xi32, #tpu.memory_space<hbm>> -> memref<2048xi32, #tpu.memory_space<hbm>>
            %dma_wait3A_141 = arith.constant 0 : i32
            %dma_wait3A_142 = tpu.memref_slice %arg4[%dma_wait3A_141] : memref<4194304xi32, #tpu.memory_space<hbm>> -> memref<2048xi32, #tpu.memory_space<hbm>>
            %dma_wait3A_143 = arith.constant 0 : i32
            %dma_wait3A_144 = tpu.memref_slice %arg11[%dma_wait3A_143] : memref<4112xi32, #tpu.memory_space<vmem>> -> memref<2048xi32, #tpu.memory_space<vmem>>
            tpu.wait_dma2 semaphore(%arg18 : memref<!tpu.dma_semaphore, #tpu.memory_space<semaphore_mem>>) src(%dma_wait3A_144 : memref<2048xi32, #tpu.memory_space<vmem>>) dst(%dma_wait3A_142 : memref<2048xi32, #tpu.memory_space<hbm>>)
            %dma_wait3A_145 = arith.constant 0 : i32
            %dma_wait3A_146 = tpu.memref_slice %arg12[%dma_wait3A_145] : memref<4112xf32, #tpu.memory_space<vmem>> -> memref<2048xf32, #tpu.memory_space<vmem>>
            %dma_wait3A_147 = arith.constant 0 : i32
            %dma_wait3A_148 = tpu.memref_slice %arg5[%dma_wait3A_147] : memref<4194304xf32, #tpu.memory_space<hbm>> -> memref<2048xf32, #tpu.memory_space<hbm>>
            %dma_wait3A_149 = arith.constant 0 : i32
            %dma_wait3A_150 = tpu.memref_slice %arg5[%dma_wait3A_149] : memref<4194304xf32, #tpu.memory_space<hbm>> -> memref<2048xf32, #tpu.memory_space<hbm>>
            %dma_wait3A_151 = arith.constant 0 : i32
            %dma_wait3A_152 = tpu.memref_slice %arg12[%dma_wait3A_151] : memref<4112xf32, #tpu.memory_space<vmem>> -> memref<2048xf32, #tpu.memory_space<vmem>>
            tpu.wait_dma2 semaphore(%arg19 : memref<!tpu.dma_semaphore, #tpu.memory_space<semaphore_mem>>) src(%dma_wait3A_152 : memref<2048xf32, #tpu.memory_space<vmem>>) dst(%dma_wait3A_150 : memref<2048xf32, #tpu.memory_space<hbm>>)
          } else {
          }
          %and3A_119 = arith.constant 1 : i32
          %and3A_120 = arith.andi %scan3A_79, %and3A_119 : i32
          %mul3A_121 = arith.constant 2048 : i32
          %mul3A_122 = arith.muli %and3A_120, %mul3A_121 : i32
          %mul3A_123 = arith.constant 2048 : i32
          %mul3A_124 = arith.muli %scan3A_79, %mul3A_123 : i32
          %add3A_125 = arith.addi %mul3A_2, %mul3A_124 : i32
          %dma_start3A_126 = tpu.memref_slice %arg11[%mul3A_122] : memref<4112xi32, #tpu.memory_space<vmem>> -> memref<2048xi32, #tpu.memory_space<vmem>>
          %dma_start3A_127 = tpu.memref_slice %arg4[%add3A_125] : memref<4194304xi32, #tpu.memory_space<hbm>> -> memref<2048xi32, #tpu.memory_space<hbm>>
          %dma_start3A_128 = tpu.memref_slice %arg4[%add3A_125] : memref<4194304xi32, #tpu.memory_space<hbm>> -> memref<2048xi32, #tpu.memory_space<hbm>>
          %dma_start3A_129 = tpu.memref_slice %arg11[%mul3A_122] : memref<4112xi32, #tpu.memory_space<vmem>> -> memref<2048xi32, #tpu.memory_space<vmem>>
          tpu.enqueue_dma source(%dma_start3A_129 : memref<2048xi32, #tpu.memory_space<vmem>>) target(%dma_start3A_128 : memref<2048xi32, #tpu.memory_space<hbm>>) target_semaphore(%arg18 : memref<!tpu.dma_semaphore, #tpu.memory_space<semaphore_mem>>)
          %mul3A_130 = arith.constant 2048 : i32
          %mul3A_131 = arith.muli %scan3A_79, %mul3A_130 : i32
          %add3A_132 = arith.addi %mul3A_2, %mul3A_131 : i32
          %dma_start3A_133 = tpu.memref_slice %arg12[%mul3A_122] : memref<4112xf32, #tpu.memory_space<vmem>> -> memref<2048xf32, #tpu.memory_space<vmem>>
          %dma_start3A_134 = tpu.memref_slice %arg5[%add3A_132] : memref<4194304xf32, #tpu.memory_space<hbm>> -> memref<2048xf32, #tpu.memory_space<hbm>>
          %dma_start3A_135 = tpu.memref_slice %arg5[%add3A_132] : memref<4194304xf32, #tpu.memory_space<hbm>> -> memref<2048xf32, #tpu.memory_space<hbm>>
          %dma_start3A_136 = tpu.memref_slice %arg12[%mul3A_122] : memref<4112xf32, #tpu.memory_space<vmem>> -> memref<2048xf32, #tpu.memory_space<vmem>>
          tpu.enqueue_dma source(%dma_start3A_136 : memref<2048xf32, #tpu.memory_space<vmem>>) target(%dma_start3A_135 : memref<2048xf32, #tpu.memory_space<hbm>>) target_semaphore(%arg19 : memref<!tpu.dma_semaphore, #tpu.memory_space<semaphore_mem>>)
        } else {
        }
        %add3A_112 = arith.constant 1 : i32
        %add3A_113 = arith.addi %scan3A_79, %add3A_112 : i32
        %select_n3A = arith.select %ge3A_108, %add3A_113, %scan3A_79 : i32
        scf.yield %add3A_104, %select_n3A : i32, i32
      }
      %scan3A_58 = arith.constant 512 : i32
      %lt3A = arith.constant 7 : i32
      %lt3A_59 = arith.cmpi slt, %scan3A_27, %lt3A : i32
      %convert_element_type3A_60 = arith.extui %lt3A_59 : i1 to i32
      %cond3A_61 = arith.constant 0 : i32
      %cond3A_62 = arith.cmpi ne, %convert_element_type3A_60, %cond3A_61 : i32
      scf.if %cond3A_62 {
        %add3A_77 = arith.constant 2 : i32
        %add3A_78 = arith.addi %mul3A_31, %add3A_77 : i32
        %mul3A_79 = arith.constant 8192 : i32
        %mul3A_80 = arith.muli %add3A_78, %mul3A_79 : i32
        %add3A_81 = arith.addi %mul3A_2, %mul3A_80 : i32
        %dma_start3A_82 = tpu.memref_slice %arg2[%add3A_81] : memref<4194304xi32, #tpu.memory_space<hbm>> -> memref<8192xi32, #tpu.memory_space<hbm>>
        %dma_start3A_83 = tpu.memref_slice %arg2[%add3A_81] : memref<4194304xi32, #tpu.memory_space<hbm>> -> memref<8192xi32, #tpu.memory_space<hbm>>
        tpu.enqueue_dma source(%dma_start3A_83 : memref<8192xi32, #tpu.memory_space<hbm>>) target(%arg7 : memref<8192xi32, #tpu.memory_space<vmem>>) target_semaphore(%arg14 : memref<!tpu.dma_semaphore, #tpu.memory_space<semaphore_mem>>)
        %add3A_84 = arith.constant 2 : i32
        %add3A_85 = arith.addi %mul3A_31, %add3A_84 : i32
        %mul3A_86 = arith.constant 8192 : i32
        %mul3A_87 = arith.muli %add3A_85, %mul3A_86 : i32
        %add3A_88 = arith.addi %mul3A_2, %mul3A_87 : i32
        %dma_start3A_89 = tpu.memref_slice %arg3[%add3A_88] : memref<4194304xf32, #tpu.memory_space<hbm>> -> memref<8192xf32, #tpu.memory_space<hbm>>
        %dma_start3A_90 = tpu.memref_slice %arg3[%add3A_88] : memref<4194304xf32, #tpu.memory_space<hbm>> -> memref<8192xf32, #tpu.memory_space<hbm>>
        tpu.enqueue_dma source(%dma_start3A_90 : memref<8192xf32, #tpu.memory_space<hbm>>) target(%arg9 : memref<8192xf32, #tpu.memory_space<vmem>>) target_semaphore(%arg16 : memref<!tpu.dma_semaphore, #tpu.memory_space<semaphore_mem>>)
      } else {
      }
      %dma_wait3A_63 = arith.constant 0 : i32
      %dma_wait3A_64 = tpu.memref_slice %arg2[%dma_wait3A_63] : memref<4194304xi32, #tpu.memory_space<hbm>> -> memref<8192xi32, #tpu.memory_space<hbm>>
      %dma_wait3A_65 = arith.constant 0 : i32
      %dma_wait3A_66 = tpu.memref_slice %arg2[%dma_wait3A_65] : memref<4194304xi32, #tpu.memory_space<hbm>> -> memref<8192xi32, #tpu.memory_space<hbm>>
      tpu.wait_dma2 semaphore(%arg15 : memref<!tpu.dma_semaphore, #tpu.memory_space<semaphore_mem>>) src(%dma_wait3A_66 : memref<8192xi32, #tpu.memory_space<hbm>>) dst(%arg8 : memref<8192xi32, #tpu.memory_space<vmem>>)
      %dma_wait3A_67 = arith.constant 0 : i32
      %dma_wait3A_68 = tpu.memref_slice %arg3[%dma_wait3A_67] : memref<4194304xf32, #tpu.memory_space<hbm>> -> memref<8192xf32, #tpu.memory_space<hbm>>
      %dma_wait3A_69 = arith.constant 0 : i32
      %dma_wait3A_70 = tpu.memref_slice %arg3[%dma_wait3A_69] : memref<4194304xf32, #tpu.memory_space<hbm>> -> memref<8192xf32, #tpu.memory_space<hbm>>
      tpu.wait_dma2 semaphore(%arg17 : memref<!tpu.dma_semaphore, #tpu.memory_space<semaphore_mem>>) src(%dma_wait3A_70 : memref<8192xf32, #tpu.memory_space<hbm>>) dst(%arg10 : memref<8192xf32, #tpu.memory_space<vmem>>)
      %scan3A_71 = arith.constant 0 : i32
      %scan3A_72 = arith.constant 512 : i32
      %scan3A_73 = arith.addi %scan3A_71, %scan3A_72 : i32
      %scan3A_74 = arith.constant 1 : i32
      %scan3A_75:2 = scf.for %scan3A_77 = %scan3A_71 to %scan3A_73 step %scan3A_74 iter_args(%scan3A_78 = %scan3A_57#0, %scan3A_79 = %scan3A_57#1) -> (i32, i32)  : i32 {
        %mul3A_80 = arith.constant 16 : i32
        %mul3A_81 = arith.muli %scan3A_77, %mul3A_80 : i32
        %get3A = arith.index_cast %mul3A_81 : i32 to index
        %get3A_82 = tpu.vector_load %arg8[%get3A] {strides = array<i32>} : memref<8192xi32, #tpu.memory_space<vmem>>, vector<16xi32>,
        %mul3A_83 = arith.constant 16 : i32
        %mul3A_84 = arith.muli %scan3A_77, %mul3A_83 : i32
        %get3A_85 = arith.index_cast %mul3A_84 : i32 to index
        %get3A_86 = tpu.vector_load %arg10[%get3A_85] {strides = array<i32>} : memref<8192xf32, #tpu.memory_space<vmem>>, vector<16xf32>,
        %ge3A = arith.constant 0 : i32
        %ge3A_87 = vector.broadcast %ge3A : i32 to vector<16xi32>
        %ge3A_88 = arith.cmpi sge, %get3A_82, %ge3A_87 : vector<16xi32>
        %convert_element_type3A_89 = arith.extui %ge3A_88 : vector<16xi1> to vector<16xi32>
        %reduce_sum3A = arith.constant true
        %reduce_sum3A_90 = vector.broadcast %reduce_sum3A : i1 to vector<16xi1>
        %reduce_sum3A_91 = tpu.scan <sum>, %convert_element_type3A_89 masked %reduce_sum3A_90 : vector<16xi32>, vector<16xi1> -> vector<16xi32>
        %reduce_sum3A_92 = vector.extract %reduce_sum3A_91[15] : i32 from vector<16xi32>
        %and3A = arith.constant 4095 : i32
        %and3A_93 = arith.andi %scan3A_78, %and3A : i32
        %swap3A_94 = arith.index_cast %and3A_93 : i32 to index
        %swap3A_95 = tpu.vector_load %arg11[%swap3A_94] masked %ge3A_88 {strides = array<i32>} : memref<4112xi32, #tpu.memory_space<vmem>>, vector<16xi32>, vector<16xi1>
        tpu.vector_store %arg11[%swap3A_94], %get3A_82 masked %ge3A_88 {strides = array<i32>} : memref<4112xi32, #tpu.memory_space<vmem>>, vector<16xi32>, vector<16xi1>
        %swap3A_96 = arith.index_cast %and3A_93 : i32 to index
        %swap3A_97 = tpu.vector_load %arg12[%swap3A_96] masked %ge3A_88 {strides = array<i32>} : memref<4112xf32, #tpu.memory_space<vmem>>, vector<16xf32>, vector<16xi1>
        tpu.vector_store %arg12[%swap3A_96], %get3A_86 masked %ge3A_88 {strides = array<i32>} : memref<4112xf32, #tpu.memory_space<vmem>>, vector<16xf32>, vector<16xi1>
        %add3A_98 = arith.addi %and3A_93, %reduce_sum3A_92 : i32
        %gt3A_99 = arith.constant 4096 : i32
        %gt3A_100 = arith.cmpi sgt, %add3A_98, %gt3A_99 : i32
        %convert_element_type3A_101 = arith.extui %gt3A_100 : i1 to i32
        %cond3A_102 = arith.constant 0 : i32
        %cond3A_103 = arith.cmpi ne, %convert_element_type3A_101, %cond3A_102 : i32
        scf.if %cond3A_103 {
          %get3A_114 = arith.constant 4096 : index
          %get3A_115 = tpu.vector_load %arg11[%get3A_114] {strides = array<i32>} : memref<4112xi32, #tpu.memory_space<vmem>>, vector<16xi32>,
          %swap3A_116 = arith.constant 0 : index
          %swap3A_117 = tpu.vector_load %arg11[%swap3A_116] {strides = array<i32>} : memref<4112xi32, #tpu.memory_space<vmem>>, vector<16xi32>,
          tpu.vector_store %arg11[%swap3A_116], %get3A_115 {strides = array<i32>} : memref<4112xi32, #tpu.memory_space<vmem>>, vector<16xi32>,
          %get3A_118 = arith.constant 4096 : index
          %get3A_119 = tpu.vector_load %arg12[%get3A_118] {strides = array<i32>} : memref<4112xf32, #tpu.memory_space<vmem>>, vector<16xf32>,
          %swap3A_120 = arith.constant 0 : index
          %swap3A_121 = tpu.vector_load %arg12[%swap3A_120] {strides = array<i32>} : memref<4112xf32, #tpu.memory_space<vmem>>, vector<16xf32>,
          tpu.vector_store %arg12[%swap3A_120], %get3A_119 {strides = array<i32>} : memref<4112xf32, #tpu.memory_space<vmem>>, vector<16xf32>,
        } else {
        }
        %add3A_104 = arith.addi %scan3A_78, %reduce_sum3A_92 : i32
        %mul3A_105 = arith.constant 2048 : i32
        %mul3A_106 = arith.muli %scan3A_79, %mul3A_105 : i32
        %sub3A = arith.subi %add3A_104, %mul3A_106 : i32
        %ge3A_107 = arith.constant 2048 : i32
        %ge3A_108 = arith.cmpi sge, %sub3A, %ge3A_107 : i32
        %convert_element_type3A_109 = arith.extui %ge3A_108 : i1 to i32
        %cond3A_110 = arith.constant 0 : i32
        %cond3A_111 = arith.cmpi ne, %convert_element_type3A_109, %cond3A_110 : i32
        scf.if %cond3A_111 {
          %gt3A_114 = arith.constant 0 : i32
          %gt3A_115 = arith.cmpi sgt, %scan3A_79, %gt3A_114 : i32
          %convert_element_type3A_116 = arith.extui %gt3A_115 : i1 to i32
          %cond3A_117 = arith.constant 0 : i32
          %cond3A_118 = arith.cmpi ne, %convert_element_type3A_116, %cond3A_117 : i32
          scf.if %cond3A_118 {
            %dma_wait3A_137 = arith.constant 0 : i32
            %dma_wait3A_138 = tpu.memref_slice %arg11[%dma_wait3A_137] : memref<4112xi32, #tpu.memory_space<vmem>> -> memref<2048xi32, #tpu.memory_space<vmem>>
            %dma_wait3A_139 = arith.constant 0 : i32
            %dma_wait3A_140 = tpu.memref_slice %arg4[%dma_wait3A_139] : memref<4194304xi32, #tpu.memory_space<hbm>> -> memref<2048xi32, #tpu.memory_space<hbm>>
            %dma_wait3A_141 = arith.constant 0 : i32
            %dma_wait3A_142 = tpu.memref_slice %arg4[%dma_wait3A_141] : memref<4194304xi32, #tpu.memory_space<hbm>> -> memref<2048xi32, #tpu.memory_space<hbm>>
            %dma_wait3A_143 = arith.constant 0 : i32
            %dma_wait3A_144 = tpu.memref_slice %arg11[%dma_wait3A_143] : memref<4112xi32, #tpu.memory_space<vmem>> -> memref<2048xi32, #tpu.memory_space<vmem>>
            tpu.wait_dma2 semaphore(%arg18 : memref<!tpu.dma_semaphore, #tpu.memory_space<semaphore_mem>>) src(%dma_wait3A_144 : memref<2048xi32, #tpu.memory_space<vmem>>) dst(%dma_wait3A_142 : memref<2048xi32, #tpu.memory_space<hbm>>)
            %dma_wait3A_145 = arith.constant 0 : i32
            %dma_wait3A_146 = tpu.memref_slice %arg12[%dma_wait3A_145] : memref<4112xf32, #tpu.memory_space<vmem>> -> memref<2048xf32, #tpu.memory_space<vmem>>
            %dma_wait3A_147 = arith.constant 0 : i32
            %dma_wait3A_148 = tpu.memref_slice %arg5[%dma_wait3A_147] : memref<4194304xf32, #tpu.memory_space<hbm>> -> memref<2048xf32, #tpu.memory_space<hbm>>
            %dma_wait3A_149 = arith.constant 0 : i32
            %dma_wait3A_150 = tpu.memref_slice %arg5[%dma_wait3A_149] : memref<4194304xf32, #tpu.memory_space<hbm>> -> memref<2048xf32, #tpu.memory_space<hbm>>
            %dma_wait3A_151 = arith.constant 0 : i32
            %dma_wait3A_152 = tpu.memref_slice %arg12[%dma_wait3A_151] : memref<4112xf32, #tpu.memory_space<vmem>> -> memref<2048xf32, #tpu.memory_space<vmem>>
            tpu.wait_dma2 semaphore(%arg19 : memref<!tpu.dma_semaphore, #tpu.memory_space<semaphore_mem>>) src(%dma_wait3A_152 : memref<2048xf32, #tpu.memory_space<vmem>>) dst(%dma_wait3A_150 : memref<2048xf32, #tpu.memory_space<hbm>>)
          } else {
          }
          %and3A_119 = arith.constant 1 : i32
          %and3A_120 = arith.andi %scan3A_79, %and3A_119 : i32
          %mul3A_121 = arith.constant 2048 : i32
          %mul3A_122 = arith.muli %and3A_120, %mul3A_121 : i32
          %mul3A_123 = arith.constant 2048 : i32
          %mul3A_124 = arith.muli %scan3A_79, %mul3A_123 : i32
          %add3A_125 = arith.addi %mul3A_2, %mul3A_124 : i32
          %dma_start3A_126 = tpu.memref_slice %arg11[%mul3A_122] : memref<4112xi32, #tpu.memory_space<vmem>> -> memref<2048xi32, #tpu.memory_space<vmem>>
          %dma_start3A_127 = tpu.memref_slice %arg4[%add3A_125] : memref<4194304xi32, #tpu.memory_space<hbm>> -> memref<2048xi32, #tpu.memory_space<hbm>>
          %dma_start3A_128 = tpu.memref_slice %arg4[%add3A_125] : memref<4194304xi32, #tpu.memory_space<hbm>> -> memref<2048xi32, #tpu.memory_space<hbm>>
          %dma_start3A_129 = tpu.memref_slice %arg11[%mul3A_122] : memref<4112xi32, #tpu.memory_space<vmem>> -> memref<2048xi32, #tpu.memory_space<vmem>>
          tpu.enqueue_dma source(%dma_start3A_129 : memref<2048xi32, #tpu.memory_space<vmem>>) target(%dma_start3A_128 : memref<2048xi32, #tpu.memory_space<hbm>>) target_semaphore(%arg18 : memref<!tpu.dma_semaphore, #tpu.memory_space<semaphore_mem>>)
          %mul3A_130 = arith.constant 2048 : i32
          %mul3A_131 = arith.muli %scan3A_79, %mul3A_130 : i32
          %add3A_132 = arith.addi %mul3A_2, %mul3A_131 : i32
          %dma_start3A_133 = tpu.memref_slice %arg12[%mul3A_122] : memref<4112xf32, #tpu.memory_space<vmem>> -> memref<2048xf32, #tpu.memory_space<vmem>>
          %dma_start3A_134 = tpu.memref_slice %arg5[%add3A_132] : memref<4194304xf32, #tpu.memory_space<hbm>> -> memref<2048xf32, #tpu.memory_space<hbm>>
          %dma_start3A_135 = tpu.memref_slice %arg5[%add3A_132] : memref<4194304xf32, #tpu.memory_space<hbm>> -> memref<2048xf32, #tpu.memory_space<hbm>>
          %dma_start3A_136 = tpu.memref_slice %arg12[%mul3A_122] : memref<4112xf32, #tpu.memory_space<vmem>> -> memref<2048xf32, #tpu.memory_space<vmem>>
          tpu.enqueue_dma source(%dma_start3A_136 : memref<2048xf32, #tpu.memory_space<vmem>>) target(%dma_start3A_135 : memref<2048xf32, #tpu.memory_space<hbm>>) target_semaphore(%arg19 : memref<!tpu.dma_semaphore, #tpu.memory_space<semaphore_mem>>)
        } else {
        }
        %add3A_112 = arith.constant 1 : i32
        %add3A_113 = arith.addi %scan3A_79, %add3A_112 : i32
        %select_n3A = arith.select %ge3A_108, %add3A_113, %scan3A_79 : i32
        scf.yield %add3A_104, %select_n3A : i32, i32
      }
      %scan3A_76 = arith.constant 512 : i32
      scf.yield %scan3A_75#0, %scan3A_75#1 : i32, i32
    }
    %scan3A_12 = arith.constant 8 : i32
    %gt3A = arith.constant 0 : i32
    %gt3A_13 = arith.cmpi sgt, %scan3A_11#1, %gt3A : i32
    %convert_element_type3A = arith.extui %gt3A_13 : i1 to i32
    %cond3A = arith.constant 0 : i32
    %cond3A_14 = arith.cmpi ne, %convert_element_type3A, %cond3A : i32
    scf.if %cond3A_14 {
      %dma_wait3A = arith.constant 0 : i32
      %dma_wait3A_27 = tpu.memref_slice %arg11[%dma_wait3A] : memref<4112xi32, #tpu.memory_space<vmem>> -> memref<2048xi32, #tpu.memory_space<vmem>>
      %dma_wait3A_28 = arith.constant 0 : i32
      %dma_wait3A_29 = tpu.memref_slice %arg4[%dma_wait3A_28] : memref<4194304xi32, #tpu.memory_space<hbm>> -> memref<2048xi32, #tpu.memory_space<hbm>>
      %dma_wait3A_30 = arith.constant 0 : i32
      %dma_wait3A_31 = tpu.memref_slice %arg4[%dma_wait3A_30] : memref<4194304xi32, #tpu.memory_space<hbm>> -> memref<2048xi32, #tpu.memory_space<hbm>>
      %dma_wait3A_32 = arith.constant 0 : i32
      %dma_wait3A_33 = tpu.memref_slice %arg11[%dma_wait3A_32] : memref<4112xi32, #tpu.memory_space<vmem>> -> memref<2048xi32, #tpu.memory_space<vmem>>
      tpu.wait_dma2 semaphore(%arg18 : memref<!tpu.dma_semaphore, #tpu.memory_space<semaphore_mem>>) src(%dma_wait3A_33 : memref<2048xi32, #tpu.memory_space<vmem>>) dst(%dma_wait3A_31 : memref<2048xi32, #tpu.memory_space<hbm>>)
      %dma_wait3A_34 = arith.constant 0 : i32
      %dma_wait3A_35 = tpu.memref_slice %arg12[%dma_wait3A_34] : memref<4112xf32, #tpu.memory_space<vmem>> -> memref<2048xf32, #tpu.memory_space<vmem>>
      %dma_wait3A_36 = arith.constant 0 : i32
      %dma_wait3A_37 = tpu.memref_slice %arg5[%dma_wait3A_36] : memref<4194304xf32, #tpu.memory_space<hbm>> -> memref<2048xf32, #tpu.memory_space<hbm>>
      %dma_wait3A_38 = arith.constant 0 : i32
      %dma_wait3A_39 = tpu.memref_slice %arg5[%dma_wait3A_38] : memref<4194304xf32, #tpu.memory_space<hbm>> -> memref<2048xf32, #tpu.memory_space<hbm>>
      %dma_wait3A_40 = arith.constant 0 : i32
      %dma_wait3A_41 = tpu.memref_slice %arg12[%dma_wait3A_40] : memref<4112xf32, #tpu.memory_space<vmem>> -> memref<2048xf32, #tpu.memory_space<vmem>>
      tpu.wait_dma2 semaphore(%arg19 : memref<!tpu.dma_semaphore, #tpu.memory_space<semaphore_mem>>) src(%dma_wait3A_41 : memref<2048xf32, #tpu.memory_space<vmem>>) dst(%dma_wait3A_39 : memref<2048xf32, #tpu.memory_space<hbm>>)
    } else {
    }
    %mul3A_15 = arith.constant 2048 : i32
    %mul3A_16 = arith.muli %scan3A_11#1, %mul3A_15 : i32
    %gt3A_17 = arith.cmpi sgt, %scan3A_11#0, %mul3A_16 : i32
    %convert_element_type3A_18 = arith.extui %gt3A_17 : i1 to i32
    %cond3A_19 = arith.constant 0 : i32
    %cond3A_20 = arith.cmpi ne, %convert_element_type3A_18, %cond3A_19 : i32
    scf.if %cond3A_20 {
      %and3A = arith.constant -16 : i32
      %and3A_27 = arith.andi %scan3A_11#0, %and3A : i32
      %iota3A = tpu.iota {dimensions = array<i32: 0>} : vector<16xi32>
      %and3A_28 = arith.constant 4095 : i32
      %and3A_29 = arith.andi %and3A_27, %and3A_28 : i32
      %add3A_30 = vector.broadcast %and3A_29 : i32 to vector<16xi32>
      %add3A_31 = arith.addi %add3A_30, %iota3A : vector<16xi32>
      %broadcast_in_dim3A_32 = arith.constant -1 : i32
      %broadcast_in_dim3A_33 = vector.broadcast %broadcast_in_dim3A_32 : i32 to vector<16xi32>
      %add3A_34 = vector.broadcast %and3A_27 : i32 to vector<16xi32>
      %add3A_35 = arith.addi %add3A_34, %iota3A : vector<16xi32>
      %ge3A = vector.broadcast %scan3A_11#0 : i32 to vector<16xi32>
      %ge3A_36 = arith.cmpi sge, %add3A_35, %ge3A : vector<16xi32>
      tpu.vector_store_idx %arg11[%add3A_31], %broadcast_in_dim3A_33 masked %ge3A_36 : memref<4112xi32, #tpu.memory_space<vmem>>[vector<16xi32>], vector<16xi32>, vector<16xi1>
      %mul3A_37 = arith.constant 2048 : i32
      %mul3A_38 = arith.muli %scan3A_11#1, %mul3A_37 : i32
      %add3A_39 = arith.constant 2048 : i32
      %add3A_40 = arith.addi %mul3A_38, %add3A_39 : i32
      %sub3A = arith.subi %add3A_40, %and3A_27 : i32
      %sub3A_41 = arith.constant 16 : i32
      %sub3A_42 = arith.subi %sub3A, %sub3A_41 : i32
      %shift_right_arithmetic3A = arith.constant 4 : i32
      %shift_right_arithmetic3A_43 = arith.shrsi %sub3A_42, %shift_right_arithmetic3A : i32
      %while3A = arith.constant 0 : i32
      %while3A_44 = arith.constant 0 : i32
      %while3A_45 = arith.subi %shift_right_arithmetic3A_43, %while3A_44 : i32
      %while3A_46 = arith.addi %while3A_44, %while3A_45 : i32
      %while3A_47 = arith.constant 1 : i32
      %while3A_48 = arith.divsi %while3A_45, %while3A_47 : i32
      %while3A_49 = arith.muli %while3A_48, %while3A_47 : i32
      %while3A_50 = arith.addi %while3A_44, %while3A_49 : i32
      %while3A_51 = arith.constant 1 : i32
      scf.for %while3A_86 = %while3A_44 to %while3A_50 step %while3A_51  : i32 {
        %broadcast_in_dim3A_87 = arith.constant -1 : i32
        %broadcast_in_dim3A_88 = vector.broadcast %broadcast_in_dim3A_87 : i32 to vector<16xi32>
        %add3A_89 = arith.constant 16 : i32
        %add3A_90 = arith.addi %and3A_27, %add3A_89 : i32
        %mul3A_91 = arith.constant 16 : i32
        %mul3A_92 = arith.muli %while3A_86, %mul3A_91 : i32
        %add3A_93 = arith.addi %add3A_90, %mul3A_92 : i32
        %and3A_94 = arith.constant 4095 : i32
        %and3A_95 = arith.andi %add3A_93, %and3A_94 : i32
        %swap3A_96 = arith.index_cast %and3A_95 : i32 to index
        %swap3A_97 = tpu.vector_load %arg11[%swap3A_96] {strides = array<i32>} : memref<4112xi32, #tpu.memory_space<vmem>>, vector<16xi32>,
        tpu.vector_store %arg11[%swap3A_96], %broadcast_in_dim3A_88 {strides = array<i32>} : memref<4112xi32, #tpu.memory_space<vmem>>, vector<16xi32>,
      }
      %while3A_52 = arith.constant 1 : i32
      scf.for %while3A_86 = %while3A_50 to %while3A_46 step %while3A_52  : i32 {
        %broadcast_in_dim3A_87 = arith.constant -1 : i32
        %broadcast_in_dim3A_88 = vector.broadcast %broadcast_in_dim3A_87 : i32 to vector<16xi32>
        %add3A_89 = arith.constant 16 : i32
        %add3A_90 = arith.addi %and3A_27, %add3A_89 : i32
        %mul3A_91 = arith.constant 16 : i32
        %mul3A_92 = arith.muli %while3A_86, %mul3A_91 : i32
        %add3A_93 = arith.addi %add3A_90, %mul3A_92 : i32
        %and3A_94 = arith.constant 4095 : i32
        %and3A_95 = arith.andi %add3A_93, %and3A_94 : i32
        %swap3A_96 = arith.index_cast %and3A_95 : i32 to index
        %swap3A_97 = tpu.vector_load %arg11[%swap3A_96] {strides = array<i32>} : memref<4112xi32, #tpu.memory_space<vmem>>, vector<16xi32>,
        tpu.vector_store %arg11[%swap3A_96], %broadcast_in_dim3A_88 {strides = array<i32>} : memref<4112xi32, #tpu.memory_space<vmem>>, vector<16xi32>,
      }
      %and3A_53 = arith.constant 1 : i32
      %and3A_54 = arith.andi %scan3A_11#1, %and3A_53 : i32
      %mul3A_55 = arith.constant 2048 : i32
      %mul3A_56 = arith.muli %and3A_54, %mul3A_55 : i32
      %mul3A_57 = arith.constant 2048 : i32
      %mul3A_58 = arith.muli %scan3A_11#1, %mul3A_57 : i32
      %add3A_59 = arith.addi %mul3A_2, %mul3A_58 : i32
      %dma_start3A_60 = tpu.memref_slice %arg11[%mul3A_56] : memref<4112xi32, #tpu.memory_space<vmem>> -> memref<2048xi32, #tpu.memory_space<vmem>>
      %dma_start3A_61 = tpu.memref_slice %arg4[%add3A_59] : memref<4194304xi32, #tpu.memory_space<hbm>> -> memref<2048xi32, #tpu.memory_space<hbm>>
      %dma_start3A_62 = tpu.memref_slice %arg4[%add3A_59] : memref<4194304xi32, #tpu.memory_space<hbm>> -> memref<2048xi32, #tpu.memory_space<hbm>>
      %dma_start3A_63 = tpu.memref_slice %arg11[%mul3A_56] : memref<4112xi32, #tpu.memory_space<vmem>> -> memref<2048xi32, #tpu.memory_space<vmem>>
      tpu.enqueue_dma source(%dma_start3A_63 : memref<2048xi32, #tpu.memory_space<vmem>>) target(%dma_start3A_62 : memref<2048xi32, #tpu.memory_space<hbm>>) target_semaphore(%arg18 : memref<!tpu.dma_semaphore, #tpu.memory_space<semaphore_mem>>)
      %mul3A_64 = arith.constant 2048 : i32
      %mul3A_65 = arith.muli %scan3A_11#1, %mul3A_64 : i32
      %add3A_66 = arith.addi %mul3A_2, %mul3A_65 : i32
      %dma_start3A_67 = tpu.memref_slice %arg12[%mul3A_56] : memref<4112xf32, #tpu.memory_space<vmem>> -> memref<2048xf32, #tpu.memory_space<vmem>>
      %dma_start3A_68 = tpu.memref_slice %arg5[%add3A_66] : memref<4194304xf32, #tpu.memory_space<hbm>> -> memref<2048xf32, #tpu.memory_space<hbm>>
      %dma_start3A_69 = tpu.memref_slice %arg5[%add3A_66] : memref<4194304xf32, #tpu.memory_space<hbm>> -> memref<2048xf32, #tpu.memory_space<hbm>>
      %dma_start3A_70 = tpu.memref_slice %arg12[%mul3A_56] : memref<4112xf32, #tpu.memory_space<vmem>> -> memref<2048xf32, #tpu.memory_space<vmem>>
      tpu.enqueue_dma source(%dma_start3A_70 : memref<2048xf32, #tpu.memory_space<vmem>>) target(%dma_start3A_69 : memref<2048xf32, #tpu.memory_space<hbm>>) target_semaphore(%arg19 : memref<!tpu.dma_semaphore, #tpu.memory_space<semaphore_mem>>)
      %dma_wait3A = arith.constant 0 : i32
      %dma_wait3A_71 = tpu.memref_slice %arg11[%dma_wait3A] : memref<4112xi32, #tpu.memory_space<vmem>> -> memref<2048xi32, #tpu.memory_space<vmem>>
      %dma_wait3A_72 = arith.constant 0 : i32
      %dma_wait3A_73 = tpu.memref_slice %arg4[%dma_wait3A_72] : memref<4194304xi32, #tpu.memory_space<hbm>> -> memref<2048xi32, #tpu.memory_space<hbm>>
      %dma_wait3A_74 = arith.constant 0 : i32
      %dma_wait3A_75 = tpu.memref_slice %arg4[%dma_wait3A_74] : memref<4194304xi32, #tpu.memory_space<hbm>> -> memref<2048xi32, #tpu.memory_space<hbm>>
      %dma_wait3A_76 = arith.constant 0 : i32
      %dma_wait3A_77 = tpu.memref_slice %arg11[%dma_wait3A_76] : memref<4112xi32, #tpu.memory_space<vmem>> -> memref<2048xi32, #tpu.memory_space<vmem>>
      tpu.wait_dma2 semaphore(%arg18 : memref<!tpu.dma_semaphore, #tpu.memory_space<semaphore_mem>>) src(%dma_wait3A_77 : memref<2048xi32, #tpu.memory_space<vmem>>) dst(%dma_wait3A_75 : memref<2048xi32, #tpu.memory_space<hbm>>)
      %dma_wait3A_78 = arith.constant 0 : i32
      %dma_wait3A_79 = tpu.memref_slice %arg12[%dma_wait3A_78] : memref<4112xf32, #tpu.memory_space<vmem>> -> memref<2048xf32, #tpu.memory_space<vmem>>
      %dma_wait3A_80 = arith.constant 0 : i32
      %dma_wait3A_81 = tpu.memref_slice %arg5[%dma_wait3A_80] : memref<4194304xf32, #tpu.memory_space<hbm>> -> memref<2048xf32, #tpu.memory_space<hbm>>
      %dma_wait3A_82 = arith.constant 0 : i32
      %dma_wait3A_83 = tpu.memref_slice %arg5[%dma_wait3A_82] : memref<4194304xf32, #tpu.memory_space<hbm>> -> memref<2048xf32, #tpu.memory_space<hbm>>
      %dma_wait3A_84 = arith.constant 0 : i32
      %dma_wait3A_85 = tpu.memref_slice %arg12[%dma_wait3A_84] : memref<4112xf32, #tpu.memory_space<vmem>> -> memref<2048xf32, #tpu.memory_space<vmem>>
      tpu.wait_dma2 semaphore(%arg19 : memref<!tpu.dma_semaphore, #tpu.memory_space<semaphore_mem>>) src(%dma_wait3A_85 : memref<2048xf32, #tpu.memory_space<vmem>>) dst(%dma_wait3A_83 : memref<2048xf32, #tpu.memory_space<hbm>>)
    } else {
    }
    %broadcast_in_dim3A = arith.constant 0 : i32
    %broadcast_in_dim3A_21 = vector.broadcast %broadcast_in_dim3A : i32 to vector<16xi32>
    %add3A_22 = vector.broadcast %scan3A_11#0 : i32 to vector<16xi32>
    %add3A_23 = arith.addi %broadcast_in_dim3A_21, %add3A_22 : vector<16xi32>
    %swap3A = arith.constant 0 : index
    %swap3A_24 = tpu.vector_load %arg13[%swap3A] {strides = array<i32>} : memref<16xi32, #tpu.memory_space<vmem>>, vector<16xi32>,
    tpu.vector_store %arg13[%swap3A], %add3A_23 {strides = array<i32>} : memref<16xi32, #tpu.memory_space<vmem>>, vector<16xi32>,
    %mul3A_25 = arith.constant 16 : i32
    %mul3A_26 = arith.muli %add3A, %mul3A_25 : i32
    "tpu.region"() ({
      %run_scoped3A = tpu.sem_alloc : memref<!tpu.dma_semaphore, #tpu.memory_space<semaphore_mem>>
      %dma_start3A_27 = tpu.memref_slice %arg6[%mul3A_26] : memref<512xi32, #tpu.memory_space<hbm>> -> memref<16xi32, #tpu.memory_space<hbm>>
      %dma_start3A_28 = tpu.memref_slice %arg6[%mul3A_26] : memref<512xi32, #tpu.memory_space<hbm>> -> memref<16xi32, #tpu.memory_space<hbm>>
      tpu.enqueue_dma source(%arg13 : memref<16xi32, #tpu.memory_space<vmem>>) target(%dma_start3A_28 : memref<16xi32, #tpu.memory_space<hbm>>) target_semaphore(%run_scoped3A : memref<!tpu.dma_semaphore, #tpu.memory_space<semaphore_mem>>)
      %dma_wait3A = tpu.memref_slice %arg6[%mul3A_26] : memref<512xi32, #tpu.memory_space<hbm>> -> memref<16xi32, #tpu.memory_space<hbm>>
      %dma_wait3A_29 = tpu.memref_slice %arg6[%mul3A_26] : memref<512xi32, #tpu.memory_space<hbm>> -> memref<16xi32, #tpu.memory_space<hbm>>
      tpu.wait_dma2 semaphore(%run_scoped3A : memref<!tpu.dma_semaphore, #tpu.memory_space<semaphore_mem>>) src(%arg13 : memref<16xi32, #tpu.memory_space<vmem>>) dst(%dma_wait3A_29 : memref<16xi32, #tpu.memory_space<hbm>>)
      tpu.yield
    }) : () -> ()
    return
  }
}

#map = affine_map<(d0, d1) -> (0)>
module attributes {stable_mosaic.version = 14 : i64} {
  func.func @_scatter_kernel(%arg0: i32, %arg1: i32, %arg2: memref<4194304xi32, #tpu.memory_space<hbm>>, %arg3: memref<4194304xf32, #tpu.memory_space<hbm>>, %arg4: memref<512xi32, #tpu.memory_space<hbm>>, %arg5: memref<4194304xf32, #tpu.memory_space<hbm>>, %arg6: memref<65536xf32, #tpu.memory_space<vmem>>, %arg7: memref<512xi32, #tpu.memory_space<vmem>>, %arg8: memref<2048xi32, #tpu.memory_space<vmem>>, %arg9: memref<2048xi32, #tpu.memory_space<vmem>>, %arg10: memref<2048xf32, #tpu.memory_space<vmem>>, %arg11: memref<2048xf32, #tpu.memory_space<vmem>>, %arg12: memref<!tpu.dma_semaphore, #tpu.memory_space<semaphore_mem>>, %arg13: memref<!tpu.dma_semaphore, #tpu.memory_space<semaphore_mem>>, %arg14: memref<!tpu.dma_semaphore, #tpu.memory_space<semaphore_mem>>, %arg15: memref<!tpu.dma_semaphore, #tpu.memory_space<semaphore_mem>>) attributes {dimension_semantics = [#tpu.dimension_semantics<core_parallel>, #tpu.dimension_semantics<subcore_parallel>], iteration_bounds = array<i64: 2, 16>, scalar_prefetch = 0 : i64, scratch_operands = 10 : i64, tpu.core_type = #tpu.core_type<sc_vector_subcore>, window_params = [{transform_indices = #map}, {transform_indices = #map}, {transform_indices = #map}, {transform_indices = #map}]} {
    %mul3A = arith.constant 16 : i32
    %mul3A_0 = arith.muli %arg0, %mul3A : i32
    %add3A = arith.addi %mul3A_0, %arg1 : i32
    "tpu.region"() ({
      %run_scoped3A = tpu.sem_alloc : memref<!tpu.dma_semaphore, #tpu.memory_space<semaphore_mem>>
      tpu.enqueue_dma source(%arg4 : memref<512xi32, #tpu.memory_space<hbm>>) target(%arg7 : memref<512xi32, #tpu.memory_space<vmem>>) target_semaphore(%run_scoped3A : memref<!tpu.dma_semaphore, #tpu.memory_space<semaphore_mem>>)
      tpu.wait_dma2 semaphore(%run_scoped3A : memref<!tpu.dma_semaphore, #tpu.memory_space<semaphore_mem>>) src(%arg4 : memref<512xi32, #tpu.memory_space<hbm>>) dst(%arg7 : memref<512xi32, #tpu.memory_space<vmem>>)
      tpu.yield
    }) : () -> ()
    %add3A_1 = arith.constant 32 : i32
    %add3A_2 = arith.addi %add3A, %add3A_1 : i32
    %jit3A = arith.constant 8 : i32
    %div3A = arith.divsi %add3A, %jit3A : i32
    %sign3A = arith.constant 0 : i32
    %sign3A_3 = arith.cmpi sgt, %add3A, %sign3A : i32
    %sign3A_4 = arith.extui %sign3A_3 : i1 to i32
    %sign3A_5 = arith.constant 0 : i32
    %sign3A_6 = arith.cmpi slt, %add3A, %sign3A_5 : i32
    %sign3A_7 = arith.extui %sign3A_6 : i1 to i32
    %sign3A_8 = arith.subi %sign3A_4, %sign3A_7 : i32
    %sign3A_9 = arith.constant 0 : i32
    %sign3A_10 = arith.cmpi sgt, %jit3A, %sign3A_9 : i32
    %sign3A_11 = arith.extui %sign3A_10 : i1 to i32
    %sign3A_12 = arith.constant 0 : i32
    %sign3A_13 = arith.cmpi slt, %jit3A, %sign3A_12 : i32
    %sign3A_14 = arith.extui %sign3A_13 : i1 to i32
    %sign3A_15 = arith.subi %sign3A_11, %sign3A_14 : i32
    %ne3A = arith.cmpi ne, %sign3A_8, %sign3A_15 : i32
    %rem3A = arith.remsi %add3A, %jit3A : i32
    %ne3A_16 = arith.constant 0 : i32
    %ne3A_17 = arith.cmpi ne, %rem3A, %ne3A_16 : i32
    %and3A = arith.andi %ne3A, %ne3A_17 : i1
    %sub3A = arith.constant 1 : i32
    %sub3A_18 = arith.subi %div3A, %sub3A : i32
    %select_n3A = arith.select %and3A, %sub3A_18, %div3A : i32
    %jit3A_19 = arith.constant 8 : i32
    %eq3A = arith.constant 0 : i32
    %eq3A_20 = arith.cmpi eq, %jit3A_19, %eq3A : i32
    %jit3A_21 = arith.constant 1 : i32
    %select_n3A_22 = arith.select %eq3A_20, %jit3A_21, %jit3A_19 : i32
    %rem3A_23 = arith.remsi %add3A, %select_n3A_22 : i32
    %ne3A_24 = arith.constant 0 : i32
    %ne3A_25 = arith.cmpi ne, %rem3A_23, %ne3A_24 : i32
    %lt3A = arith.constant 0 : i32
    %lt3A_26 = arith.cmpi slt, %rem3A_23, %lt3A : i32
    %lt3A_27 = arith.constant 0 : i32
    %lt3A_28 = arith.cmpi slt, %select_n3A_22, %lt3A_27 : i32
    %ne3A_29 = arith.xori %lt3A_26, %lt3A_28 : i1
    %and3A_30 = arith.andi %ne3A_29, %ne3A_25 : i1
    %add3A_31 = arith.addi %rem3A_23, %select_n3A_22 : i32
    %select_n3A_32 = arith.select %and3A_30, %add3A_31, %rem3A_23 : i32
    %mul3A_33 = arith.constant 524288 : i32
    %mul3A_34 = arith.muli %select_n3A, %mul3A_33 : i32
    %mul3A_35 = arith.constant 65536 : i32
    %mul3A_36 = arith.muli %select_n3A_32, %mul3A_35 : i32
    %add3A_37 = arith.addi %mul3A_34, %mul3A_36 : i32
    %scan3A = arith.constant 0 : i32
    %scan3A_38 = arith.constant 0 : i32
    %scan3A_39 = arith.constant 4096 : i32
    %scan3A_40 = arith.addi %scan3A_38, %scan3A_39 : i32
    %scan3A_41 = arith.constant 1 : i32
    scf.for %scan3A_431 = %scan3A_38 to %scan3A_40 step %scan3A_41  : i32 {
      %broadcast_in_dim3A = arith.constant 0.000000e+00 : f32
      %broadcast_in_dim3A_432 = vector.broadcast %broadcast_in_dim3A : f32 to vector<16xf32>
      %mul3A_433 = arith.constant 16 : i32
      %mul3A_434 = arith.muli %scan3A_431, %mul3A_433 : i32
      %swap3A = arith.index_cast %mul3A_434 : i32 to index
      %swap3A_435 = tpu.vector_load %arg6[%swap3A] {strides = array<i32>} : memref<65536xf32, #tpu.memory_space<vmem>>, vector<16xf32>,
      tpu.vector_store %arg6[%swap3A], %broadcast_in_dim3A_432 {strides = array<i32>} : memref<65536xf32, #tpu.memory_space<vmem>>, vector<16xf32>,
    }
    %scan3A_42 = arith.constant 4096 : i32
    %mul3A_43 = arith.constant 4 : i32
    %mul3A_44 = arith.muli %select_n3A, %mul3A_43 : i32
    %add3A_45 = arith.constant 0 : i32
    %add3A_46 = arith.addi %mul3A_44, %add3A_45 : i32
    %mul3A_47 = arith.constant 16 : i32
    %mul3A_48 = arith.muli %add3A_46, %mul3A_47 : i32
    %get3A = arith.index_cast %mul3A_48 : i32 to index
    %get3A_49 = tpu.vector_load %arg7[%get3A] {strides = array<i32>} : memref<512xi32, #tpu.memory_space<vmem>>, vector<16xi32>,
    %reduce_max3A = arith.constant true
    %reduce_max3A_50 = vector.broadcast %reduce_max3A : i1 to vector<16xi1>
    %reduce_max3A_51 = arith.constant -2147483648 : i32
    %reduce_max3A_52 = vector.broadcast %reduce_max3A_51 : i32 to vector<16xi32>
    %reduce_max3A_53 = arith.xori %get3A_49, %reduce_max3A_52 : vector<16xi32>
    %reduce_max3A_54 = tpu.scan <max>, %reduce_max3A_53 masked %reduce_max3A_50 : vector<16xi32>, vector<16xi1> -> vector<16xi32>
    %reduce_max3A_55 = arith.xori %reduce_max3A_54, %reduce_max3A_52 : vector<16xi32>
    %reduce_max3A_56 = vector.extract %reduce_max3A_55[15] : i32 from vector<16xi32>
    %add3A_57 = arith.constant 2048 : i32
    %add3A_58 = arith.addi %reduce_max3A_56, %add3A_57 : i32
    %sub3A_59 = arith.constant 1 : i32
    %sub3A_60 = arith.subi %add3A_58, %sub3A_59 : i32
    %shift_right_arithmetic3A = arith.constant 11 : i32
    %shift_right_arithmetic3A_61 = arith.shrsi %sub3A_60, %shift_right_arithmetic3A : i32
    %mul3A_62 = arith.constant 131072 : i32
    %mul3A_63 = arith.muli %add3A_46, %mul3A_62 : i32
    %gt3A = arith.constant 0 : i32
    %gt3A_64 = arith.cmpi sgt, %shift_right_arithmetic3A_61, %gt3A : i32
    %convert_element_type3A = arith.extui %gt3A_64 : i1 to i32
    %cond3A = arith.constant 0 : i32
    %cond3A_65 = arith.cmpi ne, %convert_element_type3A, %cond3A : i32
    scf.if %cond3A_65 {
      %dma_start3A = tpu.memref_slice %arg2[%mul3A_63] : memref<4194304xi32, #tpu.memory_space<hbm>> -> memref<2048xi32, #tpu.memory_space<hbm>>
      %dma_start3A_431 = tpu.memref_slice %arg2[%mul3A_63] : memref<4194304xi32, #tpu.memory_space<hbm>> -> memref<2048xi32, #tpu.memory_space<hbm>>
      tpu.enqueue_dma source(%dma_start3A_431 : memref<2048xi32, #tpu.memory_space<hbm>>) target(%arg8 : memref<2048xi32, #tpu.memory_space<vmem>>) target_semaphore(%arg12 : memref<!tpu.dma_semaphore, #tpu.memory_space<semaphore_mem>>)
      %dma_start3A_432 = tpu.memref_slice %arg3[%mul3A_63] : memref<4194304xf32, #tpu.memory_space<hbm>> -> memref<2048xf32, #tpu.memory_space<hbm>>
      %dma_start3A_433 = tpu.memref_slice %arg3[%mul3A_63] : memref<4194304xf32, #tpu.memory_space<hbm>> -> memref<2048xf32, #tpu.memory_space<hbm>>
      tpu.enqueue_dma source(%dma_start3A_433 : memref<2048xf32, #tpu.memory_space<hbm>>) target(%arg10 : memref<2048xf32, #tpu.memory_space<vmem>>) target_semaphore(%arg14 : memref<!tpu.dma_semaphore, #tpu.memory_space<semaphore_mem>>)
    } else {
    }
    %add3A_66 = arith.constant 1 : i32
    %add3A_67 = arith.addi %shift_right_arithmetic3A_61, %add3A_66 : i32
    %shift_right_arithmetic3A_68 = arith.constant 1 : i32
    %shift_right_arithmetic3A_69 = arith.shrsi %add3A_67, %shift_right_arithmetic3A_68 : i32
    %while3A = arith.constant 0 : i32
    %while3A_70 = arith.constant 0 : i32
    %while3A_71 = arith.subi %shift_right_arithmetic3A_69, %while3A_70 : i32
    %while3A_72 = arith.addi %while3A_70, %while3A_71 : i32
    %while3A_73 = arith.constant 1 : i32
    %while3A_74 = arith.divsi %while3A_71, %while3A_73 : i32
    %while3A_75 = arith.muli %while3A_74, %while3A_73 : i32
    %while3A_76 = arith.addi %while3A_70, %while3A_75 : i32
    %while3A_77 = arith.constant 1 : i32
    scf.for %while3A_431 = %while3A_70 to %while3A_76 step %while3A_77  : i32 {
      %mul3A_432 = arith.constant 2 : i32
      %mul3A_433 = arith.muli %while3A_431, %mul3A_432 : i32
      %dma_wait3A = arith.constant 0 : i32
      %dma_wait3A_434 = tpu.memref_slice %arg2[%dma_wait3A] : memref<4194304xi32, #tpu.memory_space<hbm>> -> memref<2048xi32, #tpu.memory_space<hbm>>
      %dma_wait3A_435 = arith.constant 0 : i32
      %dma_wait3A_436 = tpu.memref_slice %arg2[%dma_wait3A_435] : memref<4194304xi32, #tpu.memory_space<hbm>> -> memref<2048xi32, #tpu.memory_space<hbm>>
      tpu.wait_dma2 semaphore(%arg12 : memref<!tpu.dma_semaphore, #tpu.memory_space<semaphore_mem>>) src(%dma_wait3A_436 : memref<2048xi32, #tpu.memory_space<hbm>>) dst(%arg8 : memref<2048xi32, #tpu.memory_space<vmem>>)
      %dma_wait3A_437 = arith.constant 0 : i32
      %dma_wait3A_438 = tpu.memref_slice %arg3[%dma_wait3A_437] : memref<4194304xf32, #tpu.memory_space<hbm>> -> memref<2048xf32, #tpu.memory_space<hbm>>
      %dma_wait3A_439 = arith.constant 0 : i32
      %dma_wait3A_440 = tpu.memref_slice %arg3[%dma_wait3A_439] : memref<4194304xf32, #tpu.memory_space<hbm>> -> memref<2048xf32, #tpu.memory_space<hbm>>
      tpu.wait_dma2 semaphore(%arg14 : memref<!tpu.dma_semaphore, #tpu.memory_space<semaphore_mem>>) src(%dma_wait3A_440 : memref<2048xf32, #tpu.memory_space<hbm>>) dst(%arg10 : memref<2048xf32, #tpu.memory_space<vmem>>)
      %add3A_441 = arith.constant 1 : i32
      %add3A_442 = arith.addi %mul3A_433, %add3A_441 : i32
      %lt3A_443 = arith.cmpi slt, %add3A_442, %shift_right_arithmetic3A_61 : i32
      %convert_element_type3A_444 = arith.extui %lt3A_443 : i1 to i32
      %cond3A_445 = arith.constant 0 : i32
      %cond3A_446 = arith.cmpi ne, %convert_element_type3A_444, %cond3A_445 : i32
      scf.if %cond3A_446 {
        %add3A_459 = arith.constant 1 : i32
        %add3A_460 = arith.addi %mul3A_433, %add3A_459 : i32
        %mul3A_461 = arith.constant 2048 : i32
        %mul3A_462 = arith.muli %add3A_460, %mul3A_461 : i32
        %add3A_463 = arith.addi %mul3A_63, %mul3A_462 : i32
        %dma_start3A = tpu.memref_slice %arg2[%add3A_463] : memref<4194304xi32, #tpu.memory_space<hbm>> -> memref<2048xi32, #tpu.memory_space<hbm>>
        %dma_start3A_464 = tpu.memref_slice %arg2[%add3A_463] : memref<4194304xi32, #tpu.memory_space<hbm>> -> memref<2048xi32, #tpu.memory_space<hbm>>
        tpu.enqueue_dma source(%dma_start3A_464 : memref<2048xi32, #tpu.memory_space<hbm>>) target(%arg9 : memref<2048xi32, #tpu.memory_space<vmem>>) target_semaphore(%arg13 : memref<!tpu.dma_semaphore, #tpu.memory_space<semaphore_mem>>)
        %add3A_465 = arith.constant 1 : i32
        %add3A_466 = arith.addi %mul3A_433, %add3A_465 : i32
        %mul3A_467 = arith.constant 2048 : i32
        %mul3A_468 = arith.muli %add3A_466, %mul3A_467 : i32
        %add3A_469 = arith.addi %mul3A_63, %mul3A_468 : i32
        %dma_start3A_470 = tpu.memref_slice %arg3[%add3A_469] : memref<4194304xf32, #tpu.memory_space<hbm>> -> memref<2048xf32, #tpu.memory_space<hbm>>
        %dma_start3A_471 = tpu.memref_slice %arg3[%add3A_469] : memref<4194304xf32, #tpu.memory_space<hbm>> -> memref<2048xf32, #tpu.memory_space<hbm>>
        tpu.enqueue_dma source(%dma_start3A_471 : memref<2048xf32, #tpu.memory_space<hbm>>) target(%arg11 : memref<2048xf32, #tpu.memory_space<vmem>>) target_semaphore(%arg15 : memref<!tpu.dma_semaphore, #tpu.memory_space<semaphore_mem>>)
      } else {
      }
      %scan3A_447 = arith.constant 0 : i32
      %scan3A_448 = arith.constant 0 : i32
      %scan3A_449 = arith.constant 128 : i32
      %scan3A_450 = arith.addi %scan3A_448, %scan3A_449 : i32
      %scan3A_451 = arith.constant 1 : i32
      scf.for %scan3A_459 = %scan3A_448 to %scan3A_450 step %scan3A_451  : i32 {
        %mul3A_460 = arith.constant 16 : i32
        %mul3A_461 = arith.muli %scan3A_459, %mul3A_460 : i32
        %get3A_462 = arith.index_cast %mul3A_461 : i32 to index
        %get3A_463 = tpu.vector_load %arg8[%get3A_462] {strides = array<i32>} : memref<2048xi32, #tpu.memory_space<vmem>>, vector<16xi32>,
        %sub3A_464 = vector.broadcast %add3A_37 : i32 to vector<16xi32>
        %sub3A_465 = arith.subi %get3A_463, %sub3A_464 : vector<16xi32>
        %bitcast3A = vector.bitcast %sub3A_465 : vector<16xi32> to vector<16xi32>
        %lt3A_466 = arith.constant 65536 : i32
        %lt3A_467 = vector.broadcast %lt3A_466 : i32 to vector<16xi32>
        %lt3A_468 = arith.cmpi ult, %bitcast3A, %lt3A_467 : vector<16xi32>
        %jit3A_469 = arith.constant 0 : i32
        %broadcast_in_dim3A = vector.broadcast %jit3A_469 : i32 to vector<16xi32>
        %select_n3A_470 = arith.select %lt3A_468, %sub3A_465, %broadcast_in_dim3A : vector<16xi1>, vector<16xi32>
        %mul3A_471 = arith.constant 16 : i32
        %mul3A_472 = arith.muli %scan3A_459, %mul3A_471 : i32
        %get3A_473 = arith.index_cast %mul3A_472 : i32 to index
        %get3A_474 = tpu.vector_load %arg10[%get3A_473] {strides = array<i32>} : memref<2048xf32, #tpu.memory_space<vmem>>, vector<16xf32>,
        tpu.vector_store_idx %arg6[%select_n3A_470], %get3A_474 masked %lt3A_468 : memref<65536xf32, #tpu.memory_space<vmem>>[vector<16xi32>], vector<16xf32>, vector<16xi1>
      }
      %scan3A_452 = arith.constant 128 : i32
      %add3A_453 = arith.constant 1 : i32
      %add3A_454 = arith.addi %mul3A_433, %add3A_453 : i32
      %lt3A_455 = arith.cmpi slt, %add3A_454, %shift_right_arithmetic3A_61 : i32
      %convert_element_type3A_456 = arith.extui %lt3A_455 : i1 to i32
      %cond3A_457 = arith.constant 0 : i32
      %cond3A_458 = arith.cmpi ne, %convert_element_type3A_456, %cond3A_457 : i32
      scf.if %cond3A_458 {
        %add3A_459 = arith.constant 2 : i32
        %add3A_460 = arith.addi %mul3A_433, %add3A_459 : i32
        %lt3A_461 = arith.cmpi slt, %add3A_460, %shift_right_arithmetic3A_61 : i32
        %convert_element_type3A_462 = arith.extui %lt3A_461 : i1 to i32
        %cond3A_463 = arith.constant 0 : i32
        %cond3A_464 = arith.cmpi ne, %convert_element_type3A_462, %cond3A_463 : i32
        scf.if %cond3A_464 {
          %add3A_479 = arith.constant 2 : i32
          %add3A_480 = arith.addi %mul3A_433, %add3A_479 : i32
          %mul3A_481 = arith.constant 2048 : i32
          %mul3A_482 = arith.muli %add3A_480, %mul3A_481 : i32
          %add3A_483 = arith.addi %mul3A_63, %mul3A_482 : i32
          %dma_start3A = tpu.memref_slice %arg2[%add3A_483] : memref<4194304xi32, #tpu.memory_space<hbm>> -> memref<2048xi32, #tpu.memory_space<hbm>>
          %dma_start3A_484 = tpu.memref_slice %arg2[%add3A_483] : memref<4194304xi32, #tpu.memory_space<hbm>> -> memref<2048xi32, #tpu.memory_space<hbm>>
          tpu.enqueue_dma source(%dma_start3A_484 : memref<2048xi32, #tpu.memory_space<hbm>>) target(%arg8 : memref<2048xi32, #tpu.memory_space<vmem>>) target_semaphore(%arg12 : memref<!tpu.dma_semaphore, #tpu.memory_space<semaphore_mem>>)
          %add3A_485 = arith.constant 2 : i32
          %add3A_486 = arith.addi %mul3A_433, %add3A_485 : i32
          %mul3A_487 = arith.constant 2048 : i32
          %mul3A_488 = arith.muli %add3A_486, %mul3A_487 : i32
          %add3A_489 = arith.addi %mul3A_63, %mul3A_488 : i32
          %dma_start3A_490 = tpu.memref_slice %arg3[%add3A_489] : memref<4194304xf32, #tpu.memory_space<hbm>> -> memref<2048xf32, #tpu.memory_space<hbm>>
          %dma_start3A_491 = tpu.memref_slice %arg3[%add3A_489] : memref<4194304xf32, #tpu.memory_space<hbm>> -> memref<2048xf32, #tpu.memory_space<hbm>>
          tpu.enqueue_dma source(%dma_start3A_491 : memref<2048xf32, #tpu.memory_space<hbm>>) target(%arg10 : memref<2048xf32, #tpu.memory_space<vmem>>) target_semaphore(%arg14 : memref<!tpu.dma_semaphore, #tpu.memory_space<semaphore_mem>>)
        } else {
        }
        %dma_wait3A_465 = arith.constant 0 : i32
        %dma_wait3A_466 = tpu.memref_slice %arg2[%dma_wait3A_465] : memref<4194304xi32, #tpu.memory_space<hbm>> -> memref<2048xi32, #tpu.memory_space<hbm>>
        %dma_wait3A_467 = arith.constant 0 : i32
        %dma_wait3A_468 = tpu.memref_slice %arg2[%dma_wait3A_467] : memref<4194304xi32, #tpu.memory_space<hbm>> -> memref<2048xi32, #tpu.memory_space<hbm>>
        tpu.wait_dma2 semaphore(%arg13 : memref<!tpu.dma_semaphore, #tpu.memory_space<semaphore_mem>>) src(%dma_wait3A_468 : memref<2048xi32, #tpu.memory_space<hbm>>) dst(%arg9 : memref<2048xi32, #tpu.memory_space<vmem>>)
        %dma_wait3A_469 = arith.constant 0 : i32
        %dma_wait3A_470 = tpu.memref_slice %arg3[%dma_wait3A_469] : memref<4194304xf32, #tpu.memory_space<hbm>> -> memref<2048xf32, #tpu.memory_space<hbm>>
        %dma_wait3A_471 = arith.constant 0 : i32
        %dma_wait3A_472 = tpu.memref_slice %arg3[%dma_wait3A_471] : memref<4194304xf32, #tpu.memory_space<hbm>> -> memref<2048xf32, #tpu.memory_space<hbm>>
        tpu.wait_dma2 semaphore(%arg15 : memref<!tpu.dma_semaphore, #tpu.memory_space<semaphore_mem>>) src(%dma_wait3A_472 : memref<2048xf32, #tpu.memory_space<hbm>>) dst(%arg11 : memref<2048xf32, #tpu.memory_space<vmem>>)
        %scan3A_473 = arith.constant 0 : i32
        %scan3A_474 = arith.constant 0 : i32
        %scan3A_475 = arith.constant 128 : i32
        %scan3A_476 = arith.addi %scan3A_474, %scan3A_475 : i32
        %scan3A_477 = arith.constant 1 : i32
        scf.for %scan3A_479 = %scan3A_474 to %scan3A_476 step %scan3A_477  : i32 {
          %mul3A_480 = arith.constant 16 : i32
          %mul3A_481 = arith.muli %scan3A_479, %mul3A_480 : i32
          %get3A_482 = arith.index_cast %mul3A_481 : i32 to index
          %get3A_483 = tpu.vector_load %arg9[%get3A_482] {strides = array<i32>} : memref<2048xi32, #tpu.memory_space<vmem>>, vector<16xi32>,
          %sub3A_484 = vector.broadcast %add3A_37 : i32 to vector<16xi32>
          %sub3A_485 = arith.subi %get3A_483, %sub3A_484 : vector<16xi32>
          %bitcast3A = vector.bitcast %sub3A_485 : vector<16xi32> to vector<16xi32>
          %lt3A_486 = arith.constant 65536 : i32
          %lt3A_487 = vector.broadcast %lt3A_486 : i32 to vector<16xi32>
          %lt3A_488 = arith.cmpi ult, %bitcast3A, %lt3A_487 : vector<16xi32>
          %jit3A_489 = arith.constant 0 : i32
          %broadcast_in_dim3A = vector.broadcast %jit3A_489 : i32 to vector<16xi32>
          %select_n3A_490 = arith.select %lt3A_488, %sub3A_485, %broadcast_in_dim3A : vector<16xi1>, vector<16xi32>
          %mul3A_491 = arith.constant 16 : i32
          %mul3A_492 = arith.muli %scan3A_479, %mul3A_491 : i32
          %get3A_493 = arith.index_cast %mul3A_492 : i32 to index
          %get3A_494 = tpu.vector_load %arg11[%get3A_493] {strides = array<i32>} : memref<2048xf32, #tpu.memory_space<vmem>>, vector<16xf32>,
          tpu.vector_store_idx %arg6[%select_n3A_490], %get3A_494 masked %lt3A_488 : memref<65536xf32, #tpu.memory_space<vmem>>[vector<16xi32>], vector<16xf32>, vector<16xi1>
        }
        %scan3A_478 = arith.constant 128 : i32
      } else {
      }
    }
    %while3A_78 = arith.constant 1 : i32
    scf.for %while3A_431 = %while3A_76 to %while3A_72 step %while3A_78  : i32 {
      %mul3A_432 = arith.constant 2 : i32
      %mul3A_433 = arith.muli %while3A_431, %mul3A_432 : i32
      %dma_wait3A = arith.constant 0 : i32
      %dma_wait3A_434 = tpu.memref_slice %arg2[%dma_wait3A] : memref<4194304xi32, #tpu.memory_space<hbm>> -> memref<2048xi32, #tpu.memory_space<hbm>>
      %dma_wait3A_435 = arith.constant 0 : i32
      %dma_wait3A_436 = tpu.memref_slice %arg2[%dma_wait3A_435] : memref<4194304xi32, #tpu.memory_space<hbm>> -> memref<2048xi32, #tpu.memory_space<hbm>>
      tpu.wait_dma2 semaphore(%arg12 : memref<!tpu.dma_semaphore, #tpu.memory_space<semaphore_mem>>) src(%dma_wait3A_436 : memref<2048xi32, #tpu.memory_space<hbm>>) dst(%arg8 : memref<2048xi32, #tpu.memory_space<vmem>>)
      %dma_wait3A_437 = arith.constant 0 : i32
      %dma_wait3A_438 = tpu.memref_slice %arg3[%dma_wait3A_437] : memref<4194304xf32, #tpu.memory_space<hbm>> -> memref<2048xf32, #tpu.memory_space<hbm>>
      %dma_wait3A_439 = arith.constant 0 : i32
      %dma_wait3A_440 = tpu.memref_slice %arg3[%dma_wait3A_439] : memref<4194304xf32, #tpu.memory_space<hbm>> -> memref<2048xf32, #tpu.memory_space<hbm>>
      tpu.wait_dma2 semaphore(%arg14 : memref<!tpu.dma_semaphore, #tpu.memory_space<semaphore_mem>>) src(%dma_wait3A_440 : memref<2048xf32, #tpu.memory_space<hbm>>) dst(%arg10 : memref<2048xf32, #tpu.memory_space<vmem>>)
      %add3A_441 = arith.constant 1 : i32
      %add3A_442 = arith.addi %mul3A_433, %add3A_441 : i32
      %lt3A_443 = arith.cmpi slt, %add3A_442, %shift_right_arithmetic3A_61 : i32
      %convert_element_type3A_444 = arith.extui %lt3A_443 : i1 to i32
      %cond3A_445 = arith.constant 0 : i32
      %cond3A_446 = arith.cmpi ne, %convert_element_type3A_444, %cond3A_445 : i32
      scf.if %cond3A_446 {
        %add3A_459 = arith.constant 1 : i32
        %add3A_460 = arith.addi %mul3A_433, %add3A_459 : i32
        %mul3A_461 = arith.constant 2048 : i32
        %mul3A_462 = arith.muli %add3A_460, %mul3A_461 : i32
        %add3A_463 = arith.addi %mul3A_63, %mul3A_462 : i32
        %dma_start3A = tpu.memref_slice %arg2[%add3A_463] : memref<4194304xi32, #tpu.memory_space<hbm>> -> memref<2048xi32, #tpu.memory_space<hbm>>
        %dma_start3A_464 = tpu.memref_slice %arg2[%add3A_463] : memref<4194304xi32, #tpu.memory_space<hbm>> -> memref<2048xi32, #tpu.memory_space<hbm>>
        tpu.enqueue_dma source(%dma_start3A_464 : memref<2048xi32, #tpu.memory_space<hbm>>) target(%arg9 : memref<2048xi32, #tpu.memory_space<vmem>>) target_semaphore(%arg13 : memref<!tpu.dma_semaphore, #tpu.memory_space<semaphore_mem>>)
        %add3A_465 = arith.constant 1 : i32
        %add3A_466 = arith.addi %mul3A_433, %add3A_465 : i32
        %mul3A_467 = arith.constant 2048 : i32
        %mul3A_468 = arith.muli %add3A_466, %mul3A_467 : i32
        %add3A_469 = arith.addi %mul3A_63, %mul3A_468 : i32
        %dma_start3A_470 = tpu.memref_slice %arg3[%add3A_469] : memref<4194304xf32, #tpu.memory_space<hbm>> -> memref<2048xf32, #tpu.memory_space<hbm>>
        %dma_start3A_471 = tpu.memref_slice %arg3[%add3A_469] : memref<4194304xf32, #tpu.memory_space<hbm>> -> memref<2048xf32, #tpu.memory_space<hbm>>
        tpu.enqueue_dma source(%dma_start3A_471 : memref<2048xf32, #tpu.memory_space<hbm>>) target(%arg11 : memref<2048xf32, #tpu.memory_space<vmem>>) target_semaphore(%arg15 : memref<!tpu.dma_semaphore, #tpu.memory_space<semaphore_mem>>)
      } else {
      }
      %scan3A_447 = arith.constant 0 : i32
      %scan3A_448 = arith.constant 0 : i32
      %scan3A_449 = arith.constant 128 : i32
      %scan3A_450 = arith.addi %scan3A_448, %scan3A_449 : i32
      %scan3A_451 = arith.constant 1 : i32
      scf.for %scan3A_459 = %scan3A_448 to %scan3A_450 step %scan3A_451  : i32 {
        %mul3A_460 = arith.constant 16 : i32
        %mul3A_461 = arith.muli %scan3A_459, %mul3A_460 : i32
        %get3A_462 = arith.index_cast %mul3A_461 : i32 to index
        %get3A_463 = tpu.vector_load %arg8[%get3A_462] {strides = array<i32>} : memref<2048xi32, #tpu.memory_space<vmem>>, vector<16xi32>,
        %sub3A_464 = vector.broadcast %add3A_37 : i32 to vector<16xi32>
        %sub3A_465 = arith.subi %get3A_463, %sub3A_464 : vector<16xi32>
        %bitcast3A = vector.bitcast %sub3A_465 : vector<16xi32> to vector<16xi32>
        %lt3A_466 = arith.constant 65536 : i32
        %lt3A_467 = vector.broadcast %lt3A_466 : i32 to vector<16xi32>
        %lt3A_468 = arith.cmpi ult, %bitcast3A, %lt3A_467 : vector<16xi32>
        %jit3A_469 = arith.constant 0 : i32
        %broadcast_in_dim3A = vector.broadcast %jit3A_469 : i32 to vector<16xi32>
        %select_n3A_470 = arith.select %lt3A_468, %sub3A_465, %broadcast_in_dim3A : vector<16xi1>, vector<16xi32>
        %mul3A_471 = arith.constant 16 : i32
        %mul3A_472 = arith.muli %scan3A_459, %mul3A_471 : i32
        %get3A_473 = arith.index_cast %mul3A_472 : i32 to index
        %get3A_474 = tpu.vector_load %arg10[%get3A_473] {strides = array<i32>} : memref<2048xf32, #tpu.memory_space<vmem>>, vector<16xf32>,
        tpu.vector_store_idx %arg6[%select_n3A_470], %get3A_474 masked %lt3A_468 : memref<65536xf32, #tpu.memory_space<vmem>>[vector<16xi32>], vector<16xf32>, vector<16xi1>
      }
      %scan3A_452 = arith.constant 128 : i32
      %add3A_453 = arith.constant 1 : i32
      %add3A_454 = arith.addi %mul3A_433, %add3A_453 : i32
      %lt3A_455 = arith.cmpi slt, %add3A_454, %shift_right_arithmetic3A_61 : i32
      %convert_element_type3A_456 = arith.extui %lt3A_455 : i1 to i32
      %cond3A_457 = arith.constant 0 : i32
      %cond3A_458 = arith.cmpi ne, %convert_element_type3A_456, %cond3A_457 : i32
      scf.if %cond3A_458 {
        %add3A_459 = arith.constant 2 : i32
        %add3A_460 = arith.addi %mul3A_433, %add3A_459 : i32
        %lt3A_461 = arith.cmpi slt, %add3A_460, %shift_right_arithmetic3A_61 : i32
        %convert_element_type3A_462 = arith.extui %lt3A_461 : i1 to i32
        %cond3A_463 = arith.constant 0 : i32
        %cond3A_464 = arith.cmpi ne, %convert_element_type3A_462, %cond3A_463 : i32
        scf.if %cond3A_464 {
          %add3A_479 = arith.constant 2 : i32
          %add3A_480 = arith.addi %mul3A_433, %add3A_479 : i32
          %mul3A_481 = arith.constant 2048 : i32
          %mul3A_482 = arith.muli %add3A_480, %mul3A_481 : i32
          %add3A_483 = arith.addi %mul3A_63, %mul3A_482 : i32
          %dma_start3A = tpu.memref_slice %arg2[%add3A_483] : memref<4194304xi32, #tpu.memory_space<hbm>> -> memref<2048xi32, #tpu.memory_space<hbm>>
          %dma_start3A_484 = tpu.memref_slice %arg2[%add3A_483] : memref<4194304xi32, #tpu.memory_space<hbm>> -> memref<2048xi32, #tpu.memory_space<hbm>>
          tpu.enqueue_dma source(%dma_start3A_484 : memref<2048xi32, #tpu.memory_space<hbm>>) target(%arg8 : memref<2048xi32, #tpu.memory_space<vmem>>) target_semaphore(%arg12 : memref<!tpu.dma_semaphore, #tpu.memory_space<semaphore_mem>>)
          %add3A_485 = arith.constant 2 : i32
          %add3A_486 = arith.addi %mul3A_433, %add3A_485 : i32
          %mul3A_487 = arith.constant 2048 : i32
          %mul3A_488 = arith.muli %add3A_486, %mul3A_487 : i32
          %add3A_489 = arith.addi %mul3A_63, %mul3A_488 : i32
          %dma_start3A_490 = tpu.memref_slice %arg3[%add3A_489] : memref<4194304xf32, #tpu.memory_space<hbm>> -> memref<2048xf32, #tpu.memory_space<hbm>>
          %dma_start3A_491 = tpu.memref_slice %arg3[%add3A_489] : memref<4194304xf32, #tpu.memory_space<hbm>> -> memref<2048xf32, #tpu.memory_space<hbm>>
          tpu.enqueue_dma source(%dma_start3A_491 : memref<2048xf32, #tpu.memory_space<hbm>>) target(%arg10 : memref<2048xf32, #tpu.memory_space<vmem>>) target_semaphore(%arg14 : memref<!tpu.dma_semaphore, #tpu.memory_space<semaphore_mem>>)
        } else {
        }
        %dma_wait3A_465 = arith.constant 0 : i32
        %dma_wait3A_466 = tpu.memref_slice %arg2[%dma_wait3A_465] : memref<4194304xi32, #tpu.memory_space<hbm>> -> memref<2048xi32, #tpu.memory_space<hbm>>
        %dma_wait3A_467 = arith.constant 0 : i32
        %dma_wait3A_468 = tpu.memref_slice %arg2[%dma_wait3A_467] : memref<4194304xi32, #tpu.memory_space<hbm>> -> memref<2048xi32, #tpu.memory_space<hbm>>
        tpu.wait_dma2 semaphore(%arg13 : memref<!tpu.dma_semaphore, #tpu.memory_space<semaphore_mem>>) src(%dma_wait3A_468 : memref<2048xi32, #tpu.memory_space<hbm>>) dst(%arg9 : memref<2048xi32, #tpu.memory_space<vmem>>)
        %dma_wait3A_469 = arith.constant 0 : i32
        %dma_wait3A_470 = tpu.memref_slice %arg3[%dma_wait3A_469] : memref<4194304xf32, #tpu.memory_space<hbm>> -> memref<2048xf32, #tpu.memory_space<hbm>>
        %dma_wait3A_471 = arith.constant 0 : i32
        %dma_wait3A_472 = tpu.memref_slice %arg3[%dma_wait3A_471] : memref<4194304xf32, #tpu.memory_space<hbm>> -> memref<2048xf32, #tpu.memory_space<hbm>>
        tpu.wait_dma2 semaphore(%arg15 : memref<!tpu.dma_semaphore, #tpu.memory_space<semaphore_mem>>) src(%dma_wait3A_472 : memref<2048xf32, #tpu.memory_space<hbm>>) dst(%arg11 : memref<2048xf32, #tpu.memory_space<vmem>>)
        %scan3A_473 = arith.constant 0 : i32
        %scan3A_474 = arith.constant 0 : i32
        %scan3A_475 = arith.constant 128 : i32
        %scan3A_476 = arith.addi %scan3A_474, %scan3A_475 : i32
        %scan3A_477 = arith.constant 1 : i32
        scf.for %scan3A_479 = %scan3A_474 to %scan3A_476 step %scan3A_477  : i32 {
          %mul3A_480 = arith.constant 16 : i32
          %mul3A_481 = arith.muli %scan3A_479, %mul3A_480 : i32
          %get3A_482 = arith.index_cast %mul3A_481 : i32 to index
          %get3A_483 = tpu.vector_load %arg9[%get3A_482] {strides = array<i32>} : memref<2048xi32, #tpu.memory_space<vmem>>, vector<16xi32>,
          %sub3A_484 = vector.broadcast %add3A_37 : i32 to vector<16xi32>
          %sub3A_485 = arith.subi %get3A_483, %sub3A_484 : vector<16xi32>
          %bitcast3A = vector.bitcast %sub3A_485 : vector<16xi32> to vector<16xi32>
          %lt3A_486 = arith.constant 65536 : i32
          %lt3A_487 = vector.broadcast %lt3A_486 : i32 to vector<16xi32>
          %lt3A_488 = arith.cmpi ult, %bitcast3A, %lt3A_487 : vector<16xi32>
          %jit3A_489 = arith.constant 0 : i32
          %broadcast_in_dim3A = vector.broadcast %jit3A_489 : i32 to vector<16xi32>
          %select_n3A_490 = arith.select %lt3A_488, %sub3A_485, %broadcast_in_dim3A : vector<16xi1>, vector<16xi32>
          %mul3A_491 = arith.constant 16 : i32
          %mul3A_492 = arith.muli %scan3A_479, %mul3A_491 : i32
          %get3A_493 = arith.index_cast %mul3A_492 : i32 to index
          %get3A_494 = tpu.vector_load %arg11[%get3A_493] {strides = array<i32>} : memref<2048xf32, #tpu.memory_space<vmem>>, vector<16xf32>,
          tpu.vector_store_idx %arg6[%select_n3A_490], %get3A_494 masked %lt3A_488 : memref<65536xf32, #tpu.memory_space<vmem>>[vector<16xi32>], vector<16xf32>, vector<16xi1>
        }
        %scan3A_478 = arith.constant 128 : i32
      } else {
      }
    }
    %mul3A_79 = arith.constant 4 : i32
    %mul3A_80 = arith.muli %select_n3A, %mul3A_79 : i32
    %add3A_81 = arith.constant 1 : i32
    %add3A_82 = arith.addi %mul3A_80, %add3A_81 : i32
    %mul3A_83 = arith.constant 16 : i32
    %mul3A_84 = arith.muli %add3A_82, %mul3A_83 : i32
    %get3A_85 = arith.index_cast %mul3A_84 : i32 to index
    %get3A_86 = tpu.vector_load %arg7[%get3A_85] {strides = array<i32>} : memref<512xi32, #tpu.memory_space<vmem>>, vector<16xi32>,
    %reduce_max3A_87 = arith.constant true
    %reduce_max3A_88 = vector.broadcast %reduce_max3A_87 : i1 to vector<16xi1>
    %reduce_max3A_89 = arith.constant -2147483648 : i32
    %reduce_max3A_90 = vector.broadcast %reduce_max3A_89 : i32 to vector<16xi32>
    %reduce_max3A_91 = arith.xori %get3A_86, %reduce_max3A_90 : vector<16xi32>
    %reduce_max3A_92 = tpu.scan <max>, %reduce_max3A_91 masked %reduce_max3A_88 : vector<16xi32>, vector<16xi1> -> vector<16xi32>
    %reduce_max3A_93 = arith.xori %reduce_max3A_92, %reduce_max3A_90 : vector<16xi32>
    %reduce_max3A_94 = vector.extract %reduce_max3A_93[15] : i32 from vector<16xi32>
    %add3A_95 = arith.constant 2048 : i32
    %add3A_96 = arith.addi %reduce_max3A_94, %add3A_95 : i32
    %sub3A_97 = arith.constant 1 : i32
    %sub3A_98 = arith.subi %add3A_96, %sub3A_97 : i32
    %shift_right_arithmetic3A_99 = arith.constant 11 : i32
    %shift_right_arithmetic3A_100 = arith.shrsi %sub3A_98, %shift_right_arithmetic3A_99 : i32
    %mul3A_101 = arith.constant 131072 : i32
    %mul3A_102 = arith.muli %add3A_82, %mul3A_101 : i32
    %gt3A_103 = arith.constant 0 : i32
    %gt3A_104 = arith.cmpi sgt, %shift_right_arithmetic3A_100, %gt3A_103 : i32
    %convert_element_type3A_105 = arith.extui %gt3A_104 : i1 to i32
    %cond3A_106 = arith.constant 0 : i32
    %cond3A_107 = arith.cmpi ne, %convert_element_type3A_105, %cond3A_106 : i32
    scf.if %cond3A_107 {
      %dma_start3A = tpu.memref_slice %arg2[%mul3A_102] : memref<4194304xi32, #tpu.memory_space<hbm>> -> memref<2048xi32, #tpu.memory_space<hbm>>
      %dma_start3A_431 = tpu.memref_slice %arg2[%mul3A_102] : memref<4194304xi32, #tpu.memory_space<hbm>> -> memref<2048xi32, #tpu.memory_space<hbm>>
      tpu.enqueue_dma source(%dma_start3A_431 : memref<2048xi32, #tpu.memory_space<hbm>>) target(%arg8 : memref<2048xi32, #tpu.memory_space<vmem>>) target_semaphore(%arg12 : memref<!tpu.dma_semaphore, #tpu.memory_space<semaphore_mem>>)
      %dma_start3A_432 = tpu.memref_slice %arg3[%mul3A_102] : memref<4194304xf32, #tpu.memory_space<hbm>> -> memref<2048xf32, #tpu.memory_space<hbm>>
      %dma_start3A_433 = tpu.memref_slice %arg3[%mul3A_102] : memref<4194304xf32, #tpu.memory_space<hbm>> -> memref<2048xf32, #tpu.memory_space<hbm>>
      tpu.enqueue_dma source(%dma_start3A_433 : memref<2048xf32, #tpu.memory_space<hbm>>) target(%arg10 : memref<2048xf32, #tpu.memory_space<vmem>>) target_semaphore(%arg14 : memref<!tpu.dma_semaphore, #tpu.memory_space<semaphore_mem>>)
    } else {
    }
    %add3A_108 = arith.constant 1 : i32
    %add3A_109 = arith.addi %shift_right_arithmetic3A_100, %add3A_108 : i32
    %shift_right_arithmetic3A_110 = arith.constant 1 : i32
    %shift_right_arithmetic3A_111 = arith.shrsi %add3A_109, %shift_right_arithmetic3A_110 : i32
    %while3A_112 = arith.constant 0 : i32
    %while3A_113 = arith.constant 0 : i32
    %while3A_114 = arith.subi %shift_right_arithmetic3A_111, %while3A_113 : i32
    %while3A_115 = arith.addi %while3A_113, %while3A_114 : i32
    %while3A_116 = arith.constant 1 : i32
    %while3A_117 = arith.divsi %while3A_114, %while3A_116 : i32
    %while3A_118 = arith.muli %while3A_117, %while3A_116 : i32
    %while3A_119 = arith.addi %while3A_113, %while3A_118 : i32
    %while3A_120 = arith.constant 1 : i32
    scf.for %while3A_431 = %while3A_113 to %while3A_119 step %while3A_120  : i32 {
      %mul3A_432 = arith.constant 2 : i32
      %mul3A_433 = arith.muli %while3A_431, %mul3A_432 : i32
      %dma_wait3A = arith.constant 0 : i32
      %dma_wait3A_434 = tpu.memref_slice %arg2[%dma_wait3A] : memref<4194304xi32, #tpu.memory_space<hbm>> -> memref<2048xi32, #tpu.memory_space<hbm>>
      %dma_wait3A_435 = arith.constant 0 : i32
      %dma_wait3A_436 = tpu.memref_slice %arg2[%dma_wait3A_435] : memref<4194304xi32, #tpu.memory_space<hbm>> -> memref<2048xi32, #tpu.memory_space<hbm>>
      tpu.wait_dma2 semaphore(%arg12 : memref<!tpu.dma_semaphore, #tpu.memory_space<semaphore_mem>>) src(%dma_wait3A_436 : memref<2048xi32, #tpu.memory_space<hbm>>) dst(%arg8 : memref<2048xi32, #tpu.memory_space<vmem>>)
      %dma_wait3A_437 = arith.constant 0 : i32
      %dma_wait3A_438 = tpu.memref_slice %arg3[%dma_wait3A_437] : memref<4194304xf32, #tpu.memory_space<hbm>> -> memref<2048xf32, #tpu.memory_space<hbm>>
      %dma_wait3A_439 = arith.constant 0 : i32
      %dma_wait3A_440 = tpu.memref_slice %arg3[%dma_wait3A_439] : memref<4194304xf32, #tpu.memory_space<hbm>> -> memref<2048xf32, #tpu.memory_space<hbm>>
      tpu.wait_dma2 semaphore(%arg14 : memref<!tpu.dma_semaphore, #tpu.memory_space<semaphore_mem>>) src(%dma_wait3A_440 : memref<2048xf32, #tpu.memory_space<hbm>>) dst(%arg10 : memref<2048xf32, #tpu.memory_space<vmem>>)
      %add3A_441 = arith.constant 1 : i32
      %add3A_442 = arith.addi %mul3A_433, %add3A_441 : i32
      %lt3A_443 = arith.cmpi slt, %add3A_442, %shift_right_arithmetic3A_100 : i32
      %convert_element_type3A_444 = arith.extui %lt3A_443 : i1 to i32
      %cond3A_445 = arith.constant 0 : i32
      %cond3A_446 = arith.cmpi ne, %convert_element_type3A_444, %cond3A_445 : i32
      scf.if %cond3A_446 {
        %add3A_459 = arith.constant 1 : i32
        %add3A_460 = arith.addi %mul3A_433, %add3A_459 : i32
        %mul3A_461 = arith.constant 2048 : i32
        %mul3A_462 = arith.muli %add3A_460, %mul3A_461 : i32
        %add3A_463 = arith.addi %mul3A_102, %mul3A_462 : i32
        %dma_start3A = tpu.memref_slice %arg2[%add3A_463] : memref<4194304xi32, #tpu.memory_space<hbm>> -> memref<2048xi32, #tpu.memory_space<hbm>>
        %dma_start3A_464 = tpu.memref_slice %arg2[%add3A_463] : memref<4194304xi32, #tpu.memory_space<hbm>> -> memref<2048xi32, #tpu.memory_space<hbm>>
        tpu.enqueue_dma source(%dma_start3A_464 : memref<2048xi32, #tpu.memory_space<hbm>>) target(%arg9 : memref<2048xi32, #tpu.memory_space<vmem>>) target_semaphore(%arg13 : memref<!tpu.dma_semaphore, #tpu.memory_space<semaphore_mem>>)
        %add3A_465 = arith.constant 1 : i32
        %add3A_466 = arith.addi %mul3A_433, %add3A_465 : i32
        %mul3A_467 = arith.constant 2048 : i32
        %mul3A_468 = arith.muli %add3A_466, %mul3A_467 : i32
        %add3A_469 = arith.addi %mul3A_102, %mul3A_468 : i32
        %dma_start3A_470 = tpu.memref_slice %arg3[%add3A_469] : memref<4194304xf32, #tpu.memory_space<hbm>> -> memref<2048xf32, #tpu.memory_space<hbm>>
        %dma_start3A_471 = tpu.memref_slice %arg3[%add3A_469] : memref<4194304xf32, #tpu.memory_space<hbm>> -> memref<2048xf32, #tpu.memory_space<hbm>>
        tpu.enqueue_dma source(%dma_start3A_471 : memref<2048xf32, #tpu.memory_space<hbm>>) target(%arg11 : memref<2048xf32, #tpu.memory_space<vmem>>) target_semaphore(%arg15 : memref<!tpu.dma_semaphore, #tpu.memory_space<semaphore_mem>>)
      } else {
      }
      %scan3A_447 = arith.constant 0 : i32
      %scan3A_448 = arith.constant 0 : i32
      %scan3A_449 = arith.constant 128 : i32
      %scan3A_450 = arith.addi %scan3A_448, %scan3A_449 : i32
      %scan3A_451 = arith.constant 1 : i32
      scf.for %scan3A_459 = %scan3A_448 to %scan3A_450 step %scan3A_451  : i32 {
        %mul3A_460 = arith.constant 16 : i32
        %mul3A_461 = arith.muli %scan3A_459, %mul3A_460 : i32
        %get3A_462 = arith.index_cast %mul3A_461 : i32 to index
        %get3A_463 = tpu.vector_load %arg8[%get3A_462] {strides = array<i32>} : memref<2048xi32, #tpu.memory_space<vmem>>, vector<16xi32>,
        %sub3A_464 = vector.broadcast %add3A_37 : i32 to vector<16xi32>
        %sub3A_465 = arith.subi %get3A_463, %sub3A_464 : vector<16xi32>
        %bitcast3A = vector.bitcast %sub3A_465 : vector<16xi32> to vector<16xi32>
        %lt3A_466 = arith.constant 65536 : i32
        %lt3A_467 = vector.broadcast %lt3A_466 : i32 to vector<16xi32>
        %lt3A_468 = arith.cmpi ult, %bitcast3A, %lt3A_467 : vector<16xi32>
        %jit3A_469 = arith.constant 0 : i32
        %broadcast_in_dim3A = vector.broadcast %jit3A_469 : i32 to vector<16xi32>
        %select_n3A_470 = arith.select %lt3A_468, %sub3A_465, %broadcast_in_dim3A : vector<16xi1>, vector<16xi32>
        %mul3A_471 = arith.constant 16 : i32
        %mul3A_472 = arith.muli %scan3A_459, %mul3A_471 : i32
        %get3A_473 = arith.index_cast %mul3A_472 : i32 to index
        %get3A_474 = tpu.vector_load %arg10[%get3A_473] {strides = array<i32>} : memref<2048xf32, #tpu.memory_space<vmem>>, vector<16xf32>,
        tpu.vector_store_idx %arg6[%select_n3A_470], %get3A_474 masked %lt3A_468 : memref<65536xf32, #tpu.memory_space<vmem>>[vector<16xi32>], vector<16xf32>, vector<16xi1>
      }
      %scan3A_452 = arith.constant 128 : i32
      %add3A_453 = arith.constant 1 : i32
      %add3A_454 = arith.addi %mul3A_433, %add3A_453 : i32
      %lt3A_455 = arith.cmpi slt, %add3A_454, %shift_right_arithmetic3A_100 : i32
      %convert_element_type3A_456 = arith.extui %lt3A_455 : i1 to i32
      %cond3A_457 = arith.constant 0 : i32
      %cond3A_458 = arith.cmpi ne, %convert_element_type3A_456, %cond3A_457 : i32
      scf.if %cond3A_458 {
        %add3A_459 = arith.constant 2 : i32
        %add3A_460 = arith.addi %mul3A_433, %add3A_459 : i32
        %lt3A_461 = arith.cmpi slt, %add3A_460, %shift_right_arithmetic3A_100 : i32
        %convert_element_type3A_462 = arith.extui %lt3A_461 : i1 to i32
        %cond3A_463 = arith.constant 0 : i32
        %cond3A_464 = arith.cmpi ne, %convert_element_type3A_462, %cond3A_463 : i32
        scf.if %cond3A_464 {
          %add3A_479 = arith.constant 2 : i32
          %add3A_480 = arith.addi %mul3A_433, %add3A_479 : i32
          %mul3A_481 = arith.constant 2048 : i32
          %mul3A_482 = arith.muli %add3A_480, %mul3A_481 : i32
          %add3A_483 = arith.addi %mul3A_102, %mul3A_482 : i32
          %dma_start3A = tpu.memref_slice %arg2[%add3A_483] : memref<4194304xi32, #tpu.memory_space<hbm>> -> memref<2048xi32, #tpu.memory_space<hbm>>
          %dma_start3A_484 = tpu.memref_slice %arg2[%add3A_483] : memref<4194304xi32, #tpu.memory_space<hbm>> -> memref<2048xi32, #tpu.memory_space<hbm>>
          tpu.enqueue_dma source(%dma_start3A_484 : memref<2048xi32, #tpu.memory_space<hbm>>) target(%arg8 : memref<2048xi32, #tpu.memory_space<vmem>>) target_semaphore(%arg12 : memref<!tpu.dma_semaphore, #tpu.memory_space<semaphore_mem>>)
          %add3A_485 = arith.constant 2 : i32
          %add3A_486 = arith.addi %mul3A_433, %add3A_485 : i32
          %mul3A_487 = arith.constant 2048 : i32
          %mul3A_488 = arith.muli %add3A_486, %mul3A_487 : i32
          %add3A_489 = arith.addi %mul3A_102, %mul3A_488 : i32
          %dma_start3A_490 = tpu.memref_slice %arg3[%add3A_489] : memref<4194304xf32, #tpu.memory_space<hbm>> -> memref<2048xf32, #tpu.memory_space<hbm>>
          %dma_start3A_491 = tpu.memref_slice %arg3[%add3A_489] : memref<4194304xf32, #tpu.memory_space<hbm>> -> memref<2048xf32, #tpu.memory_space<hbm>>
          tpu.enqueue_dma source(%dma_start3A_491 : memref<2048xf32, #tpu.memory_space<hbm>>) target(%arg10 : memref<2048xf32, #tpu.memory_space<vmem>>) target_semaphore(%arg14 : memref<!tpu.dma_semaphore, #tpu.memory_space<semaphore_mem>>)
        } else {
        }
        %dma_wait3A_465 = arith.constant 0 : i32
        %dma_wait3A_466 = tpu.memref_slice %arg2[%dma_wait3A_465] : memref<4194304xi32, #tpu.memory_space<hbm>> -> memref<2048xi32, #tpu.memory_space<hbm>>
        %dma_wait3A_467 = arith.constant 0 : i32
        %dma_wait3A_468 = tpu.memref_slice %arg2[%dma_wait3A_467] : memref<4194304xi32, #tpu.memory_space<hbm>> -> memref<2048xi32, #tpu.memory_space<hbm>>
        tpu.wait_dma2 semaphore(%arg13 : memref<!tpu.dma_semaphore, #tpu.memory_space<semaphore_mem>>) src(%dma_wait3A_468 : memref<2048xi32, #tpu.memory_space<hbm>>) dst(%arg9 : memref<2048xi32, #tpu.memory_space<vmem>>)
        %dma_wait3A_469 = arith.constant 0 : i32
        %dma_wait3A_470 = tpu.memref_slice %arg3[%dma_wait3A_469] : memref<4194304xf32, #tpu.memory_space<hbm>> -> memref<2048xf32, #tpu.memory_space<hbm>>
        %dma_wait3A_471 = arith.constant 0 : i32
        %dma_wait3A_472 = tpu.memref_slice %arg3[%dma_wait3A_471] : memref<4194304xf32, #tpu.memory_space<hbm>> -> memref<2048xf32, #tpu.memory_space<hbm>>
        tpu.wait_dma2 semaphore(%arg15 : memref<!tpu.dma_semaphore, #tpu.memory_space<semaphore_mem>>) src(%dma_wait3A_472 : memref<2048xf32, #tpu.memory_space<hbm>>) dst(%arg11 : memref<2048xf32, #tpu.memory_space<vmem>>)
        %scan3A_473 = arith.constant 0 : i32
        %scan3A_474 = arith.constant 0 : i32
        %scan3A_475 = arith.constant 128 : i32
        %scan3A_476 = arith.addi %scan3A_474, %scan3A_475 : i32
        %scan3A_477 = arith.constant 1 : i32
        scf.for %scan3A_479 = %scan3A_474 to %scan3A_476 step %scan3A_477  : i32 {
          %mul3A_480 = arith.constant 16 : i32
          %mul3A_481 = arith.muli %scan3A_479, %mul3A_480 : i32
          %get3A_482 = arith.index_cast %mul3A_481 : i32 to index
          %get3A_483 = tpu.vector_load %arg9[%get3A_482] {strides = array<i32>} : memref<2048xi32, #tpu.memory_space<vmem>>, vector<16xi32>,
          %sub3A_484 = vector.broadcast %add3A_37 : i32 to vector<16xi32>
          %sub3A_485 = arith.subi %get3A_483, %sub3A_484 : vector<16xi32>
          %bitcast3A = vector.bitcast %sub3A_485 : vector<16xi32> to vector<16xi32>
          %lt3A_486 = arith.constant 65536 : i32
          %lt3A_487 = vector.broadcast %lt3A_486 : i32 to vector<16xi32>
          %lt3A_488 = arith.cmpi ult, %bitcast3A, %lt3A_487 : vector<16xi32>
          %jit3A_489 = arith.constant 0 : i32
          %broadcast_in_dim3A = vector.broadcast %jit3A_489 : i32 to vector<16xi32>
          %select_n3A_490 = arith.select %lt3A_488, %sub3A_485, %broadcast_in_dim3A : vector<16xi1>, vector<16xi32>
          %mul3A_491 = arith.constant 16 : i32
          %mul3A_492 = arith.muli %scan3A_479, %mul3A_491 : i32
          %get3A_493 = arith.index_cast %mul3A_492 : i32 to index
          %get3A_494 = tpu.vector_load %arg11[%get3A_493] {strides = array<i32>} : memref<2048xf32, #tpu.memory_space<vmem>>, vector<16xf32>,
          tpu.vector_store_idx %arg6[%select_n3A_490], %get3A_494 masked %lt3A_488 : memref<65536xf32, #tpu.memory_space<vmem>>[vector<16xi32>], vector<16xf32>, vector<16xi1>
        }
        %scan3A_478 = arith.constant 128 : i32
      } else {
      }
    }
    %while3A_121 = arith.constant 1 : i32
    scf.for %while3A_431 = %while3A_119 to %while3A_115 step %while3A_121  : i32 {
      %mul3A_432 = arith.constant 2 : i32
      %mul3A_433 = arith.muli %while3A_431, %mul3A_432 : i32
      %dma_wait3A = arith.constant 0 : i32
      %dma_wait3A_434 = tpu.memref_slice %arg2[%dma_wait3A] : memref<4194304xi32, #tpu.memory_space<hbm>> -> memref<2048xi32, #tpu.memory_space<hbm>>
      %dma_wait3A_435 = arith.constant 0 : i32
      %dma_wait3A_436 = tpu.memref_slice %arg2[%dma_wait3A_435] : memref<4194304xi32, #tpu.memory_space<hbm>> -> memref<2048xi32, #tpu.memory_space<hbm>>
      tpu.wait_dma2 semaphore(%arg12 : memref<!tpu.dma_semaphore, #tpu.memory_space<semaphore_mem>>) src(%dma_wait3A_436 : memref<2048xi32, #tpu.memory_space<hbm>>) dst(%arg8 : memref<2048xi32, #tpu.memory_space<vmem>>)
      %dma_wait3A_437 = arith.constant 0 : i32
      %dma_wait3A_438 = tpu.memref_slice %arg3[%dma_wait3A_437] : memref<4194304xf32, #tpu.memory_space<hbm>> -> memref<2048xf32, #tpu.memory_space<hbm>>
      %dma_wait3A_439 = arith.constant 0 : i32
      %dma_wait3A_440 = tpu.memref_slice %arg3[%dma_wait3A_439] : memref<4194304xf32, #tpu.memory_space<hbm>> -> memref<2048xf32, #tpu.memory_space<hbm>>
      tpu.wait_dma2 semaphore(%arg14 : memref<!tpu.dma_semaphore, #tpu.memory_space<semaphore_mem>>) src(%dma_wait3A_440 : memref<2048xf32, #tpu.memory_space<hbm>>) dst(%arg10 : memref<2048xf32, #tpu.memory_space<vmem>>)
      %add3A_441 = arith.constant 1 : i32
      %add3A_442 = arith.addi %mul3A_433, %add3A_441 : i32
      %lt3A_443 = arith.cmpi slt, %add3A_442, %shift_right_arithmetic3A_100 : i32
      %convert_element_type3A_444 = arith.extui %lt3A_443 : i1 to i32
      %cond3A_445 = arith.constant 0 : i32
      %cond3A_446 = arith.cmpi ne, %convert_element_type3A_444, %cond3A_445 : i32
      scf.if %cond3A_446 {
        %add3A_459 = arith.constant 1 : i32
        %add3A_460 = arith.addi %mul3A_433, %add3A_459 : i32
        %mul3A_461 = arith.constant 2048 : i32
        %mul3A_462 = arith.muli %add3A_460, %mul3A_461 : i32
        %add3A_463 = arith.addi %mul3A_102, %mul3A_462 : i32
        %dma_start3A = tpu.memref_slice %arg2[%add3A_463] : memref<4194304xi32, #tpu.memory_space<hbm>> -> memref<2048xi32, #tpu.memory_space<hbm>>
        %dma_start3A_464 = tpu.memref_slice %arg2[%add3A_463] : memref<4194304xi32, #tpu.memory_space<hbm>> -> memref<2048xi32, #tpu.memory_space<hbm>>
        tpu.enqueue_dma source(%dma_start3A_464 : memref<2048xi32, #tpu.memory_space<hbm>>) target(%arg9 : memref<2048xi32, #tpu.memory_space<vmem>>) target_semaphore(%arg13 : memref<!tpu.dma_semaphore, #tpu.memory_space<semaphore_mem>>)
        %add3A_465 = arith.constant 1 : i32
        %add3A_466 = arith.addi %mul3A_433, %add3A_465 : i32
        %mul3A_467 = arith.constant 2048 : i32
        %mul3A_468 = arith.muli %add3A_466, %mul3A_467 : i32
        %add3A_469 = arith.addi %mul3A_102, %mul3A_468 : i32
        %dma_start3A_470 = tpu.memref_slice %arg3[%add3A_469] : memref<4194304xf32, #tpu.memory_space<hbm>> -> memref<2048xf32, #tpu.memory_space<hbm>>
        %dma_start3A_471 = tpu.memref_slice %arg3[%add3A_469] : memref<4194304xf32, #tpu.memory_space<hbm>> -> memref<2048xf32, #tpu.memory_space<hbm>>
        tpu.enqueue_dma source(%dma_start3A_471 : memref<2048xf32, #tpu.memory_space<hbm>>) target(%arg11 : memref<2048xf32, #tpu.memory_space<vmem>>) target_semaphore(%arg15 : memref<!tpu.dma_semaphore, #tpu.memory_space<semaphore_mem>>)
      } else {
      }
      %scan3A_447 = arith.constant 0 : i32
      %scan3A_448 = arith.constant 0 : i32
      %scan3A_449 = arith.constant 128 : i32
      %scan3A_450 = arith.addi %scan3A_448, %scan3A_449 : i32
      %scan3A_451 = arith.constant 1 : i32
      scf.for %scan3A_459 = %scan3A_448 to %scan3A_450 step %scan3A_451  : i32 {
        %mul3A_460 = arith.constant 16 : i32
        %mul3A_461 = arith.muli %scan3A_459, %mul3A_460 : i32
        %get3A_462 = arith.index_cast %mul3A_461 : i32 to index
        %get3A_463 = tpu.vector_load %arg8[%get3A_462] {strides = array<i32>} : memref<2048xi32, #tpu.memory_space<vmem>>, vector<16xi32>,
        %sub3A_464 = vector.broadcast %add3A_37 : i32 to vector<16xi32>
        %sub3A_465 = arith.subi %get3A_463, %sub3A_464 : vector<16xi32>
        %bitcast3A = vector.bitcast %sub3A_465 : vector<16xi32> to vector<16xi32>
        %lt3A_466 = arith.constant 65536 : i32
        %lt3A_467 = vector.broadcast %lt3A_466 : i32 to vector<16xi32>
        %lt3A_468 = arith.cmpi ult, %bitcast3A, %lt3A_467 : vector<16xi32>
        %jit3A_469 = arith.constant 0 : i32
        %broadcast_in_dim3A = vector.broadcast %jit3A_469 : i32 to vector<16xi32>
        %select_n3A_470 = arith.select %lt3A_468, %sub3A_465, %broadcast_in_dim3A : vector<16xi1>, vector<16xi32>
        %mul3A_471 = arith.constant 16 : i32
        %mul3A_472 = arith.muli %scan3A_459, %mul3A_471 : i32
        %get3A_473 = arith.index_cast %mul3A_472 : i32 to index
        %get3A_474 = tpu.vector_load %arg10[%get3A_473] {strides = array<i32>} : memref<2048xf32, #tpu.memory_space<vmem>>, vector<16xf32>,
        tpu.vector_store_idx %arg6[%select_n3A_470], %get3A_474 masked %lt3A_468 : memref<65536xf32, #tpu.memory_space<vmem>>[vector<16xi32>], vector<16xf32>, vector<16xi1>
      }
      %scan3A_452 = arith.constant 128 : i32
      %add3A_453 = arith.constant 1 : i32
      %add3A_454 = arith.addi %mul3A_433, %add3A_453 : i32
      %lt3A_455 = arith.cmpi slt, %add3A_454, %shift_right_arithmetic3A_100 : i32
      %convert_element_type3A_456 = arith.extui %lt3A_455 : i1 to i32
      %cond3A_457 = arith.constant 0 : i32
      %cond3A_458 = arith.cmpi ne, %convert_element_type3A_456, %cond3A_457 : i32
      scf.if %cond3A_458 {
        %add3A_459 = arith.constant 2 : i32
        %add3A_460 = arith.addi %mul3A_433, %add3A_459 : i32
        %lt3A_461 = arith.cmpi slt, %add3A_460, %shift_right_arithmetic3A_100 : i32
        %convert_element_type3A_462 = arith.extui %lt3A_461 : i1 to i32
        %cond3A_463 = arith.constant 0 : i32
        %cond3A_464 = arith.cmpi ne, %convert_element_type3A_462, %cond3A_463 : i32
        scf.if %cond3A_464 {
          %add3A_479 = arith.constant 2 : i32
          %add3A_480 = arith.addi %mul3A_433, %add3A_479 : i32
          %mul3A_481 = arith.constant 2048 : i32
          %mul3A_482 = arith.muli %add3A_480, %mul3A_481 : i32
          %add3A_483 = arith.addi %mul3A_102, %mul3A_482 : i32
          %dma_start3A = tpu.memref_slice %arg2[%add3A_483] : memref<4194304xi32, #tpu.memory_space<hbm>> -> memref<2048xi32, #tpu.memory_space<hbm>>
          %dma_start3A_484 = tpu.memref_slice %arg2[%add3A_483] : memref<4194304xi32, #tpu.memory_space<hbm>> -> memref<2048xi32, #tpu.memory_space<hbm>>
          tpu.enqueue_dma source(%dma_start3A_484 : memref<2048xi32, #tpu.memory_space<hbm>>) target(%arg8 : memref<2048xi32, #tpu.memory_space<vmem>>) target_semaphore(%arg12 : memref<!tpu.dma_semaphore, #tpu.memory_space<semaphore_mem>>)
          %add3A_485 = arith.constant 2 : i32
          %add3A_486 = arith.addi %mul3A_433, %add3A_485 : i32
          %mul3A_487 = arith.constant 2048 : i32
          %mul3A_488 = arith.muli %add3A_486, %mul3A_487 : i32
          %add3A_489 = arith.addi %mul3A_102, %mul3A_488 : i32
          %dma_start3A_490 = tpu.memref_slice %arg3[%add3A_489] : memref<4194304xf32, #tpu.memory_space<hbm>> -> memref<2048xf32, #tpu.memory_space<hbm>>
          %dma_start3A_491 = tpu.memref_slice %arg3[%add3A_489] : memref<4194304xf32, #tpu.memory_space<hbm>> -> memref<2048xf32, #tpu.memory_space<hbm>>
          tpu.enqueue_dma source(%dma_start3A_491 : memref<2048xf32, #tpu.memory_space<hbm>>) target(%arg10 : memref<2048xf32, #tpu.memory_space<vmem>>) target_semaphore(%arg14 : memref<!tpu.dma_semaphore, #tpu.memory_space<semaphore_mem>>)
        } else {
        }
        %dma_wait3A_465 = arith.constant 0 : i32
        %dma_wait3A_466 = tpu.memref_slice %arg2[%dma_wait3A_465] : memref<4194304xi32, #tpu.memory_space<hbm>> -> memref<2048xi32, #tpu.memory_space<hbm>>
        %dma_wait3A_467 = arith.constant 0 : i32
        %dma_wait3A_468 = tpu.memref_slice %arg2[%dma_wait3A_467] : memref<4194304xi32, #tpu.memory_space<hbm>> -> memref<2048xi32, #tpu.memory_space<hbm>>
        tpu.wait_dma2 semaphore(%arg13 : memref<!tpu.dma_semaphore, #tpu.memory_space<semaphore_mem>>) src(%dma_wait3A_468 : memref<2048xi32, #tpu.memory_space<hbm>>) dst(%arg9 : memref<2048xi32, #tpu.memory_space<vmem>>)
        %dma_wait3A_469 = arith.constant 0 : i32
        %dma_wait3A_470 = tpu.memref_slice %arg3[%dma_wait3A_469] : memref<4194304xf32, #tpu.memory_space<hbm>> -> memref<2048xf32, #tpu.memory_space<hbm>>
        %dma_wait3A_471 = arith.constant 0 : i32
        %dma_wait3A_472 = tpu.memref_slice %arg3[%dma_wait3A_471] : memref<4194304xf32, #tpu.memory_space<hbm>> -> memref<2048xf32, #tpu.memory_space<hbm>>
        tpu.wait_dma2 semaphore(%arg15 : memref<!tpu.dma_semaphore, #tpu.memory_space<semaphore_mem>>) src(%dma_wait3A_472 : memref<2048xf32, #tpu.memory_space<hbm>>) dst(%arg11 : memref<2048xf32, #tpu.memory_space<vmem>>)
        %scan3A_473 = arith.constant 0 : i32
        %scan3A_474 = arith.constant 0 : i32
        %scan3A_475 = arith.constant 128 : i32
        %scan3A_476 = arith.addi %scan3A_474, %scan3A_475 : i32
        %scan3A_477 = arith.constant 1 : i32
        scf.for %scan3A_479 = %scan3A_474 to %scan3A_476 step %scan3A_477  : i32 {
          %mul3A_480 = arith.constant 16 : i32
          %mul3A_481 = arith.muli %scan3A_479, %mul3A_480 : i32
          %get3A_482 = arith.index_cast %mul3A_481 : i32 to index
          %get3A_483 = tpu.vector_load %arg9[%get3A_482] {strides = array<i32>} : memref<2048xi32, #tpu.memory_space<vmem>>, vector<16xi32>,
          %sub3A_484 = vector.broadcast %add3A_37 : i32 to vector<16xi32>
          %sub3A_485 = arith.subi %get3A_483, %sub3A_484 : vector<16xi32>
          %bitcast3A = vector.bitcast %sub3A_485 : vector<16xi32> to vector<16xi32>
          %lt3A_486 = arith.constant 65536 : i32
          %lt3A_487 = vector.broadcast %lt3A_486 : i32 to vector<16xi32>
          %lt3A_488 = arith.cmpi ult, %bitcast3A, %lt3A_487 : vector<16xi32>
          %jit3A_489 = arith.constant 0 : i32
          %broadcast_in_dim3A = vector.broadcast %jit3A_489 : i32 to vector<16xi32>
          %select_n3A_490 = arith.select %lt3A_488, %sub3A_485, %broadcast_in_dim3A : vector<16xi1>, vector<16xi32>
          %mul3A_491 = arith.constant 16 : i32
          %mul3A_492 = arith.muli %scan3A_479, %mul3A_491 : i32
          %get3A_493 = arith.index_cast %mul3A_492 : i32 to index
          %get3A_494 = tpu.vector_load %arg11[%get3A_493] {strides = array<i32>} : memref<2048xf32, #tpu.memory_space<vmem>>, vector<16xf32>,
          tpu.vector_store_idx %arg6[%select_n3A_490], %get3A_494 masked %lt3A_488 : memref<65536xf32, #tpu.memory_space<vmem>>[vector<16xi32>], vector<16xf32>, vector<16xi1>
        }
        %scan3A_478 = arith.constant 128 : i32
      } else {
      }
    }
    %mul3A_122 = arith.constant 4 : i32
    %mul3A_123 = arith.muli %select_n3A, %mul3A_122 : i32
    %add3A_124 = arith.constant 2 : i32
    %add3A_125 = arith.addi %mul3A_123, %add3A_124 : i32
    %mul3A_126 = arith.constant 16 : i32
    %mul3A_127 = arith.muli %add3A_125, %mul3A_126 : i32
    %get3A_128 = arith.index_cast %mul3A_127 : i32 to index
    %get3A_129 = tpu.vector_load %arg7[%get3A_128] {strides = array<i32>} : memref<512xi32, #tpu.memory_space<vmem>>, vector<16xi32>,
    %reduce_max3A_130 = arith.constant true
    %reduce_max3A_131 = vector.broadcast %reduce_max3A_130 : i1 to vector<16xi1>
    %reduce_max3A_132 = arith.constant -2147483648 : i32
    %reduce_max3A_133 = vector.broadcast %reduce_max3A_132 : i32 to vector<16xi32>
    %reduce_max3A_134 = arith.xori %get3A_129, %reduce_max3A_133 : vector<16xi32>
    %reduce_max3A_135 = tpu.scan <max>, %reduce_max3A_134 masked %reduce_max3A_131 : vector<16xi32>, vector<16xi1> -> vector<16xi32>
    %reduce_max3A_136 = arith.xori %reduce_max3A_135, %reduce_max3A_133 : vector<16xi32>
    %reduce_max3A_137 = vector.extract %reduce_max3A_136[15] : i32 from vector<16xi32>
    %add3A_138 = arith.constant 2048 : i32
    %add3A_139 = arith.addi %reduce_max3A_137, %add3A_138 : i32
    %sub3A_140 = arith.constant 1 : i32
    %sub3A_141 = arith.subi %add3A_139, %sub3A_140 : i32
    %shift_right_arithmetic3A_142 = arith.constant 11 : i32
    %shift_right_arithmetic3A_143 = arith.shrsi %sub3A_141, %shift_right_arithmetic3A_142 : i32
    %mul3A_144 = arith.constant 131072 : i32
    %mul3A_145 = arith.muli %add3A_125, %mul3A_144 : i32
    %gt3A_146 = arith.constant 0 : i32
    %gt3A_147 = arith.cmpi sgt, %shift_right_arithmetic3A_143, %gt3A_146 : i32
    %convert_element_type3A_148 = arith.extui %gt3A_147 : i1 to i32
    %cond3A_149 = arith.constant 0 : i32
    %cond3A_150 = arith.cmpi ne, %convert_element_type3A_148, %cond3A_149 : i32
    scf.if %cond3A_150 {
      %dma_start3A = tpu.memref_slice %arg2[%mul3A_145] : memref<4194304xi32, #tpu.memory_space<hbm>> -> memref<2048xi32, #tpu.memory_space<hbm>>
      %dma_start3A_431 = tpu.memref_slice %arg2[%mul3A_145] : memref<4194304xi32, #tpu.memory_space<hbm>> -> memref<2048xi32, #tpu.memory_space<hbm>>
      tpu.enqueue_dma source(%dma_start3A_431 : memref<2048xi32, #tpu.memory_space<hbm>>) target(%arg8 : memref<2048xi32, #tpu.memory_space<vmem>>) target_semaphore(%arg12 : memref<!tpu.dma_semaphore, #tpu.memory_space<semaphore_mem>>)
      %dma_start3A_432 = tpu.memref_slice %arg3[%mul3A_145] : memref<4194304xf32, #tpu.memory_space<hbm>> -> memref<2048xf32, #tpu.memory_space<hbm>>
      %dma_start3A_433 = tpu.memref_slice %arg3[%mul3A_145] : memref<4194304xf32, #tpu.memory_space<hbm>> -> memref<2048xf32, #tpu.memory_space<hbm>>
      tpu.enqueue_dma source(%dma_start3A_433 : memref<2048xf32, #tpu.memory_space<hbm>>) target(%arg10 : memref<2048xf32, #tpu.memory_space<vmem>>) target_semaphore(%arg14 : memref<!tpu.dma_semaphore, #tpu.memory_space<semaphore_mem>>)
    } else {
    }
    %add3A_151 = arith.constant 1 : i32
    %add3A_152 = arith.addi %shift_right_arithmetic3A_143, %add3A_151 : i32
    %shift_right_arithmetic3A_153 = arith.constant 1 : i32
    %shift_right_arithmetic3A_154 = arith.shrsi %add3A_152, %shift_right_arithmetic3A_153 : i32
    %while3A_155 = arith.constant 0 : i32
    %while3A_156 = arith.constant 0 : i32
    %while3A_157 = arith.subi %shift_right_arithmetic3A_154, %while3A_156 : i32
    %while3A_158 = arith.addi %while3A_156, %while3A_157 : i32
    %while3A_159 = arith.constant 1 : i32
    %while3A_160 = arith.divsi %while3A_157, %while3A_159 : i32
    %while3A_161 = arith.muli %while3A_160, %while3A_159 : i32
    %while3A_162 = arith.addi %while3A_156, %while3A_161 : i32
    %while3A_163 = arith.constant 1 : i32
    scf.for %while3A_431 = %while3A_156 to %while3A_162 step %while3A_163  : i32 {
      %mul3A_432 = arith.constant 2 : i32
      %mul3A_433 = arith.muli %while3A_431, %mul3A_432 : i32
      %dma_wait3A = arith.constant 0 : i32
      %dma_wait3A_434 = tpu.memref_slice %arg2[%dma_wait3A] : memref<4194304xi32, #tpu.memory_space<hbm>> -> memref<2048xi32, #tpu.memory_space<hbm>>
      %dma_wait3A_435 = arith.constant 0 : i32
      %dma_wait3A_436 = tpu.memref_slice %arg2[%dma_wait3A_435] : memref<4194304xi32, #tpu.memory_space<hbm>> -> memref<2048xi32, #tpu.memory_space<hbm>>
      tpu.wait_dma2 semaphore(%arg12 : memref<!tpu.dma_semaphore, #tpu.memory_space<semaphore_mem>>) src(%dma_wait3A_436 : memref<2048xi32, #tpu.memory_space<hbm>>) dst(%arg8 : memref<2048xi32, #tpu.memory_space<vmem>>)
      %dma_wait3A_437 = arith.constant 0 : i32
      %dma_wait3A_438 = tpu.memref_slice %arg3[%dma_wait3A_437] : memref<4194304xf32, #tpu.memory_space<hbm>> -> memref<2048xf32, #tpu.memory_space<hbm>>
      %dma_wait3A_439 = arith.constant 0 : i32
      %dma_wait3A_440 = tpu.memref_slice %arg3[%dma_wait3A_439] : memref<4194304xf32, #tpu.memory_space<hbm>> -> memref<2048xf32, #tpu.memory_space<hbm>>
      tpu.wait_dma2 semaphore(%arg14 : memref<!tpu.dma_semaphore, #tpu.memory_space<semaphore_mem>>) src(%dma_wait3A_440 : memref<2048xf32, #tpu.memory_space<hbm>>) dst(%arg10 : memref<2048xf32, #tpu.memory_space<vmem>>)
      %add3A_441 = arith.constant 1 : i32
      %add3A_442 = arith.addi %mul3A_433, %add3A_441 : i32
      %lt3A_443 = arith.cmpi slt, %add3A_442, %shift_right_arithmetic3A_143 : i32
      %convert_element_type3A_444 = arith.extui %lt3A_443 : i1 to i32
      %cond3A_445 = arith.constant 0 : i32
      %cond3A_446 = arith.cmpi ne, %convert_element_type3A_444, %cond3A_445 : i32
      scf.if %cond3A_446 {
        %add3A_459 = arith.constant 1 : i32
        %add3A_460 = arith.addi %mul3A_433, %add3A_459 : i32
        %mul3A_461 = arith.constant 2048 : i32
        %mul3A_462 = arith.muli %add3A_460, %mul3A_461 : i32
        %add3A_463 = arith.addi %mul3A_145, %mul3A_462 : i32
        %dma_start3A = tpu.memref_slice %arg2[%add3A_463] : memref<4194304xi32, #tpu.memory_space<hbm>> -> memref<2048xi32, #tpu.memory_space<hbm>>
        %dma_start3A_464 = tpu.memref_slice %arg2[%add3A_463] : memref<4194304xi32, #tpu.memory_space<hbm>> -> memref<2048xi32, #tpu.memory_space<hbm>>
        tpu.enqueue_dma source(%dma_start3A_464 : memref<2048xi32, #tpu.memory_space<hbm>>) target(%arg9 : memref<2048xi32, #tpu.memory_space<vmem>>) target_semaphore(%arg13 : memref<!tpu.dma_semaphore, #tpu.memory_space<semaphore_mem>>)
        %add3A_465 = arith.constant 1 : i32
        %add3A_466 = arith.addi %mul3A_433, %add3A_465 : i32
        %mul3A_467 = arith.constant 2048 : i32
        %mul3A_468 = arith.muli %add3A_466, %mul3A_467 : i32
        %add3A_469 = arith.addi %mul3A_145, %mul3A_468 : i32
        %dma_start3A_470 = tpu.memref_slice %arg3[%add3A_469] : memref<4194304xf32, #tpu.memory_space<hbm>> -> memref<2048xf32, #tpu.memory_space<hbm>>
        %dma_start3A_471 = tpu.memref_slice %arg3[%add3A_469] : memref<4194304xf32, #tpu.memory_space<hbm>> -> memref<2048xf32, #tpu.memory_space<hbm>>
        tpu.enqueue_dma source(%dma_start3A_471 : memref<2048xf32, #tpu.memory_space<hbm>>) target(%arg11 : memref<2048xf32, #tpu.memory_space<vmem>>) target_semaphore(%arg15 : memref<!tpu.dma_semaphore, #tpu.memory_space<semaphore_mem>>)
      } else {
      }
      %scan3A_447 = arith.constant 0 : i32
      %scan3A_448 = arith.constant 0 : i32
      %scan3A_449 = arith.constant 128 : i32
      %scan3A_450 = arith.addi %scan3A_448, %scan3A_449 : i32
      %scan3A_451 = arith.constant 1 : i32
      scf.for %scan3A_459 = %scan3A_448 to %scan3A_450 step %scan3A_451  : i32 {
        %mul3A_460 = arith.constant 16 : i32
        %mul3A_461 = arith.muli %scan3A_459, %mul3A_460 : i32
        %get3A_462 = arith.index_cast %mul3A_461 : i32 to index
        %get3A_463 = tpu.vector_load %arg8[%get3A_462] {strides = array<i32>} : memref<2048xi32, #tpu.memory_space<vmem>>, vector<16xi32>,
        %sub3A_464 = vector.broadcast %add3A_37 : i32 to vector<16xi32>
        %sub3A_465 = arith.subi %get3A_463, %sub3A_464 : vector<16xi32>
        %bitcast3A = vector.bitcast %sub3A_465 : vector<16xi32> to vector<16xi32>
        %lt3A_466 = arith.constant 65536 : i32
        %lt3A_467 = vector.broadcast %lt3A_466 : i32 to vector<16xi32>
        %lt3A_468 = arith.cmpi ult, %bitcast3A, %lt3A_467 : vector<16xi32>
        %jit3A_469 = arith.constant 0 : i32
        %broadcast_in_dim3A = vector.broadcast %jit3A_469 : i32 to vector<16xi32>
        %select_n3A_470 = arith.select %lt3A_468, %sub3A_465, %broadcast_in_dim3A : vector<16xi1>, vector<16xi32>
        %mul3A_471 = arith.constant 16 : i32
        %mul3A_472 = arith.muli %scan3A_459, %mul3A_471 : i32
        %get3A_473 = arith.index_cast %mul3A_472 : i32 to index
        %get3A_474 = tpu.vector_load %arg10[%get3A_473] {strides = array<i32>} : memref<2048xf32, #tpu.memory_space<vmem>>, vector<16xf32>,
        tpu.vector_store_idx %arg6[%select_n3A_470], %get3A_474 masked %lt3A_468 : memref<65536xf32, #tpu.memory_space<vmem>>[vector<16xi32>], vector<16xf32>, vector<16xi1>
      }
      %scan3A_452 = arith.constant 128 : i32
      %add3A_453 = arith.constant 1 : i32
      %add3A_454 = arith.addi %mul3A_433, %add3A_453 : i32
      %lt3A_455 = arith.cmpi slt, %add3A_454, %shift_right_arithmetic3A_143 : i32
      %convert_element_type3A_456 = arith.extui %lt3A_455 : i1 to i32
      %cond3A_457 = arith.constant 0 : i32
      %cond3A_458 = arith.cmpi ne, %convert_element_type3A_456, %cond3A_457 : i32
      scf.if %cond3A_458 {
        %add3A_459 = arith.constant 2 : i32
        %add3A_460 = arith.addi %mul3A_433, %add3A_459 : i32
        %lt3A_461 = arith.cmpi slt, %add3A_460, %shift_right_arithmetic3A_143 : i32
        %convert_element_type3A_462 = arith.extui %lt3A_461 : i1 to i32
        %cond3A_463 = arith.constant 0 : i32
        %cond3A_464 = arith.cmpi ne, %convert_element_type3A_462, %cond3A_463 : i32
        scf.if %cond3A_464 {
          %add3A_479 = arith.constant 2 : i32
          %add3A_480 = arith.addi %mul3A_433, %add3A_479 : i32
          %mul3A_481 = arith.constant 2048 : i32
          %mul3A_482 = arith.muli %add3A_480, %mul3A_481 : i32
          %add3A_483 = arith.addi %mul3A_145, %mul3A_482 : i32
          %dma_start3A = tpu.memref_slice %arg2[%add3A_483] : memref<4194304xi32, #tpu.memory_space<hbm>> -> memref<2048xi32, #tpu.memory_space<hbm>>
          %dma_start3A_484 = tpu.memref_slice %arg2[%add3A_483] : memref<4194304xi32, #tpu.memory_space<hbm>> -> memref<2048xi32, #tpu.memory_space<hbm>>
          tpu.enqueue_dma source(%dma_start3A_484 : memref<2048xi32, #tpu.memory_space<hbm>>) target(%arg8 : memref<2048xi32, #tpu.memory_space<vmem>>) target_semaphore(%arg12 : memref<!tpu.dma_semaphore, #tpu.memory_space<semaphore_mem>>)
          %add3A_485 = arith.constant 2 : i32
          %add3A_486 = arith.addi %mul3A_433, %add3A_485 : i32
          %mul3A_487 = arith.constant 2048 : i32
          %mul3A_488 = arith.muli %add3A_486, %mul3A_487 : i32
          %add3A_489 = arith.addi %mul3A_145, %mul3A_488 : i32
          %dma_start3A_490 = tpu.memref_slice %arg3[%add3A_489] : memref<4194304xf32, #tpu.memory_space<hbm>> -> memref<2048xf32, #tpu.memory_space<hbm>>
          %dma_start3A_491 = tpu.memref_slice %arg3[%add3A_489] : memref<4194304xf32, #tpu.memory_space<hbm>> -> memref<2048xf32, #tpu.memory_space<hbm>>
          tpu.enqueue_dma source(%dma_start3A_491 : memref<2048xf32, #tpu.memory_space<hbm>>) target(%arg10 : memref<2048xf32, #tpu.memory_space<vmem>>) target_semaphore(%arg14 : memref<!tpu.dma_semaphore, #tpu.memory_space<semaphore_mem>>)
        } else {
        }
        %dma_wait3A_465 = arith.constant 0 : i32
        %dma_wait3A_466 = tpu.memref_slice %arg2[%dma_wait3A_465] : memref<4194304xi32, #tpu.memory_space<hbm>> -> memref<2048xi32, #tpu.memory_space<hbm>>
        %dma_wait3A_467 = arith.constant 0 : i32
        %dma_wait3A_468 = tpu.memref_slice %arg2[%dma_wait3A_467] : memref<4194304xi32, #tpu.memory_space<hbm>> -> memref<2048xi32, #tpu.memory_space<hbm>>
        tpu.wait_dma2 semaphore(%arg13 : memref<!tpu.dma_semaphore, #tpu.memory_space<semaphore_mem>>) src(%dma_wait3A_468 : memref<2048xi32, #tpu.memory_space<hbm>>) dst(%arg9 : memref<2048xi32, #tpu.memory_space<vmem>>)
        %dma_wait3A_469 = arith.constant 0 : i32
        %dma_wait3A_470 = tpu.memref_slice %arg3[%dma_wait3A_469] : memref<4194304xf32, #tpu.memory_space<hbm>> -> memref<2048xf32, #tpu.memory_space<hbm>>
        %dma_wait3A_471 = arith.constant 0 : i32
        %dma_wait3A_472 = tpu.memref_slice %arg3[%dma_wait3A_471] : memref<4194304xf32, #tpu.memory_space<hbm>> -> memref<2048xf32, #tpu.memory_space<hbm>>
        tpu.wait_dma2 semaphore(%arg15 : memref<!tpu.dma_semaphore, #tpu.memory_space<semaphore_mem>>) src(%dma_wait3A_472 : memref<2048xf32, #tpu.memory_space<hbm>>) dst(%arg11 : memref<2048xf32, #tpu.memory_space<vmem>>)
        %scan3A_473 = arith.constant 0 : i32
        %scan3A_474 = arith.constant 0 : i32
        %scan3A_475 = arith.constant 128 : i32
        %scan3A_476 = arith.addi %scan3A_474, %scan3A_475 : i32
        %scan3A_477 = arith.constant 1 : i32
        scf.for %scan3A_479 = %scan3A_474 to %scan3A_476 step %scan3A_477  : i32 {
          %mul3A_480 = arith.constant 16 : i32
          %mul3A_481 = arith.muli %scan3A_479, %mul3A_480 : i32
          %get3A_482 = arith.index_cast %mul3A_481 : i32 to index
          %get3A_483 = tpu.vector_load %arg9[%get3A_482] {strides = array<i32>} : memref<2048xi32, #tpu.memory_space<vmem>>, vector<16xi32>,
          %sub3A_484 = vector.broadcast %add3A_37 : i32 to vector<16xi32>
          %sub3A_485 = arith.subi %get3A_483, %sub3A_484 : vector<16xi32>
          %bitcast3A = vector.bitcast %sub3A_485 : vector<16xi32> to vector<16xi32>
          %lt3A_486 = arith.constant 65536 : i32
          %lt3A_487 = vector.broadcast %lt3A_486 : i32 to vector<16xi32>
          %lt3A_488 = arith.cmpi ult, %bitcast3A, %lt3A_487 : vector<16xi32>
          %jit3A_489 = arith.constant 0 : i32
          %broadcast_in_dim3A = vector.broadcast %jit3A_489 : i32 to vector<16xi32>
          %select_n3A_490 = arith.select %lt3A_488, %sub3A_485, %broadcast_in_dim3A : vector<16xi1>, vector<16xi32>
          %mul3A_491 = arith.constant 16 : i32
          %mul3A_492 = arith.muli %scan3A_479, %mul3A_491 : i32
          %get3A_493 = arith.index_cast %mul3A_492 : i32 to index
          %get3A_494 = tpu.vector_load %arg11[%get3A_493] {strides = array<i32>} : memref<2048xf32, #tpu.memory_space<vmem>>, vector<16xf32>,
          tpu.vector_store_idx %arg6[%select_n3A_490], %get3A_494 masked %lt3A_488 : memref<65536xf32, #tpu.memory_space<vmem>>[vector<16xi32>], vector<16xf32>, vector<16xi1>
        }
        %scan3A_478 = arith.constant 128 : i32
      } else {
      }
    }
    %while3A_164 = arith.constant 1 : i32
    scf.for %while3A_431 = %while3A_162 to %while3A_158 step %while3A_164  : i32 {
      %mul3A_432 = arith.constant 2 : i32
      %mul3A_433 = arith.muli %while3A_431, %mul3A_432 : i32
      %dma_wait3A = arith.constant 0 : i32
      %dma_wait3A_434 = tpu.memref_slice %arg2[%dma_wait3A] : memref<4194304xi32, #tpu.memory_space<hbm>> -> memref<2048xi32, #tpu.memory_space<hbm>>
      %dma_wait3A_435 = arith.constant 0 : i32
      %dma_wait3A_436 = tpu.memref_slice %arg2[%dma_wait3A_435] : memref<4194304xi32, #tpu.memory_space<hbm>> -> memref<2048xi32, #tpu.memory_space<hbm>>
      tpu.wait_dma2 semaphore(%arg12 : memref<!tpu.dma_semaphore, #tpu.memory_space<semaphore_mem>>) src(%dma_wait3A_436 : memref<2048xi32, #tpu.memory_space<hbm>>) dst(%arg8 : memref<2048xi32, #tpu.memory_space<vmem>>)
      %dma_wait3A_437 = arith.constant 0 : i32
      %dma_wait3A_438 = tpu.memref_slice %arg3[%dma_wait3A_437] : memref<4194304xf32, #tpu.memory_space<hbm>> -> memref<2048xf32, #tpu.memory_space<hbm>>
      %dma_wait3A_439 = arith.constant 0 : i32
      %dma_wait3A_440 = tpu.memref_slice %arg3[%dma_wait3A_439] : memref<4194304xf32, #tpu.memory_space<hbm>> -> memref<2048xf32, #tpu.memory_space<hbm>>
      tpu.wait_dma2 semaphore(%arg14 : memref<!tpu.dma_semaphore, #tpu.memory_space<semaphore_mem>>) src(%dma_wait3A_440 : memref<2048xf32, #tpu.memory_space<hbm>>) dst(%arg10 : memref<2048xf32, #tpu.memory_space<vmem>>)
      %add3A_441 = arith.constant 1 : i32
      %add3A_442 = arith.addi %mul3A_433, %add3A_441 : i32
      %lt3A_443 = arith.cmpi slt, %add3A_442, %shift_right_arithmetic3A_143 : i32
      %convert_element_type3A_444 = arith.extui %lt3A_443 : i1 to i32
      %cond3A_445 = arith.constant 0 : i32
      %cond3A_446 = arith.cmpi ne, %convert_element_type3A_444, %cond3A_445 : i32
      scf.if %cond3A_446 {
        %add3A_459 = arith.constant 1 : i32
        %add3A_460 = arith.addi %mul3A_433, %add3A_459 : i32
        %mul3A_461 = arith.constant 2048 : i32
        %mul3A_462 = arith.muli %add3A_460, %mul3A_461 : i32
        %add3A_463 = arith.addi %mul3A_145, %mul3A_462 : i32
        %dma_start3A = tpu.memref_slice %arg2[%add3A_463] : memref<4194304xi32, #tpu.memory_space<hbm>> -> memref<2048xi32, #tpu.memory_space<hbm>>
        %dma_start3A_464 = tpu.memref_slice %arg2[%add3A_463] : memref<4194304xi32, #tpu.memory_space<hbm>> -> memref<2048xi32, #tpu.memory_space<hbm>>
        tpu.enqueue_dma source(%dma_start3A_464 : memref<2048xi32, #tpu.memory_space<hbm>>) target(%arg9 : memref<2048xi32, #tpu.memory_space<vmem>>) target_semaphore(%arg13 : memref<!tpu.dma_semaphore, #tpu.memory_space<semaphore_mem>>)
        %add3A_465 = arith.constant 1 : i32
        %add3A_466 = arith.addi %mul3A_433, %add3A_465 : i32
        %mul3A_467 = arith.constant 2048 : i32
        %mul3A_468 = arith.muli %add3A_466, %mul3A_467 : i32
        %add3A_469 = arith.addi %mul3A_145, %mul3A_468 : i32
        %dma_start3A_470 = tpu.memref_slice %arg3[%add3A_469] : memref<4194304xf32, #tpu.memory_space<hbm>> -> memref<2048xf32, #tpu.memory_space<hbm>>
        %dma_start3A_471 = tpu.memref_slice %arg3[%add3A_469] : memref<4194304xf32, #tpu.memory_space<hbm>> -> memref<2048xf32, #tpu.memory_space<hbm>>
        tpu.enqueue_dma source(%dma_start3A_471 : memref<2048xf32, #tpu.memory_space<hbm>>) target(%arg11 : memref<2048xf32, #tpu.memory_space<vmem>>) target_semaphore(%arg15 : memref<!tpu.dma_semaphore, #tpu.memory_space<semaphore_mem>>)
      } else {
      }
      %scan3A_447 = arith.constant 0 : i32
      %scan3A_448 = arith.constant 0 : i32
      %scan3A_449 = arith.constant 128 : i32
      %scan3A_450 = arith.addi %scan3A_448, %scan3A_449 : i32
      %scan3A_451 = arith.constant 1 : i32
      scf.for %scan3A_459 = %scan3A_448 to %scan3A_450 step %scan3A_451  : i32 {
        %mul3A_460 = arith.constant 16 : i32
        %mul3A_461 = arith.muli %scan3A_459, %mul3A_460 : i32
        %get3A_462 = arith.index_cast %mul3A_461 : i32 to index
        %get3A_463 = tpu.vector_load %arg8[%get3A_462] {strides = array<i32>} : memref<2048xi32, #tpu.memory_space<vmem>>, vector<16xi32>,
        %sub3A_464 = vector.broadcast %add3A_37 : i32 to vector<16xi32>
        %sub3A_465 = arith.subi %get3A_463, %sub3A_464 : vector<16xi32>
        %bitcast3A = vector.bitcast %sub3A_465 : vector<16xi32> to vector<16xi32>
        %lt3A_466 = arith.constant 65536 : i32
        %lt3A_467 = vector.broadcast %lt3A_466 : i32 to vector<16xi32>
        %lt3A_468 = arith.cmpi ult, %bitcast3A, %lt3A_467 : vector<16xi32>
        %jit3A_469 = arith.constant 0 : i32
        %broadcast_in_dim3A = vector.broadcast %jit3A_469 : i32 to vector<16xi32>
        %select_n3A_470 = arith.select %lt3A_468, %sub3A_465, %broadcast_in_dim3A : vector<16xi1>, vector<16xi32>
        %mul3A_471 = arith.constant 16 : i32
        %mul3A_472 = arith.muli %scan3A_459, %mul3A_471 : i32
        %get3A_473 = arith.index_cast %mul3A_472 : i32 to index
        %get3A_474 = tpu.vector_load %arg10[%get3A_473] {strides = array<i32>} : memref<2048xf32, #tpu.memory_space<vmem>>, vector<16xf32>,
        tpu.vector_store_idx %arg6[%select_n3A_470], %get3A_474 masked %lt3A_468 : memref<65536xf32, #tpu.memory_space<vmem>>[vector<16xi32>], vector<16xf32>, vector<16xi1>
      }
      %scan3A_452 = arith.constant 128 : i32
      %add3A_453 = arith.constant 1 : i32
      %add3A_454 = arith.addi %mul3A_433, %add3A_453 : i32
      %lt3A_455 = arith.cmpi slt, %add3A_454, %shift_right_arithmetic3A_143 : i32
      %convert_element_type3A_456 = arith.extui %lt3A_455 : i1 to i32
      %cond3A_457 = arith.constant 0 : i32
      %cond3A_458 = arith.cmpi ne, %convert_element_type3A_456, %cond3A_457 : i32
      scf.if %cond3A_458 {
        %add3A_459 = arith.constant 2 : i32
        %add3A_460 = arith.addi %mul3A_433, %add3A_459 : i32
        %lt3A_461 = arith.cmpi slt, %add3A_460, %shift_right_arithmetic3A_143 : i32
        %convert_element_type3A_462 = arith.extui %lt3A_461 : i1 to i32
        %cond3A_463 = arith.constant 0 : i32
        %cond3A_464 = arith.cmpi ne, %convert_element_type3A_462, %cond3A_463 : i32
        scf.if %cond3A_464 {
          %add3A_479 = arith.constant 2 : i32
          %add3A_480 = arith.addi %mul3A_433, %add3A_479 : i32
          %mul3A_481 = arith.constant 2048 : i32
          %mul3A_482 = arith.muli %add3A_480, %mul3A_481 : i32
          %add3A_483 = arith.addi %mul3A_145, %mul3A_482 : i32
          %dma_start3A = tpu.memref_slice %arg2[%add3A_483] : memref<4194304xi32, #tpu.memory_space<hbm>> -> memref<2048xi32, #tpu.memory_space<hbm>>
          %dma_start3A_484 = tpu.memref_slice %arg2[%add3A_483] : memref<4194304xi32, #tpu.memory_space<hbm>> -> memref<2048xi32, #tpu.memory_space<hbm>>
          tpu.enqueue_dma source(%dma_start3A_484 : memref<2048xi32, #tpu.memory_space<hbm>>) target(%arg8 : memref<2048xi32, #tpu.memory_space<vmem>>) target_semaphore(%arg12 : memref<!tpu.dma_semaphore, #tpu.memory_space<semaphore_mem>>)
          %add3A_485 = arith.constant 2 : i32
          %add3A_486 = arith.addi %mul3A_433, %add3A_485 : i32
          %mul3A_487 = arith.constant 2048 : i32
          %mul3A_488 = arith.muli %add3A_486, %mul3A_487 : i32
          %add3A_489 = arith.addi %mul3A_145, %mul3A_488 : i32
          %dma_start3A_490 = tpu.memref_slice %arg3[%add3A_489] : memref<4194304xf32, #tpu.memory_space<hbm>> -> memref<2048xf32, #tpu.memory_space<hbm>>
          %dma_start3A_491 = tpu.memref_slice %arg3[%add3A_489] : memref<4194304xf32, #tpu.memory_space<hbm>> -> memref<2048xf32, #tpu.memory_space<hbm>>
          tpu.enqueue_dma source(%dma_start3A_491 : memref<2048xf32, #tpu.memory_space<hbm>>) target(%arg10 : memref<2048xf32, #tpu.memory_space<vmem>>) target_semaphore(%arg14 : memref<!tpu.dma_semaphore, #tpu.memory_space<semaphore_mem>>)
        } else {
        }
        %dma_wait3A_465 = arith.constant 0 : i32
        %dma_wait3A_466 = tpu.memref_slice %arg2[%dma_wait3A_465] : memref<4194304xi32, #tpu.memory_space<hbm>> -> memref<2048xi32, #tpu.memory_space<hbm>>
        %dma_wait3A_467 = arith.constant 0 : i32
        %dma_wait3A_468 = tpu.memref_slice %arg2[%dma_wait3A_467] : memref<4194304xi32, #tpu.memory_space<hbm>> -> memref<2048xi32, #tpu.memory_space<hbm>>
        tpu.wait_dma2 semaphore(%arg13 : memref<!tpu.dma_semaphore, #tpu.memory_space<semaphore_mem>>) src(%dma_wait3A_468 : memref<2048xi32, #tpu.memory_space<hbm>>) dst(%arg9 : memref<2048xi32, #tpu.memory_space<vmem>>)
        %dma_wait3A_469 = arith.constant 0 : i32
        %dma_wait3A_470 = tpu.memref_slice %arg3[%dma_wait3A_469] : memref<4194304xf32, #tpu.memory_space<hbm>> -> memref<2048xf32, #tpu.memory_space<hbm>>
        %dma_wait3A_471 = arith.constant 0 : i32
        %dma_wait3A_472 = tpu.memref_slice %arg3[%dma_wait3A_471] : memref<4194304xf32, #tpu.memory_space<hbm>> -> memref<2048xf32, #tpu.memory_space<hbm>>
        tpu.wait_dma2 semaphore(%arg15 : memref<!tpu.dma_semaphore, #tpu.memory_space<semaphore_mem>>) src(%dma_wait3A_472 : memref<2048xf32, #tpu.memory_space<hbm>>) dst(%arg11 : memref<2048xf32, #tpu.memory_space<vmem>>)
        %scan3A_473 = arith.constant 0 : i32
        %scan3A_474 = arith.constant 0 : i32
        %scan3A_475 = arith.constant 128 : i32
        %scan3A_476 = arith.addi %scan3A_474, %scan3A_475 : i32
        %scan3A_477 = arith.constant 1 : i32
        scf.for %scan3A_479 = %scan3A_474 to %scan3A_476 step %scan3A_477  : i32 {
          %mul3A_480 = arith.constant 16 : i32
          %mul3A_481 = arith.muli %scan3A_479, %mul3A_480 : i32
          %get3A_482 = arith.index_cast %mul3A_481 : i32 to index
          %get3A_483 = tpu.vector_load %arg9[%get3A_482] {strides = array<i32>} : memref<2048xi32, #tpu.memory_space<vmem>>, vector<16xi32>,
          %sub3A_484 = vector.broadcast %add3A_37 : i32 to vector<16xi32>
          %sub3A_485 = arith.subi %get3A_483, %sub3A_484 : vector<16xi32>
          %bitcast3A = vector.bitcast %sub3A_485 : vector<16xi32> to vector<16xi32>
          %lt3A_486 = arith.constant 65536 : i32
          %lt3A_487 = vector.broadcast %lt3A_486 : i32 to vector<16xi32>
          %lt3A_488 = arith.cmpi ult, %bitcast3A, %lt3A_487 : vector<16xi32>
          %jit3A_489 = arith.constant 0 : i32
          %broadcast_in_dim3A = vector.broadcast %jit3A_489 : i32 to vector<16xi32>
          %select_n3A_490 = arith.select %lt3A_488, %sub3A_485, %broadcast_in_dim3A : vector<16xi1>, vector<16xi32>
          %mul3A_491 = arith.constant 16 : i32
          %mul3A_492 = arith.muli %scan3A_479, %mul3A_491 : i32
          %get3A_493 = arith.index_cast %mul3A_492 : i32 to index
          %get3A_494 = tpu.vector_load %arg11[%get3A_493] {strides = array<i32>} : memref<2048xf32, #tpu.memory_space<vmem>>, vector<16xf32>,
          tpu.vector_store_idx %arg6[%select_n3A_490], %get3A_494 masked %lt3A_488 : memref<65536xf32, #tpu.memory_space<vmem>>[vector<16xi32>], vector<16xf32>, vector<16xi1>
        }
        %scan3A_478 = arith.constant 128 : i32
      } else {
      }
    }
    %mul3A_165 = arith.constant 4 : i32
    %mul3A_166 = arith.muli %select_n3A, %mul3A_165 : i32
    %add3A_167 = arith.constant 3 : i32
    %add3A_168 = arith.addi %mul3A_166, %add3A_167 : i32
    %mul3A_169 = arith.constant 16 : i32
    %mul3A_170 = arith.muli %add3A_168, %mul3A_169 : i32
    %get3A_171 = arith.index_cast %mul3A_170 : i32 to index
    %get3A_172 = tpu.vector_load %arg7[%get3A_171] {strides = array<i32>} : memref<512xi32, #tpu.memory_space<vmem>>, vector<16xi32>,
    %reduce_max3A_173 = arith.constant true
    %reduce_max3A_174 = vector.broadcast %reduce_max3A_173 : i1 to vector<16xi1>
    %reduce_max3A_175 = arith.constant -2147483648 : i32
    %reduce_max3A_176 = vector.broadcast %reduce_max3A_175 : i32 to vector<16xi32>
    %reduce_max3A_177 = arith.xori %get3A_172, %reduce_max3A_176 : vector<16xi32>
    %reduce_max3A_178 = tpu.scan <max>, %reduce_max3A_177 masked %reduce_max3A_174 : vector<16xi32>, vector<16xi1> -> vector<16xi32>
    %reduce_max3A_179 = arith.xori %reduce_max3A_178, %reduce_max3A_176 : vector<16xi32>
    %reduce_max3A_180 = vector.extract %reduce_max3A_179[15] : i32 from vector<16xi32>
    %add3A_181 = arith.constant 2048 : i32
    %add3A_182 = arith.addi %reduce_max3A_180, %add3A_181 : i32
    %sub3A_183 = arith.constant 1 : i32
    %sub3A_184 = arith.subi %add3A_182, %sub3A_183 : i32
    %shift_right_arithmetic3A_185 = arith.constant 11 : i32
    %shift_right_arithmetic3A_186 = arith.shrsi %sub3A_184, %shift_right_arithmetic3A_185 : i32
    %mul3A_187 = arith.constant 131072 : i32
    %mul3A_188 = arith.muli %add3A_168, %mul3A_187 : i32
    %gt3A_189 = arith.constant 0 : i32
    %gt3A_190 = arith.cmpi sgt, %shift_right_arithmetic3A_186, %gt3A_189 : i32
    %convert_element_type3A_191 = arith.extui %gt3A_190 : i1 to i32
    %cond3A_192 = arith.constant 0 : i32
    %cond3A_193 = arith.cmpi ne, %convert_element_type3A_191, %cond3A_192 : i32
    scf.if %cond3A_193 {
      %dma_start3A = tpu.memref_slice %arg2[%mul3A_188] : memref<4194304xi32, #tpu.memory_space<hbm>> -> memref<2048xi32, #tpu.memory_space<hbm>>
      %dma_start3A_431 = tpu.memref_slice %arg2[%mul3A_188] : memref<4194304xi32, #tpu.memory_space<hbm>> -> memref<2048xi32, #tpu.memory_space<hbm>>
      tpu.enqueue_dma source(%dma_start3A_431 : memref<2048xi32, #tpu.memory_space<hbm>>) target(%arg8 : memref<2048xi32, #tpu.memory_space<vmem>>) target_semaphore(%arg12 : memref<!tpu.dma_semaphore, #tpu.memory_space<semaphore_mem>>)
      %dma_start3A_432 = tpu.memref_slice %arg3[%mul3A_188] : memref<4194304xf32, #tpu.memory_space<hbm>> -> memref<2048xf32, #tpu.memory_space<hbm>>
      %dma_start3A_433 = tpu.memref_slice %arg3[%mul3A_188] : memref<4194304xf32, #tpu.memory_space<hbm>> -> memref<2048xf32, #tpu.memory_space<hbm>>
      tpu.enqueue_dma source(%dma_start3A_433 : memref<2048xf32, #tpu.memory_space<hbm>>) target(%arg10 : memref<2048xf32, #tpu.memory_space<vmem>>) target_semaphore(%arg14 : memref<!tpu.dma_semaphore, #tpu.memory_space<semaphore_mem>>)
    } else {
    }
    %add3A_194 = arith.constant 1 : i32
    %add3A_195 = arith.addi %shift_right_arithmetic3A_186, %add3A_194 : i32
    %shift_right_arithmetic3A_196 = arith.constant 1 : i32
    %shift_right_arithmetic3A_197 = arith.shrsi %add3A_195, %shift_right_arithmetic3A_196 : i32
    %while3A_198 = arith.constant 0 : i32
    %while3A_199 = arith.constant 0 : i32
    %while3A_200 = arith.subi %shift_right_arithmetic3A_197, %while3A_199 : i32
    %while3A_201 = arith.addi %while3A_199, %while3A_200 : i32
    %while3A_202 = arith.constant 1 : i32
    %while3A_203 = arith.divsi %while3A_200, %while3A_202 : i32
    %while3A_204 = arith.muli %while3A_203, %while3A_202 : i32
    %while3A_205 = arith.addi %while3A_199, %while3A_204 : i32
    %while3A_206 = arith.constant 1 : i32
    scf.for %while3A_431 = %while3A_199 to %while3A_205 step %while3A_206  : i32 {
      %mul3A_432 = arith.constant 2 : i32
      %mul3A_433 = arith.muli %while3A_431, %mul3A_432 : i32
      %dma_wait3A = arith.constant 0 : i32
      %dma_wait3A_434 = tpu.memref_slice %arg2[%dma_wait3A] : memref<4194304xi32, #tpu.memory_space<hbm>> -> memref<2048xi32, #tpu.memory_space<hbm>>
      %dma_wait3A_435 = arith.constant 0 : i32
      %dma_wait3A_436 = tpu.memref_slice %arg2[%dma_wait3A_435] : memref<4194304xi32, #tpu.memory_space<hbm>> -> memref<2048xi32, #tpu.memory_space<hbm>>
      tpu.wait_dma2 semaphore(%arg12 : memref<!tpu.dma_semaphore, #tpu.memory_space<semaphore_mem>>) src(%dma_wait3A_436 : memref<2048xi32, #tpu.memory_space<hbm>>) dst(%arg8 : memref<2048xi32, #tpu.memory_space<vmem>>)
      %dma_wait3A_437 = arith.constant 0 : i32
      %dma_wait3A_438 = tpu.memref_slice %arg3[%dma_wait3A_437] : memref<4194304xf32, #tpu.memory_space<hbm>> -> memref<2048xf32, #tpu.memory_space<hbm>>
      %dma_wait3A_439 = arith.constant 0 : i32
      %dma_wait3A_440 = tpu.memref_slice %arg3[%dma_wait3A_439] : memref<4194304xf32, #tpu.memory_space<hbm>> -> memref<2048xf32, #tpu.memory_space<hbm>>
      tpu.wait_dma2 semaphore(%arg14 : memref<!tpu.dma_semaphore, #tpu.memory_space<semaphore_mem>>) src(%dma_wait3A_440 : memref<2048xf32, #tpu.memory_space<hbm>>) dst(%arg10 : memref<2048xf32, #tpu.memory_space<vmem>>)
      %add3A_441 = arith.constant 1 : i32
      %add3A_442 = arith.addi %mul3A_433, %add3A_441 : i32
      %lt3A_443 = arith.cmpi slt, %add3A_442, %shift_right_arithmetic3A_186 : i32
      %convert_element_type3A_444 = arith.extui %lt3A_443 : i1 to i32
      %cond3A_445 = arith.constant 0 : i32
      %cond3A_446 = arith.cmpi ne, %convert_element_type3A_444, %cond3A_445 : i32
      scf.if %cond3A_446 {
        %add3A_459 = arith.constant 1 : i32
        %add3A_460 = arith.addi %mul3A_433, %add3A_459 : i32
        %mul3A_461 = arith.constant 2048 : i32
        %mul3A_462 = arith.muli %add3A_460, %mul3A_461 : i32
        %add3A_463 = arith.addi %mul3A_188, %mul3A_462 : i32
        %dma_start3A = tpu.memref_slice %arg2[%add3A_463] : memref<4194304xi32, #tpu.memory_space<hbm>> -> memref<2048xi32, #tpu.memory_space<hbm>>
        %dma_start3A_464 = tpu.memref_slice %arg2[%add3A_463] : memref<4194304xi32, #tpu.memory_space<hbm>> -> memref<2048xi32, #tpu.memory_space<hbm>>
        tpu.enqueue_dma source(%dma_start3A_464 : memref<2048xi32, #tpu.memory_space<hbm>>) target(%arg9 : memref<2048xi32, #tpu.memory_space<vmem>>) target_semaphore(%arg13 : memref<!tpu.dma_semaphore, #tpu.memory_space<semaphore_mem>>)
        %add3A_465 = arith.constant 1 : i32
        %add3A_466 = arith.addi %mul3A_433, %add3A_465 : i32
        %mul3A_467 = arith.constant 2048 : i32
        %mul3A_468 = arith.muli %add3A_466, %mul3A_467 : i32
        %add3A_469 = arith.addi %mul3A_188, %mul3A_468 : i32
        %dma_start3A_470 = tpu.memref_slice %arg3[%add3A_469] : memref<4194304xf32, #tpu.memory_space<hbm>> -> memref<2048xf32, #tpu.memory_space<hbm>>
        %dma_start3A_471 = tpu.memref_slice %arg3[%add3A_469] : memref<4194304xf32, #tpu.memory_space<hbm>> -> memref<2048xf32, #tpu.memory_space<hbm>>
        tpu.enqueue_dma source(%dma_start3A_471 : memref<2048xf32, #tpu.memory_space<hbm>>) target(%arg11 : memref<2048xf32, #tpu.memory_space<vmem>>) target_semaphore(%arg15 : memref<!tpu.dma_semaphore, #tpu.memory_space<semaphore_mem>>)
      } else {
      }
      %scan3A_447 = arith.constant 0 : i32
      %scan3A_448 = arith.constant 0 : i32
      %scan3A_449 = arith.constant 128 : i32
      %scan3A_450 = arith.addi %scan3A_448, %scan3A_449 : i32
      %scan3A_451 = arith.constant 1 : i32
      scf.for %scan3A_459 = %scan3A_448 to %scan3A_450 step %scan3A_451  : i32 {
        %mul3A_460 = arith.constant 16 : i32
        %mul3A_461 = arith.muli %scan3A_459, %mul3A_460 : i32
        %get3A_462 = arith.index_cast %mul3A_461 : i32 to index
        %get3A_463 = tpu.vector_load %arg8[%get3A_462] {strides = array<i32>} : memref<2048xi32, #tpu.memory_space<vmem>>, vector<16xi32>,
        %sub3A_464 = vector.broadcast %add3A_37 : i32 to vector<16xi32>
        %sub3A_465 = arith.subi %get3A_463, %sub3A_464 : vector<16xi32>
        %bitcast3A = vector.bitcast %sub3A_465 : vector<16xi32> to vector<16xi32>
        %lt3A_466 = arith.constant 65536 : i32
        %lt3A_467 = vector.broadcast %lt3A_466 : i32 to vector<16xi32>
        %lt3A_468 = arith.cmpi ult, %bitcast3A, %lt3A_467 : vector<16xi32>
        %jit3A_469 = arith.constant 0 : i32
        %broadcast_in_dim3A = vector.broadcast %jit3A_469 : i32 to vector<16xi32>
        %select_n3A_470 = arith.select %lt3A_468, %sub3A_465, %broadcast_in_dim3A : vector<16xi1>, vector<16xi32>
        %mul3A_471 = arith.constant 16 : i32
        %mul3A_472 = arith.muli %scan3A_459, %mul3A_471 : i32
        %get3A_473 = arith.index_cast %mul3A_472 : i32 to index
        %get3A_474 = tpu.vector_load %arg10[%get3A_473] {strides = array<i32>} : memref<2048xf32, #tpu.memory_space<vmem>>, vector<16xf32>,
        tpu.vector_store_idx %arg6[%select_n3A_470], %get3A_474 masked %lt3A_468 : memref<65536xf32, #tpu.memory_space<vmem>>[vector<16xi32>], vector<16xf32>, vector<16xi1>
      }
      %scan3A_452 = arith.constant 128 : i32
      %add3A_453 = arith.constant 1 : i32
      %add3A_454 = arith.addi %mul3A_433, %add3A_453 : i32
      %lt3A_455 = arith.cmpi slt, %add3A_454, %shift_right_arithmetic3A_186 : i32
      %convert_element_type3A_456 = arith.extui %lt3A_455 : i1 to i32
      %cond3A_457 = arith.constant 0 : i32
      %cond3A_458 = arith.cmpi ne, %convert_element_type3A_456, %cond3A_457 : i32
      scf.if %cond3A_458 {
        %add3A_459 = arith.constant 2 : i32
        %add3A_460 = arith.addi %mul3A_433, %add3A_459 : i32
        %lt3A_461 = arith.cmpi slt, %add3A_460, %shift_right_arithmetic3A_186 : i32
        %convert_element_type3A_462 = arith.extui %lt3A_461 : i1 to i32
        %cond3A_463 = arith.constant 0 : i32
        %cond3A_464 = arith.cmpi ne, %convert_element_type3A_462, %cond3A_463 : i32
        scf.if %cond3A_464 {
          %add3A_479 = arith.constant 2 : i32
          %add3A_480 = arith.addi %mul3A_433, %add3A_479 : i32
          %mul3A_481 = arith.constant 2048 : i32
          %mul3A_482 = arith.muli %add3A_480, %mul3A_481 : i32
          %add3A_483 = arith.addi %mul3A_188, %mul3A_482 : i32
          %dma_start3A = tpu.memref_slice %arg2[%add3A_483] : memref<4194304xi32, #tpu.memory_space<hbm>> -> memref<2048xi32, #tpu.memory_space<hbm>>
          %dma_start3A_484 = tpu.memref_slice %arg2[%add3A_483] : memref<4194304xi32, #tpu.memory_space<hbm>> -> memref<2048xi32, #tpu.memory_space<hbm>>
          tpu.enqueue_dma source(%dma_start3A_484 : memref<2048xi32, #tpu.memory_space<hbm>>) target(%arg8 : memref<2048xi32, #tpu.memory_space<vmem>>) target_semaphore(%arg12 : memref<!tpu.dma_semaphore, #tpu.memory_space<semaphore_mem>>)
          %add3A_485 = arith.constant 2 : i32
          %add3A_486 = arith.addi %mul3A_433, %add3A_485 : i32
          %mul3A_487 = arith.constant 2048 : i32
          %mul3A_488 = arith.muli %add3A_486, %mul3A_487 : i32
          %add3A_489 = arith.addi %mul3A_188, %mul3A_488 : i32
          %dma_start3A_490 = tpu.memref_slice %arg3[%add3A_489] : memref<4194304xf32, #tpu.memory_space<hbm>> -> memref<2048xf32, #tpu.memory_space<hbm>>
          %dma_start3A_491 = tpu.memref_slice %arg3[%add3A_489] : memref<4194304xf32, #tpu.memory_space<hbm>> -> memref<2048xf32, #tpu.memory_space<hbm>>
          tpu.enqueue_dma source(%dma_start3A_491 : memref<2048xf32, #tpu.memory_space<hbm>>) target(%arg10 : memref<2048xf32, #tpu.memory_space<vmem>>) target_semaphore(%arg14 : memref<!tpu.dma_semaphore, #tpu.memory_space<semaphore_mem>>)
        } else {
        }
        %dma_wait3A_465 = arith.constant 0 : i32
        %dma_wait3A_466 = tpu.memref_slice %arg2[%dma_wait3A_465] : memref<4194304xi32, #tpu.memory_space<hbm>> -> memref<2048xi32, #tpu.memory_space<hbm>>
        %dma_wait3A_467 = arith.constant 0 : i32
        %dma_wait3A_468 = tpu.memref_slice %arg2[%dma_wait3A_467] : memref<4194304xi32, #tpu.memory_space<hbm>> -> memref<2048xi32, #tpu.memory_space<hbm>>
        tpu.wait_dma2 semaphore(%arg13 : memref<!tpu.dma_semaphore, #tpu.memory_space<semaphore_mem>>) src(%dma_wait3A_468 : memref<2048xi32, #tpu.memory_space<hbm>>) dst(%arg9 : memref<2048xi32, #tpu.memory_space<vmem>>)
        %dma_wait3A_469 = arith.constant 0 : i32
        %dma_wait3A_470 = tpu.memref_slice %arg3[%dma_wait3A_469] : memref<4194304xf32, #tpu.memory_space<hbm>> -> memref<2048xf32, #tpu.memory_space<hbm>>
        %dma_wait3A_471 = arith.constant 0 : i32
        %dma_wait3A_472 = tpu.memref_slice %arg3[%dma_wait3A_471] : memref<4194304xf32, #tpu.memory_space<hbm>> -> memref<2048xf32, #tpu.memory_space<hbm>>
        tpu.wait_dma2 semaphore(%arg15 : memref<!tpu.dma_semaphore, #tpu.memory_space<semaphore_mem>>) src(%dma_wait3A_472 : memref<2048xf32, #tpu.memory_space<hbm>>) dst(%arg11 : memref<2048xf32, #tpu.memory_space<vmem>>)
        %scan3A_473 = arith.constant 0 : i32
        %scan3A_474 = arith.constant 0 : i32
        %scan3A_475 = arith.constant 128 : i32
        %scan3A_476 = arith.addi %scan3A_474, %scan3A_475 : i32
        %scan3A_477 = arith.constant 1 : i32
        scf.for %scan3A_479 = %scan3A_474 to %scan3A_476 step %scan3A_477  : i32 {
          %mul3A_480 = arith.constant 16 : i32
          %mul3A_481 = arith.muli %scan3A_479, %mul3A_480 : i32
          %get3A_482 = arith.index_cast %mul3A_481 : i32 to index
          %get3A_483 = tpu.vector_load %arg9[%get3A_482] {strides = array<i32>} : memref<2048xi32, #tpu.memory_space<vmem>>, vector<16xi32>,
          %sub3A_484 = vector.broadcast %add3A_37 : i32 to vector<16xi32>
          %sub3A_485 = arith.subi %get3A_483, %sub3A_484 : vector<16xi32>
          %bitcast3A = vector.bitcast %sub3A_485 : vector<16xi32> to vector<16xi32>
          %lt3A_486 = arith.constant 65536 : i32
          %lt3A_487 = vector.broadcast %lt3A_486 : i32 to vector<16xi32>
          %lt3A_488 = arith.cmpi ult, %bitcast3A, %lt3A_487 : vector<16xi32>
          %jit3A_489 = arith.constant 0 : i32
          %broadcast_in_dim3A = vector.broadcast %jit3A_489 : i32 to vector<16xi32>
          %select_n3A_490 = arith.select %lt3A_488, %sub3A_485, %broadcast_in_dim3A : vector<16xi1>, vector<16xi32>
          %mul3A_491 = arith.constant 16 : i32
          %mul3A_492 = arith.muli %scan3A_479, %mul3A_491 : i32
          %get3A_493 = arith.index_cast %mul3A_492 : i32 to index
          %get3A_494 = tpu.vector_load %arg11[%get3A_493] {strides = array<i32>} : memref<2048xf32, #tpu.memory_space<vmem>>, vector<16xf32>,
          tpu.vector_store_idx %arg6[%select_n3A_490], %get3A_494 masked %lt3A_488 : memref<65536xf32, #tpu.memory_space<vmem>>[vector<16xi32>], vector<16xf32>, vector<16xi1>
        }
        %scan3A_478 = arith.constant 128 : i32
      } else {
      }
    }
    %while3A_207 = arith.constant 1 : i32
    scf.for %while3A_431 = %while3A_205 to %while3A_201 step %while3A_207  : i32 {
      %mul3A_432 = arith.constant 2 : i32
      %mul3A_433 = arith.muli %while3A_431, %mul3A_432 : i32
      %dma_wait3A = arith.constant 0 : i32
      %dma_wait3A_434 = tpu.memref_slice %arg2[%dma_wait3A] : memref<4194304xi32, #tpu.memory_space<hbm>> -> memref<2048xi32, #tpu.memory_space<hbm>>
      %dma_wait3A_435 = arith.constant 0 : i32
      %dma_wait3A_436 = tpu.memref_slice %arg2[%dma_wait3A_435] : memref<4194304xi32, #tpu.memory_space<hbm>> -> memref<2048xi32, #tpu.memory_space<hbm>>
      tpu.wait_dma2 semaphore(%arg12 : memref<!tpu.dma_semaphore, #tpu.memory_space<semaphore_mem>>) src(%dma_wait3A_436 : memref<2048xi32, #tpu.memory_space<hbm>>) dst(%arg8 : memref<2048xi32, #tpu.memory_space<vmem>>)
      %dma_wait3A_437 = arith.constant 0 : i32
      %dma_wait3A_438 = tpu.memref_slice %arg3[%dma_wait3A_437] : memref<4194304xf32, #tpu.memory_space<hbm>> -> memref<2048xf32, #tpu.memory_space<hbm>>
      %dma_wait3A_439 = arith.constant 0 : i32
      %dma_wait3A_440 = tpu.memref_slice %arg3[%dma_wait3A_439] : memref<4194304xf32, #tpu.memory_space<hbm>> -> memref<2048xf32, #tpu.memory_space<hbm>>
      tpu.wait_dma2 semaphore(%arg14 : memref<!tpu.dma_semaphore, #tpu.memory_space<semaphore_mem>>) src(%dma_wait3A_440 : memref<2048xf32, #tpu.memory_space<hbm>>) dst(%arg10 : memref<2048xf32, #tpu.memory_space<vmem>>)
      %add3A_441 = arith.constant 1 : i32
      %add3A_442 = arith.addi %mul3A_433, %add3A_441 : i32
      %lt3A_443 = arith.cmpi slt, %add3A_442, %shift_right_arithmetic3A_186 : i32
      %convert_element_type3A_444 = arith.extui %lt3A_443 : i1 to i32
      %cond3A_445 = arith.constant 0 : i32
      %cond3A_446 = arith.cmpi ne, %convert_element_type3A_444, %cond3A_445 : i32
      scf.if %cond3A_446 {
        %add3A_459 = arith.constant 1 : i32
        %add3A_460 = arith.addi %mul3A_433, %add3A_459 : i32
        %mul3A_461 = arith.constant 2048 : i32
        %mul3A_462 = arith.muli %add3A_460, %mul3A_461 : i32
        %add3A_463 = arith.addi %mul3A_188, %mul3A_462 : i32
        %dma_start3A = tpu.memref_slice %arg2[%add3A_463] : memref<4194304xi32, #tpu.memory_space<hbm>> -> memref<2048xi32, #tpu.memory_space<hbm>>
        %dma_start3A_464 = tpu.memref_slice %arg2[%add3A_463] : memref<4194304xi32, #tpu.memory_space<hbm>> -> memref<2048xi32, #tpu.memory_space<hbm>>
        tpu.enqueue_dma source(%dma_start3A_464 : memref<2048xi32, #tpu.memory_space<hbm>>) target(%arg9 : memref<2048xi32, #tpu.memory_space<vmem>>) target_semaphore(%arg13 : memref<!tpu.dma_semaphore, #tpu.memory_space<semaphore_mem>>)
        %add3A_465 = arith.constant 1 : i32
        %add3A_466 = arith.addi %mul3A_433, %add3A_465 : i32
        %mul3A_467 = arith.constant 2048 : i32
        %mul3A_468 = arith.muli %add3A_466, %mul3A_467 : i32
        %add3A_469 = arith.addi %mul3A_188, %mul3A_468 : i32
        %dma_start3A_470 = tpu.memref_slice %arg3[%add3A_469] : memref<4194304xf32, #tpu.memory_space<hbm>> -> memref<2048xf32, #tpu.memory_space<hbm>>
        %dma_start3A_471 = tpu.memref_slice %arg3[%add3A_469] : memref<4194304xf32, #tpu.memory_space<hbm>> -> memref<2048xf32, #tpu.memory_space<hbm>>
        tpu.enqueue_dma source(%dma_start3A_471 : memref<2048xf32, #tpu.memory_space<hbm>>) target(%arg11 : memref<2048xf32, #tpu.memory_space<vmem>>) target_semaphore(%arg15 : memref<!tpu.dma_semaphore, #tpu.memory_space<semaphore_mem>>)
      } else {
      }
      %scan3A_447 = arith.constant 0 : i32
      %scan3A_448 = arith.constant 0 : i32
      %scan3A_449 = arith.constant 128 : i32
      %scan3A_450 = arith.addi %scan3A_448, %scan3A_449 : i32
      %scan3A_451 = arith.constant 1 : i32
      scf.for %scan3A_459 = %scan3A_448 to %scan3A_450 step %scan3A_451  : i32 {
        %mul3A_460 = arith.constant 16 : i32
        %mul3A_461 = arith.muli %scan3A_459, %mul3A_460 : i32
        %get3A_462 = arith.index_cast %mul3A_461 : i32 to index
        %get3A_463 = tpu.vector_load %arg8[%get3A_462] {strides = array<i32>} : memref<2048xi32, #tpu.memory_space<vmem>>, vector<16xi32>,
        %sub3A_464 = vector.broadcast %add3A_37 : i32 to vector<16xi32>
        %sub3A_465 = arith.subi %get3A_463, %sub3A_464 : vector<16xi32>
        %bitcast3A = vector.bitcast %sub3A_465 : vector<16xi32> to vector<16xi32>
        %lt3A_466 = arith.constant 65536 : i32
        %lt3A_467 = vector.broadcast %lt3A_466 : i32 to vector<16xi32>
        %lt3A_468 = arith.cmpi ult, %bitcast3A, %lt3A_467 : vector<16xi32>
        %jit3A_469 = arith.constant 0 : i32
        %broadcast_in_dim3A = vector.broadcast %jit3A_469 : i32 to vector<16xi32>
        %select_n3A_470 = arith.select %lt3A_468, %sub3A_465, %broadcast_in_dim3A : vector<16xi1>, vector<16xi32>
        %mul3A_471 = arith.constant 16 : i32
        %mul3A_472 = arith.muli %scan3A_459, %mul3A_471 : i32
        %get3A_473 = arith.index_cast %mul3A_472 : i32 to index
        %get3A_474 = tpu.vector_load %arg10[%get3A_473] {strides = array<i32>} : memref<2048xf32, #tpu.memory_space<vmem>>, vector<16xf32>,
        tpu.vector_store_idx %arg6[%select_n3A_470], %get3A_474 masked %lt3A_468 : memref<65536xf32, #tpu.memory_space<vmem>>[vector<16xi32>], vector<16xf32>, vector<16xi1>
      }
      %scan3A_452 = arith.constant 128 : i32
      %add3A_453 = arith.constant 1 : i32
      %add3A_454 = arith.addi %mul3A_433, %add3A_453 : i32
      %lt3A_455 = arith.cmpi slt, %add3A_454, %shift_right_arithmetic3A_186 : i32
      %convert_element_type3A_456 = arith.extui %lt3A_455 : i1 to i32
      %cond3A_457 = arith.constant 0 : i32
      %cond3A_458 = arith.cmpi ne, %convert_element_type3A_456, %cond3A_457 : i32
      scf.if %cond3A_458 {
        %add3A_459 = arith.constant 2 : i32
        %add3A_460 = arith.addi %mul3A_433, %add3A_459 : i32
        %lt3A_461 = arith.cmpi slt, %add3A_460, %shift_right_arithmetic3A_186 : i32
        %convert_element_type3A_462 = arith.extui %lt3A_461 : i1 to i32
        %cond3A_463 = arith.constant 0 : i32
        %cond3A_464 = arith.cmpi ne, %convert_element_type3A_462, %cond3A_463 : i32
        scf.if %cond3A_464 {
          %add3A_479 = arith.constant 2 : i32
          %add3A_480 = arith.addi %mul3A_433, %add3A_479 : i32
          %mul3A_481 = arith.constant 2048 : i32
          %mul3A_482 = arith.muli %add3A_480, %mul3A_481 : i32
          %add3A_483 = arith.addi %mul3A_188, %mul3A_482 : i32
          %dma_start3A = tpu.memref_slice %arg2[%add3A_483] : memref<4194304xi32, #tpu.memory_space<hbm>> -> memref<2048xi32, #tpu.memory_space<hbm>>
          %dma_start3A_484 = tpu.memref_slice %arg2[%add3A_483] : memref<4194304xi32, #tpu.memory_space<hbm>> -> memref<2048xi32, #tpu.memory_space<hbm>>
          tpu.enqueue_dma source(%dma_start3A_484 : memref<2048xi32, #tpu.memory_space<hbm>>) target(%arg8 : memref<2048xi32, #tpu.memory_space<vmem>>) target_semaphore(%arg12 : memref<!tpu.dma_semaphore, #tpu.memory_space<semaphore_mem>>)
          %add3A_485 = arith.constant 2 : i32
          %add3A_486 = arith.addi %mul3A_433, %add3A_485 : i32
          %mul3A_487 = arith.constant 2048 : i32
          %mul3A_488 = arith.muli %add3A_486, %mul3A_487 : i32
          %add3A_489 = arith.addi %mul3A_188, %mul3A_488 : i32
          %dma_start3A_490 = tpu.memref_slice %arg3[%add3A_489] : memref<4194304xf32, #tpu.memory_space<hbm>> -> memref<2048xf32, #tpu.memory_space<hbm>>
          %dma_start3A_491 = tpu.memref_slice %arg3[%add3A_489] : memref<4194304xf32, #tpu.memory_space<hbm>> -> memref<2048xf32, #tpu.memory_space<hbm>>
          tpu.enqueue_dma source(%dma_start3A_491 : memref<2048xf32, #tpu.memory_space<hbm>>) target(%arg10 : memref<2048xf32, #tpu.memory_space<vmem>>) target_semaphore(%arg14 : memref<!tpu.dma_semaphore, #tpu.memory_space<semaphore_mem>>)
        } else {
        }
        %dma_wait3A_465 = arith.constant 0 : i32
        %dma_wait3A_466 = tpu.memref_slice %arg2[%dma_wait3A_465] : memref<4194304xi32, #tpu.memory_space<hbm>> -> memref<2048xi32, #tpu.memory_space<hbm>>
        %dma_wait3A_467 = arith.constant 0 : i32
        %dma_wait3A_468 = tpu.memref_slice %arg2[%dma_wait3A_467] : memref<4194304xi32, #tpu.memory_space<hbm>> -> memref<2048xi32, #tpu.memory_space<hbm>>
        tpu.wait_dma2 semaphore(%arg13 : memref<!tpu.dma_semaphore, #tpu.memory_space<semaphore_mem>>) src(%dma_wait3A_468 : memref<2048xi32, #tpu.memory_space<hbm>>) dst(%arg9 : memref<2048xi32, #tpu.memory_space<vmem>>)
        %dma_wait3A_469 = arith.constant 0 : i32
        %dma_wait3A_470 = tpu.memref_slice %arg3[%dma_wait3A_469] : memref<4194304xf32, #tpu.memory_space<hbm>> -> memref<2048xf32, #tpu.memory_space<hbm>>
        %dma_wait3A_471 = arith.constant 0 : i32
        %dma_wait3A_472 = tpu.memref_slice %arg3[%dma_wait3A_471] : memref<4194304xf32, #tpu.memory_space<hbm>> -> memref<2048xf32, #tpu.memory_space<hbm>>
        tpu.wait_dma2 semaphore(%arg15 : memref<!tpu.dma_semaphore, #tpu.memory_space<semaphore_mem>>) src(%dma_wait3A_472 : memref<2048xf32, #tpu.memory_space<hbm>>) dst(%arg11 : memref<2048xf32, #tpu.memory_space<vmem>>)
        %scan3A_473 = arith.constant 0 : i32
        %scan3A_474 = arith.constant 0 : i32
        %scan3A_475 = arith.constant 128 : i32
        %scan3A_476 = arith.addi %scan3A_474, %scan3A_475 : i32
        %scan3A_477 = arith.constant 1 : i32
        scf.for %scan3A_479 = %scan3A_474 to %scan3A_476 step %scan3A_477  : i32 {
          %mul3A_480 = arith.constant 16 : i32
          %mul3A_481 = arith.muli %scan3A_479, %mul3A_480 : i32
          %get3A_482 = arith.index_cast %mul3A_481 : i32 to index
          %get3A_483 = tpu.vector_load %arg9[%get3A_482] {strides = array<i32>} : memref<2048xi32, #tpu.memory_space<vmem>>, vector<16xi32>,
          %sub3A_484 = vector.broadcast %add3A_37 : i32 to vector<16xi32>
          %sub3A_485 = arith.subi %get3A_483, %sub3A_484 : vector<16xi32>
          %bitcast3A = vector.bitcast %sub3A_485 : vector<16xi32> to vector<16xi32>
          %lt3A_486 = arith.constant 65536 : i32
          %lt3A_487 = vector.broadcast %lt3A_486 : i32 to vector<16xi32>
          %lt3A_488 = arith.cmpi ult, %bitcast3A, %lt3A_487 : vector<16xi32>
          %jit3A_489 = arith.constant 0 : i32
          %broadcast_in_dim3A = vector.broadcast %jit3A_489 : i32 to vector<16xi32>
          %select_n3A_490 = arith.select %lt3A_488, %sub3A_485, %broadcast_in_dim3A : vector<16xi1>, vector<16xi32>
          %mul3A_491 = arith.constant 16 : i32
          %mul3A_492 = arith.muli %scan3A_479, %mul3A_491 : i32
          %get3A_493 = arith.index_cast %mul3A_492 : i32 to index
          %get3A_494 = tpu.vector_load %arg11[%get3A_493] {strides = array<i32>} : memref<2048xf32, #tpu.memory_space<vmem>>, vector<16xf32>,
          tpu.vector_store_idx %arg6[%select_n3A_490], %get3A_494 masked %lt3A_488 : memref<65536xf32, #tpu.memory_space<vmem>>[vector<16xi32>], vector<16xf32>, vector<16xi1>
        }
        %scan3A_478 = arith.constant 128 : i32
      } else {
      }
    }
    "tpu.region"() ({
      %run_scoped3A = tpu.sem_alloc : memref<!tpu.dma_semaphore, #tpu.memory_space<semaphore_mem>>
      %dma_start3A = tpu.memref_slice %arg5[%add3A_37] : memref<4194304xf32, #tpu.memory_space<hbm>> -> memref<65536xf32, #tpu.memory_space<hbm>>
      %dma_start3A_431 = tpu.memref_slice %arg5[%add3A_37] : memref<4194304xf32, #tpu.memory_space<hbm>> -> memref<65536xf32, #tpu.memory_space<hbm>>
      tpu.enqueue_dma source(%arg6 : memref<65536xf32, #tpu.memory_space<vmem>>) target(%dma_start3A_431 : memref<65536xf32, #tpu.memory_space<hbm>>) target_semaphore(%run_scoped3A : memref<!tpu.dma_semaphore, #tpu.memory_space<semaphore_mem>>)
      %dma_wait3A = tpu.memref_slice %arg5[%add3A_37] : memref<4194304xf32, #tpu.memory_space<hbm>> -> memref<65536xf32, #tpu.memory_space<hbm>>
      %dma_wait3A_432 = tpu.memref_slice %arg5[%add3A_37] : memref<4194304xf32, #tpu.memory_space<hbm>> -> memref<65536xf32, #tpu.memory_space<hbm>>
      tpu.wait_dma2 semaphore(%run_scoped3A : memref<!tpu.dma_semaphore, #tpu.memory_space<semaphore_mem>>) src(%arg6 : memref<65536xf32, #tpu.memory_space<vmem>>) dst(%dma_wait3A_432 : memref<65536xf32, #tpu.memory_space<hbm>>)
      tpu.yield
    }) : () -> ()
    %jit3A_208 = arith.constant 8 : i32
    %div3A_209 = arith.divsi %add3A_2, %jit3A_208 : i32
    %sign3A_210 = arith.constant 0 : i32
    %sign3A_211 = arith.cmpi sgt, %add3A_2, %sign3A_210 : i32
    %sign3A_212 = arith.extui %sign3A_211 : i1 to i32
    %sign3A_213 = arith.constant 0 : i32
    %sign3A_214 = arith.cmpi slt, %add3A_2, %sign3A_213 : i32
    %sign3A_215 = arith.extui %sign3A_214 : i1 to i32
    %sign3A_216 = arith.subi %sign3A_212, %sign3A_215 : i32
    %sign3A_217 = arith.constant 0 : i32
    %sign3A_218 = arith.cmpi sgt, %jit3A_208, %sign3A_217 : i32
    %sign3A_219 = arith.extui %sign3A_218 : i1 to i32
    %sign3A_220 = arith.constant 0 : i32
    %sign3A_221 = arith.cmpi slt, %jit3A_208, %sign3A_220 : i32
    %sign3A_222 = arith.extui %sign3A_221 : i1 to i32
    %sign3A_223 = arith.subi %sign3A_219, %sign3A_222 : i32
    %ne3A_224 = arith.cmpi ne, %sign3A_216, %sign3A_223 : i32
    %rem3A_225 = arith.remsi %add3A_2, %jit3A_208 : i32
    %ne3A_226 = arith.constant 0 : i32
    %ne3A_227 = arith.cmpi ne, %rem3A_225, %ne3A_226 : i32
    %and3A_228 = arith.andi %ne3A_224, %ne3A_227 : i1
    %sub3A_229 = arith.constant 1 : i32
    %sub3A_230 = arith.subi %div3A_209, %sub3A_229 : i32
    %select_n3A_231 = arith.select %and3A_228, %sub3A_230, %div3A_209 : i32
    %jit3A_232 = arith.constant 8 : i32
    %eq3A_233 = arith.constant 0 : i32
    %eq3A_234 = arith.cmpi eq, %jit3A_232, %eq3A_233 : i32
    %jit3A_235 = arith.constant 1 : i32
    %select_n3A_236 = arith.select %eq3A_234, %jit3A_235, %jit3A_232 : i32
    %rem3A_237 = arith.remsi %add3A_2, %select_n3A_236 : i32
    %ne3A_238 = arith.constant 0 : i32
    %ne3A_239 = arith.cmpi ne, %rem3A_237, %ne3A_238 : i32
    %lt3A_240 = arith.constant 0 : i32
    %lt3A_241 = arith.cmpi slt, %rem3A_237, %lt3A_240 : i32
    %lt3A_242 = arith.constant 0 : i32
    %lt3A_243 = arith.cmpi slt, %select_n3A_236, %lt3A_242 : i32
    %ne3A_244 = arith.xori %lt3A_241, %lt3A_243 : i1
    %and3A_245 = arith.andi %ne3A_244, %ne3A_239 : i1
    %add3A_246 = arith.addi %rem3A_237, %select_n3A_236 : i32
    %select_n3A_247 = arith.select %and3A_245, %add3A_246, %rem3A_237 : i32
    %mul3A_248 = arith.constant 524288 : i32
    %mul3A_249 = arith.muli %select_n3A_231, %mul3A_248 : i32
    %mul3A_250 = arith.constant 65536 : i32
    %mul3A_251 = arith.muli %select_n3A_247, %mul3A_250 : i32
    %add3A_252 = arith.addi %mul3A_249, %mul3A_251 : i32
    %scan3A_253 = arith.constant 0 : i32
    %scan3A_254 = arith.constant 0 : i32
    %scan3A_255 = arith.constant 4096 : i32
    %scan3A_256 = arith.addi %scan3A_254, %scan3A_255 : i32
    %scan3A_257 = arith.constant 1 : i32
    scf.for %scan3A_431 = %scan3A_254 to %scan3A_256 step %scan3A_257  : i32 {
      %broadcast_in_dim3A = arith.constant 0.000000e+00 : f32
      %broadcast_in_dim3A_432 = vector.broadcast %broadcast_in_dim3A : f32 to vector<16xf32>
      %mul3A_433 = arith.constant 16 : i32
      %mul3A_434 = arith.muli %scan3A_431, %mul3A_433 : i32
      %swap3A = arith.index_cast %mul3A_434 : i32 to index
      %swap3A_435 = tpu.vector_load %arg6[%swap3A] {strides = array<i32>} : memref<65536xf32, #tpu.memory_space<vmem>>, vector<16xf32>,
      tpu.vector_store %arg6[%swap3A], %broadcast_in_dim3A_432 {strides = array<i32>} : memref<65536xf32, #tpu.memory_space<vmem>>, vector<16xf32>,
    }
    %scan3A_258 = arith.constant 4096 : i32
    %mul3A_259 = arith.constant 4 : i32
    %mul3A_260 = arith.muli %select_n3A_231, %mul3A_259 : i32
    %add3A_261 = arith.constant 0 : i32
    %add3A_262 = arith.addi %mul3A_260, %add3A_261 : i32
    %mul3A_263 = arith.constant 16 : i32
    %mul3A_264 = arith.muli %add3A_262, %mul3A_263 : i32
    %get3A_265 = arith.index_cast %mul3A_264 : i32 to index
    %get3A_266 = tpu.vector_load %arg7[%get3A_265] {strides = array<i32>} : memref<512xi32, #tpu.memory_space<vmem>>, vector<16xi32>,
    %reduce_max3A_267 = arith.constant true
    %reduce_max3A_268 = vector.broadcast %reduce_max3A_267 : i1 to vector<16xi1>
    %reduce_max3A_269 = arith.constant -2147483648 : i32
    %reduce_max3A_270 = vector.broadcast %reduce_max3A_269 : i32 to vector<16xi32>
    %reduce_max3A_271 = arith.xori %get3A_266, %reduce_max3A_270 : vector<16xi32>
    %reduce_max3A_272 = tpu.scan <max>, %reduce_max3A_271 masked %reduce_max3A_268 : vector<16xi32>, vector<16xi1> -> vector<16xi32>
    %reduce_max3A_273 = arith.xori %reduce_max3A_272, %reduce_max3A_270 : vector<16xi32>
    %reduce_max3A_274 = vector.extract %reduce_max3A_273[15] : i32 from vector<16xi32>
    %add3A_275 = arith.constant 2048 : i32
    %add3A_276 = arith.addi %reduce_max3A_274, %add3A_275 : i32
    %sub3A_277 = arith.constant 1 : i32
    %sub3A_278 = arith.subi %add3A_276, %sub3A_277 : i32
    %shift_right_arithmetic3A_279 = arith.constant 11 : i32
    %shift_right_arithmetic3A_280 = arith.shrsi %sub3A_278, %shift_right_arithmetic3A_279 : i32
    %mul3A_281 = arith.constant 131072 : i32
    %mul3A_282 = arith.muli %add3A_262, %mul3A_281 : i32
    %gt3A_283 = arith.constant 0 : i32
    %gt3A_284 = arith.cmpi sgt, %shift_right_arithmetic3A_280, %gt3A_283 : i32
    %convert_element_type3A_285 = arith.extui %gt3A_284 : i1 to i32
    %cond3A_286 = arith.constant 0 : i32
    %cond3A_287 = arith.cmpi ne, %convert_element_type3A_285, %cond3A_286 : i32
    scf.if %cond3A_287 {
      %dma_start3A = tpu.memref_slice %arg2[%mul3A_282] : memref<4194304xi32, #tpu.memory_space<hbm>> -> memref<2048xi32, #tpu.memory_space<hbm>>
      %dma_start3A_431 = tpu.memref_slice %arg2[%mul3A_282] : memref<4194304xi32, #tpu.memory_space<hbm>> -> memref<2048xi32, #tpu.memory_space<hbm>>
      tpu.enqueue_dma source(%dma_start3A_431 : memref<2048xi32, #tpu.memory_space<hbm>>) target(%arg8 : memref<2048xi32, #tpu.memory_space<vmem>>) target_semaphore(%arg12 : memref<!tpu.dma_semaphore, #tpu.memory_space<semaphore_mem>>)
      %dma_start3A_432 = tpu.memref_slice %arg3[%mul3A_282] : memref<4194304xf32, #tpu.memory_space<hbm>> -> memref<2048xf32, #tpu.memory_space<hbm>>
      %dma_start3A_433 = tpu.memref_slice %arg3[%mul3A_282] : memref<4194304xf32, #tpu.memory_space<hbm>> -> memref<2048xf32, #tpu.memory_space<hbm>>
      tpu.enqueue_dma source(%dma_start3A_433 : memref<2048xf32, #tpu.memory_space<hbm>>) target(%arg10 : memref<2048xf32, #tpu.memory_space<vmem>>) target_semaphore(%arg14 : memref<!tpu.dma_semaphore, #tpu.memory_space<semaphore_mem>>)
    } else {
    }
    %add3A_288 = arith.constant 1 : i32
    %add3A_289 = arith.addi %shift_right_arithmetic3A_280, %add3A_288 : i32
    %shift_right_arithmetic3A_290 = arith.constant 1 : i32
    %shift_right_arithmetic3A_291 = arith.shrsi %add3A_289, %shift_right_arithmetic3A_290 : i32
    %while3A_292 = arith.constant 0 : i32
    %while3A_293 = arith.constant 0 : i32
    %while3A_294 = arith.subi %shift_right_arithmetic3A_291, %while3A_293 : i32
    %while3A_295 = arith.addi %while3A_293, %while3A_294 : i32
    %while3A_296 = arith.constant 1 : i32
    %while3A_297 = arith.divsi %while3A_294, %while3A_296 : i32
    %while3A_298 = arith.muli %while3A_297, %while3A_296 : i32
    %while3A_299 = arith.addi %while3A_293, %while3A_298 : i32
    %while3A_300 = arith.constant 1 : i32
    scf.for %while3A_431 = %while3A_293 to %while3A_299 step %while3A_300  : i32 {
      %mul3A_432 = arith.constant 2 : i32
      %mul3A_433 = arith.muli %while3A_431, %mul3A_432 : i32
      %dma_wait3A = arith.constant 0 : i32
      %dma_wait3A_434 = tpu.memref_slice %arg2[%dma_wait3A] : memref<4194304xi32, #tpu.memory_space<hbm>> -> memref<2048xi32, #tpu.memory_space<hbm>>
      %dma_wait3A_435 = arith.constant 0 : i32
      %dma_wait3A_436 = tpu.memref_slice %arg2[%dma_wait3A_435] : memref<4194304xi32, #tpu.memory_space<hbm>> -> memref<2048xi32, #tpu.memory_space<hbm>>
      tpu.wait_dma2 semaphore(%arg12 : memref<!tpu.dma_semaphore, #tpu.memory_space<semaphore_mem>>) src(%dma_wait3A_436 : memref<2048xi32, #tpu.memory_space<hbm>>) dst(%arg8 : memref<2048xi32, #tpu.memory_space<vmem>>)
      %dma_wait3A_437 = arith.constant 0 : i32
      %dma_wait3A_438 = tpu.memref_slice %arg3[%dma_wait3A_437] : memref<4194304xf32, #tpu.memory_space<hbm>> -> memref<2048xf32, #tpu.memory_space<hbm>>
      %dma_wait3A_439 = arith.constant 0 : i32
      %dma_wait3A_440 = tpu.memref_slice %arg3[%dma_wait3A_439] : memref<4194304xf32, #tpu.memory_space<hbm>> -> memref<2048xf32, #tpu.memory_space<hbm>>
      tpu.wait_dma2 semaphore(%arg14 : memref<!tpu.dma_semaphore, #tpu.memory_space<semaphore_mem>>) src(%dma_wait3A_440 : memref<2048xf32, #tpu.memory_space<hbm>>) dst(%arg10 : memref<2048xf32, #tpu.memory_space<vmem>>)
      %add3A_441 = arith.constant 1 : i32
      %add3A_442 = arith.addi %mul3A_433, %add3A_441 : i32
      %lt3A_443 = arith.cmpi slt, %add3A_442, %shift_right_arithmetic3A_280 : i32
      %convert_element_type3A_444 = arith.extui %lt3A_443 : i1 to i32
      %cond3A_445 = arith.constant 0 : i32
      %cond3A_446 = arith.cmpi ne, %convert_element_type3A_444, %cond3A_445 : i32
      scf.if %cond3A_446 {
        %add3A_459 = arith.constant 1 : i32
        %add3A_460 = arith.addi %mul3A_433, %add3A_459 : i32
        %mul3A_461 = arith.constant 2048 : i32
        %mul3A_462 = arith.muli %add3A_460, %mul3A_461 : i32
        %add3A_463 = arith.addi %mul3A_282, %mul3A_462 : i32
        %dma_start3A = tpu.memref_slice %arg2[%add3A_463] : memref<4194304xi32, #tpu.memory_space<hbm>> -> memref<2048xi32, #tpu.memory_space<hbm>>
        %dma_start3A_464 = tpu.memref_slice %arg2[%add3A_463] : memref<4194304xi32, #tpu.memory_space<hbm>> -> memref<2048xi32, #tpu.memory_space<hbm>>
        tpu.enqueue_dma source(%dma_start3A_464 : memref<2048xi32, #tpu.memory_space<hbm>>) target(%arg9 : memref<2048xi32, #tpu.memory_space<vmem>>) target_semaphore(%arg13 : memref<!tpu.dma_semaphore, #tpu.memory_space<semaphore_mem>>)
        %add3A_465 = arith.constant 1 : i32
        %add3A_466 = arith.addi %mul3A_433, %add3A_465 : i32
        %mul3A_467 = arith.constant 2048 : i32
        %mul3A_468 = arith.muli %add3A_466, %mul3A_467 : i32
        %add3A_469 = arith.addi %mul3A_282, %mul3A_468 : i32
        %dma_start3A_470 = tpu.memref_slice %arg3[%add3A_469] : memref<4194304xf32, #tpu.memory_space<hbm>> -> memref<2048xf32, #tpu.memory_space<hbm>>
        %dma_start3A_471 = tpu.memref_slice %arg3[%add3A_469] : memref<4194304xf32, #tpu.memory_space<hbm>> -> memref<2048xf32, #tpu.memory_space<hbm>>
        tpu.enqueue_dma source(%dma_start3A_471 : memref<2048xf32, #tpu.memory_space<hbm>>) target(%arg11 : memref<2048xf32, #tpu.memory_space<vmem>>) target_semaphore(%arg15 : memref<!tpu.dma_semaphore, #tpu.memory_space<semaphore_mem>>)
      } else {
      }
      %scan3A_447 = arith.constant 0 : i32
      %scan3A_448 = arith.constant 0 : i32
      %scan3A_449 = arith.constant 128 : i32
      %scan3A_450 = arith.addi %scan3A_448, %scan3A_449 : i32
      %scan3A_451 = arith.constant 1 : i32
      scf.for %scan3A_459 = %scan3A_448 to %scan3A_450 step %scan3A_451  : i32 {
        %mul3A_460 = arith.constant 16 : i32
        %mul3A_461 = arith.muli %scan3A_459, %mul3A_460 : i32
        %get3A_462 = arith.index_cast %mul3A_461 : i32 to index
        %get3A_463 = tpu.vector_load %arg8[%get3A_462] {strides = array<i32>} : memref<2048xi32, #tpu.memory_space<vmem>>, vector<16xi32>,
        %sub3A_464 = vector.broadcast %add3A_252 : i32 to vector<16xi32>
        %sub3A_465 = arith.subi %get3A_463, %sub3A_464 : vector<16xi32>
        %bitcast3A = vector.bitcast %sub3A_465 : vector<16xi32> to vector<16xi32>
        %lt3A_466 = arith.constant 65536 : i32
        %lt3A_467 = vector.broadcast %lt3A_466 : i32 to vector<16xi32>
        %lt3A_468 = arith.cmpi ult, %bitcast3A, %lt3A_467 : vector<16xi32>
        %jit3A_469 = arith.constant 0 : i32
        %broadcast_in_dim3A = vector.broadcast %jit3A_469 : i32 to vector<16xi32>
        %select_n3A_470 = arith.select %lt3A_468, %sub3A_465, %broadcast_in_dim3A : vector<16xi1>, vector<16xi32>
        %mul3A_471 = arith.constant 16 : i32
        %mul3A_472 = arith.muli %scan3A_459, %mul3A_471 : i32
        %get3A_473 = arith.index_cast %mul3A_472 : i32 to index
        %get3A_474 = tpu.vector_load %arg10[%get3A_473] {strides = array<i32>} : memref<2048xf32, #tpu.memory_space<vmem>>, vector<16xf32>,
        tpu.vector_store_idx %arg6[%select_n3A_470], %get3A_474 masked %lt3A_468 : memref<65536xf32, #tpu.memory_space<vmem>>[vector<16xi32>], vector<16xf32>, vector<16xi1>
      }
      %scan3A_452 = arith.constant 128 : i32
      %add3A_453 = arith.constant 1 : i32
      %add3A_454 = arith.addi %mul3A_433, %add3A_453 : i32
      %lt3A_455 = arith.cmpi slt, %add3A_454, %shift_right_arithmetic3A_280 : i32
      %convert_element_type3A_456 = arith.extui %lt3A_455 : i1 to i32
      %cond3A_457 = arith.constant 0 : i32
      %cond3A_458 = arith.cmpi ne, %convert_element_type3A_456, %cond3A_457 : i32
      scf.if %cond3A_458 {
        %add3A_459 = arith.constant 2 : i32
        %add3A_460 = arith.addi %mul3A_433, %add3A_459 : i32
        %lt3A_461 = arith.cmpi slt, %add3A_460, %shift_right_arithmetic3A_280 : i32
        %convert_element_type3A_462 = arith.extui %lt3A_461 : i1 to i32
        %cond3A_463 = arith.constant 0 : i32
        %cond3A_464 = arith.cmpi ne, %convert_element_type3A_462, %cond3A_463 : i32
        scf.if %cond3A_464 {
          %add3A_479 = arith.constant 2 : i32
          %add3A_480 = arith.addi %mul3A_433, %add3A_479 : i32
          %mul3A_481 = arith.constant 2048 : i32
          %mul3A_482 = arith.muli %add3A_480, %mul3A_481 : i32
          %add3A_483 = arith.addi %mul3A_282, %mul3A_482 : i32
          %dma_start3A = tpu.memref_slice %arg2[%add3A_483] : memref<4194304xi32, #tpu.memory_space<hbm>> -> memref<2048xi32, #tpu.memory_space<hbm>>
          %dma_start3A_484 = tpu.memref_slice %arg2[%add3A_483] : memref<4194304xi32, #tpu.memory_space<hbm>> -> memref<2048xi32, #tpu.memory_space<hbm>>
          tpu.enqueue_dma source(%dma_start3A_484 : memref<2048xi32, #tpu.memory_space<hbm>>) target(%arg8 : memref<2048xi32, #tpu.memory_space<vmem>>) target_semaphore(%arg12 : memref<!tpu.dma_semaphore, #tpu.memory_space<semaphore_mem>>)
          %add3A_485 = arith.constant 2 : i32
          %add3A_486 = arith.addi %mul3A_433, %add3A_485 : i32
          %mul3A_487 = arith.constant 2048 : i32
          %mul3A_488 = arith.muli %add3A_486, %mul3A_487 : i32
          %add3A_489 = arith.addi %mul3A_282, %mul3A_488 : i32
          %dma_start3A_490 = tpu.memref_slice %arg3[%add3A_489] : memref<4194304xf32, #tpu.memory_space<hbm>> -> memref<2048xf32, #tpu.memory_space<hbm>>
          %dma_start3A_491 = tpu.memref_slice %arg3[%add3A_489] : memref<4194304xf32, #tpu.memory_space<hbm>> -> memref<2048xf32, #tpu.memory_space<hbm>>
          tpu.enqueue_dma source(%dma_start3A_491 : memref<2048xf32, #tpu.memory_space<hbm>>) target(%arg10 : memref<2048xf32, #tpu.memory_space<vmem>>) target_semaphore(%arg14 : memref<!tpu.dma_semaphore, #tpu.memory_space<semaphore_mem>>)
        } else {
        }
        %dma_wait3A_465 = arith.constant 0 : i32
        %dma_wait3A_466 = tpu.memref_slice %arg2[%dma_wait3A_465] : memref<4194304xi32, #tpu.memory_space<hbm>> -> memref<2048xi32, #tpu.memory_space<hbm>>
        %dma_wait3A_467 = arith.constant 0 : i32
        %dma_wait3A_468 = tpu.memref_slice %arg2[%dma_wait3A_467] : memref<4194304xi32, #tpu.memory_space<hbm>> -> memref<2048xi32, #tpu.memory_space<hbm>>
        tpu.wait_dma2 semaphore(%arg13 : memref<!tpu.dma_semaphore, #tpu.memory_space<semaphore_mem>>) src(%dma_wait3A_468 : memref<2048xi32, #tpu.memory_space<hbm>>) dst(%arg9 : memref<2048xi32, #tpu.memory_space<vmem>>)
        %dma_wait3A_469 = arith.constant 0 : i32
        %dma_wait3A_470 = tpu.memref_slice %arg3[%dma_wait3A_469] : memref<4194304xf32, #tpu.memory_space<hbm>> -> memref<2048xf32, #tpu.memory_space<hbm>>
        %dma_wait3A_471 = arith.constant 0 : i32
        %dma_wait3A_472 = tpu.memref_slice %arg3[%dma_wait3A_471] : memref<4194304xf32, #tpu.memory_space<hbm>> -> memref<2048xf32, #tpu.memory_space<hbm>>
        tpu.wait_dma2 semaphore(%arg15 : memref<!tpu.dma_semaphore, #tpu.memory_space<semaphore_mem>>) src(%dma_wait3A_472 : memref<2048xf32, #tpu.memory_space<hbm>>) dst(%arg11 : memref<2048xf32, #tpu.memory_space<vmem>>)
        %scan3A_473 = arith.constant 0 : i32
        %scan3A_474 = arith.constant 0 : i32
        %scan3A_475 = arith.constant 128 : i32
        %scan3A_476 = arith.addi %scan3A_474, %scan3A_475 : i32
        %scan3A_477 = arith.constant 1 : i32
        scf.for %scan3A_479 = %scan3A_474 to %scan3A_476 step %scan3A_477  : i32 {
          %mul3A_480 = arith.constant 16 : i32
          %mul3A_481 = arith.muli %scan3A_479, %mul3A_480 : i32
          %get3A_482 = arith.index_cast %mul3A_481 : i32 to index
          %get3A_483 = tpu.vector_load %arg9[%get3A_482] {strides = array<i32>} : memref<2048xi32, #tpu.memory_space<vmem>>, vector<16xi32>,
          %sub3A_484 = vector.broadcast %add3A_252 : i32 to vector<16xi32>
          %sub3A_485 = arith.subi %get3A_483, %sub3A_484 : vector<16xi32>
          %bitcast3A = vector.bitcast %sub3A_485 : vector<16xi32> to vector<16xi32>
          %lt3A_486 = arith.constant 65536 : i32
          %lt3A_487 = vector.broadcast %lt3A_486 : i32 to vector<16xi32>
          %lt3A_488 = arith.cmpi ult, %bitcast3A, %lt3A_487 : vector<16xi32>
          %jit3A_489 = arith.constant 0 : i32
          %broadcast_in_dim3A = vector.broadcast %jit3A_489 : i32 to vector<16xi32>
          %select_n3A_490 = arith.select %lt3A_488, %sub3A_485, %broadcast_in_dim3A : vector<16xi1>, vector<16xi32>
          %mul3A_491 = arith.constant 16 : i32
          %mul3A_492 = arith.muli %scan3A_479, %mul3A_491 : i32
          %get3A_493 = arith.index_cast %mul3A_492 : i32 to index
          %get3A_494 = tpu.vector_load %arg11[%get3A_493] {strides = array<i32>} : memref<2048xf32, #tpu.memory_space<vmem>>, vector<16xf32>,
          tpu.vector_store_idx %arg6[%select_n3A_490], %get3A_494 masked %lt3A_488 : memref<65536xf32, #tpu.memory_space<vmem>>[vector<16xi32>], vector<16xf32>, vector<16xi1>
        }
        %scan3A_478 = arith.constant 128 : i32
      } else {
      }
    }
    %while3A_301 = arith.constant 1 : i32
    scf.for %while3A_431 = %while3A_299 to %while3A_295 step %while3A_301  : i32 {
      %mul3A_432 = arith.constant 2 : i32
      %mul3A_433 = arith.muli %while3A_431, %mul3A_432 : i32
      %dma_wait3A = arith.constant 0 : i32
      %dma_wait3A_434 = tpu.memref_slice %arg2[%dma_wait3A] : memref<4194304xi32, #tpu.memory_space<hbm>> -> memref<2048xi32, #tpu.memory_space<hbm>>
      %dma_wait3A_435 = arith.constant 0 : i32
      %dma_wait3A_436 = tpu.memref_slice %arg2[%dma_wait3A_435] : memref<4194304xi32, #tpu.memory_space<hbm>> -> memref<2048xi32, #tpu.memory_space<hbm>>
      tpu.wait_dma2 semaphore(%arg12 : memref<!tpu.dma_semaphore, #tpu.memory_space<semaphore_mem>>) src(%dma_wait3A_436 : memref<2048xi32, #tpu.memory_space<hbm>>) dst(%arg8 : memref<2048xi32, #tpu.memory_space<vmem>>)
      %dma_wait3A_437 = arith.constant 0 : i32
      %dma_wait3A_438 = tpu.memref_slice %arg3[%dma_wait3A_437] : memref<4194304xf32, #tpu.memory_space<hbm>> -> memref<2048xf32, #tpu.memory_space<hbm>>
      %dma_wait3A_439 = arith.constant 0 : i32
      %dma_wait3A_440 = tpu.memref_slice %arg3[%dma_wait3A_439] : memref<4194304xf32, #tpu.memory_space<hbm>> -> memref<2048xf32, #tpu.memory_space<hbm>>
      tpu.wait_dma2 semaphore(%arg14 : memref<!tpu.dma_semaphore, #tpu.memory_space<semaphore_mem>>) src(%dma_wait3A_440 : memref<2048xf32, #tpu.memory_space<hbm>>) dst(%arg10 : memref<2048xf32, #tpu.memory_space<vmem>>)
      %add3A_441 = arith.constant 1 : i32
      %add3A_442 = arith.addi %mul3A_433, %add3A_441 : i32
      %lt3A_443 = arith.cmpi slt, %add3A_442, %shift_right_arithmetic3A_280 : i32
      %convert_element_type3A_444 = arith.extui %lt3A_443 : i1 to i32
      %cond3A_445 = arith.constant 0 : i32
      %cond3A_446 = arith.cmpi ne, %convert_element_type3A_444, %cond3A_445 : i32
      scf.if %cond3A_446 {
        %add3A_459 = arith.constant 1 : i32
        %add3A_460 = arith.addi %mul3A_433, %add3A_459 : i32
        %mul3A_461 = arith.constant 2048 : i32
        %mul3A_462 = arith.muli %add3A_460, %mul3A_461 : i32
        %add3A_463 = arith.addi %mul3A_282, %mul3A_462 : i32
        %dma_start3A = tpu.memref_slice %arg2[%add3A_463] : memref<4194304xi32, #tpu.memory_space<hbm>> -> memref<2048xi32, #tpu.memory_space<hbm>>
        %dma_start3A_464 = tpu.memref_slice %arg2[%add3A_463] : memref<4194304xi32, #tpu.memory_space<hbm>> -> memref<2048xi32, #tpu.memory_space<hbm>>
        tpu.enqueue_dma source(%dma_start3A_464 : memref<2048xi32, #tpu.memory_space<hbm>>) target(%arg9 : memref<2048xi32, #tpu.memory_space<vmem>>) target_semaphore(%arg13 : memref<!tpu.dma_semaphore, #tpu.memory_space<semaphore_mem>>)
        %add3A_465 = arith.constant 1 : i32
        %add3A_466 = arith.addi %mul3A_433, %add3A_465 : i32
        %mul3A_467 = arith.constant 2048 : i32
        %mul3A_468 = arith.muli %add3A_466, %mul3A_467 : i32
        %add3A_469 = arith.addi %mul3A_282, %mul3A_468 : i32
        %dma_start3A_470 = tpu.memref_slice %arg3[%add3A_469] : memref<4194304xf32, #tpu.memory_space<hbm>> -> memref<2048xf32, #tpu.memory_space<hbm>>
        %dma_start3A_471 = tpu.memref_slice %arg3[%add3A_469] : memref<4194304xf32, #tpu.memory_space<hbm>> -> memref<2048xf32, #tpu.memory_space<hbm>>
        tpu.enqueue_dma source(%dma_start3A_471 : memref<2048xf32, #tpu.memory_space<hbm>>) target(%arg11 : memref<2048xf32, #tpu.memory_space<vmem>>) target_semaphore(%arg15 : memref<!tpu.dma_semaphore, #tpu.memory_space<semaphore_mem>>)
      } else {
      }
      %scan3A_447 = arith.constant 0 : i32
      %scan3A_448 = arith.constant 0 : i32
      %scan3A_449 = arith.constant 128 : i32
      %scan3A_450 = arith.addi %scan3A_448, %scan3A_449 : i32
      %scan3A_451 = arith.constant 1 : i32
      scf.for %scan3A_459 = %scan3A_448 to %scan3A_450 step %scan3A_451  : i32 {
        %mul3A_460 = arith.constant 16 : i32
        %mul3A_461 = arith.muli %scan3A_459, %mul3A_460 : i32
        %get3A_462 = arith.index_cast %mul3A_461 : i32 to index
        %get3A_463 = tpu.vector_load %arg8[%get3A_462] {strides = array<i32>} : memref<2048xi32, #tpu.memory_space<vmem>>, vector<16xi32>,
        %sub3A_464 = vector.broadcast %add3A_252 : i32 to vector<16xi32>
        %sub3A_465 = arith.subi %get3A_463, %sub3A_464 : vector<16xi32>
        %bitcast3A = vector.bitcast %sub3A_465 : vector<16xi32> to vector<16xi32>
        %lt3A_466 = arith.constant 65536 : i32
        %lt3A_467 = vector.broadcast %lt3A_466 : i32 to vector<16xi32>
        %lt3A_468 = arith.cmpi ult, %bitcast3A, %lt3A_467 : vector<16xi32>
        %jit3A_469 = arith.constant 0 : i32
        %broadcast_in_dim3A = vector.broadcast %jit3A_469 : i32 to vector<16xi32>
        %select_n3A_470 = arith.select %lt3A_468, %sub3A_465, %broadcast_in_dim3A : vector<16xi1>, vector<16xi32>
        %mul3A_471 = arith.constant 16 : i32
        %mul3A_472 = arith.muli %scan3A_459, %mul3A_471 : i32
        %get3A_473 = arith.index_cast %mul3A_472 : i32 to index
        %get3A_474 = tpu.vector_load %arg10[%get3A_473] {strides = array<i32>} : memref<2048xf32, #tpu.memory_space<vmem>>, vector<16xf32>,
        tpu.vector_store_idx %arg6[%select_n3A_470], %get3A_474 masked %lt3A_468 : memref<65536xf32, #tpu.memory_space<vmem>>[vector<16xi32>], vector<16xf32>, vector<16xi1>
      }
      %scan3A_452 = arith.constant 128 : i32
      %add3A_453 = arith.constant 1 : i32
      %add3A_454 = arith.addi %mul3A_433, %add3A_453 : i32
      %lt3A_455 = arith.cmpi slt, %add3A_454, %shift_right_arithmetic3A_280 : i32
      %convert_element_type3A_456 = arith.extui %lt3A_455 : i1 to i32
      %cond3A_457 = arith.constant 0 : i32
      %cond3A_458 = arith.cmpi ne, %convert_element_type3A_456, %cond3A_457 : i32
      scf.if %cond3A_458 {
        %add3A_459 = arith.constant 2 : i32
        %add3A_460 = arith.addi %mul3A_433, %add3A_459 : i32
        %lt3A_461 = arith.cmpi slt, %add3A_460, %shift_right_arithmetic3A_280 : i32
        %convert_element_type3A_462 = arith.extui %lt3A_461 : i1 to i32
        %cond3A_463 = arith.constant 0 : i32
        %cond3A_464 = arith.cmpi ne, %convert_element_type3A_462, %cond3A_463 : i32
        scf.if %cond3A_464 {
          %add3A_479 = arith.constant 2 : i32
          %add3A_480 = arith.addi %mul3A_433, %add3A_479 : i32
          %mul3A_481 = arith.constant 2048 : i32
          %mul3A_482 = arith.muli %add3A_480, %mul3A_481 : i32
          %add3A_483 = arith.addi %mul3A_282, %mul3A_482 : i32
          %dma_start3A = tpu.memref_slice %arg2[%add3A_483] : memref<4194304xi32, #tpu.memory_space<hbm>> -> memref<2048xi32, #tpu.memory_space<hbm>>
          %dma_start3A_484 = tpu.memref_slice %arg2[%add3A_483] : memref<4194304xi32, #tpu.memory_space<hbm>> -> memref<2048xi32, #tpu.memory_space<hbm>>
          tpu.enqueue_dma source(%dma_start3A_484 : memref<2048xi32, #tpu.memory_space<hbm>>) target(%arg8 : memref<2048xi32, #tpu.memory_space<vmem>>) target_semaphore(%arg12 : memref<!tpu.dma_semaphore, #tpu.memory_space<semaphore_mem>>)
          %add3A_485 = arith.constant 2 : i32
          %add3A_486 = arith.addi %mul3A_433, %add3A_485 : i32
          %mul3A_487 = arith.constant 2048 : i32
          %mul3A_488 = arith.muli %add3A_486, %mul3A_487 : i32
          %add3A_489 = arith.addi %mul3A_282, %mul3A_488 : i32
          %dma_start3A_490 = tpu.memref_slice %arg3[%add3A_489] : memref<4194304xf32, #tpu.memory_space<hbm>> -> memref<2048xf32, #tpu.memory_space<hbm>>
          %dma_start3A_491 = tpu.memref_slice %arg3[%add3A_489] : memref<4194304xf32, #tpu.memory_space<hbm>> -> memref<2048xf32, #tpu.memory_space<hbm>>
          tpu.enqueue_dma source(%dma_start3A_491 : memref<2048xf32, #tpu.memory_space<hbm>>) target(%arg10 : memref<2048xf32, #tpu.memory_space<vmem>>) target_semaphore(%arg14 : memref<!tpu.dma_semaphore, #tpu.memory_space<semaphore_mem>>)
        } else {
        }
        %dma_wait3A_465 = arith.constant 0 : i32
        %dma_wait3A_466 = tpu.memref_slice %arg2[%dma_wait3A_465] : memref<4194304xi32, #tpu.memory_space<hbm>> -> memref<2048xi32, #tpu.memory_space<hbm>>
        %dma_wait3A_467 = arith.constant 0 : i32
        %dma_wait3A_468 = tpu.memref_slice %arg2[%dma_wait3A_467] : memref<4194304xi32, #tpu.memory_space<hbm>> -> memref<2048xi32, #tpu.memory_space<hbm>>
        tpu.wait_dma2 semaphore(%arg13 : memref<!tpu.dma_semaphore, #tpu.memory_space<semaphore_mem>>) src(%dma_wait3A_468 : memref<2048xi32, #tpu.memory_space<hbm>>) dst(%arg9 : memref<2048xi32, #tpu.memory_space<vmem>>)
        %dma_wait3A_469 = arith.constant 0 : i32
        %dma_wait3A_470 = tpu.memref_slice %arg3[%dma_wait3A_469] : memref<4194304xf32, #tpu.memory_space<hbm>> -> memref<2048xf32, #tpu.memory_space<hbm>>
        %dma_wait3A_471 = arith.constant 0 : i32
        %dma_wait3A_472 = tpu.memref_slice %arg3[%dma_wait3A_471] : memref<4194304xf32, #tpu.memory_space<hbm>> -> memref<2048xf32, #tpu.memory_space<hbm>>
        tpu.wait_dma2 semaphore(%arg15 : memref<!tpu.dma_semaphore, #tpu.memory_space<semaphore_mem>>) src(%dma_wait3A_472 : memref<2048xf32, #tpu.memory_space<hbm>>) dst(%arg11 : memref<2048xf32, #tpu.memory_space<vmem>>)
        %scan3A_473 = arith.constant 0 : i32
        %scan3A_474 = arith.constant 0 : i32
        %scan3A_475 = arith.constant 128 : i32
        %scan3A_476 = arith.addi %scan3A_474, %scan3A_475 : i32
        %scan3A_477 = arith.constant 1 : i32
        scf.for %scan3A_479 = %scan3A_474 to %scan3A_476 step %scan3A_477  : i32 {
          %mul3A_480 = arith.constant 16 : i32
          %mul3A_481 = arith.muli %scan3A_479, %mul3A_480 : i32
          %get3A_482 = arith.index_cast %mul3A_481 : i32 to index
          %get3A_483 = tpu.vector_load %arg9[%get3A_482] {strides = array<i32>} : memref<2048xi32, #tpu.memory_space<vmem>>, vector<16xi32>,
          %sub3A_484 = vector.broadcast %add3A_252 : i32 to vector<16xi32>
          %sub3A_485 = arith.subi %get3A_483, %sub3A_484 : vector<16xi32>
          %bitcast3A = vector.bitcast %sub3A_485 : vector<16xi32> to vector<16xi32>
          %lt3A_486 = arith.constant 65536 : i32
          %lt3A_487 = vector.broadcast %lt3A_486 : i32 to vector<16xi32>
          %lt3A_488 = arith.cmpi ult, %bitcast3A, %lt3A_487 : vector<16xi32>
          %jit3A_489 = arith.constant 0 : i32
          %broadcast_in_dim3A = vector.broadcast %jit3A_489 : i32 to vector<16xi32>
          %select_n3A_490 = arith.select %lt3A_488, %sub3A_485, %broadcast_in_dim3A : vector<16xi1>, vector<16xi32>
          %mul3A_491 = arith.constant 16 : i32
          %mul3A_492 = arith.muli %scan3A_479, %mul3A_491 : i32
          %get3A_493 = arith.index_cast %mul3A_492 : i32 to index
          %get3A_494 = tpu.vector_load %arg11[%get3A_493] {strides = array<i32>} : memref<2048xf32, #tpu.memory_space<vmem>>, vector<16xf32>,
          tpu.vector_store_idx %arg6[%select_n3A_490], %get3A_494 masked %lt3A_488 : memref<65536xf32, #tpu.memory_space<vmem>>[vector<16xi32>], vector<16xf32>, vector<16xi1>
        }
        %scan3A_478 = arith.constant 128 : i32
      } else {
      }
    }
    %mul3A_302 = arith.constant 4 : i32
    %mul3A_303 = arith.muli %select_n3A_231, %mul3A_302 : i32
    %add3A_304 = arith.constant 1 : i32
    %add3A_305 = arith.addi %mul3A_303, %add3A_304 : i32
    %mul3A_306 = arith.constant 16 : i32
    %mul3A_307 = arith.muli %add3A_305, %mul3A_306 : i32
    %get3A_308 = arith.index_cast %mul3A_307 : i32 to index
    %get3A_309 = tpu.vector_load %arg7[%get3A_308] {strides = array<i32>} : memref<512xi32, #tpu.memory_space<vmem>>, vector<16xi32>,
    %reduce_max3A_310 = arith.constant true
    %reduce_max3A_311 = vector.broadcast %reduce_max3A_310 : i1 to vector<16xi1>
    %reduce_max3A_312 = arith.constant -2147483648 : i32
    %reduce_max3A_313 = vector.broadcast %reduce_max3A_312 : i32 to vector<16xi32>
    %reduce_max3A_314 = arith.xori %get3A_309, %reduce_max3A_313 : vector<16xi32>
    %reduce_max3A_315 = tpu.scan <max>, %reduce_max3A_314 masked %reduce_max3A_311 : vector<16xi32>, vector<16xi1> -> vector<16xi32>
    %reduce_max3A_316 = arith.xori %reduce_max3A_315, %reduce_max3A_313 : vector<16xi32>
    %reduce_max3A_317 = vector.extract %reduce_max3A_316[15] : i32 from vector<16xi32>
    %add3A_318 = arith.constant 2048 : i32
    %add3A_319 = arith.addi %reduce_max3A_317, %add3A_318 : i32
    %sub3A_320 = arith.constant 1 : i32
    %sub3A_321 = arith.subi %add3A_319, %sub3A_320 : i32
    %shift_right_arithmetic3A_322 = arith.constant 11 : i32
    %shift_right_arithmetic3A_323 = arith.shrsi %sub3A_321, %shift_right_arithmetic3A_322 : i32
    %mul3A_324 = arith.constant 131072 : i32
    %mul3A_325 = arith.muli %add3A_305, %mul3A_324 : i32
    %gt3A_326 = arith.constant 0 : i32
    %gt3A_327 = arith.cmpi sgt, %shift_right_arithmetic3A_323, %gt3A_326 : i32
    %convert_element_type3A_328 = arith.extui %gt3A_327 : i1 to i32
    %cond3A_329 = arith.constant 0 : i32
    %cond3A_330 = arith.cmpi ne, %convert_element_type3A_328, %cond3A_329 : i32
    scf.if %cond3A_330 {
      %dma_start3A = tpu.memref_slice %arg2[%mul3A_325] : memref<4194304xi32, #tpu.memory_space<hbm>> -> memref<2048xi32, #tpu.memory_space<hbm>>
      %dma_start3A_431 = tpu.memref_slice %arg2[%mul3A_325] : memref<4194304xi32, #tpu.memory_space<hbm>> -> memref<2048xi32, #tpu.memory_space<hbm>>
      tpu.enqueue_dma source(%dma_start3A_431 : memref<2048xi32, #tpu.memory_space<hbm>>) target(%arg8 : memref<2048xi32, #tpu.memory_space<vmem>>) target_semaphore(%arg12 : memref<!tpu.dma_semaphore, #tpu.memory_space<semaphore_mem>>)
      %dma_start3A_432 = tpu.memref_slice %arg3[%mul3A_325] : memref<4194304xf32, #tpu.memory_space<hbm>> -> memref<2048xf32, #tpu.memory_space<hbm>>
      %dma_start3A_433 = tpu.memref_slice %arg3[%mul3A_325] : memref<4194304xf32, #tpu.memory_space<hbm>> -> memref<2048xf32, #tpu.memory_space<hbm>>
      tpu.enqueue_dma source(%dma_start3A_433 : memref<2048xf32, #tpu.memory_space<hbm>>) target(%arg10 : memref<2048xf32, #tpu.memory_space<vmem>>) target_semaphore(%arg14 : memref<!tpu.dma_semaphore, #tpu.memory_space<semaphore_mem>>)
    } else {
    }
    %add3A_331 = arith.constant 1 : i32
    %add3A_332 = arith.addi %shift_right_arithmetic3A_323, %add3A_331 : i32
    %shift_right_arithmetic3A_333 = arith.constant 1 : i32
    %shift_right_arithmetic3A_334 = arith.shrsi %add3A_332, %shift_right_arithmetic3A_333 : i32
    %while3A_335 = arith.constant 0 : i32
    %while3A_336 = arith.constant 0 : i32
    %while3A_337 = arith.subi %shift_right_arithmetic3A_334, %while3A_336 : i32
    %while3A_338 = arith.addi %while3A_336, %while3A_337 : i32
    %while3A_339 = arith.constant 1 : i32
    %while3A_340 = arith.divsi %while3A_337, %while3A_339 : i32
    %while3A_341 = arith.muli %while3A_340, %while3A_339 : i32
    %while3A_342 = arith.addi %while3A_336, %while3A_341 : i32
    %while3A_343 = arith.constant 1 : i32
    scf.for %while3A_431 = %while3A_336 to %while3A_342 step %while3A_343  : i32 {
      %mul3A_432 = arith.constant 2 : i32
      %mul3A_433 = arith.muli %while3A_431, %mul3A_432 : i32
      %dma_wait3A = arith.constant 0 : i32
      %dma_wait3A_434 = tpu.memref_slice %arg2[%dma_wait3A] : memref<4194304xi32, #tpu.memory_space<hbm>> -> memref<2048xi32, #tpu.memory_space<hbm>>
      %dma_wait3A_435 = arith.constant 0 : i32
      %dma_wait3A_436 = tpu.memref_slice %arg2[%dma_wait3A_435] : memref<4194304xi32, #tpu.memory_space<hbm>> -> memref<2048xi32, #tpu.memory_space<hbm>>
      tpu.wait_dma2 semaphore(%arg12 : memref<!tpu.dma_semaphore, #tpu.memory_space<semaphore_mem>>) src(%dma_wait3A_436 : memref<2048xi32, #tpu.memory_space<hbm>>) dst(%arg8 : memref<2048xi32, #tpu.memory_space<vmem>>)
      %dma_wait3A_437 = arith.constant 0 : i32
      %dma_wait3A_438 = tpu.memref_slice %arg3[%dma_wait3A_437] : memref<4194304xf32, #tpu.memory_space<hbm>> -> memref<2048xf32, #tpu.memory_space<hbm>>
      %dma_wait3A_439 = arith.constant 0 : i32
      %dma_wait3A_440 = tpu.memref_slice %arg3[%dma_wait3A_439] : memref<4194304xf32, #tpu.memory_space<hbm>> -> memref<2048xf32, #tpu.memory_space<hbm>>
      tpu.wait_dma2 semaphore(%arg14 : memref<!tpu.dma_semaphore, #tpu.memory_space<semaphore_mem>>) src(%dma_wait3A_440 : memref<2048xf32, #tpu.memory_space<hbm>>) dst(%arg10 : memref<2048xf32, #tpu.memory_space<vmem>>)
      %add3A_441 = arith.constant 1 : i32
      %add3A_442 = arith.addi %mul3A_433, %add3A_441 : i32
      %lt3A_443 = arith.cmpi slt, %add3A_442, %shift_right_arithmetic3A_323 : i32
      %convert_element_type3A_444 = arith.extui %lt3A_443 : i1 to i32
      %cond3A_445 = arith.constant 0 : i32
      %cond3A_446 = arith.cmpi ne, %convert_element_type3A_444, %cond3A_445 : i32
      scf.if %cond3A_446 {
        %add3A_459 = arith.constant 1 : i32
        %add3A_460 = arith.addi %mul3A_433, %add3A_459 : i32
        %mul3A_461 = arith.constant 2048 : i32
        %mul3A_462 = arith.muli %add3A_460, %mul3A_461 : i32
        %add3A_463 = arith.addi %mul3A_325, %mul3A_462 : i32
        %dma_start3A = tpu.memref_slice %arg2[%add3A_463] : memref<4194304xi32, #tpu.memory_space<hbm>> -> memref<2048xi32, #tpu.memory_space<hbm>>
        %dma_start3A_464 = tpu.memref_slice %arg2[%add3A_463] : memref<4194304xi32, #tpu.memory_space<hbm>> -> memref<2048xi32, #tpu.memory_space<hbm>>
        tpu.enqueue_dma source(%dma_start3A_464 : memref<2048xi32, #tpu.memory_space<hbm>>) target(%arg9 : memref<2048xi32, #tpu.memory_space<vmem>>) target_semaphore(%arg13 : memref<!tpu.dma_semaphore, #tpu.memory_space<semaphore_mem>>)
        %add3A_465 = arith.constant 1 : i32
        %add3A_466 = arith.addi %mul3A_433, %add3A_465 : i32
        %mul3A_467 = arith.constant 2048 : i32
        %mul3A_468 = arith.muli %add3A_466, %mul3A_467 : i32
        %add3A_469 = arith.addi %mul3A_325, %mul3A_468 : i32
        %dma_start3A_470 = tpu.memref_slice %arg3[%add3A_469] : memref<4194304xf32, #tpu.memory_space<hbm>> -> memref<2048xf32, #tpu.memory_space<hbm>>
        %dma_start3A_471 = tpu.memref_slice %arg3[%add3A_469] : memref<4194304xf32, #tpu.memory_space<hbm>> -> memref<2048xf32, #tpu.memory_space<hbm>>
        tpu.enqueue_dma source(%dma_start3A_471 : memref<2048xf32, #tpu.memory_space<hbm>>) target(%arg11 : memref<2048xf32, #tpu.memory_space<vmem>>) target_semaphore(%arg15 : memref<!tpu.dma_semaphore, #tpu.memory_space<semaphore_mem>>)
      } else {
      }
      %scan3A_447 = arith.constant 0 : i32
      %scan3A_448 = arith.constant 0 : i32
      %scan3A_449 = arith.constant 128 : i32
      %scan3A_450 = arith.addi %scan3A_448, %scan3A_449 : i32
      %scan3A_451 = arith.constant 1 : i32
      scf.for %scan3A_459 = %scan3A_448 to %scan3A_450 step %scan3A_451  : i32 {
        %mul3A_460 = arith.constant 16 : i32
        %mul3A_461 = arith.muli %scan3A_459, %mul3A_460 : i32
        %get3A_462 = arith.index_cast %mul3A_461 : i32 to index
        %get3A_463 = tpu.vector_load %arg8[%get3A_462] {strides = array<i32>} : memref<2048xi32, #tpu.memory_space<vmem>>, vector<16xi32>,
        %sub3A_464 = vector.broadcast %add3A_252 : i32 to vector<16xi32>
        %sub3A_465 = arith.subi %get3A_463, %sub3A_464 : vector<16xi32>
        %bitcast3A = vector.bitcast %sub3A_465 : vector<16xi32> to vector<16xi32>
        %lt3A_466 = arith.constant 65536 : i32
        %lt3A_467 = vector.broadcast %lt3A_466 : i32 to vector<16xi32>
        %lt3A_468 = arith.cmpi ult, %bitcast3A, %lt3A_467 : vector<16xi32>
        %jit3A_469 = arith.constant 0 : i32
        %broadcast_in_dim3A = vector.broadcast %jit3A_469 : i32 to vector<16xi32>
        %select_n3A_470 = arith.select %lt3A_468, %sub3A_465, %broadcast_in_dim3A : vector<16xi1>, vector<16xi32>
        %mul3A_471 = arith.constant 16 : i32
        %mul3A_472 = arith.muli %scan3A_459, %mul3A_471 : i32
        %get3A_473 = arith.index_cast %mul3A_472 : i32 to index
        %get3A_474 = tpu.vector_load %arg10[%get3A_473] {strides = array<i32>} : memref<2048xf32, #tpu.memory_space<vmem>>, vector<16xf32>,
        tpu.vector_store_idx %arg6[%select_n3A_470], %get3A_474 masked %lt3A_468 : memref<65536xf32, #tpu.memory_space<vmem>>[vector<16xi32>], vector<16xf32>, vector<16xi1>
      }
      %scan3A_452 = arith.constant 128 : i32
      %add3A_453 = arith.constant 1 : i32
      %add3A_454 = arith.addi %mul3A_433, %add3A_453 : i32
      %lt3A_455 = arith.cmpi slt, %add3A_454, %shift_right_arithmetic3A_323 : i32
      %convert_element_type3A_456 = arith.extui %lt3A_455 : i1 to i32
      %cond3A_457 = arith.constant 0 : i32
      %cond3A_458 = arith.cmpi ne, %convert_element_type3A_456, %cond3A_457 : i32
      scf.if %cond3A_458 {
        %add3A_459 = arith.constant 2 : i32
        %add3A_460 = arith.addi %mul3A_433, %add3A_459 : i32
        %lt3A_461 = arith.cmpi slt, %add3A_460, %shift_right_arithmetic3A_323 : i32
        %convert_element_type3A_462 = arith.extui %lt3A_461 : i1 to i32
        %cond3A_463 = arith.constant 0 : i32
        %cond3A_464 = arith.cmpi ne, %convert_element_type3A_462, %cond3A_463 : i32
        scf.if %cond3A_464 {
          %add3A_479 = arith.constant 2 : i32
          %add3A_480 = arith.addi %mul3A_433, %add3A_479 : i32
          %mul3A_481 = arith.constant 2048 : i32
          %mul3A_482 = arith.muli %add3A_480, %mul3A_481 : i32
          %add3A_483 = arith.addi %mul3A_325, %mul3A_482 : i32
          %dma_start3A = tpu.memref_slice %arg2[%add3A_483] : memref<4194304xi32, #tpu.memory_space<hbm>> -> memref<2048xi32, #tpu.memory_space<hbm>>
          %dma_start3A_484 = tpu.memref_slice %arg2[%add3A_483] : memref<4194304xi32, #tpu.memory_space<hbm>> -> memref<2048xi32, #tpu.memory_space<hbm>>
          tpu.enqueue_dma source(%dma_start3A_484 : memref<2048xi32, #tpu.memory_space<hbm>>) target(%arg8 : memref<2048xi32, #tpu.memory_space<vmem>>) target_semaphore(%arg12 : memref<!tpu.dma_semaphore, #tpu.memory_space<semaphore_mem>>)
          %add3A_485 = arith.constant 2 : i32
          %add3A_486 = arith.addi %mul3A_433, %add3A_485 : i32
          %mul3A_487 = arith.constant 2048 : i32
          %mul3A_488 = arith.muli %add3A_486, %mul3A_487 : i32
          %add3A_489 = arith.addi %mul3A_325, %mul3A_488 : i32
          %dma_start3A_490 = tpu.memref_slice %arg3[%add3A_489] : memref<4194304xf32, #tpu.memory_space<hbm>> -> memref<2048xf32, #tpu.memory_space<hbm>>
          %dma_start3A_491 = tpu.memref_slice %arg3[%add3A_489] : memref<4194304xf32, #tpu.memory_space<hbm>> -> memref<2048xf32, #tpu.memory_space<hbm>>
          tpu.enqueue_dma source(%dma_start3A_491 : memref<2048xf32, #tpu.memory_space<hbm>>) target(%arg10 : memref<2048xf32, #tpu.memory_space<vmem>>) target_semaphore(%arg14 : memref<!tpu.dma_semaphore, #tpu.memory_space<semaphore_mem>>)
        } else {
        }
        %dma_wait3A_465 = arith.constant 0 : i32
        %dma_wait3A_466 = tpu.memref_slice %arg2[%dma_wait3A_465] : memref<4194304xi32, #tpu.memory_space<hbm>> -> memref<2048xi32, #tpu.memory_space<hbm>>
        %dma_wait3A_467 = arith.constant 0 : i32
        %dma_wait3A_468 = tpu.memref_slice %arg2[%dma_wait3A_467] : memref<4194304xi32, #tpu.memory_space<hbm>> -> memref<2048xi32, #tpu.memory_space<hbm>>
        tpu.wait_dma2 semaphore(%arg13 : memref<!tpu.dma_semaphore, #tpu.memory_space<semaphore_mem>>) src(%dma_wait3A_468 : memref<2048xi32, #tpu.memory_space<hbm>>) dst(%arg9 : memref<2048xi32, #tpu.memory_space<vmem>>)
        %dma_wait3A_469 = arith.constant 0 : i32
        %dma_wait3A_470 = tpu.memref_slice %arg3[%dma_wait3A_469] : memref<4194304xf32, #tpu.memory_space<hbm>> -> memref<2048xf32, #tpu.memory_space<hbm>>
        %dma_wait3A_471 = arith.constant 0 : i32
        %dma_wait3A_472 = tpu.memref_slice %arg3[%dma_wait3A_471] : memref<4194304xf32, #tpu.memory_space<hbm>> -> memref<2048xf32, #tpu.memory_space<hbm>>
        tpu.wait_dma2 semaphore(%arg15 : memref<!tpu.dma_semaphore, #tpu.memory_space<semaphore_mem>>) src(%dma_wait3A_472 : memref<2048xf32, #tpu.memory_space<hbm>>) dst(%arg11 : memref<2048xf32, #tpu.memory_space<vmem>>)
        %scan3A_473 = arith.constant 0 : i32
        %scan3A_474 = arith.constant 0 : i32
        %scan3A_475 = arith.constant 128 : i32
        %scan3A_476 = arith.addi %scan3A_474, %scan3A_475 : i32
        %scan3A_477 = arith.constant 1 : i32
        scf.for %scan3A_479 = %scan3A_474 to %scan3A_476 step %scan3A_477  : i32 {
          %mul3A_480 = arith.constant 16 : i32
          %mul3A_481 = arith.muli %scan3A_479, %mul3A_480 : i32
          %get3A_482 = arith.index_cast %mul3A_481 : i32 to index
          %get3A_483 = tpu.vector_load %arg9[%get3A_482] {strides = array<i32>} : memref<2048xi32, #tpu.memory_space<vmem>>, vector<16xi32>,
          %sub3A_484 = vector.broadcast %add3A_252 : i32 to vector<16xi32>
          %sub3A_485 = arith.subi %get3A_483, %sub3A_484 : vector<16xi32>
          %bitcast3A = vector.bitcast %sub3A_485 : vector<16xi32> to vector<16xi32>
          %lt3A_486 = arith.constant 65536 : i32
          %lt3A_487 = vector.broadcast %lt3A_486 : i32 to vector<16xi32>
          %lt3A_488 = arith.cmpi ult, %bitcast3A, %lt3A_487 : vector<16xi32>
          %jit3A_489 = arith.constant 0 : i32
          %broadcast_in_dim3A = vector.broadcast %jit3A_489 : i32 to vector<16xi32>
          %select_n3A_490 = arith.select %lt3A_488, %sub3A_485, %broadcast_in_dim3A : vector<16xi1>, vector<16xi32>
          %mul3A_491 = arith.constant 16 : i32
          %mul3A_492 = arith.muli %scan3A_479, %mul3A_491 : i32
          %get3A_493 = arith.index_cast %mul3A_492 : i32 to index
          %get3A_494 = tpu.vector_load %arg11[%get3A_493] {strides = array<i32>} : memref<2048xf32, #tpu.memory_space<vmem>>, vector<16xf32>,
          tpu.vector_store_idx %arg6[%select_n3A_490], %get3A_494 masked %lt3A_488 : memref<65536xf32, #tpu.memory_space<vmem>>[vector<16xi32>], vector<16xf32>, vector<16xi1>
        }
        %scan3A_478 = arith.constant 128 : i32
      } else {
      }
    }
    %while3A_344 = arith.constant 1 : i32
    scf.for %while3A_431 = %while3A_342 to %while3A_338 step %while3A_344  : i32 {
      %mul3A_432 = arith.constant 2 : i32
      %mul3A_433 = arith.muli %while3A_431, %mul3A_432 : i32
      %dma_wait3A = arith.constant 0 : i32
      %dma_wait3A_434 = tpu.memref_slice %arg2[%dma_wait3A] : memref<4194304xi32, #tpu.memory_space<hbm>> -> memref<2048xi32, #tpu.memory_space<hbm>>
      %dma_wait3A_435 = arith.constant 0 : i32
      %dma_wait3A_436 = tpu.memref_slice %arg2[%dma_wait3A_435] : memref<4194304xi32, #tpu.memory_space<hbm>> -> memref<2048xi32, #tpu.memory_space<hbm>>
      tpu.wait_dma2 semaphore(%arg12 : memref<!tpu.dma_semaphore, #tpu.memory_space<semaphore_mem>>) src(%dma_wait3A_436 : memref<2048xi32, #tpu.memory_space<hbm>>) dst(%arg8 : memref<2048xi32, #tpu.memory_space<vmem>>)
      %dma_wait3A_437 = arith.constant 0 : i32
      %dma_wait3A_438 = tpu.memref_slice %arg3[%dma_wait3A_437] : memref<4194304xf32, #tpu.memory_space<hbm>> -> memref<2048xf32, #tpu.memory_space<hbm>>
      %dma_wait3A_439 = arith.constant 0 : i32
      %dma_wait3A_440 = tpu.memref_slice %arg3[%dma_wait3A_439] : memref<4194304xf32, #tpu.memory_space<hbm>> -> memref<2048xf32, #tpu.memory_space<hbm>>
      tpu.wait_dma2 semaphore(%arg14 : memref<!tpu.dma_semaphore, #tpu.memory_space<semaphore_mem>>) src(%dma_wait3A_440 : memref<2048xf32, #tpu.memory_space<hbm>>) dst(%arg10 : memref<2048xf32, #tpu.memory_space<vmem>>)
      %add3A_441 = arith.constant 1 : i32
      %add3A_442 = arith.addi %mul3A_433, %add3A_441 : i32
      %lt3A_443 = arith.cmpi slt, %add3A_442, %shift_right_arithmetic3A_323 : i32
      %convert_element_type3A_444 = arith.extui %lt3A_443 : i1 to i32
      %cond3A_445 = arith.constant 0 : i32
      %cond3A_446 = arith.cmpi ne, %convert_element_type3A_444, %cond3A_445 : i32
      scf.if %cond3A_446 {
        %add3A_459 = arith.constant 1 : i32
        %add3A_460 = arith.addi %mul3A_433, %add3A_459 : i32
        %mul3A_461 = arith.constant 2048 : i32
        %mul3A_462 = arith.muli %add3A_460, %mul3A_461 : i32
        %add3A_463 = arith.addi %mul3A_325, %mul3A_462 : i32
        %dma_start3A = tpu.memref_slice %arg2[%add3A_463] : memref<4194304xi32, #tpu.memory_space<hbm>> -> memref<2048xi32, #tpu.memory_space<hbm>>
        %dma_start3A_464 = tpu.memref_slice %arg2[%add3A_463] : memref<4194304xi32, #tpu.memory_space<hbm>> -> memref<2048xi32, #tpu.memory_space<hbm>>
        tpu.enqueue_dma source(%dma_start3A_464 : memref<2048xi32, #tpu.memory_space<hbm>>) target(%arg9 : memref<2048xi32, #tpu.memory_space<vmem>>) target_semaphore(%arg13 : memref<!tpu.dma_semaphore, #tpu.memory_space<semaphore_mem>>)
        %add3A_465 = arith.constant 1 : i32
        %add3A_466 = arith.addi %mul3A_433, %add3A_465 : i32
        %mul3A_467 = arith.constant 2048 : i32
        %mul3A_468 = arith.muli %add3A_466, %mul3A_467 : i32
        %add3A_469 = arith.addi %mul3A_325, %mul3A_468 : i32
        %dma_start3A_470 = tpu.memref_slice %arg3[%add3A_469] : memref<4194304xf32, #tpu.memory_space<hbm>> -> memref<2048xf32, #tpu.memory_space<hbm>>
        %dma_start3A_471 = tpu.memref_slice %arg3[%add3A_469] : memref<4194304xf32, #tpu.memory_space<hbm>> -> memref<2048xf32, #tpu.memory_space<hbm>>
        tpu.enqueue_dma source(%dma_start3A_471 : memref<2048xf32, #tpu.memory_space<hbm>>) target(%arg11 : memref<2048xf32, #tpu.memory_space<vmem>>) target_semaphore(%arg15 : memref<!tpu.dma_semaphore, #tpu.memory_space<semaphore_mem>>)
      } else {
      }
      %scan3A_447 = arith.constant 0 : i32
      %scan3A_448 = arith.constant 0 : i32
      %scan3A_449 = arith.constant 128 : i32
      %scan3A_450 = arith.addi %scan3A_448, %scan3A_449 : i32
      %scan3A_451 = arith.constant 1 : i32
      scf.for %scan3A_459 = %scan3A_448 to %scan3A_450 step %scan3A_451  : i32 {
        %mul3A_460 = arith.constant 16 : i32
        %mul3A_461 = arith.muli %scan3A_459, %mul3A_460 : i32
        %get3A_462 = arith.index_cast %mul3A_461 : i32 to index
        %get3A_463 = tpu.vector_load %arg8[%get3A_462] {strides = array<i32>} : memref<2048xi32, #tpu.memory_space<vmem>>, vector<16xi32>,
        %sub3A_464 = vector.broadcast %add3A_252 : i32 to vector<16xi32>
        %sub3A_465 = arith.subi %get3A_463, %sub3A_464 : vector<16xi32>
        %bitcast3A = vector.bitcast %sub3A_465 : vector<16xi32> to vector<16xi32>
        %lt3A_466 = arith.constant 65536 : i32
        %lt3A_467 = vector.broadcast %lt3A_466 : i32 to vector<16xi32>
        %lt3A_468 = arith.cmpi ult, %bitcast3A, %lt3A_467 : vector<16xi32>
        %jit3A_469 = arith.constant 0 : i32
        %broadcast_in_dim3A = vector.broadcast %jit3A_469 : i32 to vector<16xi32>
        %select_n3A_470 = arith.select %lt3A_468, %sub3A_465, %broadcast_in_dim3A : vector<16xi1>, vector<16xi32>
        %mul3A_471 = arith.constant 16 : i32
        %mul3A_472 = arith.muli %scan3A_459, %mul3A_471 : i32
        %get3A_473 = arith.index_cast %mul3A_472 : i32 to index
        %get3A_474 = tpu.vector_load %arg10[%get3A_473] {strides = array<i32>} : memref<2048xf32, #tpu.memory_space<vmem>>, vector<16xf32>,
        tpu.vector_store_idx %arg6[%select_n3A_470], %get3A_474 masked %lt3A_468 : memref<65536xf32, #tpu.memory_space<vmem>>[vector<16xi32>], vector<16xf32>, vector<16xi1>
      }
      %scan3A_452 = arith.constant 128 : i32
      %add3A_453 = arith.constant 1 : i32
      %add3A_454 = arith.addi %mul3A_433, %add3A_453 : i32
      %lt3A_455 = arith.cmpi slt, %add3A_454, %shift_right_arithmetic3A_323 : i32
      %convert_element_type3A_456 = arith.extui %lt3A_455 : i1 to i32
      %cond3A_457 = arith.constant 0 : i32
      %cond3A_458 = arith.cmpi ne, %convert_element_type3A_456, %cond3A_457 : i32
      scf.if %cond3A_458 {
        %add3A_459 = arith.constant 2 : i32
        %add3A_460 = arith.addi %mul3A_433, %add3A_459 : i32
        %lt3A_461 = arith.cmpi slt, %add3A_460, %shift_right_arithmetic3A_323 : i32
        %convert_element_type3A_462 = arith.extui %lt3A_461 : i1 to i32
        %cond3A_463 = arith.constant 0 : i32
        %cond3A_464 = arith.cmpi ne, %convert_element_type3A_462, %cond3A_463 : i32
        scf.if %cond3A_464 {
          %add3A_479 = arith.constant 2 : i32
          %add3A_480 = arith.addi %mul3A_433, %add3A_479 : i32
          %mul3A_481 = arith.constant 2048 : i32
          %mul3A_482 = arith.muli %add3A_480, %mul3A_481 : i32
          %add3A_483 = arith.addi %mul3A_325, %mul3A_482 : i32
          %dma_start3A = tpu.memref_slice %arg2[%add3A_483] : memref<4194304xi32, #tpu.memory_space<hbm>> -> memref<2048xi32, #tpu.memory_space<hbm>>
          %dma_start3A_484 = tpu.memref_slice %arg2[%add3A_483] : memref<4194304xi32, #tpu.memory_space<hbm>> -> memref<2048xi32, #tpu.memory_space<hbm>>
          tpu.enqueue_dma source(%dma_start3A_484 : memref<2048xi32, #tpu.memory_space<hbm>>) target(%arg8 : memref<2048xi32, #tpu.memory_space<vmem>>) target_semaphore(%arg12 : memref<!tpu.dma_semaphore, #tpu.memory_space<semaphore_mem>>)
          %add3A_485 = arith.constant 2 : i32
          %add3A_486 = arith.addi %mul3A_433, %add3A_485 : i32
          %mul3A_487 = arith.constant 2048 : i32
          %mul3A_488 = arith.muli %add3A_486, %mul3A_487 : i32
          %add3A_489 = arith.addi %mul3A_325, %mul3A_488 : i32
          %dma_start3A_490 = tpu.memref_slice %arg3[%add3A_489] : memref<4194304xf32, #tpu.memory_space<hbm>> -> memref<2048xf32, #tpu.memory_space<hbm>>
          %dma_start3A_491 = tpu.memref_slice %arg3[%add3A_489] : memref<4194304xf32, #tpu.memory_space<hbm>> -> memref<2048xf32, #tpu.memory_space<hbm>>
          tpu.enqueue_dma source(%dma_start3A_491 : memref<2048xf32, #tpu.memory_space<hbm>>) target(%arg10 : memref<2048xf32, #tpu.memory_space<vmem>>) target_semaphore(%arg14 : memref<!tpu.dma_semaphore, #tpu.memory_space<semaphore_mem>>)
        } else {
        }
        %dma_wait3A_465 = arith.constant 0 : i32
        %dma_wait3A_466 = tpu.memref_slice %arg2[%dma_wait3A_465] : memref<4194304xi32, #tpu.memory_space<hbm>> -> memref<2048xi32, #tpu.memory_space<hbm>>
        %dma_wait3A_467 = arith.constant 0 : i32
        %dma_wait3A_468 = tpu.memref_slice %arg2[%dma_wait3A_467] : memref<4194304xi32, #tpu.memory_space<hbm>> -> memref<2048xi32, #tpu.memory_space<hbm>>
        tpu.wait_dma2 semaphore(%arg13 : memref<!tpu.dma_semaphore, #tpu.memory_space<semaphore_mem>>) src(%dma_wait3A_468 : memref<2048xi32, #tpu.memory_space<hbm>>) dst(%arg9 : memref<2048xi32, #tpu.memory_space<vmem>>)
        %dma_wait3A_469 = arith.constant 0 : i32
        %dma_wait3A_470 = tpu.memref_slice %arg3[%dma_wait3A_469] : memref<4194304xf32, #tpu.memory_space<hbm>> -> memref<2048xf32, #tpu.memory_space<hbm>>
        %dma_wait3A_471 = arith.constant 0 : i32
        %dma_wait3A_472 = tpu.memref_slice %arg3[%dma_wait3A_471] : memref<4194304xf32, #tpu.memory_space<hbm>> -> memref<2048xf32, #tpu.memory_space<hbm>>
        tpu.wait_dma2 semaphore(%arg15 : memref<!tpu.dma_semaphore, #tpu.memory_space<semaphore_mem>>) src(%dma_wait3A_472 : memref<2048xf32, #tpu.memory_space<hbm>>) dst(%arg11 : memref<2048xf32, #tpu.memory_space<vmem>>)
        %scan3A_473 = arith.constant 0 : i32
        %scan3A_474 = arith.constant 0 : i32
        %scan3A_475 = arith.constant 128 : i32
        %scan3A_476 = arith.addi %scan3A_474, %scan3A_475 : i32
        %scan3A_477 = arith.constant 1 : i32
        scf.for %scan3A_479 = %scan3A_474 to %scan3A_476 step %scan3A_477  : i32 {
          %mul3A_480 = arith.constant 16 : i32
          %mul3A_481 = arith.muli %scan3A_479, %mul3A_480 : i32
          %get3A_482 = arith.index_cast %mul3A_481 : i32 to index
          %get3A_483 = tpu.vector_load %arg9[%get3A_482] {strides = array<i32>} : memref<2048xi32, #tpu.memory_space<vmem>>, vector<16xi32>,
          %sub3A_484 = vector.broadcast %add3A_252 : i32 to vector<16xi32>
          %sub3A_485 = arith.subi %get3A_483, %sub3A_484 : vector<16xi32>
          %bitcast3A = vector.bitcast %sub3A_485 : vector<16xi32> to vector<16xi32>
          %lt3A_486 = arith.constant 65536 : i32
          %lt3A_487 = vector.broadcast %lt3A_486 : i32 to vector<16xi32>
          %lt3A_488 = arith.cmpi ult, %bitcast3A, %lt3A_487 : vector<16xi32>
          %jit3A_489 = arith.constant 0 : i32
          %broadcast_in_dim3A = vector.broadcast %jit3A_489 : i32 to vector<16xi32>
          %select_n3A_490 = arith.select %lt3A_488, %sub3A_485, %broadcast_in_dim3A : vector<16xi1>, vector<16xi32>
          %mul3A_491 = arith.constant 16 : i32
          %mul3A_492 = arith.muli %scan3A_479, %mul3A_491 : i32
          %get3A_493 = arith.index_cast %mul3A_492 : i32 to index
          %get3A_494 = tpu.vector_load %arg11[%get3A_493] {strides = array<i32>} : memref<2048xf32, #tpu.memory_space<vmem>>, vector<16xf32>,
          tpu.vector_store_idx %arg6[%select_n3A_490], %get3A_494 masked %lt3A_488 : memref<65536xf32, #tpu.memory_space<vmem>>[vector<16xi32>], vector<16xf32>, vector<16xi1>
        }
        %scan3A_478 = arith.constant 128 : i32
      } else {
      }
    }
    %mul3A_345 = arith.constant 4 : i32
    %mul3A_346 = arith.muli %select_n3A_231, %mul3A_345 : i32
    %add3A_347 = arith.constant 2 : i32
    %add3A_348 = arith.addi %mul3A_346, %add3A_347 : i32
    %mul3A_349 = arith.constant 16 : i32
    %mul3A_350 = arith.muli %add3A_348, %mul3A_349 : i32
    %get3A_351 = arith.index_cast %mul3A_350 : i32 to index
    %get3A_352 = tpu.vector_load %arg7[%get3A_351] {strides = array<i32>} : memref<512xi32, #tpu.memory_space<vmem>>, vector<16xi32>,
    %reduce_max3A_353 = arith.constant true
    %reduce_max3A_354 = vector.broadcast %reduce_max3A_353 : i1 to vector<16xi1>
    %reduce_max3A_355 = arith.constant -2147483648 : i32
    %reduce_max3A_356 = vector.broadcast %reduce_max3A_355 : i32 to vector<16xi32>
    %reduce_max3A_357 = arith.xori %get3A_352, %reduce_max3A_356 : vector<16xi32>
    %reduce_max3A_358 = tpu.scan <max>, %reduce_max3A_357 masked %reduce_max3A_354 : vector<16xi32>, vector<16xi1> -> vector<16xi32>
    %reduce_max3A_359 = arith.xori %reduce_max3A_358, %reduce_max3A_356 : vector<16xi32>
    %reduce_max3A_360 = vector.extract %reduce_max3A_359[15] : i32 from vector<16xi32>
    %add3A_361 = arith.constant 2048 : i32
    %add3A_362 = arith.addi %reduce_max3A_360, %add3A_361 : i32
    %sub3A_363 = arith.constant 1 : i32
    %sub3A_364 = arith.subi %add3A_362, %sub3A_363 : i32
    %shift_right_arithmetic3A_365 = arith.constant 11 : i32
    %shift_right_arithmetic3A_366 = arith.shrsi %sub3A_364, %shift_right_arithmetic3A_365 : i32
    %mul3A_367 = arith.constant 131072 : i32
    %mul3A_368 = arith.muli %add3A_348, %mul3A_367 : i32
    %gt3A_369 = arith.constant 0 : i32
    %gt3A_370 = arith.cmpi sgt, %shift_right_arithmetic3A_366, %gt3A_369 : i32
    %convert_element_type3A_371 = arith.extui %gt3A_370 : i1 to i32
    %cond3A_372 = arith.constant 0 : i32
    %cond3A_373 = arith.cmpi ne, %convert_element_type3A_371, %cond3A_372 : i32
    scf.if %cond3A_373 {
      %dma_start3A = tpu.memref_slice %arg2[%mul3A_368] : memref<4194304xi32, #tpu.memory_space<hbm>> -> memref<2048xi32, #tpu.memory_space<hbm>>
      %dma_start3A_431 = tpu.memref_slice %arg2[%mul3A_368] : memref<4194304xi32, #tpu.memory_space<hbm>> -> memref<2048xi32, #tpu.memory_space<hbm>>
      tpu.enqueue_dma source(%dma_start3A_431 : memref<2048xi32, #tpu.memory_space<hbm>>) target(%arg8 : memref<2048xi32, #tpu.memory_space<vmem>>) target_semaphore(%arg12 : memref<!tpu.dma_semaphore, #tpu.memory_space<semaphore_mem>>)
      %dma_start3A_432 = tpu.memref_slice %arg3[%mul3A_368] : memref<4194304xf32, #tpu.memory_space<hbm>> -> memref<2048xf32, #tpu.memory_space<hbm>>
      %dma_start3A_433 = tpu.memref_slice %arg3[%mul3A_368] : memref<4194304xf32, #tpu.memory_space<hbm>> -> memref<2048xf32, #tpu.memory_space<hbm>>
      tpu.enqueue_dma source(%dma_start3A_433 : memref<2048xf32, #tpu.memory_space<hbm>>) target(%arg10 : memref<2048xf32, #tpu.memory_space<vmem>>) target_semaphore(%arg14 : memref<!tpu.dma_semaphore, #tpu.memory_space<semaphore_mem>>)
    } else {
    }
    %add3A_374 = arith.constant 1 : i32
    %add3A_375 = arith.addi %shift_right_arithmetic3A_366, %add3A_374 : i32
    %shift_right_arithmetic3A_376 = arith.constant 1 : i32
    %shift_right_arithmetic3A_377 = arith.shrsi %add3A_375, %shift_right_arithmetic3A_376 : i32
    %while3A_378 = arith.constant 0 : i32
    %while3A_379 = arith.constant 0 : i32
    %while3A_380 = arith.subi %shift_right_arithmetic3A_377, %while3A_379 : i32
    %while3A_381 = arith.addi %while3A_379, %while3A_380 : i32
    %while3A_382 = arith.constant 1 : i32
    %while3A_383 = arith.divsi %while3A_380, %while3A_382 : i32
    %while3A_384 = arith.muli %while3A_383, %while3A_382 : i32
    %while3A_385 = arith.addi %while3A_379, %while3A_384 : i32
    %while3A_386 = arith.constant 1 : i32
    scf.for %while3A_431 = %while3A_379 to %while3A_385 step %while3A_386  : i32 {
      %mul3A_432 = arith.constant 2 : i32
      %mul3A_433 = arith.muli %while3A_431, %mul3A_432 : i32
      %dma_wait3A = arith.constant 0 : i32
      %dma_wait3A_434 = tpu.memref_slice %arg2[%dma_wait3A] : memref<4194304xi32, #tpu.memory_space<hbm>> -> memref<2048xi32, #tpu.memory_space<hbm>>
      %dma_wait3A_435 = arith.constant 0 : i32
      %dma_wait3A_436 = tpu.memref_slice %arg2[%dma_wait3A_435] : memref<4194304xi32, #tpu.memory_space<hbm>> -> memref<2048xi32, #tpu.memory_space<hbm>>
      tpu.wait_dma2 semaphore(%arg12 : memref<!tpu.dma_semaphore, #tpu.memory_space<semaphore_mem>>) src(%dma_wait3A_436 : memref<2048xi32, #tpu.memory_space<hbm>>) dst(%arg8 : memref<2048xi32, #tpu.memory_space<vmem>>)
      %dma_wait3A_437 = arith.constant 0 : i32
      %dma_wait3A_438 = tpu.memref_slice %arg3[%dma_wait3A_437] : memref<4194304xf32, #tpu.memory_space<hbm>> -> memref<2048xf32, #tpu.memory_space<hbm>>
      %dma_wait3A_439 = arith.constant 0 : i32
      %dma_wait3A_440 = tpu.memref_slice %arg3[%dma_wait3A_439] : memref<4194304xf32, #tpu.memory_space<hbm>> -> memref<2048xf32, #tpu.memory_space<hbm>>
      tpu.wait_dma2 semaphore(%arg14 : memref<!tpu.dma_semaphore, #tpu.memory_space<semaphore_mem>>) src(%dma_wait3A_440 : memref<2048xf32, #tpu.memory_space<hbm>>) dst(%arg10 : memref<2048xf32, #tpu.memory_space<vmem>>)
      %add3A_441 = arith.constant 1 : i32
      %add3A_442 = arith.addi %mul3A_433, %add3A_441 : i32
      %lt3A_443 = arith.cmpi slt, %add3A_442, %shift_right_arithmetic3A_366 : i32
      %convert_element_type3A_444 = arith.extui %lt3A_443 : i1 to i32
      %cond3A_445 = arith.constant 0 : i32
      %cond3A_446 = arith.cmpi ne, %convert_element_type3A_444, %cond3A_445 : i32
      scf.if %cond3A_446 {
        %add3A_459 = arith.constant 1 : i32
        %add3A_460 = arith.addi %mul3A_433, %add3A_459 : i32
        %mul3A_461 = arith.constant 2048 : i32
        %mul3A_462 = arith.muli %add3A_460, %mul3A_461 : i32
        %add3A_463 = arith.addi %mul3A_368, %mul3A_462 : i32
        %dma_start3A = tpu.memref_slice %arg2[%add3A_463] : memref<4194304xi32, #tpu.memory_space<hbm>> -> memref<2048xi32, #tpu.memory_space<hbm>>
        %dma_start3A_464 = tpu.memref_slice %arg2[%add3A_463] : memref<4194304xi32, #tpu.memory_space<hbm>> -> memref<2048xi32, #tpu.memory_space<hbm>>
        tpu.enqueue_dma source(%dma_start3A_464 : memref<2048xi32, #tpu.memory_space<hbm>>) target(%arg9 : memref<2048xi32, #tpu.memory_space<vmem>>) target_semaphore(%arg13 : memref<!tpu.dma_semaphore, #tpu.memory_space<semaphore_mem>>)
        %add3A_465 = arith.constant 1 : i32
        %add3A_466 = arith.addi %mul3A_433, %add3A_465 : i32
        %mul3A_467 = arith.constant 2048 : i32
        %mul3A_468 = arith.muli %add3A_466, %mul3A_467 : i32
        %add3A_469 = arith.addi %mul3A_368, %mul3A_468 : i32
        %dma_start3A_470 = tpu.memref_slice %arg3[%add3A_469] : memref<4194304xf32, #tpu.memory_space<hbm>> -> memref<2048xf32, #tpu.memory_space<hbm>>
        %dma_start3A_471 = tpu.memref_slice %arg3[%add3A_469] : memref<4194304xf32, #tpu.memory_space<hbm>> -> memref<2048xf32, #tpu.memory_space<hbm>>
        tpu.enqueue_dma source(%dma_start3A_471 : memref<2048xf32, #tpu.memory_space<hbm>>) target(%arg11 : memref<2048xf32, #tpu.memory_space<vmem>>) target_semaphore(%arg15 : memref<!tpu.dma_semaphore, #tpu.memory_space<semaphore_mem>>)
      } else {
      }
      %scan3A_447 = arith.constant 0 : i32
      %scan3A_448 = arith.constant 0 : i32
      %scan3A_449 = arith.constant 128 : i32
      %scan3A_450 = arith.addi %scan3A_448, %scan3A_449 : i32
      %scan3A_451 = arith.constant 1 : i32
      scf.for %scan3A_459 = %scan3A_448 to %scan3A_450 step %scan3A_451  : i32 {
        %mul3A_460 = arith.constant 16 : i32
        %mul3A_461 = arith.muli %scan3A_459, %mul3A_460 : i32
        %get3A_462 = arith.index_cast %mul3A_461 : i32 to index
        %get3A_463 = tpu.vector_load %arg8[%get3A_462] {strides = array<i32>} : memref<2048xi32, #tpu.memory_space<vmem>>, vector<16xi32>,
        %sub3A_464 = vector.broadcast %add3A_252 : i32 to vector<16xi32>
        %sub3A_465 = arith.subi %get3A_463, %sub3A_464 : vector<16xi32>
        %bitcast3A = vector.bitcast %sub3A_465 : vector<16xi32> to vector<16xi32>
        %lt3A_466 = arith.constant 65536 : i32
        %lt3A_467 = vector.broadcast %lt3A_466 : i32 to vector<16xi32>
        %lt3A_468 = arith.cmpi ult, %bitcast3A, %lt3A_467 : vector<16xi32>
        %jit3A_469 = arith.constant 0 : i32
        %broadcast_in_dim3A = vector.broadcast %jit3A_469 : i32 to vector<16xi32>
        %select_n3A_470 = arith.select %lt3A_468, %sub3A_465, %broadcast_in_dim3A : vector<16xi1>, vector<16xi32>
        %mul3A_471 = arith.constant 16 : i32
        %mul3A_472 = arith.muli %scan3A_459, %mul3A_471 : i32
        %get3A_473 = arith.index_cast %mul3A_472 : i32 to index
        %get3A_474 = tpu.vector_load %arg10[%get3A_473] {strides = array<i32>} : memref<2048xf32, #tpu.memory_space<vmem>>, vector<16xf32>,
        tpu.vector_store_idx %arg6[%select_n3A_470], %get3A_474 masked %lt3A_468 : memref<65536xf32, #tpu.memory_space<vmem>>[vector<16xi32>], vector<16xf32>, vector<16xi1>
      }
      %scan3A_452 = arith.constant 128 : i32
      %add3A_453 = arith.constant 1 : i32
      %add3A_454 = arith.addi %mul3A_433, %add3A_453 : i32
      %lt3A_455 = arith.cmpi slt, %add3A_454, %shift_right_arithmetic3A_366 : i32
      %convert_element_type3A_456 = arith.extui %lt3A_455 : i1 to i32
      %cond3A_457 = arith.constant 0 : i32
      %cond3A_458 = arith.cmpi ne, %convert_element_type3A_456, %cond3A_457 : i32
      scf.if %cond3A_458 {
        %add3A_459 = arith.constant 2 : i32
        %add3A_460 = arith.addi %mul3A_433, %add3A_459 : i32
        %lt3A_461 = arith.cmpi slt, %add3A_460, %shift_right_arithmetic3A_366 : i32
        %convert_element_type3A_462 = arith.extui %lt3A_461 : i1 to i32
        %cond3A_463 = arith.constant 0 : i32
        %cond3A_464 = arith.cmpi ne, %convert_element_type3A_462, %cond3A_463 : i32
        scf.if %cond3A_464 {
          %add3A_479 = arith.constant 2 : i32
          %add3A_480 = arith.addi %mul3A_433, %add3A_479 : i32
          %mul3A_481 = arith.constant 2048 : i32
          %mul3A_482 = arith.muli %add3A_480, %mul3A_481 : i32
          %add3A_483 = arith.addi %mul3A_368, %mul3A_482 : i32
          %dma_start3A = tpu.memref_slice %arg2[%add3A_483] : memref<4194304xi32, #tpu.memory_space<hbm>> -> memref<2048xi32, #tpu.memory_space<hbm>>
          %dma_start3A_484 = tpu.memref_slice %arg2[%add3A_483] : memref<4194304xi32, #tpu.memory_space<hbm>> -> memref<2048xi32, #tpu.memory_space<hbm>>
          tpu.enqueue_dma source(%dma_start3A_484 : memref<2048xi32, #tpu.memory_space<hbm>>) target(%arg8 : memref<2048xi32, #tpu.memory_space<vmem>>) target_semaphore(%arg12 : memref<!tpu.dma_semaphore, #tpu.memory_space<semaphore_mem>>)
          %add3A_485 = arith.constant 2 : i32
          %add3A_486 = arith.addi %mul3A_433, %add3A_485 : i32
          %mul3A_487 = arith.constant 2048 : i32
          %mul3A_488 = arith.muli %add3A_486, %mul3A_487 : i32
          %add3A_489 = arith.addi %mul3A_368, %mul3A_488 : i32
          %dma_start3A_490 = tpu.memref_slice %arg3[%add3A_489] : memref<4194304xf32, #tpu.memory_space<hbm>> -> memref<2048xf32, #tpu.memory_space<hbm>>
          %dma_start3A_491 = tpu.memref_slice %arg3[%add3A_489] : memref<4194304xf32, #tpu.memory_space<hbm>> -> memref<2048xf32, #tpu.memory_space<hbm>>
          tpu.enqueue_dma source(%dma_start3A_491 : memref<2048xf32, #tpu.memory_space<hbm>>) target(%arg10 : memref<2048xf32, #tpu.memory_space<vmem>>) target_semaphore(%arg14 : memref<!tpu.dma_semaphore, #tpu.memory_space<semaphore_mem>>)
        } else {
        }
        %dma_wait3A_465 = arith.constant 0 : i32
        %dma_wait3A_466 = tpu.memref_slice %arg2[%dma_wait3A_465] : memref<4194304xi32, #tpu.memory_space<hbm>> -> memref<2048xi32, #tpu.memory_space<hbm>>
        %dma_wait3A_467 = arith.constant 0 : i32
        %dma_wait3A_468 = tpu.memref_slice %arg2[%dma_wait3A_467] : memref<4194304xi32, #tpu.memory_space<hbm>> -> memref<2048xi32, #tpu.memory_space<hbm>>
        tpu.wait_dma2 semaphore(%arg13 : memref<!tpu.dma_semaphore, #tpu.memory_space<semaphore_mem>>) src(%dma_wait3A_468 : memref<2048xi32, #tpu.memory_space<hbm>>) dst(%arg9 : memref<2048xi32, #tpu.memory_space<vmem>>)
        %dma_wait3A_469 = arith.constant 0 : i32
        %dma_wait3A_470 = tpu.memref_slice %arg3[%dma_wait3A_469] : memref<4194304xf32, #tpu.memory_space<hbm>> -> memref<2048xf32, #tpu.memory_space<hbm>>
        %dma_wait3A_471 = arith.constant 0 : i32
        %dma_wait3A_472 = tpu.memref_slice %arg3[%dma_wait3A_471] : memref<4194304xf32, #tpu.memory_space<hbm>> -> memref<2048xf32, #tpu.memory_space<hbm>>
        tpu.wait_dma2 semaphore(%arg15 : memref<!tpu.dma_semaphore, #tpu.memory_space<semaphore_mem>>) src(%dma_wait3A_472 : memref<2048xf32, #tpu.memory_space<hbm>>) dst(%arg11 : memref<2048xf32, #tpu.memory_space<vmem>>)
        %scan3A_473 = arith.constant 0 : i32
        %scan3A_474 = arith.constant 0 : i32
        %scan3A_475 = arith.constant 128 : i32
        %scan3A_476 = arith.addi %scan3A_474, %scan3A_475 : i32
        %scan3A_477 = arith.constant 1 : i32
        scf.for %scan3A_479 = %scan3A_474 to %scan3A_476 step %scan3A_477  : i32 {
          %mul3A_480 = arith.constant 16 : i32
          %mul3A_481 = arith.muli %scan3A_479, %mul3A_480 : i32
          %get3A_482 = arith.index_cast %mul3A_481 : i32 to index
          %get3A_483 = tpu.vector_load %arg9[%get3A_482] {strides = array<i32>} : memref<2048xi32, #tpu.memory_space<vmem>>, vector<16xi32>,
          %sub3A_484 = vector.broadcast %add3A_252 : i32 to vector<16xi32>
          %sub3A_485 = arith.subi %get3A_483, %sub3A_484 : vector<16xi32>
          %bitcast3A = vector.bitcast %sub3A_485 : vector<16xi32> to vector<16xi32>
          %lt3A_486 = arith.constant 65536 : i32
          %lt3A_487 = vector.broadcast %lt3A_486 : i32 to vector<16xi32>
          %lt3A_488 = arith.cmpi ult, %bitcast3A, %lt3A_487 : vector<16xi32>
          %jit3A_489 = arith.constant 0 : i32
          %broadcast_in_dim3A = vector.broadcast %jit3A_489 : i32 to vector<16xi32>
          %select_n3A_490 = arith.select %lt3A_488, %sub3A_485, %broadcast_in_dim3A : vector<16xi1>, vector<16xi32>
          %mul3A_491 = arith.constant 16 : i32
          %mul3A_492 = arith.muli %scan3A_479, %mul3A_491 : i32
          %get3A_493 = arith.index_cast %mul3A_492 : i32 to index
          %get3A_494 = tpu.vector_load %arg11[%get3A_493] {strides = array<i32>} : memref<2048xf32, #tpu.memory_space<vmem>>, vector<16xf32>,
          tpu.vector_store_idx %arg6[%select_n3A_490], %get3A_494 masked %lt3A_488 : memref<65536xf32, #tpu.memory_space<vmem>>[vector<16xi32>], vector<16xf32>, vector<16xi1>
        }
        %scan3A_478 = arith.constant 128 : i32
      } else {
      }
    }
    %while3A_387 = arith.constant 1 : i32
    scf.for %while3A_431 = %while3A_385 to %while3A_381 step %while3A_387  : i32 {
      %mul3A_432 = arith.constant 2 : i32
      %mul3A_433 = arith.muli %while3A_431, %mul3A_432 : i32
      %dma_wait3A = arith.constant 0 : i32
      %dma_wait3A_434 = tpu.memref_slice %arg2[%dma_wait3A] : memref<4194304xi32, #tpu.memory_space<hbm>> -> memref<2048xi32, #tpu.memory_space<hbm>>
      %dma_wait3A_435 = arith.constant 0 : i32
      %dma_wait3A_436 = tpu.memref_slice %arg2[%dma_wait3A_435] : memref<4194304xi32, #tpu.memory_space<hbm>> -> memref<2048xi32, #tpu.memory_space<hbm>>
      tpu.wait_dma2 semaphore(%arg12 : memref<!tpu.dma_semaphore, #tpu.memory_space<semaphore_mem>>) src(%dma_wait3A_436 : memref<2048xi32, #tpu.memory_space<hbm>>) dst(%arg8 : memref<2048xi32, #tpu.memory_space<vmem>>)
      %dma_wait3A_437 = arith.constant 0 : i32
      %dma_wait3A_438 = tpu.memref_slice %arg3[%dma_wait3A_437] : memref<4194304xf32, #tpu.memory_space<hbm>> -> memref<2048xf32, #tpu.memory_space<hbm>>
      %dma_wait3A_439 = arith.constant 0 : i32
      %dma_wait3A_440 = tpu.memref_slice %arg3[%dma_wait3A_439] : memref<4194304xf32, #tpu.memory_space<hbm>> -> memref<2048xf32, #tpu.memory_space<hbm>>
      tpu.wait_dma2 semaphore(%arg14 : memref<!tpu.dma_semaphore, #tpu.memory_space<semaphore_mem>>) src(%dma_wait3A_440 : memref<2048xf32, #tpu.memory_space<hbm>>) dst(%arg10 : memref<2048xf32, #tpu.memory_space<vmem>>)
      %add3A_441 = arith.constant 1 : i32
      %add3A_442 = arith.addi %mul3A_433, %add3A_441 : i32
      %lt3A_443 = arith.cmpi slt, %add3A_442, %shift_right_arithmetic3A_366 : i32
      %convert_element_type3A_444 = arith.extui %lt3A_443 : i1 to i32
      %cond3A_445 = arith.constant 0 : i32
      %cond3A_446 = arith.cmpi ne, %convert_element_type3A_444, %cond3A_445 : i32
      scf.if %cond3A_446 {
        %add3A_459 = arith.constant 1 : i32
        %add3A_460 = arith.addi %mul3A_433, %add3A_459 : i32
        %mul3A_461 = arith.constant 2048 : i32
        %mul3A_462 = arith.muli %add3A_460, %mul3A_461 : i32
        %add3A_463 = arith.addi %mul3A_368, %mul3A_462 : i32
        %dma_start3A = tpu.memref_slice %arg2[%add3A_463] : memref<4194304xi32, #tpu.memory_space<hbm>> -> memref<2048xi32, #tpu.memory_space<hbm>>
        %dma_start3A_464 = tpu.memref_slice %arg2[%add3A_463] : memref<4194304xi32, #tpu.memory_space<hbm>> -> memref<2048xi32, #tpu.memory_space<hbm>>
        tpu.enqueue_dma source(%dma_start3A_464 : memref<2048xi32, #tpu.memory_space<hbm>>) target(%arg9 : memref<2048xi32, #tpu.memory_space<vmem>>) target_semaphore(%arg13 : memref<!tpu.dma_semaphore, #tpu.memory_space<semaphore_mem>>)
        %add3A_465 = arith.constant 1 : i32
        %add3A_466 = arith.addi %mul3A_433, %add3A_465 : i32
        %mul3A_467 = arith.constant 2048 : i32
        %mul3A_468 = arith.muli %add3A_466, %mul3A_467 : i32
        %add3A_469 = arith.addi %mul3A_368, %mul3A_468 : i32
        %dma_start3A_470 = tpu.memref_slice %arg3[%add3A_469] : memref<4194304xf32, #tpu.memory_space<hbm>> -> memref<2048xf32, #tpu.memory_space<hbm>>
        %dma_start3A_471 = tpu.memref_slice %arg3[%add3A_469] : memref<4194304xf32, #tpu.memory_space<hbm>> -> memref<2048xf32, #tpu.memory_space<hbm>>
        tpu.enqueue_dma source(%dma_start3A_471 : memref<2048xf32, #tpu.memory_space<hbm>>) target(%arg11 : memref<2048xf32, #tpu.memory_space<vmem>>) target_semaphore(%arg15 : memref<!tpu.dma_semaphore, #tpu.memory_space<semaphore_mem>>)
      } else {
      }
      %scan3A_447 = arith.constant 0 : i32
      %scan3A_448 = arith.constant 0 : i32
      %scan3A_449 = arith.constant 128 : i32
      %scan3A_450 = arith.addi %scan3A_448, %scan3A_449 : i32
      %scan3A_451 = arith.constant 1 : i32
      scf.for %scan3A_459 = %scan3A_448 to %scan3A_450 step %scan3A_451  : i32 {
        %mul3A_460 = arith.constant 16 : i32
        %mul3A_461 = arith.muli %scan3A_459, %mul3A_460 : i32
        %get3A_462 = arith.index_cast %mul3A_461 : i32 to index
        %get3A_463 = tpu.vector_load %arg8[%get3A_462] {strides = array<i32>} : memref<2048xi32, #tpu.memory_space<vmem>>, vector<16xi32>,
        %sub3A_464 = vector.broadcast %add3A_252 : i32 to vector<16xi32>
        %sub3A_465 = arith.subi %get3A_463, %sub3A_464 : vector<16xi32>
        %bitcast3A = vector.bitcast %sub3A_465 : vector<16xi32> to vector<16xi32>
        %lt3A_466 = arith.constant 65536 : i32
        %lt3A_467 = vector.broadcast %lt3A_466 : i32 to vector<16xi32>
        %lt3A_468 = arith.cmpi ult, %bitcast3A, %lt3A_467 : vector<16xi32>
        %jit3A_469 = arith.constant 0 : i32
        %broadcast_in_dim3A = vector.broadcast %jit3A_469 : i32 to vector<16xi32>
        %select_n3A_470 = arith.select %lt3A_468, %sub3A_465, %broadcast_in_dim3A : vector<16xi1>, vector<16xi32>
        %mul3A_471 = arith.constant 16 : i32
        %mul3A_472 = arith.muli %scan3A_459, %mul3A_471 : i32
        %get3A_473 = arith.index_cast %mul3A_472 : i32 to index
        %get3A_474 = tpu.vector_load %arg10[%get3A_473] {strides = array<i32>} : memref<2048xf32, #tpu.memory_space<vmem>>, vector<16xf32>,
        tpu.vector_store_idx %arg6[%select_n3A_470], %get3A_474 masked %lt3A_468 : memref<65536xf32, #tpu.memory_space<vmem>>[vector<16xi32>], vector<16xf32>, vector<16xi1>
      }
      %scan3A_452 = arith.constant 128 : i32
      %add3A_453 = arith.constant 1 : i32
      %add3A_454 = arith.addi %mul3A_433, %add3A_453 : i32
      %lt3A_455 = arith.cmpi slt, %add3A_454, %shift_right_arithmetic3A_366 : i32
      %convert_element_type3A_456 = arith.extui %lt3A_455 : i1 to i32
      %cond3A_457 = arith.constant 0 : i32
      %cond3A_458 = arith.cmpi ne, %convert_element_type3A_456, %cond3A_457 : i32
      scf.if %cond3A_458 {
        %add3A_459 = arith.constant 2 : i32
        %add3A_460 = arith.addi %mul3A_433, %add3A_459 : i32
        %lt3A_461 = arith.cmpi slt, %add3A_460, %shift_right_arithmetic3A_366 : i32
        %convert_element_type3A_462 = arith.extui %lt3A_461 : i1 to i32
        %cond3A_463 = arith.constant 0 : i32
        %cond3A_464 = arith.cmpi ne, %convert_element_type3A_462, %cond3A_463 : i32
        scf.if %cond3A_464 {
          %add3A_479 = arith.constant 2 : i32
          %add3A_480 = arith.addi %mul3A_433, %add3A_479 : i32
          %mul3A_481 = arith.constant 2048 : i32
          %mul3A_482 = arith.muli %add3A_480, %mul3A_481 : i32
          %add3A_483 = arith.addi %mul3A_368, %mul3A_482 : i32
          %dma_start3A = tpu.memref_slice %arg2[%add3A_483] : memref<4194304xi32, #tpu.memory_space<hbm>> -> memref<2048xi32, #tpu.memory_space<hbm>>
          %dma_start3A_484 = tpu.memref_slice %arg2[%add3A_483] : memref<4194304xi32, #tpu.memory_space<hbm>> -> memref<2048xi32, #tpu.memory_space<hbm>>
          tpu.enqueue_dma source(%dma_start3A_484 : memref<2048xi32, #tpu.memory_space<hbm>>) target(%arg8 : memref<2048xi32, #tpu.memory_space<vmem>>) target_semaphore(%arg12 : memref<!tpu.dma_semaphore, #tpu.memory_space<semaphore_mem>>)
          %add3A_485 = arith.constant 2 : i32
          %add3A_486 = arith.addi %mul3A_433, %add3A_485 : i32
          %mul3A_487 = arith.constant 2048 : i32
          %mul3A_488 = arith.muli %add3A_486, %mul3A_487 : i32
          %add3A_489 = arith.addi %mul3A_368, %mul3A_488 : i32
          %dma_start3A_490 = tpu.memref_slice %arg3[%add3A_489] : memref<4194304xf32, #tpu.memory_space<hbm>> -> memref<2048xf32, #tpu.memory_space<hbm>>
          %dma_start3A_491 = tpu.memref_slice %arg3[%add3A_489] : memref<4194304xf32, #tpu.memory_space<hbm>> -> memref<2048xf32, #tpu.memory_space<hbm>>
          tpu.enqueue_dma source(%dma_start3A_491 : memref<2048xf32, #tpu.memory_space<hbm>>) target(%arg10 : memref<2048xf32, #tpu.memory_space<vmem>>) target_semaphore(%arg14 : memref<!tpu.dma_semaphore, #tpu.memory_space<semaphore_mem>>)
        } else {
        }
        %dma_wait3A_465 = arith.constant 0 : i32
        %dma_wait3A_466 = tpu.memref_slice %arg2[%dma_wait3A_465] : memref<4194304xi32, #tpu.memory_space<hbm>> -> memref<2048xi32, #tpu.memory_space<hbm>>
        %dma_wait3A_467 = arith.constant 0 : i32
        %dma_wait3A_468 = tpu.memref_slice %arg2[%dma_wait3A_467] : memref<4194304xi32, #tpu.memory_space<hbm>> -> memref<2048xi32, #tpu.memory_space<hbm>>
        tpu.wait_dma2 semaphore(%arg13 : memref<!tpu.dma_semaphore, #tpu.memory_space<semaphore_mem>>) src(%dma_wait3A_468 : memref<2048xi32, #tpu.memory_space<hbm>>) dst(%arg9 : memref<2048xi32, #tpu.memory_space<vmem>>)
        %dma_wait3A_469 = arith.constant 0 : i32
        %dma_wait3A_470 = tpu.memref_slice %arg3[%dma_wait3A_469] : memref<4194304xf32, #tpu.memory_space<hbm>> -> memref<2048xf32, #tpu.memory_space<hbm>>
        %dma_wait3A_471 = arith.constant 0 : i32
        %dma_wait3A_472 = tpu.memref_slice %arg3[%dma_wait3A_471] : memref<4194304xf32, #tpu.memory_space<hbm>> -> memref<2048xf32, #tpu.memory_space<hbm>>
        tpu.wait_dma2 semaphore(%arg15 : memref<!tpu.dma_semaphore, #tpu.memory_space<semaphore_mem>>) src(%dma_wait3A_472 : memref<2048xf32, #tpu.memory_space<hbm>>) dst(%arg11 : memref<2048xf32, #tpu.memory_space<vmem>>)
        %scan3A_473 = arith.constant 0 : i32
        %scan3A_474 = arith.constant 0 : i32
        %scan3A_475 = arith.constant 128 : i32
        %scan3A_476 = arith.addi %scan3A_474, %scan3A_475 : i32
        %scan3A_477 = arith.constant 1 : i32
        scf.for %scan3A_479 = %scan3A_474 to %scan3A_476 step %scan3A_477  : i32 {
          %mul3A_480 = arith.constant 16 : i32
          %mul3A_481 = arith.muli %scan3A_479, %mul3A_480 : i32
          %get3A_482 = arith.index_cast %mul3A_481 : i32 to index
          %get3A_483 = tpu.vector_load %arg9[%get3A_482] {strides = array<i32>} : memref<2048xi32, #tpu.memory_space<vmem>>, vector<16xi32>,
          %sub3A_484 = vector.broadcast %add3A_252 : i32 to vector<16xi32>
          %sub3A_485 = arith.subi %get3A_483, %sub3A_484 : vector<16xi32>
          %bitcast3A = vector.bitcast %sub3A_485 : vector<16xi32> to vector<16xi32>
          %lt3A_486 = arith.constant 65536 : i32
          %lt3A_487 = vector.broadcast %lt3A_486 : i32 to vector<16xi32>
          %lt3A_488 = arith.cmpi ult, %bitcast3A, %lt3A_487 : vector<16xi32>
          %jit3A_489 = arith.constant 0 : i32
          %broadcast_in_dim3A = vector.broadcast %jit3A_489 : i32 to vector<16xi32>
          %select_n3A_490 = arith.select %lt3A_488, %sub3A_485, %broadcast_in_dim3A : vector<16xi1>, vector<16xi32>
          %mul3A_491 = arith.constant 16 : i32
          %mul3A_492 = arith.muli %scan3A_479, %mul3A_491 : i32
          %get3A_493 = arith.index_cast %mul3A_492 : i32 to index
          %get3A_494 = tpu.vector_load %arg11[%get3A_493] {strides = array<i32>} : memref<2048xf32, #tpu.memory_space<vmem>>, vector<16xf32>,
          tpu.vector_store_idx %arg6[%select_n3A_490], %get3A_494 masked %lt3A_488 : memref<65536xf32, #tpu.memory_space<vmem>>[vector<16xi32>], vector<16xf32>, vector<16xi1>
        }
        %scan3A_478 = arith.constant 128 : i32
      } else {
      }
    }
    %mul3A_388 = arith.constant 4 : i32
    %mul3A_389 = arith.muli %select_n3A_231, %mul3A_388 : i32
    %add3A_390 = arith.constant 3 : i32
    %add3A_391 = arith.addi %mul3A_389, %add3A_390 : i32
    %mul3A_392 = arith.constant 16 : i32
    %mul3A_393 = arith.muli %add3A_391, %mul3A_392 : i32
    %get3A_394 = arith.index_cast %mul3A_393 : i32 to index
    %get3A_395 = tpu.vector_load %arg7[%get3A_394] {strides = array<i32>} : memref<512xi32, #tpu.memory_space<vmem>>, vector<16xi32>,
    %reduce_max3A_396 = arith.constant true
    %reduce_max3A_397 = vector.broadcast %reduce_max3A_396 : i1 to vector<16xi1>
    %reduce_max3A_398 = arith.constant -2147483648 : i32
    %reduce_max3A_399 = vector.broadcast %reduce_max3A_398 : i32 to vector<16xi32>
    %reduce_max3A_400 = arith.xori %get3A_395, %reduce_max3A_399 : vector<16xi32>
    %reduce_max3A_401 = tpu.scan <max>, %reduce_max3A_400 masked %reduce_max3A_397 : vector<16xi32>, vector<16xi1> -> vector<16xi32>
    %reduce_max3A_402 = arith.xori %reduce_max3A_401, %reduce_max3A_399 : vector<16xi32>
    %reduce_max3A_403 = vector.extract %reduce_max3A_402[15] : i32 from vector<16xi32>
    %add3A_404 = arith.constant 2048 : i32
    %add3A_405 = arith.addi %reduce_max3A_403, %add3A_404 : i32
    %sub3A_406 = arith.constant 1 : i32
    %sub3A_407 = arith.subi %add3A_405, %sub3A_406 : i32
    %shift_right_arithmetic3A_408 = arith.constant 11 : i32
    %shift_right_arithmetic3A_409 = arith.shrsi %sub3A_407, %shift_right_arithmetic3A_408 : i32
    %mul3A_410 = arith.constant 131072 : i32
    %mul3A_411 = arith.muli %add3A_391, %mul3A_410 : i32
    %gt3A_412 = arith.constant 0 : i32
    %gt3A_413 = arith.cmpi sgt, %shift_right_arithmetic3A_409, %gt3A_412 : i32
    %convert_element_type3A_414 = arith.extui %gt3A_413 : i1 to i32
    %cond3A_415 = arith.constant 0 : i32
    %cond3A_416 = arith.cmpi ne, %convert_element_type3A_414, %cond3A_415 : i32
    scf.if %cond3A_416 {
      %dma_start3A = tpu.memref_slice %arg2[%mul3A_411] : memref<4194304xi32, #tpu.memory_space<hbm>> -> memref<2048xi32, #tpu.memory_space<hbm>>
      %dma_start3A_431 = tpu.memref_slice %arg2[%mul3A_411] : memref<4194304xi32, #tpu.memory_space<hbm>> -> memref<2048xi32, #tpu.memory_space<hbm>>
      tpu.enqueue_dma source(%dma_start3A_431 : memref<2048xi32, #tpu.memory_space<hbm>>) target(%arg8 : memref<2048xi32, #tpu.memory_space<vmem>>) target_semaphore(%arg12 : memref<!tpu.dma_semaphore, #tpu.memory_space<semaphore_mem>>)
      %dma_start3A_432 = tpu.memref_slice %arg3[%mul3A_411] : memref<4194304xf32, #tpu.memory_space<hbm>> -> memref<2048xf32, #tpu.memory_space<hbm>>
      %dma_start3A_433 = tpu.memref_slice %arg3[%mul3A_411] : memref<4194304xf32, #tpu.memory_space<hbm>> -> memref<2048xf32, #tpu.memory_space<hbm>>
      tpu.enqueue_dma source(%dma_start3A_433 : memref<2048xf32, #tpu.memory_space<hbm>>) target(%arg10 : memref<2048xf32, #tpu.memory_space<vmem>>) target_semaphore(%arg14 : memref<!tpu.dma_semaphore, #tpu.memory_space<semaphore_mem>>)
    } else {
    }
    %add3A_417 = arith.constant 1 : i32
    %add3A_418 = arith.addi %shift_right_arithmetic3A_409, %add3A_417 : i32
    %shift_right_arithmetic3A_419 = arith.constant 1 : i32
    %shift_right_arithmetic3A_420 = arith.shrsi %add3A_418, %shift_right_arithmetic3A_419 : i32
    %while3A_421 = arith.constant 0 : i32
    %while3A_422 = arith.constant 0 : i32
    %while3A_423 = arith.subi %shift_right_arithmetic3A_420, %while3A_422 : i32
    %while3A_424 = arith.addi %while3A_422, %while3A_423 : i32
    %while3A_425 = arith.constant 1 : i32
    %while3A_426 = arith.divsi %while3A_423, %while3A_425 : i32
    %while3A_427 = arith.muli %while3A_426, %while3A_425 : i32
    %while3A_428 = arith.addi %while3A_422, %while3A_427 : i32
    %while3A_429 = arith.constant 1 : i32
    scf.for %while3A_431 = %while3A_422 to %while3A_428 step %while3A_429  : i32 {
      %mul3A_432 = arith.constant 2 : i32
      %mul3A_433 = arith.muli %while3A_431, %mul3A_432 : i32
      %dma_wait3A = arith.constant 0 : i32
      %dma_wait3A_434 = tpu.memref_slice %arg2[%dma_wait3A] : memref<4194304xi32, #tpu.memory_space<hbm>> -> memref<2048xi32, #tpu.memory_space<hbm>>
      %dma_wait3A_435 = arith.constant 0 : i32
      %dma_wait3A_436 = tpu.memref_slice %arg2[%dma_wait3A_435] : memref<4194304xi32, #tpu.memory_space<hbm>> -> memref<2048xi32, #tpu.memory_space<hbm>>
      tpu.wait_dma2 semaphore(%arg12 : memref<!tpu.dma_semaphore, #tpu.memory_space<semaphore_mem>>) src(%dma_wait3A_436 : memref<2048xi32, #tpu.memory_space<hbm>>) dst(%arg8 : memref<2048xi32, #tpu.memory_space<vmem>>)
      %dma_wait3A_437 = arith.constant 0 : i32
      %dma_wait3A_438 = tpu.memref_slice %arg3[%dma_wait3A_437] : memref<4194304xf32, #tpu.memory_space<hbm>> -> memref<2048xf32, #tpu.memory_space<hbm>>
      %dma_wait3A_439 = arith.constant 0 : i32
      %dma_wait3A_440 = tpu.memref_slice %arg3[%dma_wait3A_439] : memref<4194304xf32, #tpu.memory_space<hbm>> -> memref<2048xf32, #tpu.memory_space<hbm>>
      tpu.wait_dma2 semaphore(%arg14 : memref<!tpu.dma_semaphore, #tpu.memory_space<semaphore_mem>>) src(%dma_wait3A_440 : memref<2048xf32, #tpu.memory_space<hbm>>) dst(%arg10 : memref<2048xf32, #tpu.memory_space<vmem>>)
      %add3A_441 = arith.constant 1 : i32
      %add3A_442 = arith.addi %mul3A_433, %add3A_441 : i32
      %lt3A_443 = arith.cmpi slt, %add3A_442, %shift_right_arithmetic3A_409 : i32
      %convert_element_type3A_444 = arith.extui %lt3A_443 : i1 to i32
      %cond3A_445 = arith.constant 0 : i32
      %cond3A_446 = arith.cmpi ne, %convert_element_type3A_444, %cond3A_445 : i32
      scf.if %cond3A_446 {
        %add3A_459 = arith.constant 1 : i32
        %add3A_460 = arith.addi %mul3A_433, %add3A_459 : i32
        %mul3A_461 = arith.constant 2048 : i32
        %mul3A_462 = arith.muli %add3A_460, %mul3A_461 : i32
        %add3A_463 = arith.addi %mul3A_411, %mul3A_462 : i32
        %dma_start3A = tpu.memref_slice %arg2[%add3A_463] : memref<4194304xi32, #tpu.memory_space<hbm>> -> memref<2048xi32, #tpu.memory_space<hbm>>
        %dma_start3A_464 = tpu.memref_slice %arg2[%add3A_463] : memref<4194304xi32, #tpu.memory_space<hbm>> -> memref<2048xi32, #tpu.memory_space<hbm>>
        tpu.enqueue_dma source(%dma_start3A_464 : memref<2048xi32, #tpu.memory_space<hbm>>) target(%arg9 : memref<2048xi32, #tpu.memory_space<vmem>>) target_semaphore(%arg13 : memref<!tpu.dma_semaphore, #tpu.memory_space<semaphore_mem>>)
        %add3A_465 = arith.constant 1 : i32
        %add3A_466 = arith.addi %mul3A_433, %add3A_465 : i32
        %mul3A_467 = arith.constant 2048 : i32
        %mul3A_468 = arith.muli %add3A_466, %mul3A_467 : i32
        %add3A_469 = arith.addi %mul3A_411, %mul3A_468 : i32
        %dma_start3A_470 = tpu.memref_slice %arg3[%add3A_469] : memref<4194304xf32, #tpu.memory_space<hbm>> -> memref<2048xf32, #tpu.memory_space<hbm>>
        %dma_start3A_471 = tpu.memref_slice %arg3[%add3A_469] : memref<4194304xf32, #tpu.memory_space<hbm>> -> memref<2048xf32, #tpu.memory_space<hbm>>
        tpu.enqueue_dma source(%dma_start3A_471 : memref<2048xf32, #tpu.memory_space<hbm>>) target(%arg11 : memref<2048xf32, #tpu.memory_space<vmem>>) target_semaphore(%arg15 : memref<!tpu.dma_semaphore, #tpu.memory_space<semaphore_mem>>)
      } else {
      }
      %scan3A_447 = arith.constant 0 : i32
      %scan3A_448 = arith.constant 0 : i32
      %scan3A_449 = arith.constant 128 : i32
      %scan3A_450 = arith.addi %scan3A_448, %scan3A_449 : i32
      %scan3A_451 = arith.constant 1 : i32
      scf.for %scan3A_459 = %scan3A_448 to %scan3A_450 step %scan3A_451  : i32 {
        %mul3A_460 = arith.constant 16 : i32
        %mul3A_461 = arith.muli %scan3A_459, %mul3A_460 : i32
        %get3A_462 = arith.index_cast %mul3A_461 : i32 to index
        %get3A_463 = tpu.vector_load %arg8[%get3A_462] {strides = array<i32>} : memref<2048xi32, #tpu.memory_space<vmem>>, vector<16xi32>,
        %sub3A_464 = vector.broadcast %add3A_252 : i32 to vector<16xi32>
        %sub3A_465 = arith.subi %get3A_463, %sub3A_464 : vector<16xi32>
        %bitcast3A = vector.bitcast %sub3A_465 : vector<16xi32> to vector<16xi32>
        %lt3A_466 = arith.constant 65536 : i32
        %lt3A_467 = vector.broadcast %lt3A_466 : i32 to vector<16xi32>
        %lt3A_468 = arith.cmpi ult, %bitcast3A, %lt3A_467 : vector<16xi32>
        %jit3A_469 = arith.constant 0 : i32
        %broadcast_in_dim3A = vector.broadcast %jit3A_469 : i32 to vector<16xi32>
        %select_n3A_470 = arith.select %lt3A_468, %sub3A_465, %broadcast_in_dim3A : vector<16xi1>, vector<16xi32>
        %mul3A_471 = arith.constant 16 : i32
        %mul3A_472 = arith.muli %scan3A_459, %mul3A_471 : i32
        %get3A_473 = arith.index_cast %mul3A_472 : i32 to index
        %get3A_474 = tpu.vector_load %arg10[%get3A_473] {strides = array<i32>} : memref<2048xf32, #tpu.memory_space<vmem>>, vector<16xf32>,
        tpu.vector_store_idx %arg6[%select_n3A_470], %get3A_474 masked %lt3A_468 : memref<65536xf32, #tpu.memory_space<vmem>>[vector<16xi32>], vector<16xf32>, vector<16xi1>
      }
      %scan3A_452 = arith.constant 128 : i32
      %add3A_453 = arith.constant 1 : i32
      %add3A_454 = arith.addi %mul3A_433, %add3A_453 : i32
      %lt3A_455 = arith.cmpi slt, %add3A_454, %shift_right_arithmetic3A_409 : i32
      %convert_element_type3A_456 = arith.extui %lt3A_455 : i1 to i32
      %cond3A_457 = arith.constant 0 : i32
      %cond3A_458 = arith.cmpi ne, %convert_element_type3A_456, %cond3A_457 : i32
      scf.if %cond3A_458 {
        %add3A_459 = arith.constant 2 : i32
        %add3A_460 = arith.addi %mul3A_433, %add3A_459 : i32
        %lt3A_461 = arith.cmpi slt, %add3A_460, %shift_right_arithmetic3A_409 : i32
        %convert_element_type3A_462 = arith.extui %lt3A_461 : i1 to i32
        %cond3A_463 = arith.constant 0 : i32
        %cond3A_464 = arith.cmpi ne, %convert_element_type3A_462, %cond3A_463 : i32
        scf.if %cond3A_464 {
          %add3A_479 = arith.constant 2 : i32
          %add3A_480 = arith.addi %mul3A_433, %add3A_479 : i32
          %mul3A_481 = arith.constant 2048 : i32
          %mul3A_482 = arith.muli %add3A_480, %mul3A_481 : i32
          %add3A_483 = arith.addi %mul3A_411, %mul3A_482 : i32
          %dma_start3A = tpu.memref_slice %arg2[%add3A_483] : memref<4194304xi32, #tpu.memory_space<hbm>> -> memref<2048xi32, #tpu.memory_space<hbm>>
          %dma_start3A_484 = tpu.memref_slice %arg2[%add3A_483] : memref<4194304xi32, #tpu.memory_space<hbm>> -> memref<2048xi32, #tpu.memory_space<hbm>>
          tpu.enqueue_dma source(%dma_start3A_484 : memref<2048xi32, #tpu.memory_space<hbm>>) target(%arg8 : memref<2048xi32, #tpu.memory_space<vmem>>) target_semaphore(%arg12 : memref<!tpu.dma_semaphore, #tpu.memory_space<semaphore_mem>>)
          %add3A_485 = arith.constant 2 : i32
          %add3A_486 = arith.addi %mul3A_433, %add3A_485 : i32
          %mul3A_487 = arith.constant 2048 : i32
          %mul3A_488 = arith.muli %add3A_486, %mul3A_487 : i32
          %add3A_489 = arith.addi %mul3A_411, %mul3A_488 : i32
          %dma_start3A_490 = tpu.memref_slice %arg3[%add3A_489] : memref<4194304xf32, #tpu.memory_space<hbm>> -> memref<2048xf32, #tpu.memory_space<hbm>>
          %dma_start3A_491 = tpu.memref_slice %arg3[%add3A_489] : memref<4194304xf32, #tpu.memory_space<hbm>> -> memref<2048xf32, #tpu.memory_space<hbm>>
          tpu.enqueue_dma source(%dma_start3A_491 : memref<2048xf32, #tpu.memory_space<hbm>>) target(%arg10 : memref<2048xf32, #tpu.memory_space<vmem>>) target_semaphore(%arg14 : memref<!tpu.dma_semaphore, #tpu.memory_space<semaphore_mem>>)
        } else {
        }
        %dma_wait3A_465 = arith.constant 0 : i32
        %dma_wait3A_466 = tpu.memref_slice %arg2[%dma_wait3A_465] : memref<4194304xi32, #tpu.memory_space<hbm>> -> memref<2048xi32, #tpu.memory_space<hbm>>
        %dma_wait3A_467 = arith.constant 0 : i32
        %dma_wait3A_468 = tpu.memref_slice %arg2[%dma_wait3A_467] : memref<4194304xi32, #tpu.memory_space<hbm>> -> memref<2048xi32, #tpu.memory_space<hbm>>
        tpu.wait_dma2 semaphore(%arg13 : memref<!tpu.dma_semaphore, #tpu.memory_space<semaphore_mem>>) src(%dma_wait3A_468 : memref<2048xi32, #tpu.memory_space<hbm>>) dst(%arg9 : memref<2048xi32, #tpu.memory_space<vmem>>)
        %dma_wait3A_469 = arith.constant 0 : i32
        %dma_wait3A_470 = tpu.memref_slice %arg3[%dma_wait3A_469] : memref<4194304xf32, #tpu.memory_space<hbm>> -> memref<2048xf32, #tpu.memory_space<hbm>>
        %dma_wait3A_471 = arith.constant 0 : i32
        %dma_wait3A_472 = tpu.memref_slice %arg3[%dma_wait3A_471] : memref<4194304xf32, #tpu.memory_space<hbm>> -> memref<2048xf32, #tpu.memory_space<hbm>>
        tpu.wait_dma2 semaphore(%arg15 : memref<!tpu.dma_semaphore, #tpu.memory_space<semaphore_mem>>) src(%dma_wait3A_472 : memref<2048xf32, #tpu.memory_space<hbm>>) dst(%arg11 : memref<2048xf32, #tpu.memory_space<vmem>>)
        %scan3A_473 = arith.constant 0 : i32
        %scan3A_474 = arith.constant 0 : i32
        %scan3A_475 = arith.constant 128 : i32
        %scan3A_476 = arith.addi %scan3A_474, %scan3A_475 : i32
        %scan3A_477 = arith.constant 1 : i32
        scf.for %scan3A_479 = %scan3A_474 to %scan3A_476 step %scan3A_477  : i32 {
          %mul3A_480 = arith.constant 16 : i32
          %mul3A_481 = arith.muli %scan3A_479, %mul3A_480 : i32
          %get3A_482 = arith.index_cast %mul3A_481 : i32 to index
          %get3A_483 = tpu.vector_load %arg9[%get3A_482] {strides = array<i32>} : memref<2048xi32, #tpu.memory_space<vmem>>, vector<16xi32>,
          %sub3A_484 = vector.broadcast %add3A_252 : i32 to vector<16xi32>
          %sub3A_485 = arith.subi %get3A_483, %sub3A_484 : vector<16xi32>
          %bitcast3A = vector.bitcast %sub3A_485 : vector<16xi32> to vector<16xi32>
          %lt3A_486 = arith.constant 65536 : i32
          %lt3A_487 = vector.broadcast %lt3A_486 : i32 to vector<16xi32>
          %lt3A_488 = arith.cmpi ult, %bitcast3A, %lt3A_487 : vector<16xi32>
          %jit3A_489 = arith.constant 0 : i32
          %broadcast_in_dim3A = vector.broadcast %jit3A_489 : i32 to vector<16xi32>
          %select_n3A_490 = arith.select %lt3A_488, %sub3A_485, %broadcast_in_dim3A : vector<16xi1>, vector<16xi32>
          %mul3A_491 = arith.constant 16 : i32
          %mul3A_492 = arith.muli %scan3A_479, %mul3A_491 : i32
          %get3A_493 = arith.index_cast %mul3A_492 : i32 to index
          %get3A_494 = tpu.vector_load %arg11[%get3A_493] {strides = array<i32>} : memref<2048xf32, #tpu.memory_space<vmem>>, vector<16xf32>,
          tpu.vector_store_idx %arg6[%select_n3A_490], %get3A_494 masked %lt3A_488 : memref<65536xf32, #tpu.memory_space<vmem>>[vector<16xi32>], vector<16xf32>, vector<16xi1>
        }
        %scan3A_478 = arith.constant 128 : i32
      } else {
      }
    }
    %while3A_430 = arith.constant 1 : i32
    scf.for %while3A_431 = %while3A_428 to %while3A_424 step %while3A_430  : i32 {
      %mul3A_432 = arith.constant 2 : i32
      %mul3A_433 = arith.muli %while3A_431, %mul3A_432 : i32
      %dma_wait3A = arith.constant 0 : i32
      %dma_wait3A_434 = tpu.memref_slice %arg2[%dma_wait3A] : memref<4194304xi32, #tpu.memory_space<hbm>> -> memref<2048xi32, #tpu.memory_space<hbm>>
      %dma_wait3A_435 = arith.constant 0 : i32
      %dma_wait3A_436 = tpu.memref_slice %arg2[%dma_wait3A_435] : memref<4194304xi32, #tpu.memory_space<hbm>> -> memref<2048xi32, #tpu.memory_space<hbm>>
      tpu.wait_dma2 semaphore(%arg12 : memref<!tpu.dma_semaphore, #tpu.memory_space<semaphore_mem>>) src(%dma_wait3A_436 : memref<2048xi32, #tpu.memory_space<hbm>>) dst(%arg8 : memref<2048xi32, #tpu.memory_space<vmem>>)
      %dma_wait3A_437 = arith.constant 0 : i32
      %dma_wait3A_438 = tpu.memref_slice %arg3[%dma_wait3A_437] : memref<4194304xf32, #tpu.memory_space<hbm>> -> memref<2048xf32, #tpu.memory_space<hbm>>
      %dma_wait3A_439 = arith.constant 0 : i32
      %dma_wait3A_440 = tpu.memref_slice %arg3[%dma_wait3A_439] : memref<4194304xf32, #tpu.memory_space<hbm>> -> memref<2048xf32, #tpu.memory_space<hbm>>
      tpu.wait_dma2 semaphore(%arg14 : memref<!tpu.dma_semaphore, #tpu.memory_space<semaphore_mem>>) src(%dma_wait3A_440 : memref<2048xf32, #tpu.memory_space<hbm>>) dst(%arg10 : memref<2048xf32, #tpu.memory_space<vmem>>)
      %add3A_441 = arith.constant 1 : i32
      %add3A_442 = arith.addi %mul3A_433, %add3A_441 : i32
      %lt3A_443 = arith.cmpi slt, %add3A_442, %shift_right_arithmetic3A_409 : i32
      %convert_element_type3A_444 = arith.extui %lt3A_443 : i1 to i32
      %cond3A_445 = arith.constant 0 : i32
      %cond3A_446 = arith.cmpi ne, %convert_element_type3A_444, %cond3A_445 : i32
      scf.if %cond3A_446 {
        %add3A_459 = arith.constant 1 : i32
        %add3A_460 = arith.addi %mul3A_433, %add3A_459 : i32
        %mul3A_461 = arith.constant 2048 : i32
        %mul3A_462 = arith.muli %add3A_460, %mul3A_461 : i32
        %add3A_463 = arith.addi %mul3A_411, %mul3A_462 : i32
        %dma_start3A = tpu.memref_slice %arg2[%add3A_463] : memref<4194304xi32, #tpu.memory_space<hbm>> -> memref<2048xi32, #tpu.memory_space<hbm>>
        %dma_start3A_464 = tpu.memref_slice %arg2[%add3A_463] : memref<4194304xi32, #tpu.memory_space<hbm>> -> memref<2048xi32, #tpu.memory_space<hbm>>
        tpu.enqueue_dma source(%dma_start3A_464 : memref<2048xi32, #tpu.memory_space<hbm>>) target(%arg9 : memref<2048xi32, #tpu.memory_space<vmem>>) target_semaphore(%arg13 : memref<!tpu.dma_semaphore, #tpu.memory_space<semaphore_mem>>)
        %add3A_465 = arith.constant 1 : i32
        %add3A_466 = arith.addi %mul3A_433, %add3A_465 : i32
        %mul3A_467 = arith.constant 2048 : i32
        %mul3A_468 = arith.muli %add3A_466, %mul3A_467 : i32
        %add3A_469 = arith.addi %mul3A_411, %mul3A_468 : i32
        %dma_start3A_470 = tpu.memref_slice %arg3[%add3A_469] : memref<4194304xf32, #tpu.memory_space<hbm>> -> memref<2048xf32, #tpu.memory_space<hbm>>
        %dma_start3A_471 = tpu.memref_slice %arg3[%add3A_469] : memref<4194304xf32, #tpu.memory_space<hbm>> -> memref<2048xf32, #tpu.memory_space<hbm>>
        tpu.enqueue_dma source(%dma_start3A_471 : memref<2048xf32, #tpu.memory_space<hbm>>) target(%arg11 : memref<2048xf32, #tpu.memory_space<vmem>>) target_semaphore(%arg15 : memref<!tpu.dma_semaphore, #tpu.memory_space<semaphore_mem>>)
      } else {
      }
      %scan3A_447 = arith.constant 0 : i32
      %scan3A_448 = arith.constant 0 : i32
      %scan3A_449 = arith.constant 128 : i32
      %scan3A_450 = arith.addi %scan3A_448, %scan3A_449 : i32
      %scan3A_451 = arith.constant 1 : i32
      scf.for %scan3A_459 = %scan3A_448 to %scan3A_450 step %scan3A_451  : i32 {
        %mul3A_460 = arith.constant 16 : i32
        %mul3A_461 = arith.muli %scan3A_459, %mul3A_460 : i32
        %get3A_462 = arith.index_cast %mul3A_461 : i32 to index
        %get3A_463 = tpu.vector_load %arg8[%get3A_462] {strides = array<i32>} : memref<2048xi32, #tpu.memory_space<vmem>>, vector<16xi32>,
        %sub3A_464 = vector.broadcast %add3A_252 : i32 to vector<16xi32>
        %sub3A_465 = arith.subi %get3A_463, %sub3A_464 : vector<16xi32>
        %bitcast3A = vector.bitcast %sub3A_465 : vector<16xi32> to vector<16xi32>
        %lt3A_466 = arith.constant 65536 : i32
        %lt3A_467 = vector.broadcast %lt3A_466 : i32 to vector<16xi32>
        %lt3A_468 = arith.cmpi ult, %bitcast3A, %lt3A_467 : vector<16xi32>
        %jit3A_469 = arith.constant 0 : i32
        %broadcast_in_dim3A = vector.broadcast %jit3A_469 : i32 to vector<16xi32>
        %select_n3A_470 = arith.select %lt3A_468, %sub3A_465, %broadcast_in_dim3A : vector<16xi1>, vector<16xi32>
        %mul3A_471 = arith.constant 16 : i32
        %mul3A_472 = arith.muli %scan3A_459, %mul3A_471 : i32
        %get3A_473 = arith.index_cast %mul3A_472 : i32 to index
        %get3A_474 = tpu.vector_load %arg10[%get3A_473] {strides = array<i32>} : memref<2048xf32, #tpu.memory_space<vmem>>, vector<16xf32>,
        tpu.vector_store_idx %arg6[%select_n3A_470], %get3A_474 masked %lt3A_468 : memref<65536xf32, #tpu.memory_space<vmem>>[vector<16xi32>], vector<16xf32>, vector<16xi1>
      }
      %scan3A_452 = arith.constant 128 : i32
      %add3A_453 = arith.constant 1 : i32
      %add3A_454 = arith.addi %mul3A_433, %add3A_453 : i32
      %lt3A_455 = arith.cmpi slt, %add3A_454, %shift_right_arithmetic3A_409 : i32
      %convert_element_type3A_456 = arith.extui %lt3A_455 : i1 to i32
      %cond3A_457 = arith.constant 0 : i32
      %cond3A_458 = arith.cmpi ne, %convert_element_type3A_456, %cond3A_457 : i32
      scf.if %cond3A_458 {
        %add3A_459 = arith.constant 2 : i32
        %add3A_460 = arith.addi %mul3A_433, %add3A_459 : i32
        %lt3A_461 = arith.cmpi slt, %add3A_460, %shift_right_arithmetic3A_409 : i32
        %convert_element_type3A_462 = arith.extui %lt3A_461 : i1 to i32
        %cond3A_463 = arith.constant 0 : i32
        %cond3A_464 = arith.cmpi ne, %convert_element_type3A_462, %cond3A_463 : i32
        scf.if %cond3A_464 {
          %add3A_479 = arith.constant 2 : i32
          %add3A_480 = arith.addi %mul3A_433, %add3A_479 : i32
          %mul3A_481 = arith.constant 2048 : i32
          %mul3A_482 = arith.muli %add3A_480, %mul3A_481 : i32
          %add3A_483 = arith.addi %mul3A_411, %mul3A_482 : i32
          %dma_start3A = tpu.memref_slice %arg2[%add3A_483] : memref<4194304xi32, #tpu.memory_space<hbm>> -> memref<2048xi32, #tpu.memory_space<hbm>>
          %dma_start3A_484 = tpu.memref_slice %arg2[%add3A_483] : memref<4194304xi32, #tpu.memory_space<hbm>> -> memref<2048xi32, #tpu.memory_space<hbm>>
          tpu.enqueue_dma source(%dma_start3A_484 : memref<2048xi32, #tpu.memory_space<hbm>>) target(%arg8 : memref<2048xi32, #tpu.memory_space<vmem>>) target_semaphore(%arg12 : memref<!tpu.dma_semaphore, #tpu.memory_space<semaphore_mem>>)
          %add3A_485 = arith.constant 2 : i32
          %add3A_486 = arith.addi %mul3A_433, %add3A_485 : i32
          %mul3A_487 = arith.constant 2048 : i32
          %mul3A_488 = arith.muli %add3A_486, %mul3A_487 : i32
          %add3A_489 = arith.addi %mul3A_411, %mul3A_488 : i32
          %dma_start3A_490 = tpu.memref_slice %arg3[%add3A_489] : memref<4194304xf32, #tpu.memory_space<hbm>> -> memref<2048xf32, #tpu.memory_space<hbm>>
          %dma_start3A_491 = tpu.memref_slice %arg3[%add3A_489] : memref<4194304xf32, #tpu.memory_space<hbm>> -> memref<2048xf32, #tpu.memory_space<hbm>>
          tpu.enqueue_dma source(%dma_start3A_491 : memref<2048xf32, #tpu.memory_space<hbm>>) target(%arg10 : memref<2048xf32, #tpu.memory_space<vmem>>) target_semaphore(%arg14 : memref<!tpu.dma_semaphore, #tpu.memory_space<semaphore_mem>>)
        } else {
        }
        %dma_wait3A_465 = arith.constant 0 : i32
        %dma_wait3A_466 = tpu.memref_slice %arg2[%dma_wait3A_465] : memref<4194304xi32, #tpu.memory_space<hbm>> -> memref<2048xi32, #tpu.memory_space<hbm>>
        %dma_wait3A_467 = arith.constant 0 : i32
        %dma_wait3A_468 = tpu.memref_slice %arg2[%dma_wait3A_467] : memref<4194304xi32, #tpu.memory_space<hbm>> -> memref<2048xi32, #tpu.memory_space<hbm>>
        tpu.wait_dma2 semaphore(%arg13 : memref<!tpu.dma_semaphore, #tpu.memory_space<semaphore_mem>>) src(%dma_wait3A_468 : memref<2048xi32, #tpu.memory_space<hbm>>) dst(%arg9 : memref<2048xi32, #tpu.memory_space<vmem>>)
        %dma_wait3A_469 = arith.constant 0 : i32
        %dma_wait3A_470 = tpu.memref_slice %arg3[%dma_wait3A_469] : memref<4194304xf32, #tpu.memory_space<hbm>> -> memref<2048xf32, #tpu.memory_space<hbm>>
        %dma_wait3A_471 = arith.constant 0 : i32
        %dma_wait3A_472 = tpu.memref_slice %arg3[%dma_wait3A_471] : memref<4194304xf32, #tpu.memory_space<hbm>> -> memref<2048xf32, #tpu.memory_space<hbm>>
        tpu.wait_dma2 semaphore(%arg15 : memref<!tpu.dma_semaphore, #tpu.memory_space<semaphore_mem>>) src(%dma_wait3A_472 : memref<2048xf32, #tpu.memory_space<hbm>>) dst(%arg11 : memref<2048xf32, #tpu.memory_space<vmem>>)
        %scan3A_473 = arith.constant 0 : i32
        %scan3A_474 = arith.constant 0 : i32
        %scan3A_475 = arith.constant 128 : i32
        %scan3A_476 = arith.addi %scan3A_474, %scan3A_475 : i32
        %scan3A_477 = arith.constant 1 : i32
        scf.for %scan3A_479 = %scan3A_474 to %scan3A_476 step %scan3A_477  : i32 {
          %mul3A_480 = arith.constant 16 : i32
          %mul3A_481 = arith.muli %scan3A_479, %mul3A_480 : i32
          %get3A_482 = arith.index_cast %mul3A_481 : i32 to index
          %get3A_483 = tpu.vector_load %arg9[%get3A_482] {strides = array<i32>} : memref<2048xi32, #tpu.memory_space<vmem>>, vector<16xi32>,
          %sub3A_484 = vector.broadcast %add3A_252 : i32 to vector<16xi32>
          %sub3A_485 = arith.subi %get3A_483, %sub3A_484 : vector<16xi32>
          %bitcast3A = vector.bitcast %sub3A_485 : vector<16xi32> to vector<16xi32>
          %lt3A_486 = arith.constant 65536 : i32
          %lt3A_487 = vector.broadcast %lt3A_486 : i32 to vector<16xi32>
          %lt3A_488 = arith.cmpi ult, %bitcast3A, %lt3A_487 : vector<16xi32>
          %jit3A_489 = arith.constant 0 : i32
          %broadcast_in_dim3A = vector.broadcast %jit3A_489 : i32 to vector<16xi32>
          %select_n3A_490 = arith.select %lt3A_488, %sub3A_485, %broadcast_in_dim3A : vector<16xi1>, vector<16xi32>
          %mul3A_491 = arith.constant 16 : i32
          %mul3A_492 = arith.muli %scan3A_479, %mul3A_491 : i32
          %get3A_493 = arith.index_cast %mul3A_492 : i32 to index
          %get3A_494 = tpu.vector_load %arg11[%get3A_493] {strides = array<i32>} : memref<2048xf32, #tpu.memory_space<vmem>>, vector<16xf32>,
          tpu.vector_store_idx %arg6[%select_n3A_490], %get3A_494 masked %lt3A_488 : memref<65536xf32, #tpu.memory_space<vmem>>[vector<16xi32>], vector<16xf32>, vector<16xi1>
        }
        %scan3A_478 = arith.constant 128 : i32
      } else {
      }
    }
    "tpu.region"() ({
      %run_scoped3A = tpu.sem_alloc : memref<!tpu.dma_semaphore, #tpu.memory_space<semaphore_mem>>
      %dma_start3A = tpu.memref_slice %arg5[%add3A_252] : memref<4194304xf32, #tpu.memory_space<hbm>> -> memref<65536xf32, #tpu.memory_space<hbm>>
      %dma_start3A_431 = tpu.memref_slice %arg5[%add3A_252] : memref<4194304xf32, #tpu.memory_space<hbm>> -> memref<65536xf32, #tpu.memory_space<hbm>>
      tpu.enqueue_dma source(%arg6 : memref<65536xf32, #tpu.memory_space<vmem>>) target(%dma_start3A_431 : memref<65536xf32, #tpu.memory_space<hbm>>) target_semaphore(%run_scoped3A : memref<!tpu.dma_semaphore, #tpu.memory_space<semaphore_mem>>)
      %dma_wait3A = tpu.memref_slice %arg5[%add3A_252] : memref<4194304xf32, #tpu.memory_space<hbm>> -> memref<65536xf32, #tpu.memory_space<hbm>>
      %dma_wait3A_432 = tpu.memref_slice %arg5[%add3A_252] : memref<4194304xf32, #tpu.memory_space<hbm>> -> memref<65536xf32, #tpu.memory_space<hbm>>
      tpu.wait_dma2 semaphore(%run_scoped3A : memref<!tpu.dma_semaphore, #tpu.memory_space<semaphore_mem>>) src(%arg6 : memref<65536xf32, #tpu.memory_space<vmem>>) dst(%dma_wait3A_432 : memref<65536xf32, #tpu.memory_space<hbm>>)
      tpu.yield
    }) : () -> ()
    return
  }
}

module attributes {stable_mosaic.version = 14 : i64} {
  func.func @_point_kernel(%arg0: i32, %arg1: i32, %arg2: memref<1x1x32xf32, #tpu.memory_space<smem>>, %arg3: memref<1x32x1024xf32, #tpu.memory_space<vmem>>, %arg4: memref<1x32x1024xi32, #tpu.memory_space<vmem>>, %arg5: memref<1x32x1024xf32, #tpu.memory_space<vmem>>, %arg6: memref<1x3x32x1024xf32, #tpu.memory_space<vmem>>) attributes {dimension_semantics = [#tpu.dimension_semantics<arbitrary>, #tpu.dimension_semantics<arbitrary>], iteration_bounds = array<i64: 8, 16>, scalar_prefetch = 0 : i64, scratch_operands = 0 : i64, tpu.core_type = #tpu.core_type<tc>, window_params = [{transform_indices = @transform_0, window_bounds = array<i64: 1, 1, 32>}, {transform_indices = @transform_1, window_bounds = array<i64: 1, 32, 1024>}, {transform_indices = @transform_2, window_bounds = array<i64: 1, 32, 1024>}, {transform_indices = @transform_3, window_bounds = array<i64: 1, 32, 1024>}, {transform_indices = @transform_4, window_bounds = array<i64: 1, 3, 32, 1024>}]} {
    %get3A = arith.constant 0 : index
    %get3A_0 = arith.constant 0 : index
    %get3A_1 = arith.constant 0 : index
    %get3A_2 = vector.load %arg3[%get3A, %get3A_0, %get3A_1] : memref<1x32x1024xf32, #tpu.memory_space<vmem>>, vector<1x32x1024xf32>
    %get3A_3 = vector.shape_cast %get3A_2 : vector<1x32x1024xf32> to vector<32x1024xf32>
    %iota3A = tpu.iota {dimensions = array<i32: 1>} : vector<32x1024xi32>
    %iota3A_4 = tpu.iota {dimensions = array<i32: 0>} : vector<32x1024xi32>
    %mul3A = arith.constant 32 : i32
    %mul3A_5 = arith.muli %arg1, %mul3A : i32
    %add3A = vector.broadcast %mul3A_5 : i32 to vector<32x1024xi32>
    %add3A_6 = arith.addi %iota3A_4, %add3A : vector<32x1024xi32>
    %convert_element_type3A = arith.sitofp %iota3A : vector<32x1024xi32> to vector<32x1024xf32>
    %bitcast_convert_type3A = tpu.bitcast %convert_element_type3A : vector<32x1024xf32> -> vector<32x1024xi32>
    %add3A_7 = arith.constant 32767 : i32
    %add3A_8 = vector.broadcast %add3A_7 : i32 to vector<32x1024xi32>
    %add3A_9 = arith.addi %bitcast_convert_type3A, %add3A_8 : vector<32x1024xi32>
    %shift_right_logical3A = arith.constant 16 : i32
    %shift_right_logical3A_10 = vector.broadcast %shift_right_logical3A : i32 to vector<32x1024xi32>
    %shift_right_logical3A_11 = arith.shrui %bitcast_convert_type3A, %shift_right_logical3A_10 : vector<32x1024xi32>
    %and3A = arith.constant 1 : i32
    %and3A_12 = vector.broadcast %and3A : i32 to vector<32x1024xi32>
    %and3A_13 = arith.andi %shift_right_logical3A_11, %and3A_12 : vector<32x1024xi32>
    %add3A_14 = arith.addi %add3A_9, %and3A_13 : vector<32x1024xi32>
    %and3A_15 = arith.constant -65536 : i32
    %and3A_16 = vector.broadcast %and3A_15 : i32 to vector<32x1024xi32>
    %and3A_17 = arith.andi %add3A_14, %and3A_16 : vector<32x1024xi32>
    %bitcast_convert_type3A_18 = tpu.bitcast %and3A_17 : vector<32x1024xi32> -> vector<32x1024xf32>
    %convert_element_type3A_19 = arith.sitofp %add3A_6 : vector<32x1024xi32> to vector<32x1024xf32>
    %bitcast_convert_type3A_20 = tpu.bitcast %convert_element_type3A_19 : vector<32x1024xf32> -> vector<32x1024xi32>
    %add3A_21 = arith.constant 32767 : i32
    %add3A_22 = vector.broadcast %add3A_21 : i32 to vector<32x1024xi32>
    %add3A_23 = arith.addi %bitcast_convert_type3A_20, %add3A_22 : vector<32x1024xi32>
    %shift_right_logical3A_24 = arith.constant 16 : i32
    %shift_right_logical3A_25 = vector.broadcast %shift_right_logical3A_24 : i32 to vector<32x1024xi32>
    %shift_right_logical3A_26 = arith.shrui %bitcast_convert_type3A_20, %shift_right_logical3A_25 : vector<32x1024xi32>
    %and3A_27 = arith.constant 1 : i32
    %and3A_28 = vector.broadcast %and3A_27 : i32 to vector<32x1024xi32>
    %and3A_29 = arith.andi %shift_right_logical3A_26, %and3A_28 : vector<32x1024xi32>
    %add3A_30 = arith.addi %add3A_23, %and3A_29 : vector<32x1024xi32>
    %and3A_31 = arith.constant -65536 : i32
    %and3A_32 = vector.broadcast %and3A_31 : i32 to vector<32x1024xi32>
    %and3A_33 = arith.andi %add3A_30, %and3A_32 : vector<32x1024xi32>
    %bitcast_convert_type3A_34 = tpu.bitcast %and3A_33 : vector<32x1024xi32> -> vector<32x1024xf32>
    %get3A_35 = arith.constant 0 : index
    %get3A_36 = arith.constant 0 : index
    %get3A_37 = arith.constant 0 : index
    %get3A_38 = memref.load %arg2[%get3A_35, %get3A_36, %get3A_37] : memref<1x1x32xf32, #tpu.memory_space<smem>>
    %mul3A_39 = vector.broadcast %get3A_38 : f32 to vector<32x1024xf32>
    %mul3A_40 = arith.mulf %mul3A_39, %bitcast_convert_type3A_18 : vector<32x1024xf32>
    %get3A_41 = arith.constant 0 : index
    %get3A_42 = arith.constant 0 : index
    %get3A_43 = arith.constant 1 : index
    %get3A_44 = memref.load %arg2[%get3A_41, %get3A_42, %get3A_43] : memref<1x1x32xf32, #tpu.memory_space<smem>>
    %mul3A_45 = vector.broadcast %get3A_44 : f32 to vector<32x1024xf32>
    %mul3A_46 = arith.mulf %mul3A_45, %bitcast_convert_type3A_34 : vector<32x1024xf32>
    %get3A_47 = arith.constant 0 : index
    %get3A_48 = arith.constant 0 : index
    %get3A_49 = arith.constant 2 : index
    %get3A_50 = memref.load %arg2[%get3A_47, %get3A_48, %get3A_49] : memref<1x1x32xf32, #tpu.memory_space<smem>>
    %broadcast_in_dim3A = vector.broadcast %get3A_50 : f32 to vector<32x1024xf32>
    %add3A_51 = arith.addf %mul3A_40, %mul3A_46 : vector<32x1024xf32>
    %sub3A = arith.subf %add3A_51, %mul3A_46 : vector<32x1024xf32>
    %sub3A_52 = arith.subf %add3A_51, %sub3A : vector<32x1024xf32>
    %sub3A_53 = arith.subf %mul3A_40, %sub3A : vector<32x1024xf32>
    %sub3A_54 = arith.subf %mul3A_46, %sub3A_52 : vector<32x1024xf32>
    %add3A_55 = arith.addf %sub3A_53, %sub3A_54 : vector<32x1024xf32>
    %add3A_56 = arith.addf %add3A_51, %broadcast_in_dim3A : vector<32x1024xf32>
    %sub3A_57 = arith.subf %add3A_56, %broadcast_in_dim3A : vector<32x1024xf32>
    %sub3A_58 = arith.subf %add3A_56, %sub3A_57 : vector<32x1024xf32>
    %sub3A_59 = arith.subf %add3A_51, %sub3A_57 : vector<32x1024xf32>
    %sub3A_60 = arith.subf %broadcast_in_dim3A, %sub3A_58 : vector<32x1024xf32>
    %add3A_61 = arith.addf %sub3A_59, %sub3A_60 : vector<32x1024xf32>
    %add3A_62 = arith.addf %add3A_55, %add3A_61 : vector<32x1024xf32>
    %add3A_63 = arith.addf %add3A_56, %add3A_62 : vector<32x1024xf32>
    %get3A_64 = arith.constant 0 : index
    %get3A_65 = arith.constant 0 : index
    %get3A_66 = arith.constant 3 : index
    %get3A_67 = memref.load %arg2[%get3A_64, %get3A_65, %get3A_66] : memref<1x1x32xf32, #tpu.memory_space<smem>>
    %mul3A_68 = vector.broadcast %get3A_67 : f32 to vector<32x1024xf32>
    %mul3A_69 = arith.mulf %mul3A_68, %bitcast_convert_type3A_18 : vector<32x1024xf32>
    %get3A_70 = arith.constant 0 : index
    %get3A_71 = arith.constant 0 : index
    %get3A_72 = arith.constant 4 : index
    %get3A_73 = memref.load %arg2[%get3A_70, %get3A_71, %get3A_72] : memref<1x1x32xf32, #tpu.memory_space<smem>>
    %mul3A_74 = vector.broadcast %get3A_73 : f32 to vector<32x1024xf32>
    %mul3A_75 = arith.mulf %mul3A_74, %bitcast_convert_type3A_34 : vector<32x1024xf32>
    %get3A_76 = arith.constant 0 : index
    %get3A_77 = arith.constant 0 : index
    %get3A_78 = arith.constant 5 : index
    %get3A_79 = memref.load %arg2[%get3A_76, %get3A_77, %get3A_78] : memref<1x1x32xf32, #tpu.memory_space<smem>>
    %broadcast_in_dim3A_80 = vector.broadcast %get3A_79 : f32 to vector<32x1024xf32>
    %add3A_81 = arith.addf %mul3A_69, %mul3A_75 : vector<32x1024xf32>
    %sub3A_82 = arith.subf %add3A_81, %mul3A_75 : vector<32x1024xf32>
    %sub3A_83 = arith.subf %add3A_81, %sub3A_82 : vector<32x1024xf32>
    %sub3A_84 = arith.subf %mul3A_69, %sub3A_82 : vector<32x1024xf32>
    %sub3A_85 = arith.subf %mul3A_75, %sub3A_83 : vector<32x1024xf32>
    %add3A_86 = arith.addf %sub3A_84, %sub3A_85 : vector<32x1024xf32>
    %add3A_87 = arith.addf %add3A_81, %broadcast_in_dim3A_80 : vector<32x1024xf32>
    %sub3A_88 = arith.subf %add3A_87, %broadcast_in_dim3A_80 : vector<32x1024xf32>
    %sub3A_89 = arith.subf %add3A_87, %sub3A_88 : vector<32x1024xf32>
    %sub3A_90 = arith.subf %add3A_81, %sub3A_88 : vector<32x1024xf32>
    %sub3A_91 = arith.subf %broadcast_in_dim3A_80, %sub3A_89 : vector<32x1024xf32>
    %add3A_92 = arith.addf %sub3A_90, %sub3A_91 : vector<32x1024xf32>
    %add3A_93 = arith.addf %add3A_86, %add3A_92 : vector<32x1024xf32>
    %add3A_94 = arith.addf %add3A_87, %add3A_93 : vector<32x1024xf32>
    %get3A_95 = arith.constant 0 : index
    %get3A_96 = arith.constant 0 : index
    %get3A_97 = arith.constant 6 : index
    %get3A_98 = memref.load %arg2[%get3A_95, %get3A_96, %get3A_97] : memref<1x1x32xf32, #tpu.memory_space<smem>>
    %mul3A_99 = vector.broadcast %get3A_98 : f32 to vector<32x1024xf32>
    %mul3A_100 = arith.mulf %mul3A_99, %bitcast_convert_type3A_18 : vector<32x1024xf32>
    %get3A_101 = arith.constant 0 : index
    %get3A_102 = arith.constant 0 : index
    %get3A_103 = arith.constant 7 : index
    %get3A_104 = memref.load %arg2[%get3A_101, %get3A_102, %get3A_103] : memref<1x1x32xf32, #tpu.memory_space<smem>>
    %mul3A_105 = vector.broadcast %get3A_104 : f32 to vector<32x1024xf32>
    %mul3A_106 = arith.mulf %mul3A_105, %bitcast_convert_type3A_34 : vector<32x1024xf32>
    %get3A_107 = arith.constant 0 : index
    %get3A_108 = arith.constant 0 : index
    %get3A_109 = arith.constant 8 : index
    %get3A_110 = memref.load %arg2[%get3A_107, %get3A_108, %get3A_109] : memref<1x1x32xf32, #tpu.memory_space<smem>>
    %broadcast_in_dim3A_111 = vector.broadcast %get3A_110 : f32 to vector<32x1024xf32>
    %add3A_112 = arith.addf %mul3A_100, %mul3A_106 : vector<32x1024xf32>
    %sub3A_113 = arith.subf %add3A_112, %mul3A_106 : vector<32x1024xf32>
    %sub3A_114 = arith.subf %add3A_112, %sub3A_113 : vector<32x1024xf32>
    %sub3A_115 = arith.subf %mul3A_100, %sub3A_113 : vector<32x1024xf32>
    %sub3A_116 = arith.subf %mul3A_106, %sub3A_114 : vector<32x1024xf32>
    %add3A_117 = arith.addf %sub3A_115, %sub3A_116 : vector<32x1024xf32>
    %add3A_118 = arith.addf %add3A_112, %broadcast_in_dim3A_111 : vector<32x1024xf32>
    %sub3A_119 = arith.subf %add3A_118, %broadcast_in_dim3A_111 : vector<32x1024xf32>
    %sub3A_120 = arith.subf %add3A_118, %sub3A_119 : vector<32x1024xf32>
    %sub3A_121 = arith.subf %add3A_112, %sub3A_119 : vector<32x1024xf32>
    %sub3A_122 = arith.subf %broadcast_in_dim3A_111, %sub3A_120 : vector<32x1024xf32>
    %add3A_123 = arith.addf %sub3A_121, %sub3A_122 : vector<32x1024xf32>
    %add3A_124 = arith.addf %add3A_117, %add3A_123 : vector<32x1024xf32>
    %add3A_125 = arith.addf %add3A_118, %add3A_124 : vector<32x1024xf32>
    %gt3A = arith.constant 0.000000e+00 : f32
    %gt3A_126 = vector.broadcast %gt3A : f32 to vector<32x1024xf32>
    %gt3A_127 = arith.cmpf ogt, %get3A_3, %gt3A_126 : vector<32x1024xf32>
    %mul3A_128 = arith.mulf %add3A_63, %get3A_3 : vector<32x1024xf32>
    %bitcast_convert_type3A_129 = tpu.bitcast %mul3A_128 : vector<32x1024xf32> -> vector<32x1024xi32>
    %add3A_130 = arith.constant 32767 : i32
    %add3A_131 = vector.broadcast %add3A_130 : i32 to vector<32x1024xi32>
    %add3A_132 = arith.addi %bitcast_convert_type3A_129, %add3A_131 : vector<32x1024xi32>
    %shift_right_logical3A_133 = arith.constant 16 : i32
    %shift_right_logical3A_134 = vector.broadcast %shift_right_logical3A_133 : i32 to vector<32x1024xi32>
    %shift_right_logical3A_135 = arith.shrui %bitcast_convert_type3A_129, %shift_right_logical3A_134 : vector<32x1024xi32>
    %and3A_136 = arith.constant 1 : i32
    %and3A_137 = vector.broadcast %and3A_136 : i32 to vector<32x1024xi32>
    %and3A_138 = arith.andi %shift_right_logical3A_135, %and3A_137 : vector<32x1024xi32>
    %add3A_139 = arith.addi %add3A_132, %and3A_138 : vector<32x1024xi32>
    %and3A_140 = arith.constant -65536 : i32
    %and3A_141 = vector.broadcast %and3A_140 : i32 to vector<32x1024xi32>
    %and3A_142 = arith.andi %add3A_139, %and3A_141 : vector<32x1024xi32>
    %bitcast_convert_type3A_143 = tpu.bitcast %and3A_142 : vector<32x1024xi32> -> vector<32x1024xf32>
    %mul3A_144 = arith.mulf %add3A_94, %get3A_3 : vector<32x1024xf32>
    %bitcast_convert_type3A_145 = tpu.bitcast %mul3A_144 : vector<32x1024xf32> -> vector<32x1024xi32>
    %add3A_146 = arith.constant 32767 : i32
    %add3A_147 = vector.broadcast %add3A_146 : i32 to vector<32x1024xi32>
    %add3A_148 = arith.addi %bitcast_convert_type3A_145, %add3A_147 : vector<32x1024xi32>
    %shift_right_logical3A_149 = arith.constant 16 : i32
    %shift_right_logical3A_150 = vector.broadcast %shift_right_logical3A_149 : i32 to vector<32x1024xi32>
    %shift_right_logical3A_151 = arith.shrui %bitcast_convert_type3A_145, %shift_right_logical3A_150 : vector<32x1024xi32>
    %and3A_152 = arith.constant 1 : i32
    %and3A_153 = vector.broadcast %and3A_152 : i32 to vector<32x1024xi32>
    %and3A_154 = arith.andi %shift_right_logical3A_151, %and3A_153 : vector<32x1024xi32>
    %add3A_155 = arith.addi %add3A_148, %and3A_154 : vector<32x1024xi32>
    %and3A_156 = arith.constant -65536 : i32
    %and3A_157 = vector.broadcast %and3A_156 : i32 to vector<32x1024xi32>
    %and3A_158 = arith.andi %add3A_155, %and3A_157 : vector<32x1024xi32>
    %bitcast_convert_type3A_159 = tpu.bitcast %and3A_158 : vector<32x1024xi32> -> vector<32x1024xf32>
    %mul3A_160 = arith.mulf %add3A_125, %get3A_3 : vector<32x1024xf32>
    %bitcast_convert_type3A_161 = tpu.bitcast %mul3A_160 : vector<32x1024xf32> -> vector<32x1024xi32>
    %add3A_162 = arith.constant 32767 : i32
    %add3A_163 = vector.broadcast %add3A_162 : i32 to vector<32x1024xi32>
    %add3A_164 = arith.addi %bitcast_convert_type3A_161, %add3A_163 : vector<32x1024xi32>
    %shift_right_logical3A_165 = arith.constant 16 : i32
    %shift_right_logical3A_166 = vector.broadcast %shift_right_logical3A_165 : i32 to vector<32x1024xi32>
    %shift_right_logical3A_167 = arith.shrui %bitcast_convert_type3A_161, %shift_right_logical3A_166 : vector<32x1024xi32>
    %and3A_168 = arith.constant 1 : i32
    %and3A_169 = vector.broadcast %and3A_168 : i32 to vector<32x1024xi32>
    %and3A_170 = arith.andi %shift_right_logical3A_167, %and3A_169 : vector<32x1024xi32>
    %add3A_171 = arith.addi %add3A_164, %and3A_170 : vector<32x1024xi32>
    %and3A_172 = arith.constant -65536 : i32
    %and3A_173 = vector.broadcast %and3A_172 : i32 to vector<32x1024xi32>
    %and3A_174 = arith.andi %add3A_171, %and3A_173 : vector<32x1024xi32>
    %bitcast_convert_type3A_175 = tpu.bitcast %and3A_174 : vector<32x1024xi32> -> vector<32x1024xf32>
    %get3A_176 = arith.constant 0 : index
    %get3A_177 = arith.constant 0 : index
    %get3A_178 = arith.constant 9 : index
    %get3A_179 = memref.load %arg2[%get3A_176, %get3A_177, %get3A_178] : memref<1x1x32xf32, #tpu.memory_space<smem>>
    %mul3A_180 = vector.broadcast %get3A_179 : f32 to vector<32x1024xf32>
    %mul3A_181 = arith.mulf %mul3A_180, %bitcast_convert_type3A_143 : vector<32x1024xf32>
    %get3A_182 = arith.constant 0 : index
    %get3A_183 = arith.constant 0 : index
    %get3A_184 = arith.constant 10 : index
    %get3A_185 = memref.load %arg2[%get3A_182, %get3A_183, %get3A_184] : memref<1x1x32xf32, #tpu.memory_space<smem>>
    %mul3A_186 = vector.broadcast %get3A_185 : f32 to vector<32x1024xf32>
    %mul3A_187 = arith.mulf %mul3A_186, %bitcast_convert_type3A_159 : vector<32x1024xf32>
    %get3A_188 = arith.constant 0 : index
    %get3A_189 = arith.constant 0 : index
    %get3A_190 = arith.constant 11 : index
    %get3A_191 = memref.load %arg2[%get3A_188, %get3A_189, %get3A_190] : memref<1x1x32xf32, #tpu.memory_space<smem>>
    %mul3A_192 = vector.broadcast %get3A_191 : f32 to vector<32x1024xf32>
    %mul3A_193 = arith.mulf %mul3A_192, %bitcast_convert_type3A_175 : vector<32x1024xf32>
    %get3A_194 = arith.constant 0 : index
    %get3A_195 = arith.constant 0 : index
    %get3A_196 = arith.constant 12 : index
    %get3A_197 = memref.load %arg2[%get3A_194, %get3A_195, %get3A_196] : memref<1x1x32xf32, #tpu.memory_space<smem>>
    %broadcast_in_dim3A_198 = vector.broadcast %get3A_197 : f32 to vector<32x1024xf32>
    %add3A_199 = arith.addf %mul3A_181, %mul3A_187 : vector<32x1024xf32>
    %sub3A_200 = arith.subf %add3A_199, %mul3A_187 : vector<32x1024xf32>
    %sub3A_201 = arith.subf %add3A_199, %sub3A_200 : vector<32x1024xf32>
    %sub3A_202 = arith.subf %mul3A_181, %sub3A_200 : vector<32x1024xf32>
    %sub3A_203 = arith.subf %mul3A_187, %sub3A_201 : vector<32x1024xf32>
    %add3A_204 = arith.addf %sub3A_202, %sub3A_203 : vector<32x1024xf32>
    %add3A_205 = arith.addf %add3A_199, %mul3A_193 : vector<32x1024xf32>
    %sub3A_206 = arith.subf %add3A_205, %mul3A_193 : vector<32x1024xf32>
    %sub3A_207 = arith.subf %add3A_205, %sub3A_206 : vector<32x1024xf32>
    %sub3A_208 = arith.subf %add3A_199, %sub3A_206 : vector<32x1024xf32>
    %sub3A_209 = arith.subf %mul3A_193, %sub3A_207 : vector<32x1024xf32>
    %add3A_210 = arith.addf %sub3A_208, %sub3A_209 : vector<32x1024xf32>
    %add3A_211 = arith.addf %add3A_205, %broadcast_in_dim3A_198 : vector<32x1024xf32>
    %sub3A_212 = arith.subf %add3A_211, %broadcast_in_dim3A_198 : vector<32x1024xf32>
    %sub3A_213 = arith.subf %add3A_211, %sub3A_212 : vector<32x1024xf32>
    %sub3A_214 = arith.subf %add3A_205, %sub3A_212 : vector<32x1024xf32>
    %sub3A_215 = arith.subf %broadcast_in_dim3A_198, %sub3A_213 : vector<32x1024xf32>
    %add3A_216 = arith.addf %sub3A_214, %sub3A_215 : vector<32x1024xf32>
    %add3A_217 = arith.addf %add3A_204, %add3A_210 : vector<32x1024xf32>
    %add3A_218 = arith.addf %add3A_217, %add3A_216 : vector<32x1024xf32>
    %add3A_219 = arith.addf %add3A_211, %add3A_218 : vector<32x1024xf32>
    %get3A_220 = arith.constant 0 : index
    %get3A_221 = arith.constant 0 : index
    %get3A_222 = arith.constant 13 : index
    %get3A_223 = memref.load %arg2[%get3A_220, %get3A_221, %get3A_222] : memref<1x1x32xf32, #tpu.memory_space<smem>>
    %mul3A_224 = vector.broadcast %get3A_223 : f32 to vector<32x1024xf32>
    %mul3A_225 = arith.mulf %mul3A_224, %bitcast_convert_type3A_143 : vector<32x1024xf32>
    %get3A_226 = arith.constant 0 : index
    %get3A_227 = arith.constant 0 : index
    %get3A_228 = arith.constant 14 : index
    %get3A_229 = memref.load %arg2[%get3A_226, %get3A_227, %get3A_228] : memref<1x1x32xf32, #tpu.memory_space<smem>>
    %mul3A_230 = vector.broadcast %get3A_229 : f32 to vector<32x1024xf32>
    %mul3A_231 = arith.mulf %mul3A_230, %bitcast_convert_type3A_159 : vector<32x1024xf32>
    %get3A_232 = arith.constant 0 : index
    %get3A_233 = arith.constant 0 : index
    %get3A_234 = arith.constant 15 : index
    %get3A_235 = memref.load %arg2[%get3A_232, %get3A_233, %get3A_234] : memref<1x1x32xf32, #tpu.memory_space<smem>>
    %mul3A_236 = vector.broadcast %get3A_235 : f32 to vector<32x1024xf32>
    %mul3A_237 = arith.mulf %mul3A_236, %bitcast_convert_type3A_175 : vector<32x1024xf32>
    %get3A_238 = arith.constant 0 : index
    %get3A_239 = arith.constant 0 : index
    %get3A_240 = arith.constant 16 : index
    %get3A_241 = memref.load %arg2[%get3A_238, %get3A_239, %get3A_240] : memref<1x1x32xf32, #tpu.memory_space<smem>>
    %broadcast_in_dim3A_242 = vector.broadcast %get3A_241 : f32 to vector<32x1024xf32>
    %add3A_243 = arith.addf %mul3A_225, %mul3A_231 : vector<32x1024xf32>
    %sub3A_244 = arith.subf %add3A_243, %mul3A_231 : vector<32x1024xf32>
    %sub3A_245 = arith.subf %add3A_243, %sub3A_244 : vector<32x1024xf32>
    %sub3A_246 = arith.subf %mul3A_225, %sub3A_244 : vector<32x1024xf32>
    %sub3A_247 = arith.subf %mul3A_231, %sub3A_245 : vector<32x1024xf32>
    %add3A_248 = arith.addf %sub3A_246, %sub3A_247 : vector<32x1024xf32>
    %add3A_249 = arith.addf %add3A_243, %mul3A_237 : vector<32x1024xf32>
    %sub3A_250 = arith.subf %add3A_249, %mul3A_237 : vector<32x1024xf32>
    %sub3A_251 = arith.subf %add3A_249, %sub3A_250 : vector<32x1024xf32>
    %sub3A_252 = arith.subf %add3A_243, %sub3A_250 : vector<32x1024xf32>
    %sub3A_253 = arith.subf %mul3A_237, %sub3A_251 : vector<32x1024xf32>
    %add3A_254 = arith.addf %sub3A_252, %sub3A_253 : vector<32x1024xf32>
    %add3A_255 = arith.addf %add3A_249, %broadcast_in_dim3A_242 : vector<32x1024xf32>
    %sub3A_256 = arith.subf %add3A_255, %broadcast_in_dim3A_242 : vector<32x1024xf32>
    %sub3A_257 = arith.subf %add3A_255, %sub3A_256 : vector<32x1024xf32>
    %sub3A_258 = arith.subf %add3A_249, %sub3A_256 : vector<32x1024xf32>
    %sub3A_259 = arith.subf %broadcast_in_dim3A_242, %sub3A_257 : vector<32x1024xf32>
    %add3A_260 = arith.addf %sub3A_258, %sub3A_259 : vector<32x1024xf32>
    %add3A_261 = arith.addf %add3A_248, %add3A_254 : vector<32x1024xf32>
    %add3A_262 = arith.addf %add3A_261, %add3A_260 : vector<32x1024xf32>
    %add3A_263 = arith.addf %add3A_255, %add3A_262 : vector<32x1024xf32>
    %get3A_264 = arith.constant 0 : index
    %get3A_265 = arith.constant 0 : index
    %get3A_266 = arith.constant 17 : index
    %get3A_267 = memref.load %arg2[%get3A_264, %get3A_265, %get3A_266] : memref<1x1x32xf32, #tpu.memory_space<smem>>
    %mul3A_268 = vector.broadcast %get3A_267 : f32 to vector<32x1024xf32>
    %mul3A_269 = arith.mulf %mul3A_268, %bitcast_convert_type3A_143 : vector<32x1024xf32>
    %get3A_270 = arith.constant 0 : index
    %get3A_271 = arith.constant 0 : index
    %get3A_272 = arith.constant 18 : index
    %get3A_273 = memref.load %arg2[%get3A_270, %get3A_271, %get3A_272] : memref<1x1x32xf32, #tpu.memory_space<smem>>
    %mul3A_274 = vector.broadcast %get3A_273 : f32 to vector<32x1024xf32>
    %mul3A_275 = arith.mulf %mul3A_274, %bitcast_convert_type3A_159 : vector<32x1024xf32>
    %get3A_276 = arith.constant 0 : index
    %get3A_277 = arith.constant 0 : index
    %get3A_278 = arith.constant 19 : index
    %get3A_279 = memref.load %arg2[%get3A_276, %get3A_277, %get3A_278] : memref<1x1x32xf32, #tpu.memory_space<smem>>
    %mul3A_280 = vector.broadcast %get3A_279 : f32 to vector<32x1024xf32>
    %mul3A_281 = arith.mulf %mul3A_280, %bitcast_convert_type3A_175 : vector<32x1024xf32>
    %get3A_282 = arith.constant 0 : index
    %get3A_283 = arith.constant 0 : index
    %get3A_284 = arith.constant 20 : index
    %get3A_285 = memref.load %arg2[%get3A_282, %get3A_283, %get3A_284] : memref<1x1x32xf32, #tpu.memory_space<smem>>
    %broadcast_in_dim3A_286 = vector.broadcast %get3A_285 : f32 to vector<32x1024xf32>
    %add3A_287 = arith.addf %mul3A_269, %mul3A_275 : vector<32x1024xf32>
    %sub3A_288 = arith.subf %add3A_287, %mul3A_275 : vector<32x1024xf32>
    %sub3A_289 = arith.subf %add3A_287, %sub3A_288 : vector<32x1024xf32>
    %sub3A_290 = arith.subf %mul3A_269, %sub3A_288 : vector<32x1024xf32>
    %sub3A_291 = arith.subf %mul3A_275, %sub3A_289 : vector<32x1024xf32>
    %add3A_292 = arith.addf %sub3A_290, %sub3A_291 : vector<32x1024xf32>
    %add3A_293 = arith.addf %add3A_287, %mul3A_281 : vector<32x1024xf32>
    %sub3A_294 = arith.subf %add3A_293, %mul3A_281 : vector<32x1024xf32>
    %sub3A_295 = arith.subf %add3A_293, %sub3A_294 : vector<32x1024xf32>
    %sub3A_296 = arith.subf %add3A_287, %sub3A_294 : vector<32x1024xf32>
    %sub3A_297 = arith.subf %mul3A_281, %sub3A_295 : vector<32x1024xf32>
    %add3A_298 = arith.addf %sub3A_296, %sub3A_297 : vector<32x1024xf32>
    %add3A_299 = arith.addf %add3A_293, %broadcast_in_dim3A_286 : vector<32x1024xf32>
    %sub3A_300 = arith.subf %add3A_299, %broadcast_in_dim3A_286 : vector<32x1024xf32>
    %sub3A_301 = arith.subf %add3A_299, %sub3A_300 : vector<32x1024xf32>
    %sub3A_302 = arith.subf %add3A_293, %sub3A_300 : vector<32x1024xf32>
    %sub3A_303 = arith.subf %broadcast_in_dim3A_286, %sub3A_301 : vector<32x1024xf32>
    %add3A_304 = arith.addf %sub3A_302, %sub3A_303 : vector<32x1024xf32>
    %add3A_305 = arith.addf %add3A_292, %add3A_298 : vector<32x1024xf32>
    %add3A_306 = arith.addf %add3A_305, %add3A_304 : vector<32x1024xf32>
    %add3A_307 = arith.addf %add3A_299, %add3A_306 : vector<32x1024xf32>
    %bitcast_convert_type3A_308 = tpu.bitcast %add3A_219 : vector<32x1024xf32> -> vector<32x1024xi32>
    %add3A_309 = arith.constant 32767 : i32
    %add3A_310 = vector.broadcast %add3A_309 : i32 to vector<32x1024xi32>
    %add3A_311 = arith.addi %bitcast_convert_type3A_308, %add3A_310 : vector<32x1024xi32>
    %shift_right_logical3A_312 = arith.constant 16 : i32
    %shift_right_logical3A_313 = vector.broadcast %shift_right_logical3A_312 : i32 to vector<32x1024xi32>
    %shift_right_logical3A_314 = arith.shrui %bitcast_convert_type3A_308, %shift_right_logical3A_313 : vector<32x1024xi32>
    %and3A_315 = arith.constant 1 : i32
    %and3A_316 = vector.broadcast %and3A_315 : i32 to vector<32x1024xi32>
    %and3A_317 = arith.andi %shift_right_logical3A_314, %and3A_316 : vector<32x1024xi32>
    %add3A_318 = arith.addi %add3A_311, %and3A_317 : vector<32x1024xi32>
    %and3A_319 = arith.constant -65536 : i32
    %and3A_320 = vector.broadcast %and3A_319 : i32 to vector<32x1024xi32>
    %and3A_321 = arith.andi %add3A_318, %and3A_320 : vector<32x1024xi32>
    %bitcast_convert_type3A_322 = tpu.bitcast %and3A_321 : vector<32x1024xi32> -> vector<32x1024xf32>
    %bitcast_convert_type3A_323 = tpu.bitcast %add3A_263 : vector<32x1024xf32> -> vector<32x1024xi32>
    %add3A_324 = arith.constant 32767 : i32
    %add3A_325 = vector.broadcast %add3A_324 : i32 to vector<32x1024xi32>
    %add3A_326 = arith.addi %bitcast_convert_type3A_323, %add3A_325 : vector<32x1024xi32>
    %shift_right_logical3A_327 = arith.constant 16 : i32
    %shift_right_logical3A_328 = vector.broadcast %shift_right_logical3A_327 : i32 to vector<32x1024xi32>
    %shift_right_logical3A_329 = arith.shrui %bitcast_convert_type3A_323, %shift_right_logical3A_328 : vector<32x1024xi32>
    %and3A_330 = arith.constant 1 : i32
    %and3A_331 = vector.broadcast %and3A_330 : i32 to vector<32x1024xi32>
    %and3A_332 = arith.andi %shift_right_logical3A_329, %and3A_331 : vector<32x1024xi32>
    %add3A_333 = arith.addi %add3A_326, %and3A_332 : vector<32x1024xi32>
    %and3A_334 = arith.constant -65536 : i32
    %and3A_335 = vector.broadcast %and3A_334 : i32 to vector<32x1024xi32>
    %and3A_336 = arith.andi %add3A_333, %and3A_335 : vector<32x1024xi32>
    %bitcast_convert_type3A_337 = tpu.bitcast %and3A_336 : vector<32x1024xi32> -> vector<32x1024xf32>
    %bitcast_convert_type3A_338 = tpu.bitcast %add3A_307 : vector<32x1024xf32> -> vector<32x1024xi32>
    %add3A_339 = arith.constant 32767 : i32
    %add3A_340 = vector.broadcast %add3A_339 : i32 to vector<32x1024xi32>
    %add3A_341 = arith.addi %bitcast_convert_type3A_338, %add3A_340 : vector<32x1024xi32>
    %shift_right_logical3A_342 = arith.constant 16 : i32
    %shift_right_logical3A_343 = vector.broadcast %shift_right_logical3A_342 : i32 to vector<32x1024xi32>
    %shift_right_logical3A_344 = arith.shrui %bitcast_convert_type3A_338, %shift_right_logical3A_343 : vector<32x1024xi32>
    %and3A_345 = arith.constant 1 : i32
    %and3A_346 = vector.broadcast %and3A_345 : i32 to vector<32x1024xi32>
    %and3A_347 = arith.andi %shift_right_logical3A_344, %and3A_346 : vector<32x1024xi32>
    %add3A_348 = arith.addi %add3A_341, %and3A_347 : vector<32x1024xi32>
    %and3A_349 = arith.constant -65536 : i32
    %and3A_350 = vector.broadcast %and3A_349 : i32 to vector<32x1024xi32>
    %and3A_351 = arith.andi %add3A_348, %and3A_350 : vector<32x1024xi32>
    %bitcast_convert_type3A_352 = tpu.bitcast %and3A_351 : vector<32x1024xi32> -> vector<32x1024xf32>
    %get3A_353 = arith.constant 0 : index
    %get3A_354 = arith.constant 0 : index
    %get3A_355 = arith.constant 21 : index
    %get3A_356 = memref.load %arg2[%get3A_353, %get3A_354, %get3A_355] : memref<1x1x32xf32, #tpu.memory_space<smem>>
    %mul3A_357 = vector.broadcast %get3A_356 : f32 to vector<32x1024xf32>
    %mul3A_358 = arith.mulf %mul3A_357, %bitcast_convert_type3A_322 : vector<32x1024xf32>
    %get3A_359 = arith.constant 0 : index
    %get3A_360 = arith.constant 0 : index
    %get3A_361 = arith.constant 22 : index
    %get3A_362 = memref.load %arg2[%get3A_359, %get3A_360, %get3A_361] : memref<1x1x32xf32, #tpu.memory_space<smem>>
    %mul3A_363 = vector.broadcast %get3A_362 : f32 to vector<32x1024xf32>
    %mul3A_364 = arith.mulf %mul3A_363, %bitcast_convert_type3A_337 : vector<32x1024xf32>
    %get3A_365 = arith.constant 0 : index
    %get3A_366 = arith.constant 0 : index
    %get3A_367 = arith.constant 23 : index
    %get3A_368 = memref.load %arg2[%get3A_365, %get3A_366, %get3A_367] : memref<1x1x32xf32, #tpu.memory_space<smem>>
    %mul3A_369 = vector.broadcast %get3A_368 : f32 to vector<32x1024xf32>
    %mul3A_370 = arith.mulf %mul3A_369, %bitcast_convert_type3A_352 : vector<32x1024xf32>
    %add3A_371 = arith.addf %mul3A_358, %mul3A_364 : vector<32x1024xf32>
    %sub3A_372 = arith.subf %add3A_371, %mul3A_364 : vector<32x1024xf32>
    %sub3A_373 = arith.subf %add3A_371, %sub3A_372 : vector<32x1024xf32>
    %sub3A_374 = arith.subf %mul3A_358, %sub3A_372 : vector<32x1024xf32>
    %sub3A_375 = arith.subf %mul3A_364, %sub3A_373 : vector<32x1024xf32>
    %add3A_376 = arith.addf %sub3A_374, %sub3A_375 : vector<32x1024xf32>
    %add3A_377 = arith.addf %add3A_371, %mul3A_370 : vector<32x1024xf32>
    %sub3A_378 = arith.subf %add3A_377, %mul3A_370 : vector<32x1024xf32>
    %sub3A_379 = arith.subf %add3A_377, %sub3A_378 : vector<32x1024xf32>
    %sub3A_380 = arith.subf %add3A_371, %sub3A_378 : vector<32x1024xf32>
    %sub3A_381 = arith.subf %mul3A_370, %sub3A_379 : vector<32x1024xf32>
    %add3A_382 = arith.addf %sub3A_380, %sub3A_381 : vector<32x1024xf32>
    %add3A_383 = arith.addf %add3A_376, %add3A_382 : vector<32x1024xf32>
    %add3A_384 = arith.addf %add3A_377, %add3A_383 : vector<32x1024xf32>
    %get3A_385 = arith.constant 0 : index
    %get3A_386 = arith.constant 0 : index
    %get3A_387 = arith.constant 24 : index
    %get3A_388 = memref.load %arg2[%get3A_385, %get3A_386, %get3A_387] : memref<1x1x32xf32, #tpu.memory_space<smem>>
    %mul3A_389 = vector.broadcast %get3A_388 : f32 to vector<32x1024xf32>
    %mul3A_390 = arith.mulf %mul3A_389, %bitcast_convert_type3A_322 : vector<32x1024xf32>
    %get3A_391 = arith.constant 0 : index
    %get3A_392 = arith.constant 0 : index
    %get3A_393 = arith.constant 25 : index
    %get3A_394 = memref.load %arg2[%get3A_391, %get3A_392, %get3A_393] : memref<1x1x32xf32, #tpu.memory_space<smem>>
    %mul3A_395 = vector.broadcast %get3A_394 : f32 to vector<32x1024xf32>
    %mul3A_396 = arith.mulf %mul3A_395, %bitcast_convert_type3A_337 : vector<32x1024xf32>
    %get3A_397 = arith.constant 0 : index
    %get3A_398 = arith.constant 0 : index
    %get3A_399 = arith.constant 26 : index
    %get3A_400 = memref.load %arg2[%get3A_397, %get3A_398, %get3A_399] : memref<1x1x32xf32, #tpu.memory_space<smem>>
    %mul3A_401 = vector.broadcast %get3A_400 : f32 to vector<32x1024xf32>
    %mul3A_402 = arith.mulf %mul3A_401, %bitcast_convert_type3A_352 : vector<32x1024xf32>
    %add3A_403 = arith.addf %mul3A_390, %mul3A_396 : vector<32x1024xf32>
    %sub3A_404 = arith.subf %add3A_403, %mul3A_396 : vector<32x1024xf32>
    %sub3A_405 = arith.subf %add3A_403, %sub3A_404 : vector<32x1024xf32>
    %sub3A_406 = arith.subf %mul3A_390, %sub3A_404 : vector<32x1024xf32>
    %sub3A_407 = arith.subf %mul3A_396, %sub3A_405 : vector<32x1024xf32>
    %add3A_408 = arith.addf %sub3A_406, %sub3A_407 : vector<32x1024xf32>
    %add3A_409 = arith.addf %add3A_403, %mul3A_402 : vector<32x1024xf32>
    %sub3A_410 = arith.subf %add3A_409, %mul3A_402 : vector<32x1024xf32>
    %sub3A_411 = arith.subf %add3A_409, %sub3A_410 : vector<32x1024xf32>
    %sub3A_412 = arith.subf %add3A_403, %sub3A_410 : vector<32x1024xf32>
    %sub3A_413 = arith.subf %mul3A_402, %sub3A_411 : vector<32x1024xf32>
    %add3A_414 = arith.addf %sub3A_412, %sub3A_413 : vector<32x1024xf32>
    %add3A_415 = arith.addf %add3A_408, %add3A_414 : vector<32x1024xf32>
    %add3A_416 = arith.addf %add3A_409, %add3A_415 : vector<32x1024xf32>
    %get3A_417 = arith.constant 0 : index
    %get3A_418 = arith.constant 0 : index
    %get3A_419 = arith.constant 27 : index
    %get3A_420 = memref.load %arg2[%get3A_417, %get3A_418, %get3A_419] : memref<1x1x32xf32, #tpu.memory_space<smem>>
    %mul3A_421 = vector.broadcast %get3A_420 : f32 to vector<32x1024xf32>
    %mul3A_422 = arith.mulf %mul3A_421, %bitcast_convert_type3A_322 : vector<32x1024xf32>
    %get3A_423 = arith.constant 0 : index
    %get3A_424 = arith.constant 0 : index
    %get3A_425 = arith.constant 28 : index
    %get3A_426 = memref.load %arg2[%get3A_423, %get3A_424, %get3A_425] : memref<1x1x32xf32, #tpu.memory_space<smem>>
    %mul3A_427 = vector.broadcast %get3A_426 : f32 to vector<32x1024xf32>
    %mul3A_428 = arith.mulf %mul3A_427, %bitcast_convert_type3A_337 : vector<32x1024xf32>
    %get3A_429 = arith.constant 0 : index
    %get3A_430 = arith.constant 0 : index
    %get3A_431 = arith.constant 29 : index
    %get3A_432 = memref.load %arg2[%get3A_429, %get3A_430, %get3A_431] : memref<1x1x32xf32, #tpu.memory_space<smem>>
    %mul3A_433 = vector.broadcast %get3A_432 : f32 to vector<32x1024xf32>
    %mul3A_434 = arith.mulf %mul3A_433, %bitcast_convert_type3A_352 : vector<32x1024xf32>
    %add3A_435 = arith.addf %mul3A_422, %mul3A_428 : vector<32x1024xf32>
    %sub3A_436 = arith.subf %add3A_435, %mul3A_428 : vector<32x1024xf32>
    %sub3A_437 = arith.subf %add3A_435, %sub3A_436 : vector<32x1024xf32>
    %sub3A_438 = arith.subf %mul3A_422, %sub3A_436 : vector<32x1024xf32>
    %sub3A_439 = arith.subf %mul3A_428, %sub3A_437 : vector<32x1024xf32>
    %add3A_440 = arith.addf %sub3A_438, %sub3A_439 : vector<32x1024xf32>
    %add3A_441 = arith.addf %add3A_435, %mul3A_434 : vector<32x1024xf32>
    %sub3A_442 = arith.subf %add3A_441, %mul3A_434 : vector<32x1024xf32>
    %sub3A_443 = arith.subf %add3A_441, %sub3A_442 : vector<32x1024xf32>
    %sub3A_444 = arith.subf %add3A_435, %sub3A_442 : vector<32x1024xf32>
    %sub3A_445 = arith.subf %mul3A_434, %sub3A_443 : vector<32x1024xf32>
    %add3A_446 = arith.addf %sub3A_444, %sub3A_445 : vector<32x1024xf32>
    %add3A_447 = arith.addf %add3A_440, %add3A_446 : vector<32x1024xf32>
    %add3A_448 = arith.addf %add3A_441, %add3A_447 : vector<32x1024xf32>
    %abs3A = math.absf %add3A_448 : vector<32x1024xf32>
    %gt3A_449 = arith.constant 9.99999997E-7 : f32
    %gt3A_450 = vector.broadcast %gt3A_449 : f32 to vector<32x1024xf32>
    %gt3A_451 = arith.cmpf ogt, %abs3A, %gt3A_450 : vector<32x1024xf32>
    %jit3A = arith.constant 1.000000e+00 : f32
    %broadcast_in_dim3A_452 = vector.broadcast %jit3A : f32 to vector<32x1024xf32>
    %select_n3A = arith.select %gt3A_451, %add3A_448, %broadcast_in_dim3A_452 : vector<32x1024xi1>, vector<32x1024xf32>
    %div3A = arith.divf %add3A_384, %select_n3A : vector<32x1024xf32>
    %round3A = math.roundeven %div3A : vector<32x1024xf32>
    %convert_element_type3A_453 = arith.fptosi %round3A : vector<32x1024xf32> to vector<32x1024xi32>
    %div3A_454 = arith.divf %add3A_416, %select_n3A : vector<32x1024xf32>
    %round3A_455 = math.roundeven %div3A_454 : vector<32x1024xf32>
    %convert_element_type3A_456 = arith.fptosi %round3A_455 : vector<32x1024xf32> to vector<32x1024xi32>
    %ge3A = arith.constant 0 : i32
    %ge3A_457 = vector.broadcast %ge3A : i32 to vector<32x1024xi32>
    %ge3A_458 = arith.cmpi sge, %convert_element_type3A_453, %ge3A_457 : vector<32x1024xi32>
    %and3A_459 = arith.andi %gt3A_127, %ge3A_458 : vector<32x1024xi1>
    %lt3A = arith.constant 1024 : i32
    %lt3A_460 = vector.broadcast %lt3A : i32 to vector<32x1024xi32>
    %lt3A_461 = arith.cmpi slt, %convert_element_type3A_453, %lt3A_460 : vector<32x1024xi32>
    %and3A_462 = arith.andi %and3A_459, %lt3A_461 : vector<32x1024xi1>
    %ge3A_463 = arith.constant 0 : i32
    %ge3A_464 = vector.broadcast %ge3A_463 : i32 to vector<32x1024xi32>
    %ge3A_465 = arith.cmpi sge, %convert_element_type3A_456, %ge3A_464 : vector<32x1024xi32>
    %and3A_466 = arith.andi %and3A_462, %ge3A_465 : vector<32x1024xi1>
    %lt3A_467 = arith.constant 512 : i32
    %lt3A_468 = vector.broadcast %lt3A_467 : i32 to vector<32x1024xi32>
    %lt3A_469 = arith.cmpi slt, %convert_element_type3A_456, %lt3A_468 : vector<32x1024xi32>
    %and3A_470 = arith.andi %and3A_466, %lt3A_469 : vector<32x1024xi1>
    %mul3A_471 = arith.constant 524288 : i32
    %mul3A_472 = arith.muli %arg0, %mul3A_471 : i32
    %mul3A_473 = arith.constant 1024 : i32
    %mul3A_474 = vector.broadcast %mul3A_473 : i32 to vector<32x1024xi32>
    %mul3A_475 = arith.muli %convert_element_type3A_456, %mul3A_474 : vector<32x1024xi32>
    %add3A_476 = vector.broadcast %mul3A_472 : i32 to vector<32x1024xi32>
    %add3A_477 = arith.addi %add3A_476, %mul3A_475 : vector<32x1024xi32>
    %add3A_478 = arith.addi %add3A_477, %convert_element_type3A_453 : vector<32x1024xi32>
    %jit3A_479 = arith.constant -1 : i32
    %broadcast_in_dim3A_480 = vector.broadcast %jit3A_479 : i32 to vector<32x1024xi32>
    %select_n3A_481 = arith.select %and3A_470, %add3A_478, %broadcast_in_dim3A_480 : vector<32x1024xi1>, vector<32x1024xi32>
    %swap3A = arith.constant 0 : index
    %swap3A_482 = arith.constant 0 : index
    %swap3A_483 = arith.constant 0 : index
    %swap3A_484 = vector.load %arg4[%swap3A, %swap3A_482, %swap3A_483] : memref<1x32x1024xi32, #tpu.memory_space<vmem>>, vector<1x32x1024xi32>
    %swap3A_485 = vector.shape_cast %swap3A_484 : vector<1x32x1024xi32> to vector<32x1024xi32>
    %swap3A_486 = vector.shape_cast %select_n3A_481 : vector<32x1024xi32> to vector<1x32x1024xi32>
    tpu.vector_store %arg4[%swap3A, %swap3A_482, %swap3A_483], %swap3A_486 {strides = array<i32>} : memref<1x32x1024xi32, #tpu.memory_space<vmem>>, vector<1x32x1024xi32>,
    %jit3A_487 = arith.constant 0.000000e+00 : f32
    %broadcast_in_dim3A_488 = vector.broadcast %jit3A_487 : f32 to vector<32x1024xf32>
    %select_n3A_489 = arith.select %and3A_470, %add3A_448, %broadcast_in_dim3A_488 : vector<32x1024xi1>, vector<32x1024xf32>
    %swap3A_490 = arith.constant 0 : index
    %swap3A_491 = arith.constant 0 : index
    %swap3A_492 = arith.constant 0 : index
    %swap3A_493 = vector.load %arg5[%swap3A_490, %swap3A_491, %swap3A_492] : memref<1x32x1024xf32, #tpu.memory_space<vmem>>, vector<1x32x1024xf32>
    %swap3A_494 = vector.shape_cast %swap3A_493 : vector<1x32x1024xf32> to vector<32x1024xf32>
    %swap3A_495 = vector.shape_cast %select_n3A_489 : vector<32x1024xf32> to vector<1x32x1024xf32>
    tpu.vector_store %arg5[%swap3A_490, %swap3A_491, %swap3A_492], %swap3A_495 {strides = array<i32>} : memref<1x32x1024xf32, #tpu.memory_space<vmem>>, vector<1x32x1024xf32>,
    %jit3A_496 = arith.constant 0.000000e+00 : f32
    %broadcast_in_dim3A_497 = vector.broadcast %jit3A_496 : f32 to vector<32x1024xf32>
    %select_n3A_498 = arith.select %and3A_470, %add3A_219, %broadcast_in_dim3A_497 : vector<32x1024xi1>, vector<32x1024xf32>
    %swap3A_499 = arith.constant 0 : index
    %swap3A_500 = arith.constant 0 : index
    %swap3A_501 = arith.constant 0 : index
    %swap3A_502 = arith.constant 0 : index
    %swap3A_503 = vector.load %arg6[%swap3A_499, %swap3A_500, %swap3A_501, %swap3A_502] : memref<1x3x32x1024xf32, #tpu.memory_space<vmem>>, vector<1x1x32x1024xf32>
    %swap3A_504 = vector.shape_cast %swap3A_503 : vector<1x1x32x1024xf32> to vector<32x1024xf32>
    %swap3A_505 = vector.shape_cast %select_n3A_498 : vector<32x1024xf32> to vector<1x1x32x1024xf32>
    tpu.vector_store %arg6[%swap3A_499, %swap3A_500, %swap3A_501, %swap3A_502], %swap3A_505 {strides = array<i32>} : memref<1x3x32x1024xf32, #tpu.memory_space<vmem>>, vector<1x1x32x1024xf32>,
    %jit3A_506 = arith.constant 0.000000e+00 : f32
    %broadcast_in_dim3A_507 = vector.broadcast %jit3A_506 : f32 to vector<32x1024xf32>
    %select_n3A_508 = arith.select %and3A_470, %add3A_263, %broadcast_in_dim3A_507 : vector<32x1024xi1>, vector<32x1024xf32>
    %swap3A_509 = arith.constant 0 : index
    %swap3A_510 = arith.constant 1 : index
    %swap3A_511 = arith.constant 0 : index
    %swap3A_512 = arith.constant 0 : index
    %swap3A_513 = vector.load %arg6[%swap3A_509, %swap3A_510, %swap3A_511, %swap3A_512] : memref<1x3x32x1024xf32, #tpu.memory_space<vmem>>, vector<1x1x32x1024xf32>
    %swap3A_514 = vector.shape_cast %swap3A_513 : vector<1x1x32x1024xf32> to vector<32x1024xf32>
    %swap3A_515 = vector.shape_cast %select_n3A_508 : vector<32x1024xf32> to vector<1x1x32x1024xf32>
    tpu.vector_store %arg6[%swap3A_509, %swap3A_510, %swap3A_511, %swap3A_512], %swap3A_515 {strides = array<i32>} : memref<1x3x32x1024xf32, #tpu.memory_space<vmem>>, vector<1x1x32x1024xf32>,
    %jit3A_516 = arith.constant 0.000000e+00 : f32
    %broadcast_in_dim3A_517 = vector.broadcast %jit3A_516 : f32 to vector<32x1024xf32>
    %select_n3A_518 = arith.select %and3A_470, %add3A_307, %broadcast_in_dim3A_517 : vector<32x1024xi1>, vector<32x1024xf32>
    %swap3A_519 = arith.constant 0 : index
    %swap3A_520 = arith.constant 2 : index
    %swap3A_521 = arith.constant 0 : index
    %swap3A_522 = arith.constant 0 : index
    %swap3A_523 = vector.load %arg6[%swap3A_519, %swap3A_520, %swap3A_521, %swap3A_522] : memref<1x3x32x1024xf32, #tpu.memory_space<vmem>>, vector<1x1x32x1024xf32>
    %swap3A_524 = vector.shape_cast %swap3A_523 : vector<1x1x32x1024xf32> to vector<32x1024xf32>
    %swap3A_525 = vector.shape_cast %select_n3A_518 : vector<32x1024xf32> to vector<1x1x32x1024xf32>
    tpu.vector_store %arg6[%swap3A_519, %swap3A_520, %swap3A_521, %swap3A_522], %swap3A_525 {strides = array<i32>} : memref<1x3x32x1024xf32, #tpu.memory_space<vmem>>, vector<1x1x32x1024xf32>,
    return
  }
  func.func @transform_0(%arg0: i32, %arg1: i32) -> (i32, i32, i32) {
    %c0_i32 = arith.constant 0 : i32
    %c0_i32_0 = arith.constant 0 : i32
    %c0_i32_1 = arith.constant 0 : i32
    return %arg0, %c0_i32, %c0_i32_0 : i32, i32, i32
  }
  func.func @transform_1(%arg0: i32, %arg1: i32) -> (i32, i32, i32) {
    %c0_i32 = arith.constant 0 : i32
    %c0_i32_0 = arith.constant 0 : i32
    return %arg0, %arg1, %c0_i32 : i32, i32, i32
  }
  func.func @transform_2(%arg0: i32, %arg1: i32) -> (i32, i32, i32) {
    %c0_i32 = arith.constant 0 : i32
    %c0_i32_0 = arith.constant 0 : i32
    return %arg0, %arg1, %c0_i32 : i32, i32, i32
  }
  func.func @transform_3(%arg0: i32, %arg1: i32) -> (i32, i32, i32) {
    %c0_i32 = arith.constant 0 : i32
    %c0_i32_0 = arith.constant 0 : i32
    return %arg0, %arg1, %c0_i32 : i32, i32, i32
  }
  func.func @transform_4(%arg0: i32, %arg1: i32) -> (i32, i32, i32, i32) {
    %c0_i32 = arith.constant 0 : i32
    %c0_i32_0 = arith.constant 0 : i32
    %c0_i32_1 = arith.constant 0 : i32
    return %arg0, %c0_i32, %arg1, %c0_i32_0 : i32, i32, i32, i32
  }
}

</mosaic_0001>

<sc_bundles>
// kernel: kernel.5.cloned.1.call-start
scs
__scs_entry_jumppad:
0x0: {  	(pc) =	sbr.rel $0x88, $3  }
0x1: {  	(tag) =	ssettag $0x0;
	lr =	simm.s32 $0x1  }
0x2: {  	[smem:$0x3F9D] =	sst lr;
	_ =	strace $0xD0000000  }
0x3: {  	_ = 	snop  }
0x4: {  	_ = 	snop  }
0x5: {  	_ = 	snop  }
0x6: {  	_ = 	snop  }
0x7: {  	_ = 	snop  }
__scs_overlays_trampoline_lowered:
0x8: {  	[smem:$0x3FAC] =	sst s0  }
0x9: {  	[smem:$0x3FAD] =	sst s1  }
0xa: {  	[smem:$0x3FAE] =	sst s2  }
0xb: {  	[smem:$0x3FAF] =	sst s3  }
0xc: {  	[smem:$0x3FB0] =	sst s4  }
0xd: {  	[smem:$0x3FB1] =	sst s5  }
0xe: {  	[smem:$0x3FB2] =	sst s6  }
0xf: {  	[smem:$0x3FB3] =	sst s7  }
0x10: {  	[smem:$0x3FB4] =	sst s8  }
0x11: {  	[smem:$0x3FB5] =	sst s9;
	s0 =	simm.s32 @!p0 $0x0  }
0x12: {  	s1 =	sld [smem:$0x3F9B];
	s0 =	simm.s32 @p0 $0x1  }
0x13: {  	[smem:$0x3FB6] =	sst s0;
	s0 =	simm.s32 @!p1 $0x0  }
0x14: {  	s2 =	sld [smem:$0x3F9A];
	s0 =	simm.s32 @p1 $0x1  }
0x15: {  	[smem:$0x3FB7] =	sst s0;
	s0 =	simm.s32 @!p2 $0x0  }
0x16: {  	s3 =	sld [smem:$0x3FDB];
	s0 =	simm.s32 @p2 $0x1  }
0x17: {  	s4 =	simm.s32 $0x1BF5;
	[smem:$0x3FB9] =	sst s0  }
0x18: {  	s0 =	sld [smem:$0x3F9C];
	_ =	swait.ge [sflag:s4], $0x0  }
0x19: {  	s7 =	sld [smem:$0x3F9D]  }
0x1a: {  	s8 =	sadd.s32 $0xFFFFE003, lr  }
0x1b: {  	s9 =	sadd.s32 $0xFFFFFEF7, lr;
	s5 =	simm.s32 $0xFFFFFFFF;
	p2 =	slt.u32 s8, $0xFFFFF086  }
0x1c: {  	p1 =	slt.u32 s9, $0xF7A;
	s5 =	simm.s32 @!p2 $0x0  }
0x1d: {  	s5 =	simm.s32 @p1 $0x1;
	p0 =	seq.s32 s7, s2  }
0x1e: {  	s7 =	smul.u32 @!p0 $0xF7A, s2;
	p2 =	seq.s32 @!p0 s5, $0x0  }
0x1f: {  	s9 =	smul.u32 $0xF7A, s1;
	s8 =	simm.s32 @!p0 $0x1BF5;
	p2 =	por !p2, p0  }
0x20: {  	[sflag:s8] =	ssyncset.s32 @!p0 $0xFFFFF086;
	s6 =	sadd.s32 @!p0 s3, s7;
	s7 =	simm.s32 @!p0 $0x108  }
0x21: {  	s3 =	sadd.s32 s3, s9;
	s6 =	sadd.s32 @!p0 $0x88, s6;
	s7 =	simm.s32 @p2 $0x1082  }
0x22: {  	[simem:s7], [sflag:s8] =	dma.local @!p0 [hbm:s6], $0xF7A  }
0x23: {  	s9 =	sor.u32 $0xD0000000, s2;
	s6 =	simm.s32 $0x108;
	_ =	swait.ge @!p0 [sflag:s8], $0x0  }
0x24: {  	s3 =	sadd.s32 $0x88, s3;
	s6 =	simm.s32 @!p1 $0x1082;
	[sflag:s4] =	ssyncset.s32 $0xFFFFF086  }
0x25: {  	[simem:s6], [sflag:s4] =	dma.local [hbm:s3], $0xF7A  }
0x26: {  	[smem:$0x3F9D] =	sst s1;
	(tag) =	ssettag s2;
	_ =	strace s9  }
0x27: {  	s1 =	sld [smem:$0x3FAD]  }
0x28: {  	s2 =	sld [smem:$0x3FAE]  }
0x29: {  	s4 =	sld [smem:$0x3FB0]  }
0x2a: {  	p0 =	seq.s32 s5, $0x0;
	s5 =	sld [smem:$0x3FB1]  }
0x2b: {  	s6 =	sld [smem:$0x3FB2]  }
0x2c: {  	s7 =	sld [smem:$0x3FB3]  }
0x2d: {  	s3 =	simm.s32 $0x108;
	s8 =	sld [smem:$0x3FB4]  }
0x2e: {  	s3 =	simm.s32 @!p0 $0x1082;
	s9 =	sld [smem:$0x3FB5]  }
0x2f: {  	lr =	sadd.s32 s0, s3;
	s0 =	sld [smem:$0x3FAC]  }
0x30: {  	s3 =	sld [smem:$0x3FAF]  }
0x31: {  	[smem:$0x3FB8] =	sst s10  }
0x32: {  	s10 =	sld [smem:$0x3FB6];
	_ =	sdelay $0x3  }
0x33: {  	p0 =	seq.s32 s10, $0x1;
	s10 =	sld [smem:$0x3FB8];
	_ =	sdelay $0x3  }
0x34: {  	[smem:$0x3FB8] =	sst s10  }
0x35: {  	s10 =	sld [smem:$0x3FB7];
	_ =	sdelay $0x3  }
0x36: {  	p1 =	seq.s32 s10, $0x1;
	s10 =	sld [smem:$0x3FB8];
	_ =	sdelay $0x3  }
0x37: {  	[smem:$0x3FB8] =	sst s10  }
0x38: {  	s10 =	sld [smem:$0x3FB9]  }
0x39: {  	_ = 	snop;
	(pc) =	sbr.ind lr, $3  }
0x3a: {  	_ = 	snop  }
0x3b: {  	_ = 	snop  }
0x3c: {  	p2 =	seq.s32 s10, $0x1;
	s10 =	sld [smem:$0x3FB8]  }
0x3d: {  	_ =	shalt  }
0x3e: {  	_ =	shalt  }
0x3f: {  	_ =	shalt  }
0x40: {  	_ =	shalt  }
0x41: {  	_ =	shalt  }
0x42: {  	_ =	shalt  }
0x43: {  	_ =	shalt  }
0x44: {  	_ =	shalt  }
0x45: {  	_ =	shalt  }
0x46: {  	_ =	shalt  }
0x47: {  	_ =	shalt  }
0x48: {  	_ =	shalt  }
0x49: {  	_ =	shalt  }
0x4a: {  	_ =	shalt  }
0x4b: {  	_ =	shalt  }
0x4c: {  	_ =	shalt  }
0x4d: {  	_ =	shalt  }
0x4e: {  	_ =	shalt  }
0x4f: {  	_ =	shalt  }
0x50: {  	_ =	shalt  }
0x51: {  	_ =	shalt  }
0x52: {  	_ =	shalt  }
0x53: {  	_ =	shalt  }
0x54: {  	_ =	shalt  }
0x55: {  	_ =	shalt  }
0x56: {  	_ =	shalt  }
0x57: {  	_ =	shalt  }
0x58: {  	_ =	shalt  }
0x59: {  	_ =	shalt  }
0x5a: {  	_ =	shalt  }
0x5b: {  	_ =	shalt  }
0x5c: {  	_ =	shalt  }
0x5d: {  	_ =	shalt  }
0x5e: {  	_ =	shalt  }
0x5f: {  	_ =	shalt  }
0x60: {  	_ =	shalt  }
0x61: {  	_ =	shalt  }
0x62: {  	_ =	shalt  }
0x63: {  	_ =	shalt  }
0x64: {  	_ =	shalt  }
0x65: {  	_ =	shalt  }
0x66: {  	_ =	shalt  }
0x67: {  	_ =	shalt  }
0x68: {  	_ =	shalt  }
0x69: {  	_ =	shalt  }
0x6a: {  	_ =	shalt  }
0x6b: {  	_ =	shalt  }
0x6c: {  	_ =	shalt  }
0x6d: {  	_ =	shalt  }
0x6e: {  	_ =	shalt  }
0x6f: {  	_ =	shalt  }
0x70: {  	_ =	shalt  }
0x71: {  	_ =	shalt  }
0x72: {  	_ =	shalt  }
0x73: {  	_ =	shalt  }
0x74: {  	_ =	shalt  }
0x75: {  	_ =	shalt  }
0x76: {  	_ =	shalt  }
0x77: {  	_ =	shalt  }
0x78: {  	_ =	shalt  }
0x79: {  	_ =	shalt  }
0x7a: {  	_ =	shalt  }
0x7b: {  	_ =	shalt  }
0x7c: {  	_ =	shalt  }
0x7d: {  	_ =	shalt  }
0x7e: {  	_ =	shalt  }
0x7f: {  	_ =	shalt  }
0x80: {  	_ =	shalt  }
0x81: {  	_ =	shalt  }
0x82: {  	_ =	shalt  }
0x83: {  	_ =	shalt  }
0x84: {  	_ =	shalt  }
0x85: {  	_ =	shalt  }
0x86: {  	_ =	shalt  }
0x87: {  	_ =	shalt  }
.Lfunc_end0:
.L_simem_size_0:
called_computation_lowered:
.L_overlay_start_0:
0x88: {  	s2 =	sld [smem:$0x3FD9]  }
0x89: {  	s3 =	sld [smem:$0x3FFE];
	_ =	sdelay $0x1  }
0x8a: {  	s1 =	srdreg.scid  }
0x8b: {  	s0 =	sand.u32 $0x1, s1  }
0x8c: {  	s14 =	sshll.u32 s0, $0xA;
	s2 =	sadd.s32 s3, s2  }
0x8d: {  	s2 =	sadd.s32 s2, s14  }
0x8e: {  	[smem:$0x3FC4] =	sst s2  }
0x8f: {  	_ = 	snop  }
0x90: {  	s2 =	sld [smem:$0x3FD0];
	_ =	sdelay $0x2  }
0x91: {  	s15 =	simm.s32 $0xA;
	s4 =	simm.s32 $0x10  }
0x92: {  	[smem:s4], [sflag:s15] =	dma.local [hbm:s2], $0x1  }
0x93: {  	_ =	swait.eq [sflag:s15], $0x1  }
0x94: {  	[sflag:s15] =	ssyncset.done $0x0  }
0x95: {  	[sflag:s15] =	ssyncadd.s32 $0xFFFFFFFF  }
0x96: {  	s16 =	sld [smem:$0x10];
	(tm) =	ssettm $0x1  }
0x97: {  	s17 =	sld [smem:$0x3FFB];
	_ =	sdelay $0x3  }
0x98: {  	_ =	strace s17  }
0x99: {  	s3 =	sld [smem:$0x3FFC];
	_ =	sdelay $0x3  }
0x9a: {  	_ =	strace s3  }
0x9b: {  	s3 =	sld [smem:$0x3FFD];
	_ =	sdelay $0x3  }
0x9c: {  	_ =	strace s3  }
0x9d: {  	_ =	strace $0x8FFFFFFF  }
0x9e: {  	s18 =	sld [smem:$0x3FDB];
	_ =	sdelay $0x1  }
0x9f: {  	s19 =	simm.s32 $_scs_section_size  }
0xa0: {  	s5 =	simm.s32 $_size__tile_overlayer_lowered;
	s6 =	simm.s32 $_tile_overlayer_lowered  }
0xa1: {  	s22 =	simm.s32 $0x1BFF;
	s21 =	sshll.u32 s6, $0x1;
	s3 =	sadd.s32 s19, s18  }
0xa2: {  	s7 =	simm.s32 $0x0;
	s20 =	sshll.u32 s5, $0x1;
	s5 =	sadd.s32 s21, s3  }
0xa3: {  	[timem:s7], [sflag:s22] =	dma.local [hbm:s5], s20  }
0xa4: {  	_ =	swait.ge [sflag:s22], s20  }
0xa5: {  	s4 =	ssub.s32 $0x0, s20;
	[sflag:s22] =	ssyncset.done $0x0  }
0xa6: {  	[sflag:s22] =	ssyncadd.s32 s4;
	_ =	sdelay $0x1  }
0xa7: {  	s23 =	simm.s32 $0x1B8B  }
0xa8: {  	_ =	swait.ge [sflag:s23], $0x1  }
0xa9: {  	[sflag:s23] =	ssyncset.done $0x0  }
0xaa: {  	s25 =	simm.s32 $0x1B8E;
	s24 =	sld [smem:$0x3FFE];
	[sflag:s23] =	ssyncadd.s32 $0xFFFFFFFF  }
0xab: {  	s26 =	simm.s32 $execute0_lowered;
	[smem:$0x3FD2] =	sst s25  }
0xac: {  	s5 =	sshll.u32 s26, $0x1;
	_ =	strace $0x80000046;
	[dreg:$0x1] =	wrdreg $0xFFFFFFFF  }
0xad: {  	s28 =	simm.s32 $_size_execute0_lowered;
	s3 =	sadd.s32 s3, s5;
	[dreg:$0x0] =	wrdreg $0x0  }
0xae: {  	s5 =	sshll.u32 s28, $0x1;
	[dreg:$0x2] =	wrdreg s3  }
0xaf: {  	[dreg:$0x3] =	wrdreg s5  }
0xb0: {  	[dreg:$0x4] =	wrdreg $0xC0  }
0xb1: {  	_ =	task [dreg:s7], $0x5FFFF  }
0xb2: {  	[dreg:$0x1] =	wrdreg $0xFFFFFFFF  }
0xb3: {  	[dreg:$0x0] =	wrdreg $0x60  }
0xb4: {  	[dreg:$0x2] =	wrdreg s24  }
0xb5: {  	[dreg:$0x3] =	wrdreg s16  }
0xb6: {  	[dreg:$0x4] =	wrdreg $0x9  }
0xb7: {  	_ =	task.clear_ibuf [dreg:s7], $0x5FFFF;
	_ =	strace $0x90000046  }
0xb8: {  	s29 =	simm.s32 $0x9;
	_ =	strace $0x80000048  }
0xb9: {  	_ =	swait.ge [sflag:s29], $0x1  }
0xba: {  	[sflag:s29] =	ssyncadd.s32 $0xFFFFFFFF  }
0xbb: {  	_ =	strace $0x90000048  }
0xbc: {  	_ =	sfence  }
0xbd: {  	s30 =	sld [smem:$0x0];
	_ =	sdelay $0x2  }
0xbe: {  	s31 =	sshll.u32 s1, $0xD;
	s1 =	sshrl.u32 s1, $0x2  }
0xbf: {  	s3 =	sand.u32 $0x4000, s31;
	s1 =	sadd.s32 s1, s30  }
0xc0: {  	s0 =	sor.u32 s3, s0;
	s1 =	sshll.u32 s1, $0x11  }
0xc1: {  	s0 =	sor.u32 s1, s0  }
0xc2: {  	s0 =	sadd.s32 $0x8F2B, s0  }
0xc3: {  	[sflag:s0] =	ssyncadd.remote.s32 $0x1  }
0xc4: {  	_ =	sfence.sel $0xFFFF  }
0xc5: {  	[dreg:$0x0] =	wrdreg $0xFFFFFFFF;
	(pc) =	sbr.abs _section_cstart, $3  }
0xc6: {  	[dreg:$0x1] =	wrdreg $0xFFFFFFFF  }
0xc7: {  	_ =	task.clear_ibuf [dreg:s7], $0x2FFFF;
	_ =	strace $0x9FFFFFFF  }
0xc8: {  	(tm) =	ssettm $0x7FFFFFFF  }
0xc9: {  	_ =	shalt  }
tec
execute0_lowered:
.L_overlay_start_1:
0x0: {  	(tag) =	ssettag $0x1  }
0x1: {  	s0 =	rddreg [dreg:$0x0]  }
0x2: {  	s1 =	rddreg [dreg:$0x1];
	s2 =	srdreg.scid;
	s3 =	simm.s32 $0x0  }
0x3: {  	s6 =	stileid.u32;
	s14 =	simm.s32 $0x1;
	s15 =	simm.s32 $0x3  }
0x4: {  	s16 =	simm.s32 $0x2000;
	s17 =	simm.s32 $0x6000;
	s18 =	simm.s32 $0x2  }
0x5: {  	s19 =	simm.s32 $0x4;
	s24 =	simm.s32 $0x7;
	s25 =	simm.s32 $0x0  }
0x6: {  	s2 =	sand.u32 $0x1, s2;
	[smem:$0x7FF] =	sst s3;
	s4 =	sadd.s32 $0x1600, s0  }
0x7: {  	s5 =	sshll.u32 s2, $0x4;
	_ =	strace $0x80000047;
	s2 =	ssub.s32 $0x2, s2  }
.Ltmp0:
0x8: {  	s8 =	sor.u32 s6, s5;
	s5 =	sadd.s32 $0x81600, s0;
	(pc) =	sbr.rel .LBB2_1-.Ltmp0, $4  }
0x9: {  	s6 =	sadd.s32 $0x101600, s0;
	s31 =	sshrl.u32 s2, $0x1;
	s7 =	sshll.u32 s8, $0x1  }
0xa: {  	s2 =	ssub.s32 s2, s31;
	s9 =	sshll.u32 s8, $0xE;
	s0 =	sadd.s32 s7, s0  }
0xb: {  	s7 =	sshll.u32 s8, $0x11;
	s8 =	sadd.s32 s4, s9;
	s9 =	sadd.s32 s5, s9  }
0xc: {  	v0 =	vimm.s32 $0x0;
	v1 =	vlaneseq.u32;
	v2 =	vimm.s32 $0xFFFFFFFF;
	s12 =	smax.u32 s2, $0x1;
	s10 =	sor.u32 $0x4000, s7;
	s11 =	sadd.s32 $0x181600, s0  }
.LBB2_8:
0xd: {  	v3 =	vmov s28  }
.LBB2_14:
0xe: {  	s25 =	sadd.s32 $0x1, s25  }
0xf: {  	p0 =	sne.s32 s25, s12  }
.Ltmp1:
0x10: {  	[tilespmem:$0xA100] =	vst v3;
	s0 =	simm.s32 $0xA100;
	(pc) =	sbr.rel @!p0 .LBB2_15-.Ltmp1, $4  }
0x11: {  	[hbm4b:s11+s3] =	stream.linear.scatter [tilespmem:s0], [sflag:$0x7], $0x10, $0x38;
	[tilespmem:$0xA180] =	vst v63  }
0x12: {  	_ =	swait.ge [sflag:s24], $0x10  }
0x13: {  	[sflag:s24] =	ssyncset.done $0x0  }
0x14: {  	[sflag:s24] =	ssyncadd.s32 $0xFFFFFFF0  }
.LBB2_1:
0x15: {  	[tilespmem:s3], [sflag:$0x1] =	stream.linear.gather [hbm4b:s8+s3], $0x2000, $0x38;
	[tilespmem:$0xA180] =	vst v63  }
0x16: {  	s0 =	simm.s32 $0x4000  }
0x17: {  	s29 =	simm.s32 $0x0;
	s28 =	simm.s32 $0x0;
	s26 =	simm.s32 $0x0  }
0x18: {  	[tilespmem:s0], [sflag:$0x3] =	stream.linear.gather [hbm4b:s9+s3], $0x2000, $0x38;
	[tilespmem:$0xA180] =	vst v63  }
.LBB2_2:
0x19: {  	_ =	swait.ge [sflag:s14], $0x2000  }
0x1a: {  	s30 =	sshll.u32 s26, $0xE;
	[sflag:s14] =	ssyncset.done $0x0  }
0x1b: {  	s0 =	sor.u32 s30, s7;
	[sflag:s14] =	ssyncadd.s32 $0xFFFFE000  }
0x1c: {  	s0 =	sshrl.u32 s0, $0x3;
	_ =	swait.ge [sflag:s15], $0x2000  }
0x1d: {  	s0 =	sor.u32 $0x400, s0;
	[sflag:s15] =	ssyncset.done $0x0  }
0x1e: {  	s13 =	simm.s32 $0x0;
	s2 =	sadd.s32 s4, s0;
	[sflag:s15] =	ssyncadd.s32 $0xFFFFE000  }
0x1f: {  	[tilespmem:s16], [sflag:$0x2] =	stream.linear.gather [hbm4b:s2+s13], $0x2000, $0x38;
	[tilespmem:$0xA180] =	vst v63  }
0x20: {  	s0 =	sadd.s32 s5, s0;
	s2 =	simm.s32 $0x0  }
0x21: {  	[tilespmem:s17], [sflag:$0x4] =	stream.linear.gather [hbm4b:s0+s13], $0x2000, $0x38;
	[tilespmem:$0xA180] =	vst v63  }
0x22: {  	v3 =	vld [tilespmem:s2+$0x0];
	_ =	sdelay $0x4  }
0x23: {  	vm0 =	vgt.s32 v3, $0xFFFFFFFF  }
0x24: {  	v4 =	vsel vm0, $0x1, v0  }
0x25: {  	(xrf0) =	vadd.scan.msk.s32 $0xffff, v4;
	_ =	sdelay $0x5  }
0x26: {  	v4, _, _ =	vpop (xrf0)  }
0x27: {  	(v2sf) =	vpush v4, $0xF;
	_ =	sdelay $0xb  }
0x28: {  	v63 =	vld [tilespmem:s2+$0x4000];
	_ =	sdelay $0x1  }
0x29: {  	s13 =	sand.u32 $0xFFF, s28  }
0x2a: {  	s20 =	sor.u32 $0x8000, s13;
	s21 =	spop (v2sf)  }
0x2b: {  	[tilespmem:s20+$0x0] =	vst.msk vm0, v3;
	s22 =	sadd.s32 s13, s21  }
0x2c: {  	[tilespmem:s13+$0x9080] =	vst.msk vm0, v63;
	p2 =	slt.s32 s22, $0x1001  }
0x2d: {  	v3 =	vld @!p2 [tilespmem:$0x9000]  }
0x2e: {  	s0 =	sshll.u32 s29, $0xB;
	s28 =	sadd.s32 s28, s21;
	v4 =	vld @!p2 [tilespmem:$0xA080]  }
0x2f: {  	s23 =	ssub.s32 s28, s0  }
0x30: {  	p1 =	slt.s32 s23, $0x800  }
0x31: {  	p0 =	slt.s32 @!p1 s29, $0x1  }
0x32: {  	p0 =	por p0, p1;
	[tilespmem:$0x8000] =	vst @!p2 v3  }
0x33: {  	s13 =	simm.s32 @!p0 $0x5;
	[tilespmem:$0x9080] =	vst @!p2 v4  }
0x34: {  	s2 =	simm.s32 $0x1;
	_ =	swait.ge @!p0 [sflag:s13], $0x800  }
0x35: {  	s20 =	simm.s32 @!p1 $0x0;
	p2 =	sgt.s32 s23, $0x7FF;
	[sflag:s13] =	ssyncset.done @!p0 $0x0  }
0x36: {  	s23 =	simm.s32 @!p0 $0x6;
	s2 =	simm.s32 @!p2 $0x0;
	[sflag:s13] =	ssyncadd.s32 @!p0 $0xFFFFF800  }
0x37: {  	s29 =	sadd.s32 s2, s29;
	s13 =	sadd.s32 @!p1 s7, s0;
	_ =	swait.ge @!p0 [sflag:s23], $0x800  }
0x38: {  	s0 =	sand.u32 @!p1 $0x800, s0;
	s13 =	sshrl.u32 @!p1 s13, $0x3;
	[sflag:s23] =	ssyncset.done @!p0 $0x0  }
0x39: {  	s31 =	sor.u32 @!p1 $0x8000, s0;
	s21 =	sadd.s32 @!p1 s1, s13;
	[sflag:s23] =	ssyncadd.s32 @!p0 $0xFFFFF800  }
0x3a: {  	[hbm4b:s21+s20] =	stream.linear.scatter @!p1 [tilespmem:s31], [sflag:$0x5], $0x800, $0x38;
	[tilespmem:$0xA180] =	vst v63  }
0x3b: {  	s2 =	sadd.s32 @!p1 s6, s13;
	s13 =	sor.u32 @!p1 $0x9080, s0;
	s31 =	simm.s32 $0x40  }
.LBB2_3:
0x3c: {  	s21 =	sshra.s32 s31, $0x2;
	s31 =	sadd.s32 $0x40, s31;
	s0 =	smov.u32 s29  }
0x3d: {  	[hbm4b:s2+s20] =	stream.linear.scatter @!p1 [tilespmem:s13], [sflag:$0x6], $0x800, $0x38;
	[tilespmem:$0xA180] =	vst v63  }
0x3e: {  	p0 =	sne.s32 s31, $0x8000;
	v3 =	vld [tilespmem:s21+$0x0];
	_ =	sdelay $0x4  }
0x3f: {  	vm0 =	vgt.s32 v3, $0xFFFFFFFF  }
0x40: {  	v4 =	vsel vm0, $0x1, v0  }
0x41: {  	(xrf0) =	vadd.scan.msk.s32 $0xffff, v4;
	_ =	sdelay $0x5  }
0x42: {  	v4, _, _ =	vpop (xrf0)  }
0x43: {  	(v2sf) =	vpush v4, $0xF;
	_ =	sdelay $0xb  }
0x44: {  	v4 =	vld [tilespmem:s21+$0x4000];
	_ =	sdelay $0x1  }
0x45: {  	s2 =	sand.u32 $0xFFF, s28  }
0x46: {  	s13 =	sor.u32 $0x8000, s2;
	s20 =	spop (v2sf)  }
0x47: {  	[tilespmem:s13+$0x0] =	vst.msk vm0, v3;
	s13 =	sadd.s32 s2, s20;
	s28 =	sadd.s32 s28, s20;
	s20 =	sshll.u32 s29, $0xB  }
0x48: {  	[tilespmem:s2+$0x9080] =	vst.msk vm0, v4;
	p2 =	slt.s32 s13, $0x1001;
	s2 =	ssub.s32 s28, s20  }
0x49: {  	s13 =	simm.s32 $0x1;
	v3 =	vld @!p2 [tilespmem:$0x9000];
	p1 =	sgt.s32 s2, $0x7FF  }
0x4a: {  	v4 =	vld @!p2 [tilespmem:$0xA080];
	s13 =	simm.s32 @!p1 $0x0  }
0x4b: {  	p1 =	slt.s32 s2, $0x800;
	s29 =	sadd.s32 s13, s29  }
0x4c: {  	p3 =	slt.s32 @!p1 s0, $0x1;
	s0 =	sadd.s32 @!p1 s7, s20;
	s13 =	sand.u32 @!p1 $0x800, s20  }
0x4d: {  	p3 =	por p3, p1;
	s0 =	sshrl.u32 @!p1 s0, $0x3;
	s21 =	sor.u32 @!p1 $0x8000, s13  }
0x4e: {  	s20 =	simm.s32 @!p3 $0x5;
	s23 =	sadd.s32 @!p1 s1, s0;
	s2 =	sadd.s32 @!p1 s6, s0;
	[tilespmem:$0x8000] =	vst @!p2 v3  }
0x4f: {  	s13 =	sor.u32 @!p1 $0x9080, s13;
	[tilespmem:$0x9080] =	vst @!p2 v4  }
0x50: {  	_ =	swait.ge @!p3 [sflag:s20], $0x800  }
0x51: {  	s0 =	simm.s32 @!p3 $0x6;
	[sflag:s20] =	ssyncset.done @!p3 $0x0  }
.Ltmp2:
0x52: {  	[sflag:s20] =	ssyncadd.s32 @!p3 $0xFFFFF800;
	(pc) =	sbr.rel @p0 .LBB2_3-.Ltmp2, $4  }
0x53: {  	_ =	swait.ge @!p3 [sflag:s0], $0x800  }
0x54: {  	s20 =	simm.s32 @!p1 $0x0;
	[sflag:s0] =	ssyncset.done @!p3 $0x0  }
0x55: {  	[sflag:s0] =	ssyncadd.s32 @!p3 $0xFFFFF800  }
0x56: {  	[hbm4b:s23+s20] =	stream.linear.scatter @!p1 [tilespmem:s21], [sflag:$0x5], $0x800, $0x38;
	[tilespmem:$0xA180] =	vst v63  }
0x57: {  	[hbm4b:s2+s20] =	stream.linear.scatter @!p1 [tilespmem:s13], [sflag:$0x6], $0x800, $0x38;
	[tilespmem:$0xA180] =	vst v63  }
0x58: {  	p0 =	seq.s32 s26, $0x7  }
0x59: {  	s0 =	sadd.s32 @!p0 s30, s10  }
0x5a: {  	s0 =	sshrl.u32 @!p0 s0, $0x3  }
0x5b: {  	s13 =	simm.s32 @!p0 $0x0;
	s2 =	sadd.s32 @!p0 s4, s0  }
0x5c: {  	[tilespmem:s13], [sflag:$0x1] =	stream.linear.gather @!p0 [hbm4b:s2+s13], $0x2000, $0x38;
	[tilespmem:$0xA180] =	vst v63  }
0x5d: {  	s0 =	sadd.s32 @!p0 s5, s0;
	s2 =	simm.s32 @!p0 $0x4000  }
0x5e: {  	[tilespmem:s2], [sflag:$0x3] =	stream.linear.gather @!p0 [hbm4b:s0+s13], $0x2000, $0x38;
	[tilespmem:$0xA180] =	vst v63  }
0x5f: {  	_ =	swait.ge [sflag:s18], $0x2000  }
0x60: {  	[sflag:s18] =	ssyncset.done $0x0  }
0x61: {  	[sflag:s18] =	ssyncadd.s32 $0xFFFFE000  }
0x62: {  	_ =	swait.ge [sflag:s19], $0x2000  }
0x63: {  	[sflag:s19] =	ssyncset.done $0x0  }
0x64: {  	s13 =	simm.s32 $0x0;
	[sflag:s19] =	ssyncadd.s32 $0xFFFFE000  }
0x65: {  	v3 =	vld [tilespmem:s13+$0x2000];
	_ =	sdelay $0x4  }
0x66: {  	vm0 =	vgt.s32 v3, $0xFFFFFFFF  }
0x67: {  	v4 =	vsel vm0, $0x1, v0  }
0x68: {  	(xrf0) =	vadd.scan.msk.s32 $0xffff, v4;
	_ =	sdelay $0x5  }
0x69: {  	v4, _, _ =	vpop (xrf0)  }
0x6a: {  	(v2sf) =	vpush v4, $0xF;
	_ =	sdelay $0xb  }
0x6b: {  	v63 =	vld [tilespmem:s13+$0x6000];
	_ =	sdelay $0x1  }
0x6c: {  	s20 =	sand.u32 $0xFFF, s28  }
0x6d: {  	s21 =	sor.u32 $0x8000, s20;
	s22 =	spop (v2sf)  }
0x6e: {  	[tilespmem:s21+$0x0] =	vst.msk vm0, v3;
	s23 =	sadd.s32 s20, s22  }
0x6f: {  	[tilespmem:s20+$0x9080] =	vst.msk vm0, v63;
	p2 =	slt.s32 s23, $0x1001  }
0x70: {  	v3 =	vld @!p2 [tilespmem:$0x9000]  }
0x71: {  	s0 =	sshll.u32 s29, $0xB;
	s28 =	sadd.s32 s28, s22;
	v4 =	vld @!p2 [tilespmem:$0xA080]  }
0x72: {  	s30 =	ssub.s32 s28, s0  }
0x73: {  	p1 =	slt.s32 s30, $0x800  }
0x74: {  	p0 =	slt.s32 @!p1 s29, $0x1  }
0x75: {  	p0 =	por p0, p1;
	[tilespmem:$0x8000] =	vst @!p2 v3  }
0x76: {  	s31 =	simm.s32 $0x40;
	s2 =	simm.s32 $0x1;
	s13 =	simm.s32 @!p0 $0x5;
	[tilespmem:$0x9080] =	vst @!p2 v4  }
0x77: {  	s23 =	simm.s32 @!p1 $0x0;
	p2 =	sgt.s32 s30, $0x7FF;
	_ =	swait.ge @!p0 [sflag:s13], $0x800  }
0x78: {  	s20 =	simm.s32 @!p0 $0x6;
	s2 =	simm.s32 @!p2 $0x0;
	[sflag:s13] =	ssyncset.done @!p0 $0x0  }
0x79: {  	s29 =	sadd.s32 s2, s29;
	[sflag:s13] =	ssyncadd.s32 @!p0 $0xFFFFF800;
	s13 =	sadd.s32 @!p1 s7, s0  }
0x7a: {  	s0 =	sand.u32 @!p1 $0x800, s0;
	_ =	swait.ge @!p0 [sflag:s20], $0x800;
	s13 =	sshrl.u32 @!p1 s13, $0x3  }
0x7b: {  	s21 =	sor.u32 @!p1 $0x8000, s0;
	[sflag:s20] =	ssyncset.done @!p0 $0x0;
	s30 =	sadd.s32 @!p1 s1, s13  }
0x7c: {  	[sflag:s20] =	ssyncadd.s32 @!p0 $0xFFFFF800;
	s20 =	sadd.s32 @!p1 s6, s13;
	s13 =	sor.u32 @!p1 $0x9080, s0  }
0x7d: {  	[hbm4b:s30+s23] =	stream.linear.scatter @!p1 [tilespmem:s21], [sflag:$0x5], $0x800, $0x38;
	[tilespmem:$0xA180] =	vst v63  }
.LBB2_5:
0x7e: {  	s30 =	smov.u32 s28  }
0x7f: {  	s0 =	sshra.s32 s31, $0x2;
	s31 =	sadd.s32 $0x40, s31;
	s2 =	smov.u32 s29  }
0x80: {  	[hbm4b:s20+s23] =	stream.linear.scatter @!p1 [tilespmem:s13], [sflag:$0x6], $0x800, $0x38;
	[tilespmem:$0xA180] =	vst v63  }
0x81: {  	p0 =	sne.s32 s31, $0x8000;
	v3 =	vld [tilespmem:s0+$0x2000];
	_ =	sdelay $0x4  }
0x82: {  	vm0 =	vgt.s32 v3, $0xFFFFFFFF  }
0x83: {  	v4 =	vsel vm0, $0x1, v0  }
0x84: {  	(xrf0) =	vadd.scan.msk.s32 $0xffff, v4;
	_ =	sdelay $0x5  }
0x85: {  	v4, _, _ =	vpop (xrf0)  }
0x86: {  	(v2sf) =	vpush v4, $0xF;
	_ =	sdelay $0xb  }
0x87: {  	v4 =	vld [tilespmem:s0+$0x6000];
	_ =	sdelay $0x1  }
0x88: {  	s13 =	sand.u32 $0xFFF, s28  }
0x89: {  	s20 =	sor.u32 $0x8000, s13;
	s0 =	spop (v2sf)  }
0x8a: {  	s21 =	sshll.u32 s29, $0xB;
	[tilespmem:s20+$0x0] =	vst.msk vm0, v3;
	s20 =	sadd.s32 s13, s0;
	s28 =	sadd.s32 s28, s0  }
0x8b: {  	[tilespmem:s13+$0x9080] =	vst.msk vm0, v4;
	p2 =	slt.s32 s20, $0x1001;
	s13 =	ssub.s32 s28, s21  }
0x8c: {  	s20 =	simm.s32 $0x1;
	v3 =	vld @!p2 [tilespmem:$0x9000];
	p1 =	sgt.s32 s13, $0x7FF  }
0x8d: {  	v4 =	vld @!p2 [tilespmem:$0xA080];
	s20 =	simm.s32 @!p1 $0x0  }
0x8e: {  	p1 =	slt.s32 s13, $0x800;
	s29 =	sadd.s32 s20, s29  }
0x8f: {  	p3 =	slt.s32 @!p1 s2, $0x1;
	s2 =	sadd.s32 @!p1 s7, s21;
	s13 =	sand.u32 @!p1 $0x800, s21  }
0x90: {  	p3 =	por p3, p1;
	s2 =	sshrl.u32 @!p1 s2, $0x3;
	s21 =	sor.u32 @!p1 $0x8000, s13  }
0x91: {  	s23 =	simm.s32 @!p3 $0x5;
	s22 =	sadd.s32 @!p1 s1, s2;
	s20 =	sadd.s32 @!p1 s6, s2;
	[tilespmem:$0x8000] =	vst @!p2 v3  }
0x92: {  	s13 =	sor.u32 @!p1 $0x9080, s13;
	[tilespmem:$0x9080] =	vst @!p2 v4  }
0x93: {  	_ =	swait.ge @!p3 [sflag:s23], $0x800  }
0x94: {  	s2 =	simm.s32 @!p3 $0x6;
	[sflag:s23] =	ssyncset.done @!p3 $0x0  }
.Ltmp3:
0x95: {  	[sflag:s23] =	ssyncadd.s32 @!p3 $0xFFFFF800;
	(pc) =	sbr.rel @p0 .LBB2_5-.Ltmp3, $4  }
0x96: {  	_ =	swait.ge @!p3 [sflag:s2], $0x800  }
0x97: {  	s23 =	simm.s32 @!p1 $0x0;
	[sflag:s2] =	ssyncset.done @!p3 $0x0  }
0x98: {  	[sflag:s2] =	ssyncadd.s32 @!p3 $0xFFFFF800  }
0x99: {  	[hbm4b:s22+s23] =	stream.linear.scatter @!p1 [tilespmem:s21], [sflag:$0x5], $0x800, $0x38;
	[tilespmem:$0xA180] =	vst v63  }
0x9a: {  	s26 =	sadd.s32 $0x1, s26  }
0x9b: {  	p0 =	sne.s32 s26, $0x8  }
.Ltmp4:
0x9c: {  	_ = 	snop;
	(pc) =	sbr.rel @p0 .LBB2_2-.Ltmp4, $2  }
0x9d: {  	_ =	sdelay $0x2  }
0x9e: {  	[hbm4b:s20+s23] =	stream.linear.scatter @!p1 [tilespmem:s13], [sflag:$0x6], $0x800, $0x38;
	[tilespmem:$0xA180] =	vst v63  }
0x9f: {  	p0 =	slt.s32 s29, $0x1  }
0xa0: {  	s2 =	simm.s32 @!p0 $0x5  }
0xa1: {  	_ =	swait.ge @!p0 [sflag:s2], $0x800  }
0xa2: {  	[sflag:s2] =	ssyncset.done @!p0 $0x0  }
0xa3: {  	[sflag:s2] =	ssyncadd.s32 @!p0 $0xFFFFF800;
	s2 =	sshll.u32 s29, $0xB  }
0xa4: {  	p1 =	sgt.s32 s28, s2  }
.Ltmp5:
0xa5: {  	_ = 	snop;
	(pc) =	sbr.rel @!p1 .LBB2_8-.Ltmp5, $4  }
0xa6: {  	s13 =	simm.s32 @!p0 $0x6  }
0xa7: {  	_ =	swait.ge @!p0 [sflag:s13], $0x800  }
0xa8: {  	[sflag:s13] =	ssyncset.done @!p0 $0x0  }
0xa9: {  	[sflag:s13] =	ssyncadd.s32 @!p0 $0xFFFFF800  }
0xaa: {  	s13 =	sand.u32 $0xFFFFFFF0, s28  }
0xab: {  	v3 =	vor.u32 s13, v1;
	s13 =	ssub.s32 s2, s13  }
0xac: {  	s13 =	sadd.s32 $0x7F0, s13  }
0xad: {  	s20 =	sand.u32 $0xFF0, s28;
	vm0 =	vge.s32 v3, s28;
	s13 =	sshra.s32 s13, $0x4  }
0xae: {  	v3 =	vor.u32 s20, v1;
	p0 =	slt.s32 s13, $0x1  }
.Ltmp6:
0xaf: {  	_ = 	snop;
	(pc) =	sbr.rel @p0 .LBB2_13-.Ltmp6, $3  }
0xb0: {  	_ =	sdelay $0x1  }
0xb1: {  	s31 =	simm.s32 $0x8000  }
0xb2: {  	[tilespmem:v3+s31+$0x0] =	vst.idx.msk vm0, v2  }
0xb3: {  	p0 =	sne.s32 s13, $0x1  }
.Ltmp7:
0xb4: {  	_ = 	snop;
	(pc) =	sbr.rel @!p0 .LBB2_12-.Ltmp7, $4  }
0xb5: {  	_ = 	snop  }
0xb6: {  	s0 =	sadd.s32 s30, s0  }
0xb7: {  	s0 =	sadd.s32 $0x10, s0  }
0xb8: {  	s13 =	sadd.s32 $0xFFFFFFFF, s13;
	s20 =	sand.u32 $0xFF0, s0  }
.LBB2_11:
0xb9: {  	p0 =	sne.s32 s13, $0x1;
	s13 =	sadd.s32 $0xFFFFFFFF, s13;
	[tilespmem:s20+$0x8000] =	vst v2;
	s0 =	sadd.s32 $0x10, s0  }
.Ltmp8:
0xba: {  	(pc) =	sbr.rel @p0 .LBB2_11-.Ltmp8, $2  }
0xbb: {  	_ =	sdelay $0x2  }
0xbc: {  	s20 =	sand.u32 $0xFF0, s0  }
.LBB2_12:
0xbd: {  	[tilespmem:s20+$0x8000] =	vst v2  }
.LBB2_13:
0xbe: {  	s0 =	sadd.s32 s7, s2  }
0xbf: {  	s29 =	sand.u32 $0x800, s2;
	s0 =	sshrl.u32 s0, $0x3  }
0xc0: {  	s20 =	sor.u32 $0x8000, s29;
	s13 =	sadd.s32 s1, s0  }
0xc1: {  	[hbm4b:s13+s3] =	stream.linear.scatter [tilespmem:s20], [sflag:$0x5], $0x800, $0x38;
	[tilespmem:$0xA180] =	vst v63  }
0xc2: {  	s30 =	simm.s32 $0x5;
	s2 =	sor.u32 $0x9080, s29;
	s0 =	sadd.s32 s6, s0  }
0xc3: {  	[hbm4b:s0+s3] =	stream.linear.scatter [tilespmem:s2], [sflag:$0x6], $0x800, $0x38;
	[tilespmem:$0xA180] =	vst v63  }
0xc4: {  	_ =	swait.ge [sflag:s30], $0x800  }
.Ltmp9:
0xc5: {  	[sflag:s30] =	ssyncset.done $0x0;
	(pc) =	sbr.rel .LBB2_14-.Ltmp9, $4  }
0xc6: {  	s31 =	simm.s32 $0x6;
	[sflag:s30] =	ssyncadd.s32 $0xFFFFF800  }
0xc7: {  	_ =	swait.ge [sflag:s31], $0x800  }
0xc8: {  	[sflag:s31] =	ssyncset.done $0x0  }
0xc9: {  	v3 =	vmov s28;
	[sflag:s31] =	ssyncadd.s32 $0xFFFFF800  }
.LBB2_15:
0xca: {  	_ =	sfence.sel $0x180000  }
0xcb: {  	[bflag:$0x0] =	sbarrier.arrive $0xFFFF  }
0xcc: {  	_ =	strace $0x90000047  }
0xcd: {  	s0 =	stileid.u32;
	[bflag:$0x2] =	sbarrier.arrive $0xFFFF  }
0xce: {  	p0 =	sne.s32 s0, $0x0;
	s0 =	rddreg [dreg:$0x2]  }
0xcf: {  	s0 =	sadd.s32 @!p0 $0x100000, s0  }
0xd0: {  	[sflag:s0] =	ssyncadd.tile.s32 @!p0 $0x1;
	_ =	shalt  }
.Lfunc_end2:
_tile_overlayer_lowered:
.L_overlay_start_2:
0xd1: {  	(tag) =	ssettag $0x2  }
0xd2: {  	s0 =	rddreg [dreg:$0x0];
	s2 =	stileid.u32  }
0xd3: {  	s1 =	rddreg [dreg:$0x1];
	p0 =	sne.s32 s2, $0x0  }
0xd4: {  	s3 =	rddreg [dreg:$0x2];
	[bflag:$0x3] =	sbarrier.arrive $0xFFFF;
	s2 =	simm.s32 @!p0 $0x1C07  }
0xd5: {  	[timem:s3], [sflag:s2] =	dma.local @!p0 [hbm:s0], s1  }
0xd6: {  	s0 =	simm.s32 @!p0 $0x7  }
0xd7: {  	_ =	swait.ge @!p0 [sflag:s0], s1  }
0xd8: {  	s1 =	ssub.s32 @!p0 $0x0, s1;
	[sflag:s0] =	ssyncset.done @!p0 $0x0  }
0xd9: {  	[sflag:s0] =	ssyncadd.s32 @!p0 s1  }
0xda: {  	[bflag:$0x3] =	sbarrier.arrive $0xFFFF  }
0xdb: {  	_ =	shalt  }

// kernel: kernel.8.cloned.1.call-start
scs
__scs_entry_jumppad:
0x0: {  	(pc) =	sbr.rel $0x88, $3  }
0x1: {  	(tag) =	ssettag $0x0;
	lr =	simm.s32 $0x1  }
0x2: {  	[smem:$0x3F9D] =	sst lr;
	_ =	strace $0xD0000000  }
0x3: {  	_ = 	snop  }
0x4: {  	_ = 	snop  }
0x5: {  	_ = 	snop  }
0x6: {  	_ = 	snop  }
0x7: {  	_ = 	snop  }
__scs_overlays_trampoline_lowered:
0x8: {  	[smem:$0x3FAC] =	sst s0  }
0x9: {  	[smem:$0x3FAD] =	sst s1  }
0xa: {  	[smem:$0x3FAE] =	sst s2  }
0xb: {  	[smem:$0x3FAF] =	sst s3  }
0xc: {  	[smem:$0x3FB0] =	sst s4  }
0xd: {  	[smem:$0x3FB1] =	sst s5  }
0xe: {  	[smem:$0x3FB2] =	sst s6  }
0xf: {  	[smem:$0x3FB3] =	sst s7  }
0x10: {  	[smem:$0x3FB4] =	sst s8  }
0x11: {  	[smem:$0x3FB5] =	sst s9;
	s0 =	simm.s32 @!p0 $0x0  }
0x12: {  	s1 =	sld [smem:$0x3F9B];
	s0 =	simm.s32 @p0 $0x1  }
0x13: {  	[smem:$0x3FB6] =	sst s0;
	s0 =	simm.s32 @!p1 $0x0  }
0x14: {  	s2 =	sld [smem:$0x3F9A];
	s0 =	simm.s32 @p1 $0x1  }
0x15: {  	[smem:$0x3FB7] =	sst s0;
	s0 =	simm.s32 @!p2 $0x0  }
0x16: {  	s3 =	sld [smem:$0x3FDB];
	s0 =	simm.s32 @p2 $0x1  }
0x17: {  	s4 =	simm.s32 $0x1BF5;
	[smem:$0x3FB9] =	sst s0  }
0x18: {  	s0 =	sld [smem:$0x3F9C];
	_ =	swait.ge [sflag:s4], $0x0  }
0x19: {  	s7 =	sld [smem:$0x3F9D]  }
0x1a: {  	s8 =	sadd.s32 $0xFFFFE003, lr  }
0x1b: {  	s9 =	sadd.s32 $0xFFFFFEF7, lr;
	s5 =	simm.s32 $0xFFFFFFFF;
	p2 =	slt.u32 s8, $0xFFFFF086  }
0x1c: {  	p1 =	slt.u32 s9, $0xF7A;
	s5 =	simm.s32 @!p2 $0x0  }
0x1d: {  	s5 =	simm.s32 @p1 $0x1;
	p0 =	seq.s32 s7, s2  }
0x1e: {  	s7 =	smul.u32 @!p0 $0xF7A, s2;
	p2 =	seq.s32 @!p0 s5, $0x0  }
0x1f: {  	s9 =	smul.u32 $0xF7A, s1;
	s8 =	simm.s32 @!p0 $0x1BF5;
	p2 =	por !p2, p0  }
0x20: {  	[sflag:s8] =	ssyncset.s32 @!p0 $0xFFFFF086;
	s6 =	sadd.s32 @!p0 s3, s7;
	s7 =	simm.s32 @!p0 $0x108  }
0x21: {  	s3 =	sadd.s32 s3, s9;
	s6 =	sadd.s32 @!p0 $0x88, s6;
	s7 =	simm.s32 @p2 $0x1082  }
0x22: {  	[simem:s7], [sflag:s8] =	dma.local @!p0 [hbm:s6], $0xF7A  }
0x23: {  	s9 =	sor.u32 $0xD0000000, s2;
	s6 =	simm.s32 $0x108;
	_ =	swait.ge @!p0 [sflag:s8], $0x0  }
0x24: {  	s3 =	sadd.s32 $0x88, s3;
	s6 =	simm.s32 @!p1 $0x1082;
	[sflag:s4] =	ssyncset.s32 $0xFFFFF086  }
0x25: {  	[simem:s6], [sflag:s4] =	dma.local [hbm:s3], $0xF7A  }
0x26: {  	[smem:$0x3F9D] =	sst s1;
	(tag) =	ssettag s2;
	_ =	strace s9  }
0x27: {  	s1 =	sld [smem:$0x3FAD]  }
0x28: {  	s2 =	sld [smem:$0x3FAE]  }
0x29: {  	s4 =	sld [smem:$0x3FB0]  }
0x2a: {  	p0 =	seq.s32 s5, $0x0;
	s5 =	sld [smem:$0x3FB1]  }
0x2b: {  	s6 =	sld [smem:$0x3FB2]  }
0x2c: {  	s7 =	sld [smem:$0x3FB3]  }
0x2d: {  	s3 =	simm.s32 $0x108;
	s8 =	sld [smem:$0x3FB4]  }
0x2e: {  	s3 =	simm.s32 @!p0 $0x1082;
	s9 =	sld [smem:$0x3FB5]  }
0x2f: {  	lr =	sadd.s32 s0, s3;
	s0 =	sld [smem:$0x3FAC]  }
0x30: {  	s3 =	sld [smem:$0x3FAF]  }
0x31: {  	[smem:$0x3FB8] =	sst s10  }
0x32: {  	s10 =	sld [smem:$0x3FB6];
	_ =	sdelay $0x3  }
0x33: {  	p0 =	seq.s32 s10, $0x1;
	s10 =	sld [smem:$0x3FB8];
	_ =	sdelay $0x3  }
0x34: {  	[smem:$0x3FB8] =	sst s10  }
0x35: {  	s10 =	sld [smem:$0x3FB7];
	_ =	sdelay $0x3  }
0x36: {  	p1 =	seq.s32 s10, $0x1;
	s10 =	sld [smem:$0x3FB8];
	_ =	sdelay $0x3  }
0x37: {  	[smem:$0x3FB8] =	sst s10  }
0x38: {  	s10 =	sld [smem:$0x3FB9]  }
0x39: {  	_ = 	snop;
	(pc) =	sbr.ind lr, $3  }
0x3a: {  	_ = 	snop  }
0x3b: {  	_ = 	snop  }
0x3c: {  	p2 =	seq.s32 s10, $0x1;
	s10 =	sld [smem:$0x3FB8]  }
0x3d: {  	_ =	shalt  }
0x3e: {  	_ =	shalt  }
0x3f: {  	_ =	shalt  }
0x40: {  	_ =	shalt  }
0x41: {  	_ =	shalt  }
0x42: {  	_ =	shalt  }
0x43: {  	_ =	shalt  }
0x44: {  	_ =	shalt  }
0x45: {  	_ =	shalt  }
0x46: {  	_ =	shalt  }
0x47: {  	_ =	shalt  }
0x48: {  	_ =	shalt  }
0x49: {  	_ =	shalt  }
0x4a: {  	_ =	shalt  }
0x4b: {  	_ =	shalt  }
0x4c: {  	_ =	shalt  }
0x4d: {  	_ =	shalt  }
0x4e: {  	_ =	shalt  }
0x4f: {  	_ =	shalt  }
0x50: {  	_ =	shalt  }
0x51: {  	_ =	shalt  }
0x52: {  	_ =	shalt  }
0x53: {  	_ =	shalt  }
0x54: {  	_ =	shalt  }
0x55: {  	_ =	shalt  }
0x56: {  	_ =	shalt  }
0x57: {  	_ =	shalt  }
0x58: {  	_ =	shalt  }
0x59: {  	_ =	shalt  }
0x5a: {  	_ =	shalt  }
0x5b: {  	_ =	shalt  }
0x5c: {  	_ =	shalt  }
0x5d: {  	_ =	shalt  }
0x5e: {  	_ =	shalt  }
0x5f: {  	_ =	shalt  }
0x60: {  	_ =	shalt  }
0x61: {  	_ =	shalt  }
0x62: {  	_ =	shalt  }
0x63: {  	_ =	shalt  }
0x64: {  	_ =	shalt  }
0x65: {  	_ =	shalt  }
0x66: {  	_ =	shalt  }
0x67: {  	_ =	shalt  }
0x68: {  	_ =	shalt  }
0x69: {  	_ =	shalt  }
0x6a: {  	_ =	shalt  }
0x6b: {  	_ =	shalt  }
0x6c: {  	_ =	shalt  }
0x6d: {  	_ =	shalt  }
0x6e: {  	_ =	shalt  }
0x6f: {  	_ =	shalt  }
0x70: {  	_ =	shalt  }
0x71: {  	_ =	shalt  }
0x72: {  	_ =	shalt  }
0x73: {  	_ =	shalt  }
0x74: {  	_ =	shalt  }
0x75: {  	_ =	shalt  }
0x76: {  	_ =	shalt  }
0x77: {  	_ =	shalt  }
0x78: {  	_ =	shalt  }
0x79: {  	_ =	shalt  }
0x7a: {  	_ =	shalt  }
0x7b: {  	_ =	shalt  }
0x7c: {  	_ =	shalt  }
0x7d: {  	_ =	shalt  }
0x7e: {  	_ =	shalt  }
0x7f: {  	_ =	shalt  }
0x80: {  	_ =	shalt  }
0x81: {  	_ =	shalt  }
0x82: {  	_ =	shalt  }
0x83: {  	_ =	shalt  }
0x84: {  	_ =	shalt  }
0x85: {  	_ =	shalt  }
0x86: {  	_ =	shalt  }
0x87: {  	_ =	shalt  }
.Lfunc_end0:
.L_simem_size_0:
called_computation.1_lowered:
.L_overlay_start_0:
0x88: {  	s2 =	sld [smem:$0x3FD9]  }
0x89: {  	s3 =	sld [smem:$0x3FFE];
	_ =	sdelay $0x1  }
0x8a: {  	s1 =	srdreg.scid  }
0x8b: {  	s0 =	sand.u32 $0x1, s1  }
0x8c: {  	s14 =	sshll.u32 s0, $0xA;
	s2 =	sadd.s32 s3, s2  }
0x8d: {  	s2 =	sadd.s32 s2, s14  }
0x8e: {  	[smem:$0x3FC4] =	sst s2  }
0x8f: {  	_ = 	snop  }
0x90: {  	s2 =	sld [smem:$0x3FD0];
	_ =	sdelay $0x2  }
0x91: {  	s15 =	simm.s32 $0xA;
	s4 =	simm.s32 $0x10  }
0x92: {  	[smem:s4], [sflag:s15] =	dma.local [hbm:s2], $0x1  }
0x93: {  	_ =	swait.eq [sflag:s15], $0x1  }
0x94: {  	[sflag:s15] =	ssyncset.done $0x0  }
0x95: {  	[sflag:s15] =	ssyncadd.s32 $0xFFFFFFFF  }
0x96: {  	s16 =	sld [smem:$0x10];
	(tm) =	ssettm $0x1  }
0x97: {  	s17 =	sld [smem:$0x3FFB];
	_ =	sdelay $0x3  }
0x98: {  	_ =	strace s17  }
0x99: {  	s3 =	sld [smem:$0x3FFC];
	_ =	sdelay $0x3  }
0x9a: {  	_ =	strace s3  }
0x9b: {  	s3 =	sld [smem:$0x3FFD];
	_ =	sdelay $0x3  }
0x9c: {  	_ =	strace s3  }
0x9d: {  	_ =	strace $0x8FFFFFFF  }
0x9e: {  	s18 =	sld [smem:$0x3FDB];
	_ =	sdelay $0x1  }
0x9f: {  	s19 =	simm.s32 $_scs_section_size  }
0xa0: {  	s5 =	simm.s32 $_size__tile_overlayer_lowered;
	s6 =	simm.s32 $_tile_overlayer_lowered  }
0xa1: {  	s22 =	simm.s32 $0x1BFF;
	s21 =	sshll.u32 s6, $0x1;
	s3 =	sadd.s32 s19, s18  }
0xa2: {  	s7 =	simm.s32 $0x0;
	s20 =	sshll.u32 s5, $0x1;
	s5 =	sadd.s32 s21, s3  }
0xa3: {  	[timem:s7], [sflag:s22] =	dma.local [hbm:s5], s20  }
0xa4: {  	_ =	swait.ge [sflag:s22], s20  }
0xa5: {  	s4 =	ssub.s32 $0x0, s20;
	[sflag:s22] =	ssyncset.done $0x0  }
0xa6: {  	[sflag:s22] =	ssyncadd.s32 s4;
	_ =	sdelay $0x1  }
0xa7: {  	s23 =	simm.s32 $0x1B8B  }
0xa8: {  	_ =	swait.ge [sflag:s23], $0x1  }
0xa9: {  	[sflag:s23] =	ssyncset.done $0x0  }
0xaa: {  	s25 =	simm.s32 $0x1B8E;
	s24 =	sld [smem:$0x3FFE];
	[sflag:s23] =	ssyncadd.s32 $0xFFFFFFFF  }
0xab: {  	s26 =	simm.s32 $execute0_lowered;
	[smem:$0x3FD2] =	sst s25  }
0xac: {  	s5 =	sshll.u32 s26, $0x1;
	_ =	strace $0x80000049;
	[dreg:$0x1] =	wrdreg $0xFFFFFFFF  }
0xad: {  	s28 =	simm.s32 $_size_execute0_lowered;
	s3 =	sadd.s32 s3, s5;
	[dreg:$0x0] =	wrdreg $0x0  }
0xae: {  	s5 =	sshll.u32 s28, $0x1;
	[dreg:$0x2] =	wrdreg s3  }
0xaf: {  	[dreg:$0x3] =	wrdreg s5  }
0xb0: {  	[dreg:$0x4] =	wrdreg $0xC0  }
0xb1: {  	_ =	task [dreg:s7], $0x5FFFF  }
0xb2: {  	[dreg:$0x1] =	wrdreg $0xFFFFFFFF  }
0xb3: {  	[dreg:$0x0] =	wrdreg $0x60  }
0xb4: {  	[dreg:$0x2] =	wrdreg s16  }
0xb5: {  	[dreg:$0x3] =	wrdreg s24  }
0xb6: {  	[dreg:$0x4] =	wrdreg $0x9  }
0xb7: {  	_ =	task.clear_ibuf [dreg:s7], $0x5FFFF;
	_ =	strace $0x90000049  }
0xb8: {  	s29 =	simm.s32 $0x9;
	_ =	strace $0x8000004B  }
0xb9: {  	_ =	swait.ge [sflag:s29], $0x1  }
0xba: {  	[sflag:s29] =	ssyncadd.s32 $0xFFFFFFFF  }
0xbb: {  	_ =	strace $0x9000004B  }
0xbc: {  	_ =	sfence  }
0xbd: {  	s30 =	sld [smem:$0x0];
	_ =	sdelay $0x2  }
0xbe: {  	s31 =	sshll.u32 s1, $0xD;
	s1 =	sshrl.u32 s1, $0x2  }
0xbf: {  	s3 =	sand.u32 $0x4000, s31;
	s1 =	sadd.s32 s1, s30  }
0xc0: {  	s0 =	sor.u32 s3, s0;
	s1 =	sshll.u32 s1, $0x11  }
0xc1: {  	s0 =	sor.u32 s1, s0  }
0xc2: {  	s0 =	sadd.s32 $0x8F2B, s0  }
0xc3: {  	[sflag:s0] =	ssyncadd.remote.s32 $0x1  }
0xc4: {  	_ =	sfence.sel $0xFFFF  }
0xc5: {  	[dreg:$0x0] =	wrdreg $0xFFFFFFFF;
	(pc) =	sbr.abs _section_cstart, $3  }
0xc6: {  	[dreg:$0x1] =	wrdreg $0xFFFFFFFF  }
0xc7: {  	_ =	task.clear_ibuf [dreg:s7], $0x2FFFF;
	_ =	strace $0x9FFFFFFF  }
0xc8: {  	(tm) =	ssettm $0x7FFFFFFF  }
0xc9: {  	_ =	shalt  }
tec
execute0_lowered:
.L_overlay_start_1:
0x0: {  	(tag) =	ssettag $0x1  }
0x1: {  	s1 =	rddreg [dreg:$0x0]  }
0x2: {  	s0 =	srdreg.scid;
	s2 =	rddreg [dreg:$0x1]  }
0x3: {  	s13 =	stileid.u32;
	s3 =	simm.s32 $0x0;
	s0 =	sand.u32 $0x1, s0  }
0x4: {  	s7 =	sand.u32 $0x7, s13;
	[smem:$0x7FF] =	sst s3;
	s6 =	sadd.s32 $0x181600, s2  }
0x5: {  	s19 =	sshll.u32 s13, $0x10;
	s4 =	sshll.u32 s0, $0x4;
	p1 =	sne.s32 s7, $0x0  }
0x6: {  	_ =	strace $0x8000004A;
	[dreg:$0x3] =	wrdreg s6;
	s5 =	sor.u32 s13, s4  }
0x7: {  	s6 =	simm.s32 $0x1;
	s0 =	ssub.s32 $0x2, s0;
	p0 =	seq.s32 s5, $0x0  }
0x8: {  	s7 =	sshll.u32 s7, $0x10;
	s8 =	sshrl.u32 s0, $0x1;
	p0 =	por !p1, !p0  }
0x9: {  	s4 =	sadd.s32 $0x101600, s2;
	s0 =	ssub.s32 s0, s8;
	p0 =	por !p0, !p0  }
0xa: {  	s5 =	sshrl.u32 s5, $0x3;
	s0 =	smax.u32 s0, $0x1;
	s6 =	simm.s32 @!p0 $0x0  }
0xb: {  	s2 =	sadd.s32 $0x1600, s2;
	[dreg:$0x16] =	wrdreg s0;
	s9 =	ssub.s32 s5, s6  }
0xc: {  	s5 =	sor.u32 $0x4, s5;
	s6 =	sshll.u32 s9, $0x13;
	s10 =	sshll.u32 s9, $0x2  }
0xd: {  	s11 =	sshll.u32 s9, $0x8;
	s13 =	sshll.u32 s5, $0x13;
	s9 =	sshllo.u32 s9, $0x2  }
0xe: {  	s28 =	sshll.u32 s5, $0x2;
	s29 =	sshll.u32 s5, $0x10;
	s21 =	sor.u32 s7, s6  }
0xf: {  	s16 =	sor.u32 $0x1, s10;
	s12 =	sshrl.u32 s6, $0x3;
	s10 =	sor.u32 $0x2, s10  }
0x10: {  	s31 =	sor.u32 $0x1, s28;
	s7 =	sshll.u32 s16, $0x11;
	s14 =	sadd.s32 s1, s12  }
0x11: {  	s12 =	sadd.s32 s4, s12;
	s8 =	sshll.u32 s16, $0x6;
	[dreg:$0x4] =	wrdreg s14  }
0x12: {  	s20 =	sshrl.u32 s21, $0x3;
	v0 =	vmov s21;
	s21 =	simm.s32 $0x2;
	[dreg:$0x5] =	wrdreg s12  }
0x13: {  	s17 =	sshrl.u32 s7, $0x3;
	s14 =	sand.u32 $0x70000, s19;
	s8 =	sshra.s32 s8, $0x2  }
0x14: {  	s18 =	sadd.s32 s1, s17;
	s12 =	sadd.s32 s4, s17;
	s22 =	sor.u32 s14, s13  }
0x15: {  	s14 =	sadd.s32 s2, s20;
	s17 =	sadd.s32 s1, s29;
	[dreg:$0x6] =	wrdreg s18  }
0x16: {  	[dreg:$0x7] =	wrdreg s12;
	s12 =	sshll.u32 s10, $0x11;
	s10 =	sshll.u32 s10, $0x6  }
0x17: {  	s16 =	sshrl.u32 s22, $0x3;
	[dreg:$0x8] =	wrdreg s14;
	s14 =	sshll.u32 s9, $0x6  }
0x18: {  	[dreg:$0xe] =	wrdreg s17;
	v1 =	vmov s22;
	s22 =	simm.s32 $0x4;
	s15 =	sshrl.u32 s12, $0x3  }
0x19: {  	s2 =	sadd.s32 s2, s16;
	s16 =	sshll.u32 s9, $0x11;
	s9 =	sor.u32 $0x2, s28  }
0x1a: {  	s28 =	sshll.u32 s5, $0x8;
	s5 =	sshllo.u32 s5, $0x2;
	[dreg:$0x9] =	wrdreg s2  }
0x1b: {  	s23 =	sadd.s32 s1, s15;
	s24 =	sadd.s32 s4, s15;
	s25 =	sshrl.u32 s16, $0x3  }
0x1c: {  	s15 =	sshll.u32 s31, $0xE;
	s19 =	sshll.u32 s9, $0xE;
	[dreg:$0xa] =	wrdreg s23  }
0x1d: {  	s20 =	sshll.u32 s9, $0x6;
	[dreg:$0xb] =	wrdreg s24;
	s26 =	sadd.s32 s1, s25  }
0x1e: {  	s30 =	sshll.u32 s5, $0x11;
	s2 =	sadd.s32 s4, s25;
	[dreg:$0xc] =	wrdreg s26  }
0x1f: {  	s23 =	sshll.u32 s31, $0x11;
	s18 =	sadd.s32 s1, s15;
	[dreg:$0xd] =	wrdreg s2  }
0x20: {  	s15 =	sadd.s32 s4, s15;
	s24 =	sadd.s32 s1, s19;
	[dreg:$0x10] =	wrdreg s18  }
0x21: {  	s25 =	sadd.s32 s4, s19;
	s19 =	simm.s32 $0x5;
	[dreg:$0x11] =	wrdreg s15  }
0x22: {  	s2 =	sadd.s32 s4, s29;
	s26 =	sshll.u32 s9, $0x11;
	[dreg:$0x12] =	wrdreg s24  }
0x23: {  	[dreg:$0x13] =	wrdreg s25;
	s18 =	sshll.u32 s5, $0x6;
	s5 =	sshll.u32 s5, $0xE  }
0x24: {  	s9 =	sshra.s32 s10, $0x2;
	s10 =	sshra.s32 s14, $0x2;
	s15 =	sshrl.u32 s20, $0x2  }
.Ltmp0:
0x25: {  	s20 =	simm.s32 $0x3;
	s24 =	simm.s32 $0x0;
	(pc) =	sbr.rel .LBB2_1-.Ltmp0, $4  }
0x26: {  	[dreg:$0xf] =	wrdreg s2;
	s2 =	sshll.u32 s31, $0x6;
	s29 =	sadd.s32 s1, s5  }
0x27: {  	s5 =	sadd.s32 s4, s5;
	s31 =	sshra.s32 s11, $0x2;
	[dreg:$0x14] =	wrdreg s29  }
0x28: {  	s11 =	sshrl.u32 s28, $0x2;
	s17 =	sshrl.u32 s18, $0x2;
	[dreg:$0x15] =	wrdreg s5  }
0x29: {  	v2 =	vimm.f32 $0.0e+00;
	s18 =	simm.s32 $0x1;
	[dreg:$0x17] =	wrdreg s31;
	s14 =	sshrl.u32 s2, $0x2  }
.LBB2_69:
0x2a: {  	s0 =	rddreg [dreg:$0x9]  }
0x2b: {  	[hbm4b:s0+s3] =	stream.linear.scatter [tilespmem:s3], [sflag:$0x5], $0x10000, $0x38;
	[tilespmem:$0x12200] =	vst v63  }
0x2c: {  	_ =	swait.ge [sflag:s19], $0x10000  }
0x2d: {  	s24 =	sadd.s32 $0x1, s24;
	s31 =	rddreg [dreg:$0x16]  }
0x2e: {  	p0 =	sne.s32 s24, s31  }
.Ltmp1:
0x2f: {  	_ = 	snop;
	(pc) =	sbr.rel @!p0 .LBB2_70-.Ltmp1, $3  }
0x30: {  	_ =	sdelay $0x1  }
0x31: {  	[sflag:s19] =	ssyncset.done $0x0  }
0x32: {  	[sflag:s19] =	ssyncadd.s32 $0xFFFF0000  }
.LBB2_1:
0x33: {  	s0 =	rddreg [dreg:$0x3];
	s2 =	simm.s32 $0x10000  }
0x34: {  	[tilespmem:s2], [sflag:$0x5] =	stream.linear.gather [hbm4b:s0+s3], $0x200, $0x38;
	[tilespmem:$0x12200] =	vst v63  }
0x35: {  	_ =	swait.ge [sflag:s19], $0x200  }
0x36: {  	[sflag:s19] =	ssyncset.done $0x0  }
0x37: {  	s0 =	simm.s32 $0x40;
	s2 =	simm.s32 $0x0;
	[sflag:s19] =	ssyncadd.s32 $0xFFFFFE00  }
.LBB2_2:
0x38: {  	p0 =	sne.s32 s0, $0x3FFC0;
	[tilespmem:s2+$0x0] =	vst v2;
	s2 =	smov.u32 s0;
	s0 =	sadd.s32 $0x40, s0  }
.Ltmp2:
0x39: {  	(pc) =	sbr.rel @p0 .LBB2_2-.Ltmp2, $2  }
0x3a: {  	_ =	sdelay $0x2  }
0x3b: {  	s2 =	sshra.s32 s2, $0x2  }
0x3c: {  	[tilespmem:s2+$0x0] =	vst v2;
	s0 =	rddreg [dreg:$0x17]  }
0x3d: {  	v3 =	vld [tilespmem:s0+$0x10000];
	_ =	sdelay $0x4  }
0x3e: {  	v3 =	vxor.u32 $0x80000000, v3  }
0x3f: {  	(xrf0) =	vmax.scan.msk.u32 $0xffff, v3;
	_ =	sdelay $0x5  }
0x40: {  	v3, _, _ =	vpop (xrf0)  }
0x41: {  	(v2sf) =	vpush v3, $0xF;
	_ =	sdelay $0xe  }
0x42: {  	s25 =	spop (v2sf)  }
0x43: {  	s0 =	sadd.s32 $0x800007FF, s25  }
0x44: {  	s25 =	sshra.s32 s0, $0xB  }
0x45: {  	s5 =	rddreg [dreg:$0x4];
	p0 =	slt.s32 s25, $0x1  }
0x46: {  	s31 =	sadd.s32 $0x1, s25;
	s0 =	simm.s32 @!p0 $0x0;
	s2 =	simm.s32 @!p0 $0x10200  }
0x47: {  	[tilespmem:s2], [sflag:$0x1] =	stream.linear.gather @!p0 [hbm4b:s5+s0], $0x800, $0x38;
	[tilespmem:$0x12200] =	vst v63  }
0x48: {  	s28 =	sshra.s32 s31, $0x1;
	s2 =	simm.s32 @!p0 $0x11200;
	s5 =	rddreg [dreg:$0x5]  }
0x49: {  	[tilespmem:s2], [sflag:$0x3] =	stream.linear.gather @!p0 [hbm4b:s5+s0], $0x800, $0x38;
	[tilespmem:$0x12200] =	vst v63  }
0x4a: {  	p0 =	slt.s32 s28, $0x1  }
.Ltmp3:
0x4b: {  	_ = 	snop;
	(pc) =	sbr.rel @!p0 .LBB2_4-.Ltmp3, $2  }
0x4c: {  	_ =	sdelay $0x2  }
0x4d: {  	s29 =	simm.s32 $0x0  }
.LBB2_11:
0x4e: {  	v3 =	vld [tilespmem:s8+$0x10000];
	_ =	sdelay $0x4  }
0x4f: {  	v3 =	vxor.u32 $0x80000000, v3  }
0x50: {  	(xrf0) =	vmax.scan.msk.u32 $0xffff, v3;
	_ =	sdelay $0x5  }
0x51: {  	v3, _, _ =	vpop (xrf0)  }
0x52: {  	(v2sf) =	vpush v3, $0xF;
	_ =	sdelay $0xe  }
0x53: {  	s0 =	spop (v2sf)  }
0x54: {  	s0 =	sadd.s32 $0x800007FF, s0  }
0x55: {  	s25 =	sshra.s32 s0, $0xB  }
0x56: {  	s5 =	rddreg [dreg:$0x6];
	p0 =	slt.s32 s25, $0x1  }
0x57: {  	s31 =	sadd.s32 $0x1, s25;
	s0 =	simm.s32 @!p0 $0x0;
	s2 =	simm.s32 @!p0 $0x10200  }
0x58: {  	[tilespmem:s2], [sflag:$0x1] =	stream.linear.gather @!p0 [hbm4b:s5+s0], $0x800, $0x38;
	[tilespmem:$0x12200] =	vst v63  }
0x59: {  	s28 =	sshra.s32 s31, $0x1;
	s2 =	simm.s32 @!p0 $0x11200;
	s5 =	rddreg [dreg:$0x7]  }
0x5a: {  	[tilespmem:s2], [sflag:$0x3] =	stream.linear.gather @!p0 [hbm4b:s5+s0], $0x800, $0x38;
	[tilespmem:$0x12200] =	vst v63  }
0x5b: {  	p0 =	slt.s32 s28, $0x1  }
.Ltmp4:
0x5c: {  	_ = 	snop;
	(pc) =	sbr.rel @!p0 .LBB2_12-.Ltmp4, $2  }
0x5d: {  	_ =	sdelay $0x2  }
0x5e: {  	s29 =	simm.s32 $0x0  }
.LBB2_19:
0x5f: {  	v3 =	vld [tilespmem:s9+$0x10000];
	_ =	sdelay $0x4  }
0x60: {  	v3 =	vxor.u32 $0x80000000, v3  }
0x61: {  	(xrf0) =	vmax.scan.msk.u32 $0xffff, v3;
	_ =	sdelay $0x5  }
0x62: {  	v3, _, _ =	vpop (xrf0)  }
0x63: {  	(v2sf) =	vpush v3, $0xF;
	_ =	sdelay $0xe  }
0x64: {  	s0 =	spop (v2sf)  }
0x65: {  	s0 =	sadd.s32 $0x800007FF, s0  }
0x66: {  	s25 =	sshra.s32 s0, $0xB  }
0x67: {  	s5 =	rddreg [dreg:$0xa];
	p0 =	slt.s32 s25, $0x1  }
0x68: {  	s31 =	sadd.s32 $0x1, s25;
	s0 =	simm.s32 @!p0 $0x0;
	s2 =	simm.s32 @!p0 $0x10200  }
0x69: {  	[tilespmem:s2], [sflag:$0x1] =	stream.linear.gather @!p0 [hbm4b:s5+s0], $0x800, $0x38;
	[tilespmem:$0x12200] =	vst v63  }
0x6a: {  	s28 =	sshra.s32 s31, $0x1;
	s2 =	simm.s32 @!p0 $0x11200;
	s5 =	rddreg [dreg:$0xb]  }
0x6b: {  	[tilespmem:s2], [sflag:$0x3] =	stream.linear.gather @!p0 [hbm4b:s5+s0], $0x800, $0x38;
	[tilespmem:$0x12200] =	vst v63  }
0x6c: {  	p0 =	slt.s32 s28, $0x1  }
.Ltmp5:
0x6d: {  	_ = 	snop;
	(pc) =	sbr.rel @!p0 .LBB2_20-.Ltmp5, $2  }
0x6e: {  	_ =	sdelay $0x2  }
0x6f: {  	s29 =	simm.s32 $0x0  }
.LBB2_27:
0x70: {  	v3 =	vld [tilespmem:s10+$0x10000];
	_ =	sdelay $0x4  }
0x71: {  	v3 =	vxor.u32 $0x80000000, v3  }
0x72: {  	(xrf0) =	vmax.scan.msk.u32 $0xffff, v3;
	_ =	sdelay $0x5  }
0x73: {  	v3, _, _ =	vpop (xrf0)  }
0x74: {  	(v2sf) =	vpush v3, $0xF;
	_ =	sdelay $0xe  }
0x75: {  	s0 =	spop (v2sf)  }
0x76: {  	s0 =	sadd.s32 $0x800007FF, s0  }
0x77: {  	s25 =	sshra.s32 s0, $0xB  }
0x78: {  	s5 =	rddreg [dreg:$0xc];
	p0 =	slt.s32 s25, $0x1  }
0x79: {  	s31 =	sadd.s32 $0x1, s25;
	s0 =	simm.s32 @!p0 $0x0;
	s2 =	simm.s32 @!p0 $0x10200  }
0x7a: {  	[tilespmem:s2], [sflag:$0x1] =	stream.linear.gather @!p0 [hbm4b:s5+s0], $0x800, $0x38;
	[tilespmem:$0x12200] =	vst v63  }
0x7b: {  	s28 =	sshra.s32 s31, $0x1;
	s2 =	simm.s32 @!p0 $0x11200;
	s5 =	rddreg [dreg:$0xd]  }
0x7c: {  	[tilespmem:s2], [sflag:$0x3] =	stream.linear.gather @!p0 [hbm4b:s5+s0], $0x800, $0x38;
	[tilespmem:$0x12200] =	vst v63  }
0x7d: {  	p0 =	slt.s32 s28, $0x1  }
.Ltmp6:
0x7e: {  	_ = 	snop;
	(pc) =	sbr.rel @!p0 .LBB2_28-.Ltmp6, $2  }
0x7f: {  	_ =	sdelay $0x2  }
0x80: {  	s29 =	simm.s32 $0x0  }
.LBB2_35:
0x81: {  	s0 =	simm.s32 $0x0;
	s2 =	rddreg [dreg:$0x8]  }
0x82: {  	[hbm4b:s2+s0] =	stream.linear.scatter [tilespmem:s0], [sflag:$0x5], $0x10000, $0x38;
	[tilespmem:$0x12200] =	vst v63  }
0x83: {  	_ =	swait.ge [sflag:s19], $0x10000  }
0x84: {  	[sflag:s19] =	ssyncset.done $0x0  }
0x85: {  	s0 =	simm.s32 $0x40;
	s2 =	simm.s32 $0x0;
	[sflag:s19] =	ssyncadd.s32 $0xFFFF0000  }
.LBB2_36:
0x86: {  	p0 =	sne.s32 s0, $0x3FFC0;
	[tilespmem:s2+$0x0] =	vst v2;
	s2 =	smov.u32 s0;
	s0 =	sadd.s32 $0x40, s0  }
.Ltmp7:
0x87: {  	(pc) =	sbr.rel @p0 .LBB2_36-.Ltmp7, $2  }
0x88: {  	_ =	sdelay $0x2  }
0x89: {  	s2 =	sshra.s32 s2, $0x2  }
0x8a: {  	[tilespmem:s2+$0x0] =	vst v2  }
0x8b: {  	v3 =	vld [tilespmem:s11+$0x10000];
	_ =	sdelay $0x4  }
0x8c: {  	v3 =	vxor.u32 $0x80000000, v3  }
0x8d: {  	(xrf0) =	vmax.scan.msk.u32 $0xffff, v3;
	_ =	sdelay $0x5  }
0x8e: {  	v3, _, _ =	vpop (xrf0)  }
0x8f: {  	(v2sf) =	vpush v3, $0xF;
	_ =	sdelay $0xe  }
0x90: {  	s0 =	spop (v2sf)  }
0x91: {  	s0 =	sadd.s32 $0x800007FF, s0  }
0x92: {  	s25 =	sshra.s32 s0, $0xB  }
0x93: {  	s5 =	rddreg [dreg:$0xe];
	p0 =	slt.s32 s25, $0x1  }
0x94: {  	s31 =	sadd.s32 $0x1, s25;
	s0 =	simm.s32 @!p0 $0x0;
	s2 =	simm.s32 @!p0 $0x10200  }
0x95: {  	[tilespmem:s2], [sflag:$0x1] =	stream.linear.gather @!p0 [hbm4b:s5+s0], $0x800, $0x38;
	[tilespmem:$0x12200] =	vst v63  }
0x96: {  	s28 =	sshra.s32 s31, $0x1;
	s2 =	simm.s32 @!p0 $0x11200;
	s5 =	rddreg [dreg:$0xf]  }
0x97: {  	[tilespmem:s2], [sflag:$0x3] =	stream.linear.gather @!p0 [hbm4b:s5+s0], $0x800, $0x38;
	[tilespmem:$0x12200] =	vst v63  }
0x98: {  	p0 =	slt.s32 s28, $0x1  }
.Ltmp8:
0x99: {  	_ = 	snop;
	(pc) =	sbr.rel @!p0 .LBB2_38-.Ltmp8, $2  }
0x9a: {  	_ =	sdelay $0x2  }
0x9b: {  	s29 =	simm.s32 $0x0  }
.LBB2_45:
0x9c: {  	v3 =	vld [tilespmem:s14+$0x10000];
	_ =	sdelay $0x4  }
0x9d: {  	v3 =	vxor.u32 $0x80000000, v3  }
0x9e: {  	(xrf0) =	vmax.scan.msk.u32 $0xffff, v3;
	_ =	sdelay $0x5  }
0x9f: {  	v3, _, _ =	vpop (xrf0)  }
0xa0: {  	(v2sf) =	vpush v3, $0xF;
	_ =	sdelay $0xe  }
0xa1: {  	s0 =	spop (v2sf)  }
0xa2: {  	s0 =	sadd.s32 $0x800007FF, s0  }
0xa3: {  	s25 =	sshra.s32 s0, $0xB  }
0xa4: {  	s5 =	rddreg [dreg:$0x10];
	p0 =	slt.s32 s25, $0x1  }
0xa5: {  	s31 =	sadd.s32 $0x1, s25;
	s0 =	simm.s32 @!p0 $0x0;
	s2 =	simm.s32 @!p0 $0x10200  }
0xa6: {  	[tilespmem:s2], [sflag:$0x1] =	stream.linear.gather @!p0 [hbm4b:s5+s0], $0x800, $0x38;
	[tilespmem:$0x12200] =	vst v63  }
0xa7: {  	s28 =	sshra.s32 s31, $0x1;
	s2 =	simm.s32 @!p0 $0x11200;
	s5 =	rddreg [dreg:$0x11]  }
0xa8: {  	[tilespmem:s2], [sflag:$0x3] =	stream.linear.gather @!p0 [hbm4b:s5+s0], $0x800, $0x38;
	[tilespmem:$0x12200] =	vst v63  }
0xa9: {  	p0 =	slt.s32 s28, $0x1  }
.Ltmp9:
0xaa: {  	_ = 	snop;
	(pc) =	sbr.rel @!p0 .LBB2_46-.Ltmp9, $2  }
0xab: {  	_ =	sdelay $0x2  }
0xac: {  	s29 =	simm.s32 $0x0  }
.LBB2_53:
0xad: {  	v3 =	vld [tilespmem:s15+$0x10000];
	_ =	sdelay $0x4  }
0xae: {  	v3 =	vxor.u32 $0x80000000, v3  }
0xaf: {  	(xrf0) =	vmax.scan.msk.u32 $0xffff, v3;
	_ =	sdelay $0x5  }
0xb0: {  	v3, _, _ =	vpop (xrf0)  }
0xb1: {  	(v2sf) =	vpush v3, $0xF;
	_ =	sdelay $0xe  }
0xb2: {  	s0 =	spop (v2sf)  }
0xb3: {  	s0 =	sadd.s32 $0x800007FF, s0  }
0xb4: {  	s25 =	sshra.s32 s0, $0xB  }
0xb5: {  	s5 =	rddreg [dreg:$0x12];
	p0 =	slt.s32 s25, $0x1  }
0xb6: {  	s31 =	sadd.s32 $0x1, s25;
	s0 =	simm.s32 @!p0 $0x0;
	s2 =	simm.s32 @!p0 $0x10200  }
0xb7: {  	[tilespmem:s2], [sflag:$0x1] =	stream.linear.gather @!p0 [hbm4b:s5+s0], $0x800, $0x38;
	[tilespmem:$0x12200] =	vst v63  }
0xb8: {  	s28 =	sshra.s32 s31, $0x1;
	s2 =	simm.s32 @!p0 $0x11200;
	s5 =	rddreg [dreg:$0x13]  }
0xb9: {  	[tilespmem:s2], [sflag:$0x3] =	stream.linear.gather @!p0 [hbm4b:s5+s0], $0x800, $0x38;
	[tilespmem:$0x12200] =	vst v63  }
0xba: {  	p0 =	slt.s32 s28, $0x1  }
.Ltmp10:
0xbb: {  	_ = 	snop;
	(pc) =	sbr.rel @!p0 .LBB2_54-.Ltmp10, $2  }
0xbc: {  	_ =	sdelay $0x2  }
0xbd: {  	s29 =	simm.s32 $0x0  }
.LBB2_61:
0xbe: {  	v3 =	vld [tilespmem:s17+$0x10000];
	_ =	sdelay $0x4  }
0xbf: {  	v3 =	vxor.u32 $0x80000000, v3  }
0xc0: {  	(xrf0) =	vmax.scan.msk.u32 $0xffff, v3;
	_ =	sdelay $0x5  }
0xc1: {  	v3, _, _ =	vpop (xrf0)  }
0xc2: {  	(v2sf) =	vpush v3, $0xF;
	_ =	sdelay $0xe  }
0xc3: {  	s0 =	spop (v2sf)  }
0xc4: {  	s0 =	sadd.s32 $0x800007FF, s0  }
0xc5: {  	s25 =	sshra.s32 s0, $0xB  }
0xc6: {  	s5 =	rddreg [dreg:$0x14];
	p0 =	slt.s32 s25, $0x1  }
0xc7: {  	s31 =	sadd.s32 $0x1, s25;
	s0 =	simm.s32 @!p0 $0x0;
	s2 =	simm.s32 @!p0 $0x10200  }
0xc8: {  	[tilespmem:s2], [sflag:$0x1] =	stream.linear.gather @!p0 [hbm4b:s5+s0], $0x800, $0x38;
	[tilespmem:$0x12200] =	vst v63  }
0xc9: {  	s28 =	sshra.s32 s31, $0x1;
	s2 =	simm.s32 @!p0 $0x11200;
	s5 =	rddreg [dreg:$0x15]  }
0xca: {  	[tilespmem:s2], [sflag:$0x3] =	stream.linear.gather @!p0 [hbm4b:s5+s0], $0x800, $0x38;
	[tilespmem:$0x12200] =	vst v63  }
0xcb: {  	p0 =	slt.s32 s28, $0x1  }
.Ltmp11:
0xcc: {  	_ = 	snop;
	(pc) =	sbr.rel @!p0 .LBB2_62-.Ltmp11, $4  }
.Ltmp12:
0xcd: {  	_ = 	snop;
	(pc) =	sbr.rel @p0 .LBB2_69-.Ltmp12, $4  }
0xce: {  	_ = 	snop  }
0xcf: {  	_ = 	snop  }
0xd0: {  	s29 =	simm.s32 $0x0  }
0xd1: {  	_ = 	snop  }
.LBB2_10:
0xd2: {  	s29 =	sadd.s32 $0x1, s29  }
0xd3: {  	p0 =	sne.s32 s29, s28  }
.Ltmp13:
0xd4: {  	_ = 	snop;
	(pc) =	sbr.rel @!p0 .LBB2_11-.Ltmp13, $1  }
0xd5: {  	_ =	sdelay $0x3  }
.LBB2_4:
0xd6: {  	_ =	swait.ge [sflag:s18], $0x800;
	s0 =	sshllo.u32 s29, $0x1  }
0xd7: {  	[sflag:s18] =	ssyncset.done $0x0;
	p0 =	sge.s32 s0, s25  }
0xd8: {  	[sflag:s18] =	ssyncadd.s32 $0xFFFFF800;
	s0 =	sshll.u32 @!p0 s0, $0xB  }
0xd9: {  	_ =	swait.ge [sflag:s20], $0x800;
	s0 =	sadd.s32 @!p0 s6, s0  }
0xda: {  	s31 =	simm.s32 @!p0 $0x0;
	[sflag:s20] =	ssyncset.done $0x0;
	s0 =	sshrl.u32 @!p0 s0, $0x3  }
0xdb: {  	s5 =	simm.s32 @!p0 $0x10A00;
	[sflag:s20] =	ssyncadd.s32 $0xFFFFF800;
	s2 =	sadd.s32 @!p0 s1, s0  }
0xdc: {  	[tilespmem:s5], [sflag:$0x2] =	stream.linear.gather @!p0 [hbm4b:s2+s31], $0x800, $0x38;
	[tilespmem:$0x12200] =	vst v63  }
0xdd: {  	s0 =	sadd.s32 @!p0 s4, s0;
	s2 =	simm.s32 @!p0 $0x11A00  }
0xde: {  	[tilespmem:s2], [sflag:$0x4] =	stream.linear.gather @!p0 [hbm4b:s0+s31], $0x800, $0x38;
	[tilespmem:$0x12200] =	vst v63  }
0xdf: {  	s31 =	sshll.u32 s29, $0x1;
	s0 =	simm.s32 $0x0;
	s2 =	simm.s32 $0x40  }
.LBB2_5:
0xe0: {  	p1 =	sne.s32 s2, $0x1FC0;
	v3 =	vld [tilespmem:s0+$0x10200];
	_ =	sdelay $0x4  }
0xe1: {  	v3 =	vsub.s32 v3, v0  }
0xe2: {  	vm0 =	vlt.u32 v3, $0x10000  }
0xe3: {  	v3 =	vnsel vm0, $0x0, v3;
	v4 =	vld [tilespmem:s0+$0x11200]  }
.Ltmp14:
0xe4: {  	(pc) =	sbr.rel @p1 .LBB2_5-.Ltmp14, $2  }
0xe5: {  	_ =	sdelay $0x2  }
0xe6: {  	s0 =	sshra.s32 s2, $0x2;
	s2 =	sadd.s32 $0x40, s2;
	[tilespmem:v3+s3+$0x0] =	vst.idx.msk vm0, v4  }
0xe7: {  	v3 =	vld [tilespmem:s0+$0x10200];
	_ =	sdelay $0x4  }
0xe8: {  	v3 =	vsub.s32 v3, v0  }
0xe9: {  	vm0 =	vlt.u32 v3, $0x10000  }
0xea: {  	v4 =	vld [tilespmem:s0+$0x11200];
	v3 =	vnsel vm0, $0x0, v3  }
.Ltmp15:
0xeb: {  	_ = 	snop;
	(pc) =	sbr.rel @p0 .LBB2_10-.Ltmp15, $2  }
0xec: {  	_ =	sdelay $0x2  }
0xed: {  	[tilespmem:v3+s3+$0x0] =	vst.idx.msk vm0, v4  }
0xee: {  	s0 =	sadd.s32 $0x2, s31  }
0xef: {  	p0 =	sge.s32 s0, s25  }
0xf0: {  	s0 =	sshll.u32 @!p0 s0, $0xB  }
0xf1: {  	s0 =	sadd.s32 @!p0 s6, s0  }
0xf2: {  	s0 =	sshrl.u32 @!p0 s0, $0x3  }
0xf3: {  	s5 =	simm.s32 @!p0 $0x0;
	s31 =	simm.s32 @!p0 $0x10200;
	s2 =	sadd.s32 @!p0 s1, s0  }
0xf4: {  	[tilespmem:s31], [sflag:$0x1] =	stream.linear.gather @!p0 [hbm4b:s2+s5], $0x800, $0x38;
	[tilespmem:$0x12200] =	vst v63  }
0xf5: {  	s0 =	sadd.s32 @!p0 s4, s0;
	s2 =	simm.s32 @!p0 $0x11200  }
0xf6: {  	[tilespmem:s2], [sflag:$0x3] =	stream.linear.gather @!p0 [hbm4b:s0+s5], $0x800, $0x38;
	[tilespmem:$0x12200] =	vst v63  }
0xf7: {  	_ =	swait.ge [sflag:s21], $0x800  }
0xf8: {  	[sflag:s21] =	ssyncset.done $0x0  }
0xf9: {  	[sflag:s21] =	ssyncadd.s32 $0xFFFFF800  }
0xfa: {  	_ =	swait.ge [sflag:s22], $0x800  }
0xfb: {  	[sflag:s22] =	ssyncset.done $0x0  }
0xfc: {  	s0 =	simm.s32 $0x0;
	s2 =	simm.s32 $0x40;
	[sflag:s22] =	ssyncadd.s32 $0xFFFFF800  }
.LBB2_8:
0xfd: {  	p0 =	sne.s32 s2, $0x1FC0;
	v3 =	vld [tilespmem:s0+$0x10A00];
	_ =	sdelay $0x4  }
0xfe: {  	v3 =	vsub.s32 v3, v0  }
0xff: {  	vm0 =	vlt.u32 v3, $0x10000  }
0x100: {  	v3 =	vnsel vm0, $0x0, v3;
	v4 =	vld [tilespmem:s0+$0x11A00]  }
.Ltmp16:
0x101: {  	(pc) =	sbr.rel @p0 .LBB2_8-.Ltmp16, $2  }
0x102: {  	_ =	sdelay $0x2  }
0x103: {  	s0 =	sshra.s32 s2, $0x2;
	s2 =	sadd.s32 $0x40, s2;
	[tilespmem:v3+s3+$0x0] =	vst.idx.msk vm0, v4  }
0x104: {  	v3 =	vld [tilespmem:s0+$0x10A00];
	_ =	sdelay $0x4  }
0x105: {  	v3 =	vsub.s32 v3, v0  }
0x106: {  	vm0 =	vlt.u32 v3, $0x10000  }
0x107: {  	v4 =	vld [tilespmem:s0+$0x11A00];
	v3 =	vnsel vm0, $0x0, v3  }
.Ltmp17:
0x108: {  	_ = 	snop;
	(pc) =	sbr.rel .LBB2_10-.Ltmp17, $2  }
0x109: {  	_ =	sdelay $0x2  }
0x10a: {  	[tilespmem:v3+s3+$0x0] =	vst.idx.msk vm0, v4  }
.LBB2_18:
0x10b: {  	s29 =	sadd.s32 $0x1, s29  }
0x10c: {  	p0 =	sne.s32 s29, s28  }
.Ltmp18:
0x10d: {  	_ = 	snop;
	(pc) =	sbr.rel @!p0 .LBB2_19-.Ltmp18, $1  }
0x10e: {  	_ =	sdelay $0x3  }
.LBB2_12:
0x10f: {  	_ =	swait.ge [sflag:s18], $0x800;
	s0 =	sshllo.u32 s29, $0x1  }
0x110: {  	[sflag:s18] =	ssyncset.done $0x0;
	p0 =	sge.s32 s0, s25  }
0x111: {  	[sflag:s18] =	ssyncadd.s32 $0xFFFFF800;
	s0 =	sshll.u32 @!p0 s0, $0xB  }
0x112: {  	_ =	swait.ge [sflag:s20], $0x800;
	s0 =	sadd.s32 @!p0 s7, s0  }
0x113: {  	s5 =	simm.s32 @!p0 $0x0;
	[sflag:s20] =	ssyncset.done $0x0;
	s0 =	sshrl.u32 @!p0 s0, $0x3  }
0x114: {  	s31 =	simm.s32 @!p0 $0x10A00;
	[sflag:s20] =	ssyncadd.s32 $0xFFFFF800;
	s2 =	sadd.s32 @!p0 s1, s0  }
0x115: {  	[tilespmem:s31], [sflag:$0x2] =	stream.linear.gather @!p0 [hbm4b:s2+s5], $0x800, $0x38;
	[tilespmem:$0x12200] =	vst v63  }
0x116: {  	s0 =	sadd.s32 @!p0 s4, s0;
	s2 =	simm.s32 @!p0 $0x11A00  }
0x117: {  	[tilespmem:s2], [sflag:$0x4] =	stream.linear.gather @!p0 [hbm4b:s0+s5], $0x800, $0x38;
	[tilespmem:$0x12200] =	vst v63  }
0x118: {  	s31 =	sshll.u32 s29, $0x1;
	s0 =	simm.s32 $0x0;
	s2 =	simm.s32 $0x40  }
.LBB2_13:
0x119: {  	p1 =	sne.s32 s2, $0x1FC0;
	v3 =	vld [tilespmem:s0+$0x10200];
	_ =	sdelay $0x4  }
0x11a: {  	v3 =	vsub.s32 v3, v0  }
0x11b: {  	vm0 =	vlt.u32 v3, $0x10000  }
0x11c: {  	v3 =	vnsel vm0, $0x0, v3;
	v4 =	vld [tilespmem:s0+$0x11200]  }
.Ltmp19:
0x11d: {  	(pc) =	sbr.rel @p1 .LBB2_13-.Ltmp19, $2  }
0x11e: {  	_ =	sdelay $0x2  }
0x11f: {  	s0 =	sshra.s32 s2, $0x2;
	s2 =	sadd.s32 $0x40, s2;
	[tilespmem:v3+s3+$0x0] =	vst.idx.msk vm0, v4  }
0x120: {  	v3 =	vld [tilespmem:s0+$0x10200];
	_ =	sdelay $0x4  }
0x121: {  	v3 =	vsub.s32 v3, v0  }
0x122: {  	vm0 =	vlt.u32 v3, $0x10000  }
0x123: {  	v4 =	vld [tilespmem:s0+$0x11200];
	v3 =	vnsel vm0, $0x0, v3  }
.Ltmp20:
0x124: {  	_ = 	snop;
	(pc) =	sbr.rel @p0 .LBB2_18-.Ltmp20, $2  }
0x125: {  	_ =	sdelay $0x2  }
0x126: {  	[tilespmem:v3+s3+$0x0] =	vst.idx.msk vm0, v4  }
0x127: {  	s0 =	sadd.s32 $0x2, s31  }
0x128: {  	p0 =	sge.s32 s0, s25  }
0x129: {  	s0 =	sshll.u32 @!p0 s0, $0xB  }
0x12a: {  	s0 =	sadd.s32 @!p0 s7, s0  }
0x12b: {  	s0 =	sshrl.u32 @!p0 s0, $0x3  }
0x12c: {  	s5 =	simm.s32 @!p0 $0x0;
	s31 =	simm.s32 @!p0 $0x10200;
	s2 =	sadd.s32 @!p0 s1, s0  }
0x12d: {  	[tilespmem:s31], [sflag:$0x1] =	stream.linear.gather @!p0 [hbm4b:s2+s5], $0x800, $0x38;
	[tilespmem:$0x12200] =	vst v63  }
0x12e: {  	s0 =	sadd.s32 @!p0 s4, s0;
	s2 =	simm.s32 @!p0 $0x11200  }
0x12f: {  	[tilespmem:s2], [sflag:$0x3] =	stream.linear.gather @!p0 [hbm4b:s0+s5], $0x800, $0x38;
	[tilespmem:$0x12200] =	vst v63  }
0x130: {  	_ =	swait.ge [sflag:s21], $0x800  }
0x131: {  	[sflag:s21] =	ssyncset.done $0x0  }
0x132: {  	[sflag:s21] =	ssyncadd.s32 $0xFFFFF800  }
0x133: {  	_ =	swait.ge [sflag:s22], $0x800  }
0x134: {  	[sflag:s22] =	ssyncset.done $0x0  }
0x135: {  	s0 =	simm.s32 $0x0;
	s2 =	simm.s32 $0x40;
	[sflag:s22] =	ssyncadd.s32 $0xFFFFF800  }
.LBB2_16:
0x136: {  	p0 =	sne.s32 s2, $0x1FC0;
	v3 =	vld [tilespmem:s0+$0x10A00];
	_ =	sdelay $0x4  }
0x137: {  	v3 =	vsub.s32 v3, v0  }
0x138: {  	vm0 =	vlt.u32 v3, $0x10000  }
0x139: {  	v3 =	vnsel vm0, $0x0, v3;
	v4 =	vld [tilespmem:s0+$0x11A00]  }
.Ltmp21:
0x13a: {  	(pc) =	sbr.rel @p0 .LBB2_16-.Ltmp21, $2  }
0x13b: {  	_ =	sdelay $0x2  }
0x13c: {  	s0 =	sshra.s32 s2, $0x2;
	s2 =	sadd.s32 $0x40, s2;
	[tilespmem:v3+s3+$0x0] =	vst.idx.msk vm0, v4  }
0x13d: {  	v3 =	vld [tilespmem:s0+$0x10A00];
	_ =	sdelay $0x4  }
0x13e: {  	v3 =	vsub.s32 v3, v0  }
0x13f: {  	vm0 =	vlt.u32 v3, $0x10000  }
0x140: {  	v4 =	vld [tilespmem:s0+$0x11A00];
	v3 =	vnsel vm0, $0x0, v3  }
.Ltmp22:
0x141: {  	_ = 	snop;
	(pc) =	sbr.rel .LBB2_18-.Ltmp22, $2  }
0x142: {  	_ =	sdelay $0x2  }
0x143: {  	[tilespmem:v3+s3+$0x0] =	vst.idx.msk vm0, v4  }
.LBB2_26:
0x144: {  	s29 =	sadd.s32 $0x1, s29  }
0x145: {  	p0 =	sne.s32 s29, s28  }
.Ltmp23:
0x146: {  	_ = 	snop;
	(pc) =	sbr.rel @!p0 .LBB2_27-.Ltmp23, $1  }
0x147: {  	_ =	sdelay $0x3  }
.LBB2_20:
0x148: {  	_ =	swait.ge [sflag:s18], $0x800;
	s0 =	sshllo.u32 s29, $0x1  }
0x149: {  	[sflag:s18] =	ssyncset.done $0x0;
	p0 =	sge.s32 s0, s25  }
0x14a: {  	[sflag:s18] =	ssyncadd.s32 $0xFFFFF800;
	s0 =	sshll.u32 @!p0 s0, $0xB  }
0x14b: {  	_ =	swait.ge [sflag:s20], $0x800;
	s0 =	sadd.s32 @!p0 s12, s0  }
0x14c: {  	s5 =	simm.s32 @!p0 $0x0;
	[sflag:s20] =	ssyncset.done $0x0;
	s0 =	sshrl.u32 @!p0 s0, $0x3  }
0x14d: {  	s31 =	simm.s32 @!p0 $0x10A00;
	[sflag:s20] =	ssyncadd.s32 $0xFFFFF800;
	s2 =	sadd.s32 @!p0 s1, s0  }
0x14e: {  	[tilespmem:s31], [sflag:$0x2] =	stream.linear.gather @!p0 [hbm4b:s2+s5], $0x800, $0x38;
	[tilespmem:$0x12200] =	vst v63  }
0x14f: {  	s0 =	sadd.s32 @!p0 s4, s0;
	s2 =	simm.s32 @!p0 $0x11A00  }
0x150: {  	[tilespmem:s2], [sflag:$0x4] =	stream.linear.gather @!p0 [hbm4b:s0+s5], $0x800, $0x38;
	[tilespmem:$0x12200] =	vst v63  }
0x151: {  	s31 =	sshll.u32 s29, $0x1;
	s0 =	simm.s32 $0x0;
	s2 =	simm.s32 $0x40  }
.LBB2_21:
0x152: {  	p1 =	sne.s32 s2, $0x1FC0;
	v3 =	vld [tilespmem:s0+$0x10200];
	_ =	sdelay $0x4  }
0x153: {  	v3 =	vsub.s32 v3, v0  }
0x154: {  	vm0 =	vlt.u32 v3, $0x10000  }
0x155: {  	v3 =	vnsel vm0, $0x0, v3;
	v4 =	vld [tilespmem:s0+$0x11200]  }
.Ltmp24:
0x156: {  	(pc) =	sbr.rel @p1 .LBB2_21-.Ltmp24, $2  }
0x157: {  	_ =	sdelay $0x2  }
0x158: {  	s0 =	sshra.s32 s2, $0x2;
	s2 =	sadd.s32 $0x40, s2;
	[tilespmem:v3+s3+$0x0] =	vst.idx.msk vm0, v4  }
0x159: {  	v3 =	vld [tilespmem:s0+$0x10200];
	_ =	sdelay $0x4  }
0x15a: {  	v3 =	vsub.s32 v3, v0  }
0x15b: {  	vm0 =	vlt.u32 v3, $0x10000  }
0x15c: {  	v4 =	vld [tilespmem:s0+$0x11200];
	v3 =	vnsel vm0, $0x0, v3  }
.Ltmp25:
0x15d: {  	_ = 	snop;
	(pc) =	sbr.rel @p0 .LBB2_26-.Ltmp25, $2  }
0x15e: {  	_ =	sdelay $0x2  }
0x15f: {  	[tilespmem:v3+s3+$0x0] =	vst.idx.msk vm0, v4  }
0x160: {  	s0 =	sadd.s32 $0x2, s31  }
0x161: {  	p0 =	sge.s32 s0, s25  }
0x162: {  	s0 =	sshll.u32 @!p0 s0, $0xB  }
0x163: {  	s0 =	sadd.s32 @!p0 s12, s0  }
0x164: {  	s0 =	sshrl.u32 @!p0 s0, $0x3  }
0x165: {  	s5 =	simm.s32 @!p0 $0x0;
	s31 =	simm.s32 @!p0 $0x10200;
	s2 =	sadd.s32 @!p0 s1, s0  }
0x166: {  	[tilespmem:s31], [sflag:$0x1] =	stream.linear.gather @!p0 [hbm4b:s2+s5], $0x800, $0x38;
	[tilespmem:$0x12200] =	vst v63  }
0x167: {  	s0 =	sadd.s32 @!p0 s4, s0;
	s2 =	simm.s32 @!p0 $0x11200  }
0x168: {  	[tilespmem:s2], [sflag:$0x3] =	stream.linear.gather @!p0 [hbm4b:s0+s5], $0x800, $0x38;
	[tilespmem:$0x12200] =	vst v63  }
0x169: {  	_ =	swait.ge [sflag:s21], $0x800  }
0x16a: {  	[sflag:s21] =	ssyncset.done $0x0  }
0x16b: {  	[sflag:s21] =	ssyncadd.s32 $0xFFFFF800  }
0x16c: {  	_ =	swait.ge [sflag:s22], $0x800  }
0x16d: {  	[sflag:s22] =	ssyncset.done $0x0  }
0x16e: {  	s0 =	simm.s32 $0x0;
	s2 =	simm.s32 $0x40;
	[sflag:s22] =	ssyncadd.s32 $0xFFFFF800  }
.LBB2_24:
0x16f: {  	p0 =	sne.s32 s2, $0x1FC0;
	v3 =	vld [tilespmem:s0+$0x10A00];
	_ =	sdelay $0x4  }
0x170: {  	v3 =	vsub.s32 v3, v0  }
0x171: {  	vm0 =	vlt.u32 v3, $0x10000  }
0x172: {  	v3 =	vnsel vm0, $0x0, v3;
	v4 =	vld [tilespmem:s0+$0x11A00]  }
.Ltmp26:
0x173: {  	(pc) =	sbr.rel @p0 .LBB2_24-.Ltmp26, $2  }
0x174: {  	_ =	sdelay $0x2  }
0x175: {  	s0 =	sshra.s32 s2, $0x2;
	s2 =	sadd.s32 $0x40, s2;
	[tilespmem:v3+s3+$0x0] =	vst.idx.msk vm0, v4  }
0x176: {  	v3 =	vld [tilespmem:s0+$0x10A00];
	_ =	sdelay $0x4  }
0x177: {  	v3 =	vsub.s32 v3, v0  }
0x178: {  	vm0 =	vlt.u32 v3, $0x10000  }
0x179: {  	v4 =	vld [tilespmem:s0+$0x11A00];
	v3 =	vnsel vm0, $0x0, v3  }
.Ltmp27:
0x17a: {  	_ = 	snop;
	(pc) =	sbr.rel .LBB2_26-.Ltmp27, $2  }
0x17b: {  	_ =	sdelay $0x2  }
0x17c: {  	[tilespmem:v3+s3+$0x0] =	vst.idx.msk vm0, v4  }
.LBB2_34:
0x17d: {  	s29 =	sadd.s32 $0x1, s29  }
0x17e: {  	p0 =	sne.s32 s29, s28  }
.Ltmp28:
0x17f: {  	_ = 	snop;
	(pc) =	sbr.rel @!p0 .LBB2_35-.Ltmp28, $1  }
0x180: {  	_ =	sdelay $0x3  }
.LBB2_28:
0x181: {  	_ =	swait.ge [sflag:s18], $0x800;
	s0 =	sshllo.u32 s29, $0x1  }
0x182: {  	[sflag:s18] =	ssyncset.done $0x0;
	p0 =	sge.s32 s0, s25  }
0x183: {  	[sflag:s18] =	ssyncadd.s32 $0xFFFFF800;
	s0 =	sshll.u32 @!p0 s0, $0xB  }
0x184: {  	_ =	swait.ge [sflag:s20], $0x800;
	s0 =	sadd.s32 @!p0 s16, s0  }
0x185: {  	s5 =	simm.s32 @!p0 $0x0;
	[sflag:s20] =	ssyncset.done $0x0;
	s0 =	sshrl.u32 @!p0 s0, $0x3  }
0x186: {  	s31 =	simm.s32 @!p0 $0x10A00;
	[sflag:s20] =	ssyncadd.s32 $0xFFFFF800;
	s2 =	sadd.s32 @!p0 s1, s0  }
0x187: {  	[tilespmem:s31], [sflag:$0x2] =	stream.linear.gather @!p0 [hbm4b:s2+s5], $0x800, $0x38;
	[tilespmem:$0x12200] =	vst v63  }
0x188: {  	s0 =	sadd.s32 @!p0 s4, s0;
	s2 =	simm.s32 @!p0 $0x11A00  }
0x189: {  	[tilespmem:s2], [sflag:$0x4] =	stream.linear.gather @!p0 [hbm4b:s0+s5], $0x800, $0x38;
	[tilespmem:$0x12200] =	vst v63  }
0x18a: {  	s31 =	sshll.u32 s29, $0x1;
	s0 =	simm.s32 $0x0;
	s2 =	simm.s32 $0x40  }
.LBB2_29:
0x18b: {  	p1 =	sne.s32 s2, $0x1FC0;
	v3 =	vld [tilespmem:s0+$0x10200];
	_ =	sdelay $0x4  }
0x18c: {  	v3 =	vsub.s32 v3, v0  }
0x18d: {  	vm0 =	vlt.u32 v3, $0x10000  }
0x18e: {  	v3 =	vnsel vm0, $0x0, v3;
	v4 =	vld [tilespmem:s0+$0x11200]  }
.Ltmp29:
0x18f: {  	(pc) =	sbr.rel @p1 .LBB2_29-.Ltmp29, $2  }
0x190: {  	_ =	sdelay $0x2  }
0x191: {  	s0 =	sshra.s32 s2, $0x2;
	s2 =	sadd.s32 $0x40, s2;
	[tilespmem:v3+s3+$0x0] =	vst.idx.msk vm0, v4  }
0x192: {  	v3 =	vld [tilespmem:s0+$0x10200];
	_ =	sdelay $0x4  }
0x193: {  	v3 =	vsub.s32 v3, v0  }
0x194: {  	vm0 =	vlt.u32 v3, $0x10000  }
0x195: {  	v4 =	vld [tilespmem:s0+$0x11200];
	v3 =	vnsel vm0, $0x0, v3  }
.Ltmp30:
0x196: {  	_ = 	snop;
	(pc) =	sbr.rel @p0 .LBB2_34-.Ltmp30, $2  }
0x197: {  	_ =	sdelay $0x2  }
0x198: {  	[tilespmem:v3+s3+$0x0] =	vst.idx.msk vm0, v4  }
0x199: {  	s0 =	sadd.s32 $0x2, s31  }
0x19a: {  	p0 =	sge.s32 s0, s25  }
0x19b: {  	s0 =	sshll.u32 @!p0 s0, $0xB  }
0x19c: {  	s0 =	sadd.s32 @!p0 s16, s0  }
0x19d: {  	s0 =	sshrl.u32 @!p0 s0, $0x3  }
0x19e: {  	s5 =	simm.s32 @!p0 $0x0;
	s31 =	simm.s32 @!p0 $0x10200;
	s2 =	sadd.s32 @!p0 s1, s0  }
0x19f: {  	[tilespmem:s31], [sflag:$0x1] =	stream.linear.gather @!p0 [hbm4b:s2+s5], $0x800, $0x38;
	[tilespmem:$0x12200] =	vst v63  }
0x1a0: {  	s0 =	sadd.s32 @!p0 s4, s0;
	s2 =	simm.s32 @!p0 $0x11200  }
0x1a1: {  	[tilespmem:s2], [sflag:$0x3] =	stream.linear.gather @!p0 [hbm4b:s0+s5], $0x800, $0x38;
	[tilespmem:$0x12200] =	vst v63  }
0x1a2: {  	_ =	swait.ge [sflag:s21], $0x800  }
0x1a3: {  	[sflag:s21] =	ssyncset.done $0x0  }
0x1a4: {  	[sflag:s21] =	ssyncadd.s32 $0xFFFFF800  }
0x1a5: {  	_ =	swait.ge [sflag:s22], $0x800  }
0x1a6: {  	[sflag:s22] =	ssyncset.done $0x0  }
0x1a7: {  	s0 =	simm.s32 $0x0;
	s2 =	simm.s32 $0x40;
	[sflag:s22] =	ssyncadd.s32 $0xFFFFF800  }
.LBB2_32:
0x1a8: {  	p0 =	sne.s32 s2, $0x1FC0;
	v3 =	vld [tilespmem:s0+$0x10A00];
	_ =	sdelay $0x4  }
0x1a9: {  	v3 =	vsub.s32 v3, v0  }
0x1aa: {  	vm0 =	vlt.u32 v3, $0x10000  }
0x1ab: {  	v3 =	vnsel vm0, $0x0, v3;
	v4 =	vld [tilespmem:s0+$0x11A00]  }
.Ltmp31:
0x1ac: {  	(pc) =	sbr.rel @p0 .LBB2_32-.Ltmp31, $2  }
0x1ad: {  	_ =	sdelay $0x2  }
0x1ae: {  	s0 =	sshra.s32 s2, $0x2;
	s2 =	sadd.s32 $0x40, s2;
	[tilespmem:v3+s3+$0x0] =	vst.idx.msk vm0, v4  }
0x1af: {  	v3 =	vld [tilespmem:s0+$0x10A00];
	_ =	sdelay $0x4  }
0x1b0: {  	v3 =	vsub.s32 v3, v0  }
0x1b1: {  	vm0 =	vlt.u32 v3, $0x10000  }
0x1b2: {  	v4 =	vld [tilespmem:s0+$0x11A00];
	v3 =	vnsel vm0, $0x0, v3  }
.Ltmp32:
0x1b3: {  	_ = 	snop;
	(pc) =	sbr.rel .LBB2_34-.Ltmp32, $2  }
0x1b4: {  	_ =	sdelay $0x2  }
0x1b5: {  	[tilespmem:v3+s3+$0x0] =	vst.idx.msk vm0, v4  }
.LBB2_44:
0x1b6: {  	s29 =	sadd.s32 $0x1, s29  }
0x1b7: {  	p0 =	sne.s32 s29, s28  }
.Ltmp33:
0x1b8: {  	_ = 	snop;
	(pc) =	sbr.rel @!p0 .LBB2_45-.Ltmp33, $1  }
0x1b9: {  	_ =	sdelay $0x3  }
.LBB2_38:
0x1ba: {  	_ =	swait.ge [sflag:s18], $0x800;
	s0 =	sshllo.u32 s29, $0x1  }
0x1bb: {  	[sflag:s18] =	ssyncset.done $0x0;
	p0 =	sge.s32 s0, s25  }
0x1bc: {  	[sflag:s18] =	ssyncadd.s32 $0xFFFFF800;
	s0 =	sshll.u32 @!p0 s0, $0xB  }
0x1bd: {  	_ =	swait.ge [sflag:s20], $0x800;
	s0 =	sadd.s32 @!p0 s13, s0  }
0x1be: {  	s5 =	simm.s32 @!p0 $0x0;
	[sflag:s20] =	ssyncset.done $0x0;
	s0 =	sshrl.u32 @!p0 s0, $0x3  }
0x1bf: {  	s31 =	simm.s32 @!p0 $0x10A00;
	[sflag:s20] =	ssyncadd.s32 $0xFFFFF800;
	s2 =	sadd.s32 @!p0 s1, s0  }
0x1c0: {  	[tilespmem:s31], [sflag:$0x2] =	stream.linear.gather @!p0 [hbm4b:s2+s5], $0x800, $0x38;
	[tilespmem:$0x12200] =	vst v63  }
0x1c1: {  	s0 =	sadd.s32 @!p0 s4, s0;
	s2 =	simm.s32 @!p0 $0x11A00  }
0x1c2: {  	[tilespmem:s2], [sflag:$0x4] =	stream.linear.gather @!p0 [hbm4b:s0+s5], $0x800, $0x38;
	[tilespmem:$0x12200] =	vst v63  }
0x1c3: {  	s31 =	sshll.u32 s29, $0x1;
	s0 =	simm.s32 $0x0;
	s2 =	simm.s32 $0x40  }
.LBB2_39:
0x1c4: {  	p1 =	sne.s32 s2, $0x1FC0;
	v3 =	vld [tilespmem:s0+$0x10200];
	_ =	sdelay $0x4  }
0x1c5: {  	v3 =	vsub.s32 v3, v1  }
0x1c6: {  	vm0 =	vlt.u32 v3, $0x10000  }
0x1c7: {  	v3 =	vnsel vm0, $0x0, v3;
	v4 =	vld [tilespmem:s0+$0x11200]  }
.Ltmp34:
0x1c8: {  	(pc) =	sbr.rel @p1 .LBB2_39-.Ltmp34, $2  }
0x1c9: {  	_ =	sdelay $0x2  }
0x1ca: {  	s0 =	sshra.s32 s2, $0x2;
	s2 =	sadd.s32 $0x40, s2;
	[tilespmem:v3+s3+$0x0] =	vst.idx.msk vm0, v4  }
0x1cb: {  	v3 =	vld [tilespmem:s0+$0x10200];
	_ =	sdelay $0x4  }
0x1cc: {  	v3 =	vsub.s32 v3, v1  }
0x1cd: {  	vm0 =	vlt.u32 v3, $0x10000  }
0x1ce: {  	v4 =	vld [tilespmem:s0+$0x11200];
	v3 =	vnsel vm0, $0x0, v3  }
.Ltmp35:
0x1cf: {  	_ = 	snop;
	(pc) =	sbr.rel @p0 .LBB2_44-.Ltmp35, $2  }
0x1d0: {  	_ =	sdelay $0x2  }
0x1d1: {  	[tilespmem:v3+s3+$0x0] =	vst.idx.msk vm0, v4  }
0x1d2: {  	s0 =	sadd.s32 $0x2, s31  }
0x1d3: {  	p0 =	sge.s32 s0, s25  }
0x1d4: {  	s0 =	sshll.u32 @!p0 s0, $0xB  }
0x1d5: {  	s0 =	sadd.s32 @!p0 s13, s0  }
0x1d6: {  	s0 =	sshrl.u32 @!p0 s0, $0x3  }
0x1d7: {  	s5 =	simm.s32 @!p0 $0x0;
	s31 =	simm.s32 @!p0 $0x10200;
	s2 =	sadd.s32 @!p0 s1, s0  }
0x1d8: {  	[tilespmem:s31], [sflag:$0x1] =	stream.linear.gather @!p0 [hbm4b:s2+s5], $0x800, $0x38;
	[tilespmem:$0x12200] =	vst v63  }
0x1d9: {  	s0 =	sadd.s32 @!p0 s4, s0;
	s2 =	simm.s32 @!p0 $0x11200  }
0x1da: {  	[tilespmem:s2], [sflag:$0x3] =	stream.linear.gather @!p0 [hbm4b:s0+s5], $0x800, $0x38;
	[tilespmem:$0x12200] =	vst v63  }
0x1db: {  	_ =	swait.ge [sflag:s21], $0x800  }
0x1dc: {  	[sflag:s21] =	ssyncset.done $0x0  }
0x1dd: {  	[sflag:s21] =	ssyncadd.s32 $0xFFFFF800  }
0x1de: {  	_ =	swait.ge [sflag:s22], $0x800  }
0x1df: {  	[sflag:s22] =	ssyncset.done $0x0  }
0x1e0: {  	s0 =	simm.s32 $0x0;
	s2 =	simm.s32 $0x40;
	[sflag:s22] =	ssyncadd.s32 $0xFFFFF800  }
.LBB2_42:
0x1e1: {  	p0 =	sne.s32 s2, $0x1FC0;
	v3 =	vld [tilespmem:s0+$0x10A00];
	_ =	sdelay $0x4  }
0x1e2: {  	v3 =	vsub.s32 v3, v1  }
0x1e3: {  	vm0 =	vlt.u32 v3, $0x10000  }
0x1e4: {  	v3 =	vnsel vm0, $0x0, v3;
	v4 =	vld [tilespmem:s0+$0x11A00]  }
.Ltmp36:
0x1e5: {  	(pc) =	sbr.rel @p0 .LBB2_42-.Ltmp36, $2  }
0x1e6: {  	_ =	sdelay $0x2  }
0x1e7: {  	s0 =	sshra.s32 s2, $0x2;
	s2 =	sadd.s32 $0x40, s2;
	[tilespmem:v3+s3+$0x0] =	vst.idx.msk vm0, v4  }
0x1e8: {  	v3 =	vld [tilespmem:s0+$0x10A00];
	_ =	sdelay $0x4  }
0x1e9: {  	v3 =	vsub.s32 v3, v1  }
0x1ea: {  	vm0 =	vlt.u32 v3, $0x10000  }
0x1eb: {  	v4 =	vld [tilespmem:s0+$0x11A00];
	v3 =	vnsel vm0, $0x0, v3  }
.Ltmp37:
0x1ec: {  	_ = 	snop;
	(pc) =	sbr.rel .LBB2_44-.Ltmp37, $2  }
0x1ed: {  	_ =	sdelay $0x2  }
0x1ee: {  	[tilespmem:v3+s3+$0x0] =	vst.idx.msk vm0, v4  }
.LBB2_52:
0x1ef: {  	s29 =	sadd.s32 $0x1, s29  }
0x1f0: {  	p0 =	sne.s32 s29, s28  }
.Ltmp38:
0x1f1: {  	_ = 	snop;
	(pc) =	sbr.rel @!p0 .LBB2_53-.Ltmp38, $1  }
0x1f2: {  	_ =	sdelay $0x3  }
.LBB2_46:
0x1f3: {  	_ =	swait.ge [sflag:s18], $0x800;
	s0 =	sshllo.u32 s29, $0x1  }
0x1f4: {  	[sflag:s18] =	ssyncset.done $0x0;
	p0 =	sge.s32 s0, s25  }
0x1f5: {  	[sflag:s18] =	ssyncadd.s32 $0xFFFFF800;
	s0 =	sshll.u32 @!p0 s0, $0xB  }
0x1f6: {  	_ =	swait.ge [sflag:s20], $0x800;
	s0 =	sadd.s32 @!p0 s23, s0  }
0x1f7: {  	s5 =	simm.s32 @!p0 $0x0;
	[sflag:s20] =	ssyncset.done $0x0;
	s0 =	sshrl.u32 @!p0 s0, $0x3  }
0x1f8: {  	s31 =	simm.s32 @!p0 $0x10A00;
	[sflag:s20] =	ssyncadd.s32 $0xFFFFF800;
	s2 =	sadd.s32 @!p0 s1, s0  }
0x1f9: {  	[tilespmem:s31], [sflag:$0x2] =	stream.linear.gather @!p0 [hbm4b:s2+s5], $0x800, $0x38;
	[tilespmem:$0x12200] =	vst v63  }
0x1fa: {  	s0 =	sadd.s32 @!p0 s4, s0;
	s2 =	simm.s32 @!p0 $0x11A00  }
0x1fb: {  	[tilespmem:s2], [sflag:$0x4] =	stream.linear.gather @!p0 [hbm4b:s0+s5], $0x800, $0x38;
	[tilespmem:$0x12200] =	vst v63  }
0x1fc: {  	s31 =	sshll.u32 s29, $0x1;
	s0 =	simm.s32 $0x0;
	s2 =	simm.s32 $0x40  }
.LBB2_47:
0x1fd: {  	p1 =	sne.s32 s2, $0x1FC0;
	v3 =	vld [tilespmem:s0+$0x10200];
	_ =	sdelay $0x4  }
0x1fe: {  	v3 =	vsub.s32 v3, v1  }
0x1ff: {  	vm0 =	vlt.u32 v3, $0x10000  }
0x200: {  	v3 =	vnsel vm0, $0x0, v3;
	v4 =	vld [tilespmem:s0+$0x11200]  }
.Ltmp39:
0x201: {  	(pc) =	sbr.rel @p1 .LBB2_47-.Ltmp39, $2  }
0x202: {  	_ =	sdelay $0x2  }
0x203: {  	s0 =	sshra.s32 s2, $0x2;
	s2 =	sadd.s32 $0x40, s2;
	[tilespmem:v3+s3+$0x0] =	vst.idx.msk vm0, v4  }
0x204: {  	v3 =	vld [tilespmem:s0+$0x10200];
	_ =	sdelay $0x4  }
0x205: {  	v3 =	vsub.s32 v3, v1  }
0x206: {  	vm0 =	vlt.u32 v3, $0x10000  }
0x207: {  	v4 =	vld [tilespmem:s0+$0x11200];
	v3 =	vnsel vm0, $0x0, v3  }
.Ltmp40:
0x208: {  	_ = 	snop;
	(pc) =	sbr.rel @p0 .LBB2_52-.Ltmp40, $2  }
0x209: {  	_ =	sdelay $0x2  }
0x20a: {  	[tilespmem:v3+s3+$0x0] =	vst.idx.msk vm0, v4  }
0x20b: {  	s0 =	sadd.s32 $0x2, s31  }
0x20c: {  	p0 =	sge.s32 s0, s25  }
0x20d: {  	s0 =	sshll.u32 @!p0 s0, $0xB  }
0x20e: {  	s0 =	sadd.s32 @!p0 s23, s0  }
0x20f: {  	s0 =	sshrl.u32 @!p0 s0, $0x3  }
0x210: {  	s5 =	simm.s32 @!p0 $0x0;
	s31 =	simm.s32 @!p0 $0x10200;
	s2 =	sadd.s32 @!p0 s1, s0  }
0x211: {  	[tilespmem:s31], [sflag:$0x1] =	stream.linear.gather @!p0 [hbm4b:s2+s5], $0x800, $0x38;
	[tilespmem:$0x12200] =	vst v63  }
0x212: {  	s0 =	sadd.s32 @!p0 s4, s0;
	s2 =	simm.s32 @!p0 $0x11200  }
0x213: {  	[tilespmem:s2], [sflag:$0x3] =	stream.linear.gather @!p0 [hbm4b:s0+s5], $0x800, $0x38;
	[tilespmem:$0x12200] =	vst v63  }
0x214: {  	_ =	swait.ge [sflag:s21], $0x800  }
0x215: {  	[sflag:s21] =	ssyncset.done $0x0  }
0x216: {  	[sflag:s21] =	ssyncadd.s32 $0xFFFFF800  }
0x217: {  	_ =	swait.ge [sflag:s22], $0x800  }
0x218: {  	[sflag:s22] =	ssyncset.done $0x0  }
0x219: {  	s0 =	simm.s32 $0x0;
	s2 =	simm.s32 $0x40;
	[sflag:s22] =	ssyncadd.s32 $0xFFFFF800  }
.LBB2_50:
0x21a: {  	p0 =	sne.s32 s2, $0x1FC0;
	v3 =	vld [tilespmem:s0+$0x10A00];
	_ =	sdelay $0x4  }
0x21b: {  	v3 =	vsub.s32 v3, v1  }
0x21c: {  	vm0 =	vlt.u32 v3, $0x10000  }
0x21d: {  	v3 =	vnsel vm0, $0x0, v3;
	v4 =	vld [tilespmem:s0+$0x11A00]  }
.Ltmp41:
0x21e: {  	(pc) =	sbr.rel @p0 .LBB2_50-.Ltmp41, $2  }
0x21f: {  	_ =	sdelay $0x2  }
0x220: {  	s0 =	sshra.s32 s2, $0x2;
	s2 =	sadd.s32 $0x40, s2;
	[tilespmem:v3+s3+$0x0] =	vst.idx.msk vm0, v4  }
0x221: {  	v3 =	vld [tilespmem:s0+$0x10A00];
	_ =	sdelay $0x4  }
0x222: {  	v3 =	vsub.s32 v3, v1  }
0x223: {  	vm0 =	vlt.u32 v3, $0x10000  }
0x224: {  	v4 =	vld [tilespmem:s0+$0x11A00];
	v3 =	vnsel vm0, $0x0, v3  }
.Ltmp42:
0x225: {  	_ = 	snop;
	(pc) =	sbr.rel .LBB2_52-.Ltmp42, $2  }
0x226: {  	_ =	sdelay $0x2  }
0x227: {  	[tilespmem:v3+s3+$0x0] =	vst.idx.msk vm0, v4  }
.LBB2_60:
0x228: {  	s29 =	sadd.s32 $0x1, s29  }
0x229: {  	p0 =	sne.s32 s29, s28  }
.Ltmp43:
0x22a: {  	_ = 	snop;
	(pc) =	sbr.rel @!p0 .LBB2_61-.Ltmp43, $1  }
0x22b: {  	_ =	sdelay $0x3  }
.LBB2_54:
0x22c: {  	_ =	swait.ge [sflag:s18], $0x800;
	s0 =	sshllo.u32 s29, $0x1  }
0x22d: {  	[sflag:s18] =	ssyncset.done $0x0;
	p0 =	sge.s32 s0, s25  }
0x22e: {  	[sflag:s18] =	ssyncadd.s32 $0xFFFFF800;
	s0 =	sshll.u32 @!p0 s0, $0xB  }
0x22f: {  	_ =	swait.ge [sflag:s20], $0x800;
	s0 =	sadd.s32 @!p0 s26, s0  }
0x230: {  	s5 =	simm.s32 @!p0 $0x0;
	[sflag:s20] =	ssyncset.done $0x0;
	s0 =	sshrl.u32 @!p0 s0, $0x3  }
0x231: {  	s31 =	simm.s32 @!p0 $0x10A00;
	[sflag:s20] =	ssyncadd.s32 $0xFFFFF800;
	s2 =	sadd.s32 @!p0 s1, s0  }
0x232: {  	[tilespmem:s31], [sflag:$0x2] =	stream.linear.gather @!p0 [hbm4b:s2+s5], $0x800, $0x38;
	[tilespmem:$0x12200] =	vst v63  }
0x233: {  	s0 =	sadd.s32 @!p0 s4, s0;
	s2 =	simm.s32 @!p0 $0x11A00  }
0x234: {  	[tilespmem:s2], [sflag:$0x4] =	stream.linear.gather @!p0 [hbm4b:s0+s5], $0x800, $0x38;
	[tilespmem:$0x12200] =	vst v63  }
0x235: {  	s31 =	sshll.u32 s29, $0x1;
	s0 =	simm.s32 $0x0;
	s2 =	simm.s32 $0x40  }
.LBB2_55:
0x236: {  	p1 =	sne.s32 s2, $0x1FC0;
	v3 =	vld [tilespmem:s0+$0x10200];
	_ =	sdelay $0x4  }
0x237: {  	v3 =	vsub.s32 v3, v1  }
0x238: {  	vm0 =	vlt.u32 v3, $0x10000  }
0x239: {  	v3 =	vnsel vm0, $0x0, v3;
	v4 =	vld [tilespmem:s0+$0x11200]  }
.Ltmp44:
0x23a: {  	(pc) =	sbr.rel @p1 .LBB2_55-.Ltmp44, $2  }
0x23b: {  	_ =	sdelay $0x2  }
0x23c: {  	s0 =	sshra.s32 s2, $0x2;
	s2 =	sadd.s32 $0x40, s2;
	[tilespmem:v3+s3+$0x0] =	vst.idx.msk vm0, v4  }
0x23d: {  	v3 =	vld [tilespmem:s0+$0x10200];
	_ =	sdelay $0x4  }
0x23e: {  	v3 =	vsub.s32 v3, v1  }
0x23f: {  	vm0 =	vlt.u32 v3, $0x10000  }
0x240: {  	v4 =	vld [tilespmem:s0+$0x11200];
	v3 =	vnsel vm0, $0x0, v3  }
.Ltmp45:
0x241: {  	_ = 	snop;
	(pc) =	sbr.rel @p0 .LBB2_60-.Ltmp45, $2  }
0x242: {  	_ =	sdelay $0x2  }
0x243: {  	[tilespmem:v3+s3+$0x0] =	vst.idx.msk vm0, v4  }
0x244: {  	s0 =	sadd.s32 $0x2, s31  }
0x245: {  	p0 =	sge.s32 s0, s25  }
0x246: {  	s0 =	sshll.u32 @!p0 s0, $0xB  }
0x247: {  	s0 =	sadd.s32 @!p0 s26, s0  }
0x248: {  	s0 =	sshrl.u32 @!p0 s0, $0x3  }
0x249: {  	s5 =	simm.s32 @!p0 $0x0;
	s31 =	simm.s32 @!p0 $0x10200;
	s2 =	sadd.s32 @!p0 s1, s0  }
0x24a: {  	[tilespmem:s31], [sflag:$0x1] =	stream.linear.gather @!p0 [hbm4b:s2+s5], $0x800, $0x38;
	[tilespmem:$0x12200] =	vst v63  }
0x24b: {  	s0 =	sadd.s32 @!p0 s4, s0;
	s2 =	simm.s32 @!p0 $0x11200  }
0x24c: {  	[tilespmem:s2], [sflag:$0x3] =	stream.linear.gather @!p0 [hbm4b:s0+s5], $0x800, $0x38;
	[tilespmem:$0x12200] =	vst v63  }
0x24d: {  	_ =	swait.ge [sflag:s21], $0x800  }
0x24e: {  	[sflag:s21] =	ssyncset.done $0x0  }
0x24f: {  	[sflag:s21] =	ssyncadd.s32 $0xFFFFF800  }
0x250: {  	_ =	swait.ge [sflag:s22], $0x800  }
0x251: {  	[sflag:s22] =	ssyncset.done $0x0  }
0x252: {  	s0 =	simm.s32 $0x0;
	s2 =	simm.s32 $0x40;
	[sflag:s22] =	ssyncadd.s32 $0xFFFFF800  }
.LBB2_58:
0x253: {  	p0 =	sne.s32 s2, $0x1FC0;
	v3 =	vld [tilespmem:s0+$0x10A00];
	_ =	sdelay $0x4  }
0x254: {  	v3 =	vsub.s32 v3, v1  }
0x255: {  	vm0 =	vlt.u32 v3, $0x10000  }
0x256: {  	v3 =	vnsel vm0, $0x0, v3;
	v4 =	vld [tilespmem:s0+$0x11A00]  }
.Ltmp46:
0x257: {  	(pc) =	sbr.rel @p0 .LBB2_58-.Ltmp46, $2  }
0x258: {  	_ =	sdelay $0x2  }
0x259: {  	s0 =	sshra.s32 s2, $0x2;
	s2 =	sadd.s32 $0x40, s2;
	[tilespmem:v3+s3+$0x0] =	vst.idx.msk vm0, v4  }
0x25a: {  	v3 =	vld [tilespmem:s0+$0x10A00];
	_ =	sdelay $0x4  }
0x25b: {  	v3 =	vsub.s32 v3, v1  }
0x25c: {  	vm0 =	vlt.u32 v3, $0x10000  }
0x25d: {  	v4 =	vld [tilespmem:s0+$0x11A00];
	v3 =	vnsel vm0, $0x0, v3  }
.Ltmp47:
0x25e: {  	_ = 	snop;
	(pc) =	sbr.rel .LBB2_60-.Ltmp47, $2  }
0x25f: {  	_ =	sdelay $0x2  }
0x260: {  	[tilespmem:v3+s3+$0x0] =	vst.idx.msk vm0, v4  }
.LBB2_68:
0x261: {  	s29 =	sadd.s32 $0x1, s29  }
0x262: {  	p0 =	sne.s32 s29, s28  }
.Ltmp48:
0x263: {  	_ = 	snop;
	(pc) =	sbr.rel @!p0 .LBB2_69-.Ltmp48, $1  }
0x264: {  	_ =	sdelay $0x3  }
.LBB2_62:
0x265: {  	_ =	swait.ge [sflag:s18], $0x800;
	s0 =	sshllo.u32 s29, $0x1  }
0x266: {  	[sflag:s18] =	ssyncset.done $0x0;
	p0 =	sge.s32 s0, s25  }
0x267: {  	[sflag:s18] =	ssyncadd.s32 $0xFFFFF800;
	s0 =	sshll.u32 @!p0 s0, $0xB  }
0x268: {  	_ =	swait.ge [sflag:s20], $0x800;
	s0 =	sadd.s32 @!p0 s30, s0  }
0x269: {  	s5 =	simm.s32 @!p0 $0x0;
	[sflag:s20] =	ssyncset.done $0x0;
	s0 =	sshrl.u32 @!p0 s0, $0x3  }
0x26a: {  	s31 =	simm.s32 @!p0 $0x10A00;
	[sflag:s20] =	ssyncadd.s32 $0xFFFFF800;
	s2 =	sadd.s32 @!p0 s1, s0  }
0x26b: {  	[tilespmem:s31], [sflag:$0x2] =	stream.linear.gather @!p0 [hbm4b:s2+s5], $0x800, $0x38;
	[tilespmem:$0x12200] =	vst v63  }
0x26c: {  	s0 =	sadd.s32 @!p0 s4, s0;
	s2 =	simm.s32 @!p0 $0x11A00  }
0x26d: {  	[tilespmem:s2], [sflag:$0x4] =	stream.linear.gather @!p0 [hbm4b:s0+s5], $0x800, $0x38;
	[tilespmem:$0x12200] =	vst v63  }
0x26e: {  	s31 =	sshll.u32 s29, $0x1;
	s0 =	simm.s32 $0x0;
	s2 =	simm.s32 $0x40  }
.LBB2_63:
0x26f: {  	p1 =	sne.s32 s2, $0x1FC0;
	v3 =	vld [tilespmem:s0+$0x10200];
	_ =	sdelay $0x4  }
0x270: {  	v3 =	vsub.s32 v3, v1  }
0x271: {  	vm0 =	vlt.u32 v3, $0x10000  }
0x272: {  	v3 =	vnsel vm0, $0x0, v3;
	v4 =	vld [tilespmem:s0+$0x11200]  }
.Ltmp49:
0x273: {  	(pc) =	sbr.rel @p1 .LBB2_63-.Ltmp49, $2  }
0x274: {  	_ =	sdelay $0x2  }
0x275: {  	s0 =	sshra.s32 s2, $0x2;
	s2 =	sadd.s32 $0x40, s2;
	[tilespmem:v3+s3+$0x0] =	vst.idx.msk vm0, v4  }
0x276: {  	v3 =	vld [tilespmem:s0+$0x10200];
	_ =	sdelay $0x4  }
0x277: {  	v3 =	vsub.s32 v3, v1  }
0x278: {  	vm0 =	vlt.u32 v3, $0x10000  }
0x279: {  	v4 =	vld [tilespmem:s0+$0x11200];
	v3 =	vnsel vm0, $0x0, v3  }
.Ltmp50:
0x27a: {  	_ = 	snop;
	(pc) =	sbr.rel @p0 .LBB2_68-.Ltmp50, $2  }
0x27b: {  	_ =	sdelay $0x2  }
0x27c: {  	[tilespmem:v3+s3+$0x0] =	vst.idx.msk vm0, v4  }
0x27d: {  	s0 =	sadd.s32 $0x2, s31  }
0x27e: {  	p0 =	sge.s32 s0, s25  }
0x27f: {  	s0 =	sshll.u32 @!p0 s0, $0xB  }
0x280: {  	s0 =	sadd.s32 @!p0 s30, s0  }
0x281: {  	s0 =	sshrl.u32 @!p0 s0, $0x3  }
0x282: {  	s5 =	simm.s32 @!p0 $0x0;
	s31 =	simm.s32 @!p0 $0x10200;
	s2 =	sadd.s32 @!p0 s1, s0  }
0x283: {  	[tilespmem:s31], [sflag:$0x1] =	stream.linear.gather @!p0 [hbm4b:s2+s5], $0x800, $0x38;
	[tilespmem:$0x12200] =	vst v63  }
0x284: {  	s0 =	sadd.s32 @!p0 s4, s0;
	s2 =	simm.s32 @!p0 $0x11200  }
0x285: {  	[tilespmem:s2], [sflag:$0x3] =	stream.linear.gather @!p0 [hbm4b:s0+s5], $0x800, $0x38;
	[tilespmem:$0x12200] =	vst v63  }
0x286: {  	_ =	swait.ge [sflag:s21], $0x800  }
0x287: {  	[sflag:s21] =	ssyncset.done $0x0  }
0x288: {  	[sflag:s21] =	ssyncadd.s32 $0xFFFFF800  }
0x289: {  	_ =	swait.ge [sflag:s22], $0x800  }
0x28a: {  	[sflag:s22] =	ssyncset.done $0x0  }
0x28b: {  	s0 =	simm.s32 $0x0;
	s2 =	simm.s32 $0x40;
	[sflag:s22] =	ssyncadd.s32 $0xFFFFF800  }
.LBB2_66:
0x28c: {  	p0 =	sne.s32 s2, $0x1FC0;
	v3 =	vld [tilespmem:s0+$0x10A00];
	_ =	sdelay $0x4  }
0x28d: {  	v3 =	vsub.s32 v3, v1  }
0x28e: {  	vm0 =	vlt.u32 v3, $0x10000  }
0x28f: {  	v3 =	vnsel vm0, $0x0, v3;
	v4 =	vld [tilespmem:s0+$0x11A00]  }
.Ltmp51:
0x290: {  	(pc) =	sbr.rel @p0 .LBB2_66-.Ltmp51, $2  }
0x291: {  	_ =	sdelay $0x2  }
0x292: {  	s0 =	sshra.s32 s2, $0x2;
	s2 =	sadd.s32 $0x40, s2;
	[tilespmem:v3+s3+$0x0] =	vst.idx.msk vm0, v4  }
0x293: {  	v3 =	vld [tilespmem:s0+$0x10A00];
	_ =	sdelay $0x4  }
0x294: {  	v3 =	vsub.s32 v3, v1  }
0x295: {  	vm0 =	vlt.u32 v3, $0x10000  }
0x296: {  	v4 =	vld [tilespmem:s0+$0x11A00];
	v3 =	vnsel vm0, $0x0, v3  }
.Ltmp52:
0x297: {  	_ = 	snop;
	(pc) =	sbr.rel .LBB2_68-.Ltmp52, $2  }
0x298: {  	_ =	sdelay $0x2  }
0x299: {  	[tilespmem:v3+s3+$0x0] =	vst.idx.msk vm0, v4  }
.LBB2_70:
0x29a: {  	_ =	sfence.sel $0x180000  }
0x29b: {  	[bflag:$0x0] =	sbarrier.arrive $0xFFFF  }
0x29c: {  	_ =	strace $0x9000004A  }
0x29d: {  	s0 =	stileid.u32;
	[bflag:$0x2] =	sbarrier.arrive $0xFFFF  }
0x29e: {  	p0 =	sne.s32 s0, $0x0;
	s0 =	rddreg [dreg:$0x2]  }
0x29f: {  	s0 =	sadd.s32 @!p0 $0x100000, s0  }
0x2a0: {  	[sflag:s0] =	ssyncadd.tile.s32 @!p0 $0x1;
	_ =	shalt  }
.Lfunc_end2:
_tile_overlayer_lowered:
.L_overlay_start_2:
0x2a1: {  	(tag) =	ssettag $0x2  }
0x2a2: {  	s0 =	rddreg [dreg:$0x0];
	s2 =	stileid.u32  }
0x2a3: {  	s1 =	rddreg [dreg:$0x1];
	p0 =	sne.s32 s2, $0x0  }
0x2a4: {  	s3 =	rddreg [dreg:$0x2];
	[bflag:$0x3] =	sbarrier.arrive $0xFFFF;
	s2 =	simm.s32 @!p0 $0x1C05  }
0x2a5: {  	[timem:s3], [sflag:s2] =	dma.local @!p0 [hbm:s0], s1  }
0x2a6: {  	s0 =	simm.s32 @!p0 $0x5  }
0x2a7: {  	_ =	swait.ge @!p0 [sflag:s0], s1  }
0x2a8: {  	s1 =	ssub.s32 @!p0 $0x0, s1;
	[sflag:s0] =	ssyncset.done @!p0 $0x0  }
0x2a9: {  	[sflag:s0] =	ssyncadd.s32 @!p0 s1  }
0x2aa: {  	[bflag:$0x3] =	sbarrier.arrive $0xFFFF  }
0x2ab: {  	_ =	shalt  }

</sc_bundles>
